<compile_context>
chip_gen: v7x
topology: tpu7x:2x2x1
jax: 0.10.2.dev20260603
libtpu: 0.0.44.dev20260713+nightly
codegen_flags: <defaults>
</compile_context>

<pallas_src>
import functools
import jax
import jax.numpy as jnp
from jax import lax
from jax.experimental import pallas as pl
from jax.experimental.pallas import tpu as pltpu
from jax.experimental.pallas import tpu_sc as plsc

NC = 2
NS = 16
NW = NC * NS

ROUND = 256
PACK = 4
LANES = 128
D = 32
GROUPS = ROUND // 16
FIELDS = 100
FPAD = 104


def _make_kernel(total, vocab):
    per_w = total // NW
    n_round = per_w // ROUND
    idx_rows_per_round = ROUND // LANES
    idx_rows_per_w = per_w // LANES
    batch = total // FIELDS
    out_rows = batch * FPAD * PACK

    mesh = plsc.VectorSubcoreMesh(core_axis_name="c", subcore_axis_name="s")

    @functools.partial(
        pl.kernel,
        out_type=jax.ShapeDtypeStruct((out_rows, D), jnp.float32),
        mesh=mesh,
        scratch_types=[
            pltpu.VMEM((idx_rows_per_round, LANES), jnp.int32),
            pltpu.VMEM((idx_rows_per_round, LANES), jnp.int32),
            pltpu.VMEM((idx_rows_per_round, LANES), jnp.int32),
            pltpu.VMEM((idx_rows_per_round, LANES), jnp.int32),
            pltpu.VMEM((idx_rows_per_round, LANES), jnp.int32),
            pltpu.VMEM((idx_rows_per_round, LANES), jnp.int32),
            pltpu.VMEM((idx_rows_per_round, LANES), jnp.int32),
            pltpu.VMEM((idx_rows_per_round, LANES), jnp.int32),
            pltpu.VMEM((ROUND, LANES), jnp.float32),
            pltpu.VMEM((ROUND, LANES), jnp.float32),
            pltpu.VMEM((ROUND, D), jnp.float32),
            pltpu.VMEM((ROUND, D), jnp.float32),
            pltpu.SemaphoreType.DMA,
            pltpu.SemaphoreType.DMA,
            pltpu.SemaphoreType.DMA,
            pltpu.SemaphoreType.DMA,
            pltpu.SemaphoreType.DMA,
            pltpu.SemaphoreType.DMA,
        ],
        compiler_params=pltpu.CompilerParams(
            use_tc_tiling_on_sc=False, needs_layout_passes=False),
    )
    def body(idx_hbm, table_hbm, out_hbm,
             idxb0, idxb1, pidx0, pidx1, ofb0, ofb1, sidx0, sidx1,
             pk0, pk1, ob0, ob1, si0, si1, sg0, sg1, so0, so1):
        wid = lax.axis_index("s") * NC + lax.axis_index("c")
        ibase = wid * idx_rows_per_w
        osbase = wid * (per_w // FIELDS) * FPAD * PACK
        idxb = (idxb0, idxb1)
        pidx = (pidx0, pidx1)
        ofb = (ofb0, ofb1)
        sidx = (sidx0, sidx1)
        pk = (pk0, pk1)
        ob = (ob0, ob1)
        si = (si0, si1)
        sg = (sg0, sg1)
        so = (so0, so1)
        lane = lax.iota(jnp.int32, 16)

        def fire_idx(r, slot):
            pltpu.async_copy(
                idx_hbm.at[pl.ds(ibase + r * idx_rows_per_round,
                                 idx_rows_per_round)],
                idxb[slot], si[slot])

        def wait_idx(slot):
            pltpu.make_async_copy(
                idx_hbm.at[pl.ds(0, idx_rows_per_round)], idxb[slot],
                si[slot]).wait()

        def prep(r, slot):
            for q in range(idx_rows_per_round):
                for g in range(LANES // 16):
                    v = idxb[slot][q, pl.ds(g * 16, 16)]
                    pidx[slot][q, pl.ds(g * 16, 16)] = v >> 2
                    ofb[slot][q, pl.ds(g * 16, 16)] = (v & 3) * D
                    x = lane + (r * ROUND + q * LANES + g * 16)
                    bl = ((x >> 2) * 20972) >> 19
                    sidx[slot][q, pl.ds(g * 16, 16)] = (
                        osbase + x * PACK + bl * ((FPAD - FIELDS) * PACK))

        def fire_gathers(slot):
            for s in range(idx_rows_per_round):
                pltpu.async_copy(
                    table_hbm.at[pidx[slot].at[s]],
                    pk[slot].at[pl.ds(s * LANES, LANES)], sg[slot])

        def wait_gathers(slot):
            pltpu.make_async_copy(
                table_hbm.at[pl.ds(0, ROUND)], pk[slot], sg[slot]).wait()

        def extract(slot):
            def group(g, _):
                off = ofb[slot][g // 8, pl.ds((g % 8) * 16, 16)]
                lj = lane + g * 16
                for c in range(D):
                    rot = (lane + c) & (D - 1)
                    vals = plsc.load_gather(pk[slot], [lj, off + rot])
                    plsc.store_scatter(ob[slot], [lj, rot], vals)
                return 0

            lax.fori_loop(0, GROUPS, group, 0)

        def fire_out(slot):
            for s in range(idx_rows_per_round):
                pltpu.async_copy(
                    ob[slot].at[pl.ds(s * LANES, LANES)],
                    out_hbm.at[sidx[slot].at[s]], so[slot])

        def wait_out(slot):
            pltpu.make_async_copy(
                ob[slot], out_hbm.at[pl.ds(0, ROUND)], so[slot]).wait()

        def step(r, slot, other):
            def advance():
                wait_idx(other)
                pl.when(r >= 1)(lambda: wait_out(other))
                prep(r + 1, other)
            pl.when(r + 1 < n_round)(advance)
            wait_gathers(slot)
            pl.when(r + 1 < n_round)(lambda: fire_gathers(other))
            pl.when(r + 2 < n_round)(lambda: fire_idx(r + 2, slot))
            extract(slot)
            fire_out(slot)

        fire_idx(0, 0)
        wait_idx(0)
        prep(0, 0)
        fire_gathers(0)
        fire_idx(1, 1)

        def pair(i, _):
            r0 = i * 2
            step(r0, 0, 1)
            step(r0 + 1, 1, 0)
            return 0

        lax.fori_loop(0, n_round // 2, pair, 0)
        wait_out(0)
        wait_out(1)

    return body


@jax.jit
def kernel(input, weight):
    B, F = input.shape
    V, _ = weight.shape
    total = B * F
    idx = input.astype(jnp.int32).reshape(total // LANES, LANES)
    wpk = weight.reshape(V // PACK, LANES)
    out = _make_kernel(total, V)(idx, wpk)
    return out.reshape(B, FPAD, PACK * D)[:, :F, :D]

# --- scband reference (transcript-rebuilt; emitter-appended) ---
"""Pipeline reference for scband-embedding-38732015075356 (READ-ONLY COPY).

The authoritative reference and input builder live on the scoring server;
editing this copy changes nothing except your own understanding.
"""

import jax, jax.numpy as jnp
import numpy as np

VOCAB = 1000000
EMBED_DIM = 32
BATCH = 16384
FIELDS = 100

def setup_inputs(seed: int = 0) -> dict:
    key = jax.random.key(seed)
    k1, k2 = jax.random.split(key)
    input = jax.random.randint(k1, (BATCH, FIELDS), 0, VOCAB, dtype=jnp.int64 if jax.config.jax_enable_x64 else jnp.int32)
    weight = jax.random.normal(k2, (VOCAB, EMBED_DIM), dtype=jnp.float32)
    return {"input": input, "weight": weight}

def reference(input, weight):
    # torch.nn.functional.embedding(input, weight) == weight[input]
    return jnp.take(weight, input, axis=0)

if __name__ == "__main__":
    import jax
    _d = setup_inputs()
    print(jax.jit(kernel)(*tuple(_d.values())))

</pallas_src>

<mosaic_0001>
#map = affine_map<(d0, d1) -> (0, 0)>
module attributes {stable_mosaic.version = 14 : i64} {
  func.func @body(%arg0: i32, %arg1: i32, %arg2: memref<12800x128xi32, #tpu.memory_space<hbm>>, %arg3: memref<250000x128xf32, #tpu.memory_space<hbm>>, %arg4: memref<6815744x32xf32, #tpu.memory_space<hbm>>, %arg5: memref<2x128xi32, #tpu.memory_space<vmem>>, %arg6: memref<2x128xi32, #tpu.memory_space<vmem>>, %arg7: memref<2x128xi32, #tpu.memory_space<vmem>>, %arg8: memref<2x128xi32, #tpu.memory_space<vmem>>, %arg9: memref<2x128xi32, #tpu.memory_space<vmem>>, %arg10: memref<2x128xi32, #tpu.memory_space<vmem>>, %arg11: memref<2x128xi32, #tpu.memory_space<vmem>>, %arg12: memref<2x128xi32, #tpu.memory_space<vmem>>, %arg13: memref<256x128xf32, #tpu.memory_space<vmem>>, %arg14: memref<256x128xf32, #tpu.memory_space<vmem>>, %arg15: memref<256x32xf32, #tpu.memory_space<vmem>>, %arg16: memref<256x32xf32, #tpu.memory_space<vmem>>, %arg17: memref<!tpu.dma_semaphore, #tpu.memory_space<semaphore_mem>>, %arg18: memref<!tpu.dma_semaphore, #tpu.memory_space<semaphore_mem>>, %arg19: memref<!tpu.dma_semaphore, #tpu.memory_space<semaphore_mem>>, %arg20: memref<!tpu.dma_semaphore, #tpu.memory_space<semaphore_mem>>, %arg21: memref<!tpu.dma_semaphore, #tpu.memory_space<semaphore_mem>>, %arg22: memref<!tpu.dma_semaphore, #tpu.memory_space<semaphore_mem>>) attributes {dimension_semantics = [#tpu.dimension_semantics<core_parallel>, #tpu.dimension_semantics<subcore_parallel>], iteration_bounds = array<i64: 2, 16>, scalar_prefetch = 0 : i64, scratch_operands = 18 : i64, tpu.core_type = #tpu.core_type<sc_vector_subcore>, window_params = [{transform_indices = #map}, {transform_indices = #map}, {transform_indices = #map}]} {
    %mul3A = arith.constant 2 : i32
    %mul3A_0 = arith.muli %arg1, %mul3A : i32
    %add3A = arith.addi %mul3A_0, %arg0 : i32
    %mul3A_1 = arith.constant 400 : i32
    %mul3A_2 = arith.muli %add3A, %mul3A_1 : i32
    %mul3A_3 = arith.constant 512 : i32
    %mul3A_4 = arith.muli %add3A, %mul3A_3 : i32
    %mul3A_5 = arith.constant 104 : i32
    %mul3A_6 = arith.muli %mul3A_4, %mul3A_5 : i32
    %mul3A_7 = arith.constant 4 : i32
    %mul3A_8 = arith.muli %mul3A_6, %mul3A_7 : i32
    %iota3A = tpu.iota {dimensions = array<i32: 0>} : vector<16xi32>
    %add3A_9 = arith.constant 0 : i32
    %add3A_10 = arith.addi %mul3A_2, %add3A_9 : i32
    %dma_start3A = arith.constant 0 : i32
    %dma_start3A_11 = tpu.memref_slice %arg2[%add3A_10, %dma_start3A] : memref<12800x128xi32, #tpu.memory_space<hbm>> -> memref<2x128xi32, #tpu.memory_space<hbm>>
    %dma_start3A_12 = arith.constant 0 : i32
    %dma_start3A_13 = tpu.memref_slice %arg2[%add3A_10, %dma_start3A_12] : memref<12800x128xi32, #tpu.memory_space<hbm>> -> memref<2x128xi32, #tpu.memory_space<hbm>>
    tpu.enqueue_dma source(%dma_start3A_13 : memref<2x128xi32, #tpu.memory_space<hbm>>) target(%arg5 : memref<2x128xi32, #tpu.memory_space<vmem>>) target_semaphore(%arg17 : memref<!tpu.dma_semaphore, #tpu.memory_space<semaphore_mem>>)
    %dma_wait3A = arith.constant 0 : i32
    %dma_wait3A_14 = arith.constant 0 : i32
    %dma_wait3A_15 = tpu.memref_slice %arg2[%dma_wait3A, %dma_wait3A_14] : memref<12800x128xi32, #tpu.memory_space<hbm>> -> memref<2x128xi32, #tpu.memory_space<hbm>>
    %dma_wait3A_16 = arith.constant 0 : i32
    %dma_wait3A_17 = arith.constant 0 : i32
    %dma_wait3A_18 = tpu.memref_slice %arg2[%dma_wait3A_16, %dma_wait3A_17] : memref<12800x128xi32, #tpu.memory_space<hbm>> -> memref<2x128xi32, #tpu.memory_space<hbm>>
    tpu.wait_dma2 semaphore(%arg17 : memref<!tpu.dma_semaphore, #tpu.memory_space<semaphore_mem>>) src(%dma_wait3A_18 : memref<2x128xi32, #tpu.memory_space<hbm>>) dst(%arg5 : memref<2x128xi32, #tpu.memory_space<vmem>>)
    %get3A = arith.constant 0 : i32
    %get3A_19 = arith.index_cast %get3A : i32 to index
    %get3A_20 = arith.constant 0 : index
    %get3A_21 = tpu.vector_load %arg5[%get3A_19, %get3A_20] {strides = array<i32>} : memref<2x128xi32, #tpu.memory_space<vmem>>, vector<16xi32>,
    %shift_right_arithmetic3A = arith.constant 2 : i32
    %shift_right_arithmetic3A_22 = vector.broadcast %shift_right_arithmetic3A : i32 to vector<16xi32>
    %shift_right_arithmetic3A_23 = arith.shrsi %get3A_21, %shift_right_arithmetic3A_22 : vector<16xi32>
    %swap3A = arith.constant 0 : i32
    %swap3A_24 = arith.index_cast %swap3A : i32 to index
    %swap3A_25 = arith.constant 0 : index
    %swap3A_26 = tpu.vector_load %arg7[%swap3A_24, %swap3A_25] {strides = array<i32>} : memref<2x128xi32, #tpu.memory_space<vmem>>, vector<16xi32>,
    tpu.vector_store %arg7[%swap3A_24, %swap3A_25], %shift_right_arithmetic3A_23 {strides = array<i32>} : memref<2x128xi32, #tpu.memory_space<vmem>>, vector<16xi32>,
    %and3A = arith.constant 3 : i32
    %and3A_27 = vector.broadcast %and3A : i32 to vector<16xi32>
    %and3A_28 = arith.andi %get3A_21, %and3A_27 : vector<16xi32>
    %mul3A_29 = arith.constant 32 : i32
    %mul3A_30 = vector.broadcast %mul3A_29 : i32 to vector<16xi32>
    %mul3A_31 = arith.muli %and3A_28, %mul3A_30 : vector<16xi32>
    %swap3A_32 = arith.constant 0 : i32
    %swap3A_33 = arith.index_cast %swap3A_32 : i32 to index
    %swap3A_34 = arith.constant 0 : index
    %swap3A_35 = tpu.vector_load %arg9[%swap3A_33, %swap3A_34] {strides = array<i32>} : memref<2x128xi32, #tpu.memory_space<vmem>>, vector<16xi32>,
    tpu.vector_store %arg9[%swap3A_33, %swap3A_34], %mul3A_31 {strides = array<i32>} : memref<2x128xi32, #tpu.memory_space<vmem>>, vector<16xi32>,
    %add3A_36 = arith.constant 0 : i32
    %add3A_37 = vector.broadcast %add3A_36 : i32 to vector<16xi32>
    %add3A_38 = arith.addi %iota3A, %add3A_37 : vector<16xi32>
    %shift_right_arithmetic3A_39 = arith.constant 2 : i32
    %shift_right_arithmetic3A_40 = vector.broadcast %shift_right_arithmetic3A_39 : i32 to vector<16xi32>
    %shift_right_arithmetic3A_41 = arith.shrsi %add3A_38, %shift_right_arithmetic3A_40 : vector<16xi32>
    %mul3A_42 = arith.constant 20972 : i32
    %mul3A_43 = vector.broadcast %mul3A_42 : i32 to vector<16xi32>
    %mul3A_44 = arith.muli %shift_right_arithmetic3A_41, %mul3A_43 : vector<16xi32>
    %shift_right_arithmetic3A_45 = arith.constant 19 : i32
    %shift_right_arithmetic3A_46 = vector.broadcast %shift_right_arithmetic3A_45 : i32 to vector<16xi32>
    %shift_right_arithmetic3A_47 = arith.shrsi %mul3A_44, %shift_right_arithmetic3A_46 : vector<16xi32>
    %mul3A_48 = arith.constant 4 : i32
    %mul3A_49 = vector.broadcast %mul3A_48 : i32 to vector<16xi32>
    %mul3A_50 = arith.muli %add3A_38, %mul3A_49 : vector<16xi32>
    %add3A_51 = vector.broadcast %mul3A_8 : i32 to vector<16xi32>
    %add3A_52 = arith.addi %add3A_51, %mul3A_50 : vector<16xi32>
    %mul3A_53 = arith.constant 16 : i32
    %mul3A_54 = vector.broadcast %mul3A_53 : i32 to vector<16xi32>
    %mul3A_55 = arith.muli %shift_right_arithmetic3A_47, %mul3A_54 : vector<16xi32>
    %add3A_56 = arith.addi %add3A_52, %mul3A_55 : vector<16xi32>
    %swap3A_57 = arith.constant 0 : i32
    %swap3A_58 = arith.index_cast %swap3A_57 : i32 to index
    %swap3A_59 = arith.constant 0 : index
    %swap3A_60 = tpu.vector_load %arg11[%swap3A_58, %swap3A_59] {strides = array<i32>} : memref<2x128xi32, #tpu.memory_space<vmem>>, vector<16xi32>,
    tpu.vector_store %arg11[%swap3A_58, %swap3A_59], %add3A_56 {strides = array<i32>} : memref<2x128xi32, #tpu.memory_space<vmem>>, vector<16xi32>,
    %get3A_61 = arith.constant 0 : i32
    %get3A_62 = arith.index_cast %get3A_61 : i32 to index
    %get3A_63 = arith.constant 16 : index
    %get3A_64 = tpu.vector_load %arg5[%get3A_62, %get3A_63] {strides = array<i32>} : memref<2x128xi32, #tpu.memory_space<vmem>>, vector<16xi32>,
    %shift_right_arithmetic3A_65 = arith.constant 2 : i32
    %shift_right_arithmetic3A_66 = vector.broadcast %shift_right_arithmetic3A_65 : i32 to vector<16xi32>
    %shift_right_arithmetic3A_67 = arith.shrsi %get3A_64, %shift_right_arithmetic3A_66 : vector<16xi32>
    %swap3A_68 = arith.constant 0 : i32
    %swap3A_69 = arith.index_cast %swap3A_68 : i32 to index
    %swap3A_70 = arith.constant 16 : index
    %swap3A_71 = tpu.vector_load %arg7[%swap3A_69, %swap3A_70] {strides = array<i32>} : memref<2x128xi32, #tpu.memory_space<vmem>>, vector<16xi32>,
    tpu.vector_store %arg7[%swap3A_69, %swap3A_70], %shift_right_arithmetic3A_67 {strides = array<i32>} : memref<2x128xi32, #tpu.memory_space<vmem>>, vector<16xi32>,
    %and3A_72 = arith.constant 3 : i32
    %and3A_73 = vector.broadcast %and3A_72 : i32 to vector<16xi32>
    %and3A_74 = arith.andi %get3A_64, %and3A_73 : vector<16xi32>
    %mul3A_75 = arith.constant 32 : i32
    %mul3A_76 = vector.broadcast %mul3A_75 : i32 to vector<16xi32>
    %mul3A_77 = arith.muli %and3A_74, %mul3A_76 : vector<16xi32>
    %swap3A_78 = arith.constant 0 : i32
    %swap3A_79 = arith.index_cast %swap3A_78 : i32 to index
    %swap3A_80 = arith.constant 16 : index
    %swap3A_81 = tpu.vector_load %arg9[%swap3A_79, %swap3A_80] {strides = array<i32>} : memref<2x128xi32, #tpu.memory_space<vmem>>, vector<16xi32>,
    tpu.vector_store %arg9[%swap3A_79, %swap3A_80], %mul3A_77 {strides = array<i32>} : memref<2x128xi32, #tpu.memory_space<vmem>>, vector<16xi32>,
    %add3A_82 = arith.constant 16 : i32
    %add3A_83 = vector.broadcast %add3A_82 : i32 to vector<16xi32>
    %add3A_84 = arith.addi %iota3A, %add3A_83 : vector<16xi32>
    %shift_right_arithmetic3A_85 = arith.constant 2 : i32
    %shift_right_arithmetic3A_86 = vector.broadcast %shift_right_arithmetic3A_85 : i32 to vector<16xi32>
    %shift_right_arithmetic3A_87 = arith.shrsi %add3A_84, %shift_right_arithmetic3A_86 : vector<16xi32>
    %mul3A_88 = arith.constant 20972 : i32
    %mul3A_89 = vector.broadcast %mul3A_88 : i32 to vector<16xi32>
    %mul3A_90 = arith.muli %shift_right_arithmetic3A_87, %mul3A_89 : vector<16xi32>
    %shift_right_arithmetic3A_91 = arith.constant 19 : i32
    %shift_right_arithmetic3A_92 = vector.broadcast %shift_right_arithmetic3A_91 : i32 to vector<16xi32>
    %shift_right_arithmetic3A_93 = arith.shrsi %mul3A_90, %shift_right_arithmetic3A_92 : vector<16xi32>
    %mul3A_94 = arith.constant 4 : i32
    %mul3A_95 = vector.broadcast %mul3A_94 : i32 to vector<16xi32>
    %mul3A_96 = arith.muli %add3A_84, %mul3A_95 : vector<16xi32>
    %add3A_97 = vector.broadcast %mul3A_8 : i32 to vector<16xi32>
    %add3A_98 = arith.addi %add3A_97, %mul3A_96 : vector<16xi32>
    %mul3A_99 = arith.constant 16 : i32
    %mul3A_100 = vector.broadcast %mul3A_99 : i32 to vector<16xi32>
    %mul3A_101 = arith.muli %shift_right_arithmetic3A_93, %mul3A_100 : vector<16xi32>
    %add3A_102 = arith.addi %add3A_98, %mul3A_101 : vector<16xi32>
    %swap3A_103 = arith.constant 0 : i32
    %swap3A_104 = arith.index_cast %swap3A_103 : i32 to index
    %swap3A_105 = arith.constant 16 : index
    %swap3A_106 = tpu.vector_load %arg11[%swap3A_104, %swap3A_105] {strides = array<i32>} : memref<2x128xi32, #tpu.memory_space<vmem>>, vector<16xi32>,
    tpu.vector_store %arg11[%swap3A_104, %swap3A_105], %add3A_102 {strides = array<i32>} : memref<2x128xi32, #tpu.memory_space<vmem>>, vector<16xi32>,
    %get3A_107 = arith.constant 0 : i32
    %get3A_108 = arith.index_cast %get3A_107 : i32 to index
    %get3A_109 = arith.constant 32 : index
    %get3A_110 = tpu.vector_load %arg5[%get3A_108, %get3A_109] {strides = array<i32>} : memref<2x128xi32, #tpu.memory_space<vmem>>, vector<16xi32>,
    %shift_right_arithmetic3A_111 = arith.constant 2 : i32
    %shift_right_arithmetic3A_112 = vector.broadcast %shift_right_arithmetic3A_111 : i32 to vector<16xi32>
    %shift_right_arithmetic3A_113 = arith.shrsi %get3A_110, %shift_right_arithmetic3A_112 : vector<16xi32>
    %swap3A_114 = arith.constant 0 : i32
    %swap3A_115 = arith.index_cast %swap3A_114 : i32 to index
    %swap3A_116 = arith.constant 32 : index
    %swap3A_117 = tpu.vector_load %arg7[%swap3A_115, %swap3A_116] {strides = array<i32>} : memref<2x128xi32, #tpu.memory_space<vmem>>, vector<16xi32>,
    tpu.vector_store %arg7[%swap3A_115, %swap3A_116], %shift_right_arithmetic3A_113 {strides = array<i32>} : memref<2x128xi32, #tpu.memory_space<vmem>>, vector<16xi32>,
    %and3A_118 = arith.constant 3 : i32
    %and3A_119 = vector.broadcast %and3A_118 : i32 to vector<16xi32>
    %and3A_120 = arith.andi %get3A_110, %and3A_119 : vector<16xi32>
    %mul3A_121 = arith.constant 32 : i32
    %mul3A_122 = vector.broadcast %mul3A_121 : i32 to vector<16xi32>
    %mul3A_123 = arith.muli %and3A_120, %mul3A_122 : vector<16xi32>
    %swap3A_124 = arith.constant 0 : i32
    %swap3A_125 = arith.index_cast %swap3A_124 : i32 to index
    %swap3A_126 = arith.constant 32 : index
    %swap3A_127 = tpu.vector_load %arg9[%swap3A_125, %swap3A_126] {strides = array<i32>} : memref<2x128xi32, #tpu.memory_space<vmem>>, vector<16xi32>,
    tpu.vector_store %arg9[%swap3A_125, %swap3A_126], %mul3A_123 {strides = array<i32>} : memref<2x128xi32, #tpu.memory_space<vmem>>, vector<16xi32>,
    %add3A_128 = arith.constant 32 : i32
    %add3A_129 = vector.broadcast %add3A_128 : i32 to vector<16xi32>
    %add3A_130 = arith.addi %iota3A, %add3A_129 : vector<16xi32>
    %shift_right_arithmetic3A_131 = arith.constant 2 : i32
    %shift_right_arithmetic3A_132 = vector.broadcast %shift_right_arithmetic3A_131 : i32 to vector<16xi32>
    %shift_right_arithmetic3A_133 = arith.shrsi %add3A_130, %shift_right_arithmetic3A_132 : vector<16xi32>
    %mul3A_134 = arith.constant 20972 : i32
    %mul3A_135 = vector.broadcast %mul3A_134 : i32 to vector<16xi32>
    %mul3A_136 = arith.muli %shift_right_arithmetic3A_133, %mul3A_135 : vector<16xi32>
    %shift_right_arithmetic3A_137 = arith.constant 19 : i32
    %shift_right_arithmetic3A_138 = vector.broadcast %shift_right_arithmetic3A_137 : i32 to vector<16xi32>
    %shift_right_arithmetic3A_139 = arith.shrsi %mul3A_136, %shift_right_arithmetic3A_138 : vector<16xi32>
    %mul3A_140 = arith.constant 4 : i32
    %mul3A_141 = vector.broadcast %mul3A_140 : i32 to vector<16xi32>
    %mul3A_142 = arith.muli %add3A_130, %mul3A_141 : vector<16xi32>
    %add3A_143 = vector.broadcast %mul3A_8 : i32 to vector<16xi32>
    %add3A_144 = arith.addi %add3A_143, %mul3A_142 : vector<16xi32>
    %mul3A_145 = arith.constant 16 : i32
    %mul3A_146 = vector.broadcast %mul3A_145 : i32 to vector<16xi32>
    %mul3A_147 = arith.muli %shift_right_arithmetic3A_139, %mul3A_146 : vector<16xi32>
    %add3A_148 = arith.addi %add3A_144, %mul3A_147 : vector<16xi32>
    %swap3A_149 = arith.constant 0 : i32
    %swap3A_150 = arith.index_cast %swap3A_149 : i32 to index
    %swap3A_151 = arith.constant 32 : index
    %swap3A_152 = tpu.vector_load %arg11[%swap3A_150, %swap3A_151] {strides = array<i32>} : memref<2x128xi32, #tpu.memory_space<vmem>>, vector<16xi32>,
    tpu.vector_store %arg11[%swap3A_150, %swap3A_151], %add3A_148 {strides = array<i32>} : memref<2x128xi32, #tpu.memory_space<vmem>>, vector<16xi32>,
    %get3A_153 = arith.constant 0 : i32
    %get3A_154 = arith.index_cast %get3A_153 : i32 to index
    %get3A_155 = arith.constant 48 : index
    %get3A_156 = tpu.vector_load %arg5[%get3A_154, %get3A_155] {strides = array<i32>} : memref<2x128xi32, #tpu.memory_space<vmem>>, vector<16xi32>,
    %shift_right_arithmetic3A_157 = arith.constant 2 : i32
    %shift_right_arithmetic3A_158 = vector.broadcast %shift_right_arithmetic3A_157 : i32 to vector<16xi32>
    %shift_right_arithmetic3A_159 = arith.shrsi %get3A_156, %shift_right_arithmetic3A_158 : vector<16xi32>
    %swap3A_160 = arith.constant 0 : i32
    %swap3A_161 = arith.index_cast %swap3A_160 : i32 to index
    %swap3A_162 = arith.constant 48 : index
    %swap3A_163 = tpu.vector_load %arg7[%swap3A_161, %swap3A_162] {strides = array<i32>} : memref<2x128xi32, #tpu.memory_space<vmem>>, vector<16xi32>,
    tpu.vector_store %arg7[%swap3A_161, %swap3A_162], %shift_right_arithmetic3A_159 {strides = array<i32>} : memref<2x128xi32, #tpu.memory_space<vmem>>, vector<16xi32>,
    %and3A_164 = arith.constant 3 : i32
    %and3A_165 = vector.broadcast %and3A_164 : i32 to vector<16xi32>
    %and3A_166 = arith.andi %get3A_156, %and3A_165 : vector<16xi32>
    %mul3A_167 = arith.constant 32 : i32
    %mul3A_168 = vector.broadcast %mul3A_167 : i32 to vector<16xi32>
    %mul3A_169 = arith.muli %and3A_166, %mul3A_168 : vector<16xi32>
    %swap3A_170 = arith.constant 0 : i32
    %swap3A_171 = arith.index_cast %swap3A_170 : i32 to index
    %swap3A_172 = arith.constant 48 : index
    %swap3A_173 = tpu.vector_load %arg9[%swap3A_171, %swap3A_172] {strides = array<i32>} : memref<2x128xi32, #tpu.memory_space<vmem>>, vector<16xi32>,
    tpu.vector_store %arg9[%swap3A_171, %swap3A_172], %mul3A_169 {strides = array<i32>} : memref<2x128xi32, #tpu.memory_space<vmem>>, vector<16xi32>,
    %add3A_174 = arith.constant 48 : i32
    %add3A_175 = vector.broadcast %add3A_174 : i32 to vector<16xi32>
    %add3A_176 = arith.addi %iota3A, %add3A_175 : vector<16xi32>
    %shift_right_arithmetic3A_177 = arith.constant 2 : i32
    %shift_right_arithmetic3A_178 = vector.broadcast %shift_right_arithmetic3A_177 : i32 to vector<16xi32>
    %shift_right_arithmetic3A_179 = arith.shrsi %add3A_176, %shift_right_arithmetic3A_178 : vector<16xi32>
    %mul3A_180 = arith.constant 20972 : i32
    %mul3A_181 = vector.broadcast %mul3A_180 : i32 to vector<16xi32>
    %mul3A_182 = arith.muli %shift_right_arithmetic3A_179, %mul3A_181 : vector<16xi32>
    %shift_right_arithmetic3A_183 = arith.constant 19 : i32
    %shift_right_arithmetic3A_184 = vector.broadcast %shift_right_arithmetic3A_183 : i32 to vector<16xi32>
    %shift_right_arithmetic3A_185 = arith.shrsi %mul3A_182, %shift_right_arithmetic3A_184 : vector<16xi32>
    %mul3A_186 = arith.constant 4 : i32
    %mul3A_187 = vector.broadcast %mul3A_186 : i32 to vector<16xi32>
    %mul3A_188 = arith.muli %add3A_176, %mul3A_187 : vector<16xi32>
    %add3A_189 = vector.broadcast %mul3A_8 : i32 to vector<16xi32>
    %add3A_190 = arith.addi %add3A_189, %mul3A_188 : vector<16xi32>
    %mul3A_191 = arith.constant 16 : i32
    %mul3A_192 = vector.broadcast %mul3A_191 : i32 to vector<16xi32>
    %mul3A_193 = arith.muli %shift_right_arithmetic3A_185, %mul3A_192 : vector<16xi32>
    %add3A_194 = arith.addi %add3A_190, %mul3A_193 : vector<16xi32>
    %swap3A_195 = arith.constant 0 : i32
    %swap3A_196 = arith.index_cast %swap3A_195 : i32 to index
    %swap3A_197 = arith.constant 48 : index
    %swap3A_198 = tpu.vector_load %arg11[%swap3A_196, %swap3A_197] {strides = array<i32>} : memref<2x128xi32, #tpu.memory_space<vmem>>, vector<16xi32>,
    tpu.vector_store %arg11[%swap3A_196, %swap3A_197], %add3A_194 {strides = array<i32>} : memref<2x128xi32, #tpu.memory_space<vmem>>, vector<16xi32>,
    %get3A_199 = arith.constant 0 : i32
    %get3A_200 = arith.index_cast %get3A_199 : i32 to index
    %get3A_201 = arith.constant 64 : index
    %get3A_202 = tpu.vector_load %arg5[%get3A_200, %get3A_201] {strides = array<i32>} : memref<2x128xi32, #tpu.memory_space<vmem>>, vector<16xi32>,
    %shift_right_arithmetic3A_203 = arith.constant 2 : i32
    %shift_right_arithmetic3A_204 = vector.broadcast %shift_right_arithmetic3A_203 : i32 to vector<16xi32>
    %shift_right_arithmetic3A_205 = arith.shrsi %get3A_202, %shift_right_arithmetic3A_204 : vector<16xi32>
    %swap3A_206 = arith.constant 0 : i32
    %swap3A_207 = arith.index_cast %swap3A_206 : i32 to index
    %swap3A_208 = arith.constant 64 : index
    %swap3A_209 = tpu.vector_load %arg7[%swap3A_207, %swap3A_208] {strides = array<i32>} : memref<2x128xi32, #tpu.memory_space<vmem>>, vector<16xi32>,
    tpu.vector_store %arg7[%swap3A_207, %swap3A_208], %shift_right_arithmetic3A_205 {strides = array<i32>} : memref<2x128xi32, #tpu.memory_space<vmem>>, vector<16xi32>,
    %and3A_210 = arith.constant 3 : i32
    %and3A_211 = vector.broadcast %and3A_210 : i32 to vector<16xi32>
    %and3A_212 = arith.andi %get3A_202, %and3A_211 : vector<16xi32>
    %mul3A_213 = arith.constant 32 : i32
    %mul3A_214 = vector.broadcast %mul3A_213 : i32 to vector<16xi32>
    %mul3A_215 = arith.muli %and3A_212, %mul3A_214 : vector<16xi32>
    %swap3A_216 = arith.constant 0 : i32
    %swap3A_217 = arith.index_cast %swap3A_216 : i32 to index
    %swap3A_218 = arith.constant 64 : index
    %swap3A_219 = tpu.vector_load %arg9[%swap3A_217, %swap3A_218] {strides = array<i32>} : memref<2x128xi32, #tpu.memory_space<vmem>>, vector<16xi32>,
    tpu.vector_store %arg9[%swap3A_217, %swap3A_218], %mul3A_215 {strides = array<i32>} : memref<2x128xi32, #tpu.memory_space<vmem>>, vector<16xi32>,
    %add3A_220 = arith.constant 64 : i32
    %add3A_221 = vector.broadcast %add3A_220 : i32 to vector<16xi32>
    %add3A_222 = arith.addi %iota3A, %add3A_221 : vector<16xi32>
    %shift_right_arithmetic3A_223 = arith.constant 2 : i32
    %shift_right_arithmetic3A_224 = vector.broadcast %shift_right_arithmetic3A_223 : i32 to vector<16xi32>
    %shift_right_arithmetic3A_225 = arith.shrsi %add3A_222, %shift_right_arithmetic3A_224 : vector<16xi32>
    %mul3A_226 = arith.constant 20972 : i32
    %mul3A_227 = vector.broadcast %mul3A_226 : i32 to vector<16xi32>
    %mul3A_228 = arith.muli %shift_right_arithmetic3A_225, %mul3A_227 : vector<16xi32>
    %shift_right_arithmetic3A_229 = arith.constant 19 : i32
    %shift_right_arithmetic3A_230 = vector.broadcast %shift_right_arithmetic3A_229 : i32 to vector<16xi32>
    %shift_right_arithmetic3A_231 = arith.shrsi %mul3A_228, %shift_right_arithmetic3A_230 : vector<16xi32>
    %mul3A_232 = arith.constant 4 : i32
    %mul3A_233 = vector.broadcast %mul3A_232 : i32 to vector<16xi32>
    %mul3A_234 = arith.muli %add3A_222, %mul3A_233 : vector<16xi32>
    %add3A_235 = vector.broadcast %mul3A_8 : i32 to vector<16xi32>
    %add3A_236 = arith.addi %add3A_235, %mul3A_234 : vector<16xi32>
    %mul3A_237 = arith.constant 16 : i32
    %mul3A_238 = vector.broadcast %mul3A_237 : i32 to vector<16xi32>
    %mul3A_239 = arith.muli %shift_right_arithmetic3A_231, %mul3A_238 : vector<16xi32>
    %add3A_240 = arith.addi %add3A_236, %mul3A_239 : vector<16xi32>
    %swap3A_241 = arith.constant 0 : i32
    %swap3A_242 = arith.index_cast %swap3A_241 : i32 to index
    %swap3A_243 = arith.constant 64 : index
    %swap3A_244 = tpu.vector_load %arg11[%swap3A_242, %swap3A_243] {strides = array<i32>} : memref<2x128xi32, #tpu.memory_space<vmem>>, vector<16xi32>,
    tpu.vector_store %arg11[%swap3A_242, %swap3A_243], %add3A_240 {strides = array<i32>} : memref<2x128xi32, #tpu.memory_space<vmem>>, vector<16xi32>,
    %get3A_245 = arith.constant 0 : i32
    %get3A_246 = arith.index_cast %get3A_245 : i32 to index
    %get3A_247 = arith.constant 80 : index
    %get3A_248 = tpu.vector_load %arg5[%get3A_246, %get3A_247] {strides = array<i32>} : memref<2x128xi32, #tpu.memory_space<vmem>>, vector<16xi32>,
    %shift_right_arithmetic3A_249 = arith.constant 2 : i32
    %shift_right_arithmetic3A_250 = vector.broadcast %shift_right_arithmetic3A_249 : i32 to vector<16xi32>
    %shift_right_arithmetic3A_251 = arith.shrsi %get3A_248, %shift_right_arithmetic3A_250 : vector<16xi32>
    %swap3A_252 = arith.constant 0 : i32
    %swap3A_253 = arith.index_cast %swap3A_252 : i32 to index
    %swap3A_254 = arith.constant 80 : index
    %swap3A_255 = tpu.vector_load %arg7[%swap3A_253, %swap3A_254] {strides = array<i32>} : memref<2x128xi32, #tpu.memory_space<vmem>>, vector<16xi32>,
    tpu.vector_store %arg7[%swap3A_253, %swap3A_254], %shift_right_arithmetic3A_251 {strides = array<i32>} : memref<2x128xi32, #tpu.memory_space<vmem>>, vector<16xi32>,
    %and3A_256 = arith.constant 3 : i32
    %and3A_257 = vector.broadcast %and3A_256 : i32 to vector<16xi32>
    %and3A_258 = arith.andi %get3A_248, %and3A_257 : vector<16xi32>
    %mul3A_259 = arith.constant 32 : i32
    %mul3A_260 = vector.broadcast %mul3A_259 : i32 to vector<16xi32>
    %mul3A_261 = arith.muli %and3A_258, %mul3A_260 : vector<16xi32>
    %swap3A_262 = arith.constant 0 : i32
    %swap3A_263 = arith.index_cast %swap3A_262 : i32 to index
    %swap3A_264 = arith.constant 80 : index
    %swap3A_265 = tpu.vector_load %arg9[%swap3A_263, %swap3A_264] {strides = array<i32>} : memref<2x128xi32, #tpu.memory_space<vmem>>, vector<16xi32>,
    tpu.vector_store %arg9[%swap3A_263, %swap3A_264], %mul3A_261 {strides = array<i32>} : memref<2x128xi32, #tpu.memory_space<vmem>>, vector<16xi32>,
    %add3A_266 = arith.constant 80 : i32
    %add3A_267 = vector.broadcast %add3A_266 : i32 to vector<16xi32>
    %add3A_268 = arith.addi %iota3A, %add3A_267 : vector<16xi32>
    %shift_right_arithmetic3A_269 = arith.constant 2 : i32
    %shift_right_arithmetic3A_270 = vector.broadcast %shift_right_arithmetic3A_269 : i32 to vector<16xi32>
    %shift_right_arithmetic3A_271 = arith.shrsi %add3A_268, %shift_right_arithmetic3A_270 : vector<16xi32>
    %mul3A_272 = arith.constant 20972 : i32
    %mul3A_273 = vector.broadcast %mul3A_272 : i32 to vector<16xi32>
    %mul3A_274 = arith.muli %shift_right_arithmetic3A_271, %mul3A_273 : vector<16xi32>
    %shift_right_arithmetic3A_275 = arith.constant 19 : i32
    %shift_right_arithmetic3A_276 = vector.broadcast %shift_right_arithmetic3A_275 : i32 to vector<16xi32>
    %shift_right_arithmetic3A_277 = arith.shrsi %mul3A_274, %shift_right_arithmetic3A_276 : vector<16xi32>
    %mul3A_278 = arith.constant 4 : i32
    %mul3A_279 = vector.broadcast %mul3A_278 : i32 to vector<16xi32>
    %mul3A_280 = arith.muli %add3A_268, %mul3A_279 : vector<16xi32>
    %add3A_281 = vector.broadcast %mul3A_8 : i32 to vector<16xi32>
    %add3A_282 = arith.addi %add3A_281, %mul3A_280 : vector<16xi32>
    %mul3A_283 = arith.constant 16 : i32
    %mul3A_284 = vector.broadcast %mul3A_283 : i32 to vector<16xi32>
    %mul3A_285 = arith.muli %shift_right_arithmetic3A_277, %mul3A_284 : vector<16xi32>
    %add3A_286 = arith.addi %add3A_282, %mul3A_285 : vector<16xi32>
    %swap3A_287 = arith.constant 0 : i32
    %swap3A_288 = arith.index_cast %swap3A_287 : i32 to index
    %swap3A_289 = arith.constant 80 : index
    %swap3A_290 = tpu.vector_load %arg11[%swap3A_288, %swap3A_289] {strides = array<i32>} : memref<2x128xi32, #tpu.memory_space<vmem>>, vector<16xi32>,
    tpu.vector_store %arg11[%swap3A_288, %swap3A_289], %add3A_286 {strides = array<i32>} : memref<2x128xi32, #tpu.memory_space<vmem>>, vector<16xi32>,
    %get3A_291 = arith.constant 0 : i32
    %get3A_292 = arith.index_cast %get3A_291 : i32 to index
    %get3A_293 = arith.constant 96 : index
    %get3A_294 = tpu.vector_load %arg5[%get3A_292, %get3A_293] {strides = array<i32>} : memref<2x128xi32, #tpu.memory_space<vmem>>, vector<16xi32>,
    %shift_right_arithmetic3A_295 = arith.constant 2 : i32
    %shift_right_arithmetic3A_296 = vector.broadcast %shift_right_arithmetic3A_295 : i32 to vector<16xi32>
    %shift_right_arithmetic3A_297 = arith.shrsi %get3A_294, %shift_right_arithmetic3A_296 : vector<16xi32>
    %swap3A_298 = arith.constant 0 : i32
    %swap3A_299 = arith.index_cast %swap3A_298 : i32 to index
    %swap3A_300 = arith.constant 96 : index
    %swap3A_301 = tpu.vector_load %arg7[%swap3A_299, %swap3A_300] {strides = array<i32>} : memref<2x128xi32, #tpu.memory_space<vmem>>, vector<16xi32>,
    tpu.vector_store %arg7[%swap3A_299, %swap3A_300], %shift_right_arithmetic3A_297 {strides = array<i32>} : memref<2x128xi32, #tpu.memory_space<vmem>>, vector<16xi32>,
    %and3A_302 = arith.constant 3 : i32
    %and3A_303 = vector.broadcast %and3A_302 : i32 to vector<16xi32>
    %and3A_304 = arith.andi %get3A_294, %and3A_303 : vector<16xi32>
    %mul3A_305 = arith.constant 32 : i32
    %mul3A_306 = vector.broadcast %mul3A_305 : i32 to vector<16xi32>
    %mul3A_307 = arith.muli %and3A_304, %mul3A_306 : vector<16xi32>
    %swap3A_308 = arith.constant 0 : i32
    %swap3A_309 = arith.index_cast %swap3A_308 : i32 to index
    %swap3A_310 = arith.constant 96 : index
    %swap3A_311 = tpu.vector_load %arg9[%swap3A_309, %swap3A_310] {strides = array<i32>} : memref<2x128xi32, #tpu.memory_space<vmem>>, vector<16xi32>,
    tpu.vector_store %arg9[%swap3A_309, %swap3A_310], %mul3A_307 {strides = array<i32>} : memref<2x128xi32, #tpu.memory_space<vmem>>, vector<16xi32>,
    %add3A_312 = arith.constant 96 : i32
    %add3A_313 = vector.broadcast %add3A_312 : i32 to vector<16xi32>
    %add3A_314 = arith.addi %iota3A, %add3A_313 : vector<16xi32>
    %shift_right_arithmetic3A_315 = arith.constant 2 : i32
    %shift_right_arithmetic3A_316 = vector.broadcast %shift_right_arithmetic3A_315 : i32 to vector<16xi32>
    %shift_right_arithmetic3A_317 = arith.shrsi %add3A_314, %shift_right_arithmetic3A_316 : vector<16xi32>
    %mul3A_318 = arith.constant 20972 : i32
    %mul3A_319 = vector.broadcast %mul3A_318 : i32 to vector<16xi32>
    %mul3A_320 = arith.muli %shift_right_arithmetic3A_317, %mul3A_319 : vector<16xi32>
    %shift_right_arithmetic3A_321 = arith.constant 19 : i32
    %shift_right_arithmetic3A_322 = vector.broadcast %shift_right_arithmetic3A_321 : i32 to vector<16xi32>
    %shift_right_arithmetic3A_323 = arith.shrsi %mul3A_320, %shift_right_arithmetic3A_322 : vector<16xi32>
    %mul3A_324 = arith.constant 4 : i32
    %mul3A_325 = vector.broadcast %mul3A_324 : i32 to vector<16xi32>
    %mul3A_326 = arith.muli %add3A_314, %mul3A_325 : vector<16xi32>
    %add3A_327 = vector.broadcast %mul3A_8 : i32 to vector<16xi32>
    %add3A_328 = arith.addi %add3A_327, %mul3A_326 : vector<16xi32>
    %mul3A_329 = arith.constant 16 : i32
    %mul3A_330 = vector.broadcast %mul3A_329 : i32 to vector<16xi32>
    %mul3A_331 = arith.muli %shift_right_arithmetic3A_323, %mul3A_330 : vector<16xi32>
    %add3A_332 = arith.addi %add3A_328, %mul3A_331 : vector<16xi32>
    %swap3A_333 = arith.constant 0 : i32
    %swap3A_334 = arith.index_cast %swap3A_333 : i32 to index
    %swap3A_335 = arith.constant 96 : index
    %swap3A_336 = tpu.vector_load %arg11[%swap3A_334, %swap3A_335] {strides = array<i32>} : memref<2x128xi32, #tpu.memory_space<vmem>>, vector<16xi32>,
    tpu.vector_store %arg11[%swap3A_334, %swap3A_335], %add3A_332 {strides = array<i32>} : memref<2x128xi32, #tpu.memory_space<vmem>>, vector<16xi32>,
    %get3A_337 = arith.constant 0 : i32
    %get3A_338 = arith.index_cast %get3A_337 : i32 to index
    %get3A_339 = arith.constant 112 : index
    %get3A_340 = tpu.vector_load %arg5[%get3A_338, %get3A_339] {strides = array<i32>} : memref<2x128xi32, #tpu.memory_space<vmem>>, vector<16xi32>,
    %shift_right_arithmetic3A_341 = arith.constant 2 : i32
    %shift_right_arithmetic3A_342 = vector.broadcast %shift_right_arithmetic3A_341 : i32 to vector<16xi32>
    %shift_right_arithmetic3A_343 = arith.shrsi %get3A_340, %shift_right_arithmetic3A_342 : vector<16xi32>
    %swap3A_344 = arith.constant 0 : i32
    %swap3A_345 = arith.index_cast %swap3A_344 : i32 to index
    %swap3A_346 = arith.constant 112 : index
    %swap3A_347 = tpu.vector_load %arg7[%swap3A_345, %swap3A_346] {strides = array<i32>} : memref<2x128xi32, #tpu.memory_space<vmem>>, vector<16xi32>,
    tpu.vector_store %arg7[%swap3A_345, %swap3A_346], %shift_right_arithmetic3A_343 {strides = array<i32>} : memref<2x128xi32, #tpu.memory_space<vmem>>, vector<16xi32>,
    %and3A_348 = arith.constant 3 : i32
    %and3A_349 = vector.broadcast %and3A_348 : i32 to vector<16xi32>
    %and3A_350 = arith.andi %get3A_340, %and3A_349 : vector<16xi32>
    %mul3A_351 = arith.constant 32 : i32
    %mul3A_352 = vector.broadcast %mul3A_351 : i32 to vector<16xi32>
    %mul3A_353 = arith.muli %and3A_350, %mul3A_352 : vector<16xi32>
    %swap3A_354 = arith.constant 0 : i32
    %swap3A_355 = arith.index_cast %swap3A_354 : i32 to index
    %swap3A_356 = arith.constant 112 : index
    %swap3A_357 = tpu.vector_load %arg9[%swap3A_355, %swap3A_356] {strides = array<i32>} : memref<2x128xi32, #tpu.memory_space<vmem>>, vector<16xi32>,
    tpu.vector_store %arg9[%swap3A_355, %swap3A_356], %mul3A_353 {strides = array<i32>} : memref<2x128xi32, #tpu.memory_space<vmem>>, vector<16xi32>,
    %add3A_358 = arith.constant 112 : i32
    %add3A_359 = vector.broadcast %add3A_358 : i32 to vector<16xi32>
    %add3A_360 = arith.addi %iota3A, %add3A_359 : vector<16xi32>
    %shift_right_arithmetic3A_361 = arith.constant 2 : i32
    %shift_right_arithmetic3A_362 = vector.broadcast %shift_right_arithmetic3A_361 : i32 to vector<16xi32>
    %shift_right_arithmetic3A_363 = arith.shrsi %add3A_360, %shift_right_arithmetic3A_362 : vector<16xi32>
    %mul3A_364 = arith.constant 20972 : i32
    %mul3A_365 = vector.broadcast %mul3A_364 : i32 to vector<16xi32>
    %mul3A_366 = arith.muli %shift_right_arithmetic3A_363, %mul3A_365 : vector<16xi32>
    %shift_right_arithmetic3A_367 = arith.constant 19 : i32
    %shift_right_arithmetic3A_368 = vector.broadcast %shift_right_arithmetic3A_367 : i32 to vector<16xi32>
    %shift_right_arithmetic3A_369 = arith.shrsi %mul3A_366, %shift_right_arithmetic3A_368 : vector<16xi32>
    %mul3A_370 = arith.constant 4 : i32
    %mul3A_371 = vector.broadcast %mul3A_370 : i32 to vector<16xi32>
    %mul3A_372 = arith.muli %add3A_360, %mul3A_371 : vector<16xi32>
    %add3A_373 = vector.broadcast %mul3A_8 : i32 to vector<16xi32>
    %add3A_374 = arith.addi %add3A_373, %mul3A_372 : vector<16xi32>
    %mul3A_375 = arith.constant 16 : i32
    %mul3A_376 = vector.broadcast %mul3A_375 : i32 to vector<16xi32>
    %mul3A_377 = arith.muli %shift_right_arithmetic3A_369, %mul3A_376 : vector<16xi32>
    %add3A_378 = arith.addi %add3A_374, %mul3A_377 : vector<16xi32>
    %swap3A_379 = arith.constant 0 : i32
    %swap3A_380 = arith.index_cast %swap3A_379 : i32 to index
    %swap3A_381 = arith.constant 112 : index
    %swap3A_382 = tpu.vector_load %arg11[%swap3A_380, %swap3A_381] {strides = array<i32>} : memref<2x128xi32, #tpu.memory_space<vmem>>, vector<16xi32>,
    tpu.vector_store %arg11[%swap3A_380, %swap3A_381], %add3A_378 {strides = array<i32>} : memref<2x128xi32, #tpu.memory_space<vmem>>, vector<16xi32>,
    %get3A_383 = arith.constant 1 : i32
    %get3A_384 = arith.index_cast %get3A_383 : i32 to index
    %get3A_385 = arith.constant 0 : index
    %get3A_386 = tpu.vector_load %arg5[%get3A_384, %get3A_385] {strides = array<i32>} : memref<2x128xi32, #tpu.memory_space<vmem>>, vector<16xi32>,
    %shift_right_arithmetic3A_387 = arith.constant 2 : i32
    %shift_right_arithmetic3A_388 = vector.broadcast %shift_right_arithmetic3A_387 : i32 to vector<16xi32>
    %shift_right_arithmetic3A_389 = arith.shrsi %get3A_386, %shift_right_arithmetic3A_388 : vector<16xi32>
    %swap3A_390 = arith.constant 1 : i32
    %swap3A_391 = arith.index_cast %swap3A_390 : i32 to index
    %swap3A_392 = arith.constant 0 : index
    %swap3A_393 = tpu.vector_load %arg7[%swap3A_391, %swap3A_392] {strides = array<i32>} : memref<2x128xi32, #tpu.memory_space<vmem>>, vector<16xi32>,
    tpu.vector_store %arg7[%swap3A_391, %swap3A_392], %shift_right_arithmetic3A_389 {strides = array<i32>} : memref<2x128xi32, #tpu.memory_space<vmem>>, vector<16xi32>,
    %and3A_394 = arith.constant 3 : i32
    %and3A_395 = vector.broadcast %and3A_394 : i32 to vector<16xi32>
    %and3A_396 = arith.andi %get3A_386, %and3A_395 : vector<16xi32>
    %mul3A_397 = arith.constant 32 : i32
    %mul3A_398 = vector.broadcast %mul3A_397 : i32 to vector<16xi32>
    %mul3A_399 = arith.muli %and3A_396, %mul3A_398 : vector<16xi32>
    %swap3A_400 = arith.constant 1 : i32
    %swap3A_401 = arith.index_cast %swap3A_400 : i32 to index
    %swap3A_402 = arith.constant 0 : index
    %swap3A_403 = tpu.vector_load %arg9[%swap3A_401, %swap3A_402] {strides = array<i32>} : memref<2x128xi32, #tpu.memory_space<vmem>>, vector<16xi32>,
    tpu.vector_store %arg9[%swap3A_401, %swap3A_402], %mul3A_399 {strides = array<i32>} : memref<2x128xi32, #tpu.memory_space<vmem>>, vector<16xi32>,
    %add3A_404 = arith.constant 128 : i32
    %add3A_405 = vector.broadcast %add3A_404 : i32 to vector<16xi32>
    %add3A_406 = arith.addi %iota3A, %add3A_405 : vector<16xi32>
    %shift_right_arithmetic3A_407 = arith.constant 2 : i32
    %shift_right_arithmetic3A_408 = vector.broadcast %shift_right_arithmetic3A_407 : i32 to vector<16xi32>
    %shift_right_arithmetic3A_409 = arith.shrsi %add3A_406, %shift_right_arithmetic3A_408 : vector<16xi32>
    %mul3A_410 = arith.constant 20972 : i32
    %mul3A_411 = vector.broadcast %mul3A_410 : i32 to vector<16xi32>
    %mul3A_412 = arith.muli %shift_right_arithmetic3A_409, %mul3A_411 : vector<16xi32>
    %shift_right_arithmetic3A_413 = arith.constant 19 : i32
    %shift_right_arithmetic3A_414 = vector.broadcast %shift_right_arithmetic3A_413 : i32 to vector<16xi32>
    %shift_right_arithmetic3A_415 = arith.shrsi %mul3A_412, %shift_right_arithmetic3A_414 : vector<16xi32>
    %mul3A_416 = arith.constant 4 : i32
    %mul3A_417 = vector.broadcast %mul3A_416 : i32 to vector<16xi32>
    %mul3A_418 = arith.muli %add3A_406, %mul3A_417 : vector<16xi32>
    %add3A_419 = vector.broadcast %mul3A_8 : i32 to vector<16xi32>
    %add3A_420 = arith.addi %add3A_419, %mul3A_418 : vector<16xi32>
    %mul3A_421 = arith.constant 16 : i32
    %mul3A_422 = vector.broadcast %mul3A_421 : i32 to vector<16xi32>
    %mul3A_423 = arith.muli %shift_right_arithmetic3A_415, %mul3A_422 : vector<16xi32>
    %add3A_424 = arith.addi %add3A_420, %mul3A_423 : vector<16xi32>
    %swap3A_425 = arith.constant 1 : i32
    %swap3A_426 = arith.index_cast %swap3A_425 : i32 to index
    %swap3A_427 = arith.constant 0 : index
    %swap3A_428 = tpu.vector_load %arg11[%swap3A_426, %swap3A_427] {strides = array<i32>} : memref<2x128xi32, #tpu.memory_space<vmem>>, vector<16xi32>,
    tpu.vector_store %arg11[%swap3A_426, %swap3A_427], %add3A_424 {strides = array<i32>} : memref<2x128xi32, #tpu.memory_space<vmem>>, vector<16xi32>,
    %get3A_429 = arith.constant 1 : i32
    %get3A_430 = arith.index_cast %get3A_429 : i32 to index
    %get3A_431 = arith.constant 16 : index
    %get3A_432 = tpu.vector_load %arg5[%get3A_430, %get3A_431] {strides = array<i32>} : memref<2x128xi32, #tpu.memory_space<vmem>>, vector<16xi32>,
    %shift_right_arithmetic3A_433 = arith.constant 2 : i32
    %shift_right_arithmetic3A_434 = vector.broadcast %shift_right_arithmetic3A_433 : i32 to vector<16xi32>
    %shift_right_arithmetic3A_435 = arith.shrsi %get3A_432, %shift_right_arithmetic3A_434 : vector<16xi32>
    %swap3A_436 = arith.constant 1 : i32
    %swap3A_437 = arith.index_cast %swap3A_436 : i32 to index
    %swap3A_438 = arith.constant 16 : index
    %swap3A_439 = tpu.vector_load %arg7[%swap3A_437, %swap3A_438] {strides = array<i32>} : memref<2x128xi32, #tpu.memory_space<vmem>>, vector<16xi32>,
    tpu.vector_store %arg7[%swap3A_437, %swap3A_438], %shift_right_arithmetic3A_435 {strides = array<i32>} : memref<2x128xi32, #tpu.memory_space<vmem>>, vector<16xi32>,
    %and3A_440 = arith.constant 3 : i32
    %and3A_441 = vector.broadcast %and3A_440 : i32 to vector<16xi32>
    %and3A_442 = arith.andi %get3A_432, %and3A_441 : vector<16xi32>
    %mul3A_443 = arith.constant 32 : i32
    %mul3A_444 = vector.broadcast %mul3A_443 : i32 to vector<16xi32>
    %mul3A_445 = arith.muli %and3A_442, %mul3A_444 : vector<16xi32>
    %swap3A_446 = arith.constant 1 : i32
    %swap3A_447 = arith.index_cast %swap3A_446 : i32 to index
    %swap3A_448 = arith.constant 16 : index
    %swap3A_449 = tpu.vector_load %arg9[%swap3A_447, %swap3A_448] {strides = array<i32>} : memref<2x128xi32, #tpu.memory_space<vmem>>, vector<16xi32>,
    tpu.vector_store %arg9[%swap3A_447, %swap3A_448], %mul3A_445 {strides = array<i32>} : memref<2x128xi32, #tpu.memory_space<vmem>>, vector<16xi32>,
    %add3A_450 = arith.constant 144 : i32
    %add3A_451 = vector.broadcast %add3A_450 : i32 to vector<16xi32>
    %add3A_452 = arith.addi %iota3A, %add3A_451 : vector<16xi32>
    %shift_right_arithmetic3A_453 = arith.constant 2 : i32
    %shift_right_arithmetic3A_454 = vector.broadcast %shift_right_arithmetic3A_453 : i32 to vector<16xi32>
    %shift_right_arithmetic3A_455 = arith.shrsi %add3A_452, %shift_right_arithmetic3A_454 : vector<16xi32>
    %mul3A_456 = arith.constant 20972 : i32
    %mul3A_457 = vector.broadcast %mul3A_456 : i32 to vector<16xi32>
    %mul3A_458 = arith.muli %shift_right_arithmetic3A_455, %mul3A_457 : vector<16xi32>
    %shift_right_arithmetic3A_459 = arith.constant 19 : i32
    %shift_right_arithmetic3A_460 = vector.broadcast %shift_right_arithmetic3A_459 : i32 to vector<16xi32>
    %shift_right_arithmetic3A_461 = arith.shrsi %mul3A_458, %shift_right_arithmetic3A_460 : vector<16xi32>
    %mul3A_462 = arith.constant 4 : i32
    %mul3A_463 = vector.broadcast %mul3A_462 : i32 to vector<16xi32>
    %mul3A_464 = arith.muli %add3A_452, %mul3A_463 : vector<16xi32>
    %add3A_465 = vector.broadcast %mul3A_8 : i32 to vector<16xi32>
    %add3A_466 = arith.addi %add3A_465, %mul3A_464 : vector<16xi32>
    %mul3A_467 = arith.constant 16 : i32
    %mul3A_468 = vector.broadcast %mul3A_467 : i32 to vector<16xi32>
    %mul3A_469 = arith.muli %shift_right_arithmetic3A_461, %mul3A_468 : vector<16xi32>
    %add3A_470 = arith.addi %add3A_466, %mul3A_469 : vector<16xi32>
    %swap3A_471 = arith.constant 1 : i32
    %swap3A_472 = arith.index_cast %swap3A_471 : i32 to index
    %swap3A_473 = arith.constant 16 : index
    %swap3A_474 = tpu.vector_load %arg11[%swap3A_472, %swap3A_473] {strides = array<i32>} : memref<2x128xi32, #tpu.memory_space<vmem>>, vector<16xi32>,
    tpu.vector_store %arg11[%swap3A_472, %swap3A_473], %add3A_470 {strides = array<i32>} : memref<2x128xi32, #tpu.memory_space<vmem>>, vector<16xi32>,
    %get3A_475 = arith.constant 1 : i32
    %get3A_476 = arith.index_cast %get3A_475 : i32 to index
    %get3A_477 = arith.constant 32 : index
    %get3A_478 = tpu.vector_load %arg5[%get3A_476, %get3A_477] {strides = array<i32>} : memref<2x128xi32, #tpu.memory_space<vmem>>, vector<16xi32>,
    %shift_right_arithmetic3A_479 = arith.constant 2 : i32
    %shift_right_arithmetic3A_480 = vector.broadcast %shift_right_arithmetic3A_479 : i32 to vector<16xi32>
    %shift_right_arithmetic3A_481 = arith.shrsi %get3A_478, %shift_right_arithmetic3A_480 : vector<16xi32>
    %swap3A_482 = arith.constant 1 : i32
    %swap3A_483 = arith.index_cast %swap3A_482 : i32 to index
    %swap3A_484 = arith.constant 32 : index
    %swap3A_485 = tpu.vector_load %arg7[%swap3A_483, %swap3A_484] {strides = array<i32>} : memref<2x128xi32, #tpu.memory_space<vmem>>, vector<16xi32>,
    tpu.vector_store %arg7[%swap3A_483, %swap3A_484], %shift_right_arithmetic3A_481 {strides = array<i32>} : memref<2x128xi32, #tpu.memory_space<vmem>>, vector<16xi32>,
    %and3A_486 = arith.constant 3 : i32
    %and3A_487 = vector.broadcast %and3A_486 : i32 to vector<16xi32>
    %and3A_488 = arith.andi %get3A_478, %and3A_487 : vector<16xi32>
    %mul3A_489 = arith.constant 32 : i32
    %mul3A_490 = vector.broadcast %mul3A_489 : i32 to vector<16xi32>
    %mul3A_491 = arith.muli %and3A_488, %mul3A_490 : vector<16xi32>
    %swap3A_492 = arith.constant 1 : i32
    %swap3A_493 = arith.index_cast %swap3A_492 : i32 to index
    %swap3A_494 = arith.constant 32 : index
    %swap3A_495 = tpu.vector_load %arg9[%swap3A_493, %swap3A_494] {strides = array<i32>} : memref<2x128xi32, #tpu.memory_space<vmem>>, vector<16xi32>,
    tpu.vector_store %arg9[%swap3A_493, %swap3A_494], %mul3A_491 {strides = array<i32>} : memref<2x128xi32, #tpu.memory_space<vmem>>, vector<16xi32>,
    %add3A_496 = arith.constant 160 : i32
    %add3A_497 = vector.broadcast %add3A_496 : i32 to vector<16xi32>
    %add3A_498 = arith.addi %iota3A, %add3A_497 : vector<16xi32>
    %shift_right_arithmetic3A_499 = arith.constant 2 : i32
    %shift_right_arithmetic3A_500 = vector.broadcast %shift_right_arithmetic3A_499 : i32 to vector<16xi32>
    %shift_right_arithmetic3A_501 = arith.shrsi %add3A_498, %shift_right_arithmetic3A_500 : vector<16xi32>
    %mul3A_502 = arith.constant 20972 : i32
    %mul3A_503 = vector.broadcast %mul3A_502 : i32 to vector<16xi32>
    %mul3A_504 = arith.muli %shift_right_arithmetic3A_501, %mul3A_503 : vector<16xi32>
    %shift_right_arithmetic3A_505 = arith.constant 19 : i32
    %shift_right_arithmetic3A_506 = vector.broadcast %shift_right_arithmetic3A_505 : i32 to vector<16xi32>
    %shift_right_arithmetic3A_507 = arith.shrsi %mul3A_504, %shift_right_arithmetic3A_506 : vector<16xi32>
    %mul3A_508 = arith.constant 4 : i32
    %mul3A_509 = vector.broadcast %mul3A_508 : i32 to vector<16xi32>
    %mul3A_510 = arith.muli %add3A_498, %mul3A_509 : vector<16xi32>
    %add3A_511 = vector.broadcast %mul3A_8 : i32 to vector<16xi32>
    %add3A_512 = arith.addi %add3A_511, %mul3A_510 : vector<16xi32>
    %mul3A_513 = arith.constant 16 : i32
    %mul3A_514 = vector.broadcast %mul3A_513 : i32 to vector<16xi32>
    %mul3A_515 = arith.muli %shift_right_arithmetic3A_507, %mul3A_514 : vector<16xi32>
    %add3A_516 = arith.addi %add3A_512, %mul3A_515 : vector<16xi32>
    %swap3A_517 = arith.constant 1 : i32
    %swap3A_518 = arith.index_cast %swap3A_517 : i32 to index
    %swap3A_519 = arith.constant 32 : index
    %swap3A_520 = tpu.vector_load %arg11[%swap3A_518, %swap3A_519] {strides = array<i32>} : memref<2x128xi32, #tpu.memory_space<vmem>>, vector<16xi32>,
    tpu.vector_store %arg11[%swap3A_518, %swap3A_519], %add3A_516 {strides = array<i32>} : memref<2x128xi32, #tpu.memory_space<vmem>>, vector<16xi32>,
    %get3A_521 = arith.constant 1 : i32
    %get3A_522 = arith.index_cast %get3A_521 : i32 to index
    %get3A_523 = arith.constant 48 : index
    %get3A_524 = tpu.vector_load %arg5[%get3A_522, %get3A_523] {strides = array<i32>} : memref<2x128xi32, #tpu.memory_space<vmem>>, vector<16xi32>,
    %shift_right_arithmetic3A_525 = arith.constant 2 : i32
    %shift_right_arithmetic3A_526 = vector.broadcast %shift_right_arithmetic3A_525 : i32 to vector<16xi32>
    %shift_right_arithmetic3A_527 = arith.shrsi %get3A_524, %shift_right_arithmetic3A_526 : vector<16xi32>
    %swap3A_528 = arith.constant 1 : i32
    %swap3A_529 = arith.index_cast %swap3A_528 : i32 to index
    %swap3A_530 = arith.constant 48 : index
    %swap3A_531 = tpu.vector_load %arg7[%swap3A_529, %swap3A_530] {strides = array<i32>} : memref<2x128xi32, #tpu.memory_space<vmem>>, vector<16xi32>,
    tpu.vector_store %arg7[%swap3A_529, %swap3A_530], %shift_right_arithmetic3A_527 {strides = array<i32>} : memref<2x128xi32, #tpu.memory_space<vmem>>, vector<16xi32>,
    %and3A_532 = arith.constant 3 : i32
    %and3A_533 = vector.broadcast %and3A_532 : i32 to vector<16xi32>
    %and3A_534 = arith.andi %get3A_524, %and3A_533 : vector<16xi32>
    %mul3A_535 = arith.constant 32 : i32
    %mul3A_536 = vector.broadcast %mul3A_535 : i32 to vector<16xi32>
    %mul3A_537 = arith.muli %and3A_534, %mul3A_536 : vector<16xi32>
    %swap3A_538 = arith.constant 1 : i32
    %swap3A_539 = arith.index_cast %swap3A_538 : i32 to index
    %swap3A_540 = arith.constant 48 : index
    %swap3A_541 = tpu.vector_load %arg9[%swap3A_539, %swap3A_540] {strides = array<i32>} : memref<2x128xi32, #tpu.memory_space<vmem>>, vector<16xi32>,
    tpu.vector_store %arg9[%swap3A_539, %swap3A_540], %mul3A_537 {strides = array<i32>} : memref<2x128xi32, #tpu.memory_space<vmem>>, vector<16xi32>,
    %add3A_542 = arith.constant 176 : i32
    %add3A_543 = vector.broadcast %add3A_542 : i32 to vector<16xi32>
    %add3A_544 = arith.addi %iota3A, %add3A_543 : vector<16xi32>
    %shift_right_arithmetic3A_545 = arith.constant 2 : i32
    %shift_right_arithmetic3A_546 = vector.broadcast %shift_right_arithmetic3A_545 : i32 to vector<16xi32>
    %shift_right_arithmetic3A_547 = arith.shrsi %add3A_544, %shift_right_arithmetic3A_546 : vector<16xi32>
    %mul3A_548 = arith.constant 20972 : i32
    %mul3A_549 = vector.broadcast %mul3A_548 : i32 to vector<16xi32>
    %mul3A_550 = arith.muli %shift_right_arithmetic3A_547, %mul3A_549 : vector<16xi32>
    %shift_right_arithmetic3A_551 = arith.constant 19 : i32
    %shift_right_arithmetic3A_552 = vector.broadcast %shift_right_arithmetic3A_551 : i32 to vector<16xi32>
    %shift_right_arithmetic3A_553 = arith.shrsi %mul3A_550, %shift_right_arithmetic3A_552 : vector<16xi32>
    %mul3A_554 = arith.constant 4 : i32
    %mul3A_555 = vector.broadcast %mul3A_554 : i32 to vector<16xi32>
    %mul3A_556 = arith.muli %add3A_544, %mul3A_555 : vector<16xi32>
    %add3A_557 = vector.broadcast %mul3A_8 : i32 to vector<16xi32>
    %add3A_558 = arith.addi %add3A_557, %mul3A_556 : vector<16xi32>
    %mul3A_559 = arith.constant 16 : i32
    %mul3A_560 = vector.broadcast %mul3A_559 : i32 to vector<16xi32>
    %mul3A_561 = arith.muli %shift_right_arithmetic3A_553, %mul3A_560 : vector<16xi32>
    %add3A_562 = arith.addi %add3A_558, %mul3A_561 : vector<16xi32>
    %swap3A_563 = arith.constant 1 : i32
    %swap3A_564 = arith.index_cast %swap3A_563 : i32 to index
    %swap3A_565 = arith.constant 48 : index
    %swap3A_566 = tpu.vector_load %arg11[%swap3A_564, %swap3A_565] {strides = array<i32>} : memref<2x128xi32, #tpu.memory_space<vmem>>, vector<16xi32>,
    tpu.vector_store %arg11[%swap3A_564, %swap3A_565], %add3A_562 {strides = array<i32>} : memref<2x128xi32, #tpu.memory_space<vmem>>, vector<16xi32>,
    %get3A_567 = arith.constant 1 : i32
    %get3A_568 = arith.index_cast %get3A_567 : i32 to index
    %get3A_569 = arith.constant 64 : index
    %get3A_570 = tpu.vector_load %arg5[%get3A_568, %get3A_569] {strides = array<i32>} : memref<2x128xi32, #tpu.memory_space<vmem>>, vector<16xi32>,
    %shift_right_arithmetic3A_571 = arith.constant 2 : i32
    %shift_right_arithmetic3A_572 = vector.broadcast %shift_right_arithmetic3A_571 : i32 to vector<16xi32>
    %shift_right_arithmetic3A_573 = arith.shrsi %get3A_570, %shift_right_arithmetic3A_572 : vector<16xi32>
    %swap3A_574 = arith.constant 1 : i32
    %swap3A_575 = arith.index_cast %swap3A_574 : i32 to index
    %swap3A_576 = arith.constant 64 : index
    %swap3A_577 = tpu.vector_load %arg7[%swap3A_575, %swap3A_576] {strides = array<i32>} : memref<2x128xi32, #tpu.memory_space<vmem>>, vector<16xi32>,
    tpu.vector_store %arg7[%swap3A_575, %swap3A_576], %shift_right_arithmetic3A_573 {strides = array<i32>} : memref<2x128xi32, #tpu.memory_space<vmem>>, vector<16xi32>,
    %and3A_578 = arith.constant 3 : i32
    %and3A_579 = vector.broadcast %and3A_578 : i32 to vector<16xi32>
    %and3A_580 = arith.andi %get3A_570, %and3A_579 : vector<16xi32>
    %mul3A_581 = arith.constant 32 : i32
    %mul3A_582 = vector.broadcast %mul3A_581 : i32 to vector<16xi32>
    %mul3A_583 = arith.muli %and3A_580, %mul3A_582 : vector<16xi32>
    %swap3A_584 = arith.constant 1 : i32
    %swap3A_585 = arith.index_cast %swap3A_584 : i32 to index
    %swap3A_586 = arith.constant 64 : index
    %swap3A_587 = tpu.vector_load %arg9[%swap3A_585, %swap3A_586] {strides = array<i32>} : memref<2x128xi32, #tpu.memory_space<vmem>>, vector<16xi32>,
    tpu.vector_store %arg9[%swap3A_585, %swap3A_586], %mul3A_583 {strides = array<i32>} : memref<2x128xi32, #tpu.memory_space<vmem>>, vector<16xi32>,
    %add3A_588 = arith.constant 192 : i32
    %add3A_589 = vector.broadcast %add3A_588 : i32 to vector<16xi32>
    %add3A_590 = arith.addi %iota3A, %add3A_589 : vector<16xi32>
    %shift_right_arithmetic3A_591 = arith.constant 2 : i32
    %shift_right_arithmetic3A_592 = vector.broadcast %shift_right_arithmetic3A_591 : i32 to vector<16xi32>
    %shift_right_arithmetic3A_593 = arith.shrsi %add3A_590, %shift_right_arithmetic3A_592 : vector<16xi32>
    %mul3A_594 = arith.constant 20972 : i32
    %mul3A_595 = vector.broadcast %mul3A_594 : i32 to vector<16xi32>
    %mul3A_596 = arith.muli %shift_right_arithmetic3A_593, %mul3A_595 : vector<16xi32>
    %shift_right_arithmetic3A_597 = arith.constant 19 : i32
    %shift_right_arithmetic3A_598 = vector.broadcast %shift_right_arithmetic3A_597 : i32 to vector<16xi32>
    %shift_right_arithmetic3A_599 = arith.shrsi %mul3A_596, %shift_right_arithmetic3A_598 : vector<16xi32>
    %mul3A_600 = arith.constant 4 : i32
    %mul3A_601 = vector.broadcast %mul3A_600 : i32 to vector<16xi32>
    %mul3A_602 = arith.muli %add3A_590, %mul3A_601 : vector<16xi32>
    %add3A_603 = vector.broadcast %mul3A_8 : i32 to vector<16xi32>
    %add3A_604 = arith.addi %add3A_603, %mul3A_602 : vector<16xi32>
    %mul3A_605 = arith.constant 16 : i32
    %mul3A_606 = vector.broadcast %mul3A_605 : i32 to vector<16xi32>
    %mul3A_607 = arith.muli %shift_right_arithmetic3A_599, %mul3A_606 : vector<16xi32>
    %add3A_608 = arith.addi %add3A_604, %mul3A_607 : vector<16xi32>
    %swap3A_609 = arith.constant 1 : i32
    %swap3A_610 = arith.index_cast %swap3A_609 : i32 to index
    %swap3A_611 = arith.constant 64 : index
    %swap3A_612 = tpu.vector_load %arg11[%swap3A_610, %swap3A_611] {strides = array<i32>} : memref<2x128xi32, #tpu.memory_space<vmem>>, vector<16xi32>,
    tpu.vector_store %arg11[%swap3A_610, %swap3A_611], %add3A_608 {strides = array<i32>} : memref<2x128xi32, #tpu.memory_space<vmem>>, vector<16xi32>,
    %get3A_613 = arith.constant 1 : i32
    %get3A_614 = arith.index_cast %get3A_613 : i32 to index
    %get3A_615 = arith.constant 80 : index
    %get3A_616 = tpu.vector_load %arg5[%get3A_614, %get3A_615] {strides = array<i32>} : memref<2x128xi32, #tpu.memory_space<vmem>>, vector<16xi32>,
    %shift_right_arithmetic3A_617 = arith.constant 2 : i32
    %shift_right_arithmetic3A_618 = vector.broadcast %shift_right_arithmetic3A_617 : i32 to vector<16xi32>
    %shift_right_arithmetic3A_619 = arith.shrsi %get3A_616, %shift_right_arithmetic3A_618 : vector<16xi32>
    %swap3A_620 = arith.constant 1 : i32
    %swap3A_621 = arith.index_cast %swap3A_620 : i32 to index
    %swap3A_622 = arith.constant 80 : index
    %swap3A_623 = tpu.vector_load %arg7[%swap3A_621, %swap3A_622] {strides = array<i32>} : memref<2x128xi32, #tpu.memory_space<vmem>>, vector<16xi32>,
    tpu.vector_store %arg7[%swap3A_621, %swap3A_622], %shift_right_arithmetic3A_619 {strides = array<i32>} : memref<2x128xi32, #tpu.memory_space<vmem>>, vector<16xi32>,
    %and3A_624 = arith.constant 3 : i32
    %and3A_625 = vector.broadcast %and3A_624 : i32 to vector<16xi32>
    %and3A_626 = arith.andi %get3A_616, %and3A_625 : vector<16xi32>
    %mul3A_627 = arith.constant 32 : i32
    %mul3A_628 = vector.broadcast %mul3A_627 : i32 to vector<16xi32>
    %mul3A_629 = arith.muli %and3A_626, %mul3A_628 : vector<16xi32>
    %swap3A_630 = arith.constant 1 : i32
    %swap3A_631 = arith.index_cast %swap3A_630 : i32 to index
    %swap3A_632 = arith.constant 80 : index
    %swap3A_633 = tpu.vector_load %arg9[%swap3A_631, %swap3A_632] {strides = array<i32>} : memref<2x128xi32, #tpu.memory_space<vmem>>, vector<16xi32>,
    tpu.vector_store %arg9[%swap3A_631, %swap3A_632], %mul3A_629 {strides = array<i32>} : memref<2x128xi32, #tpu.memory_space<vmem>>, vector<16xi32>,
    %add3A_634 = arith.constant 208 : i32
    %add3A_635 = vector.broadcast %add3A_634 : i32 to vector<16xi32>
    %add3A_636 = arith.addi %iota3A, %add3A_635 : vector<16xi32>
    %shift_right_arithmetic3A_637 = arith.constant 2 : i32
    %shift_right_arithmetic3A_638 = vector.broadcast %shift_right_arithmetic3A_637 : i32 to vector<16xi32>
    %shift_right_arithmetic3A_639 = arith.shrsi %add3A_636, %shift_right_arithmetic3A_638 : vector<16xi32>
    %mul3A_640 = arith.constant 20972 : i32
    %mul3A_641 = vector.broadcast %mul3A_640 : i32 to vector<16xi32>
    %mul3A_642 = arith.muli %shift_right_arithmetic3A_639, %mul3A_641 : vector<16xi32>
    %shift_right_arithmetic3A_643 = arith.constant 19 : i32
    %shift_right_arithmetic3A_644 = vector.broadcast %shift_right_arithmetic3A_643 : i32 to vector<16xi32>
    %shift_right_arithmetic3A_645 = arith.shrsi %mul3A_642, %shift_right_arithmetic3A_644 : vector<16xi32>
    %mul3A_646 = arith.constant 4 : i32
    %mul3A_647 = vector.broadcast %mul3A_646 : i32 to vector<16xi32>
    %mul3A_648 = arith.muli %add3A_636, %mul3A_647 : vector<16xi32>
    %add3A_649 = vector.broadcast %mul3A_8 : i32 to vector<16xi32>
    %add3A_650 = arith.addi %add3A_649, %mul3A_648 : vector<16xi32>
    %mul3A_651 = arith.constant 16 : i32
    %mul3A_652 = vector.broadcast %mul3A_651 : i32 to vector<16xi32>
    %mul3A_653 = arith.muli %shift_right_arithmetic3A_645, %mul3A_652 : vector<16xi32>
    %add3A_654 = arith.addi %add3A_650, %mul3A_653 : vector<16xi32>
    %swap3A_655 = arith.constant 1 : i32
    %swap3A_656 = arith.index_cast %swap3A_655 : i32 to index
    %swap3A_657 = arith.constant 80 : index
    %swap3A_658 = tpu.vector_load %arg11[%swap3A_656, %swap3A_657] {strides = array<i32>} : memref<2x128xi32, #tpu.memory_space<vmem>>, vector<16xi32>,
    tpu.vector_store %arg11[%swap3A_656, %swap3A_657], %add3A_654 {strides = array<i32>} : memref<2x128xi32, #tpu.memory_space<vmem>>, vector<16xi32>,
    %get3A_659 = arith.constant 1 : i32
    %get3A_660 = arith.index_cast %get3A_659 : i32 to index
    %get3A_661 = arith.constant 96 : index
    %get3A_662 = tpu.vector_load %arg5[%get3A_660, %get3A_661] {strides = array<i32>} : memref<2x128xi32, #tpu.memory_space<vmem>>, vector<16xi32>,
    %shift_right_arithmetic3A_663 = arith.constant 2 : i32
    %shift_right_arithmetic3A_664 = vector.broadcast %shift_right_arithmetic3A_663 : i32 to vector<16xi32>
    %shift_right_arithmetic3A_665 = arith.shrsi %get3A_662, %shift_right_arithmetic3A_664 : vector<16xi32>
    %swap3A_666 = arith.constant 1 : i32
    %swap3A_667 = arith.index_cast %swap3A_666 : i32 to index
    %swap3A_668 = arith.constant 96 : index
    %swap3A_669 = tpu.vector_load %arg7[%swap3A_667, %swap3A_668] {strides = array<i32>} : memref<2x128xi32, #tpu.memory_space<vmem>>, vector<16xi32>,
    tpu.vector_store %arg7[%swap3A_667, %swap3A_668], %shift_right_arithmetic3A_665 {strides = array<i32>} : memref<2x128xi32, #tpu.memory_space<vmem>>, vector<16xi32>,
    %and3A_670 = arith.constant 3 : i32
    %and3A_671 = vector.broadcast %and3A_670 : i32 to vector<16xi32>
    %and3A_672 = arith.andi %get3A_662, %and3A_671 : vector<16xi32>
    %mul3A_673 = arith.constant 32 : i32
    %mul3A_674 = vector.broadcast %mul3A_673 : i32 to vector<16xi32>
    %mul3A_675 = arith.muli %and3A_672, %mul3A_674 : vector<16xi32>
    %swap3A_676 = arith.constant 1 : i32
    %swap3A_677 = arith.index_cast %swap3A_676 : i32 to index
    %swap3A_678 = arith.constant 96 : index
    %swap3A_679 = tpu.vector_load %arg9[%swap3A_677, %swap3A_678] {strides = array<i32>} : memref<2x128xi32, #tpu.memory_space<vmem>>, vector<16xi32>,
    tpu.vector_store %arg9[%swap3A_677, %swap3A_678], %mul3A_675 {strides = array<i32>} : memref<2x128xi32, #tpu.memory_space<vmem>>, vector<16xi32>,
    %add3A_680 = arith.constant 224 : i32
    %add3A_681 = vector.broadcast %add3A_680 : i32 to vector<16xi32>
    %add3A_682 = arith.addi %iota3A, %add3A_681 : vector<16xi32>
    %shift_right_arithmetic3A_683 = arith.constant 2 : i32
    %shift_right_arithmetic3A_684 = vector.broadcast %shift_right_arithmetic3A_683 : i32 to vector<16xi32>
    %shift_right_arithmetic3A_685 = arith.shrsi %add3A_682, %shift_right_arithmetic3A_684 : vector<16xi32>
    %mul3A_686 = arith.constant 20972 : i32
    %mul3A_687 = vector.broadcast %mul3A_686 : i32 to vector<16xi32>
    %mul3A_688 = arith.muli %shift_right_arithmetic3A_685, %mul3A_687 : vector<16xi32>
    %shift_right_arithmetic3A_689 = arith.constant 19 : i32
    %shift_right_arithmetic3A_690 = vector.broadcast %shift_right_arithmetic3A_689 : i32 to vector<16xi32>
    %shift_right_arithmetic3A_691 = arith.shrsi %mul3A_688, %shift_right_arithmetic3A_690 : vector<16xi32>
    %mul3A_692 = arith.constant 4 : i32
    %mul3A_693 = vector.broadcast %mul3A_692 : i32 to vector<16xi32>
    %mul3A_694 = arith.muli %add3A_682, %mul3A_693 : vector<16xi32>
    %add3A_695 = vector.broadcast %mul3A_8 : i32 to vector<16xi32>
    %add3A_696 = arith.addi %add3A_695, %mul3A_694 : vector<16xi32>
    %mul3A_697 = arith.constant 16 : i32
    %mul3A_698 = vector.broadcast %mul3A_697 : i32 to vector<16xi32>
    %mul3A_699 = arith.muli %shift_right_arithmetic3A_691, %mul3A_698 : vector<16xi32>
    %add3A_700 = arith.addi %add3A_696, %mul3A_699 : vector<16xi32>
    %swap3A_701 = arith.constant 1 : i32
    %swap3A_702 = arith.index_cast %swap3A_701 : i32 to index
    %swap3A_703 = arith.constant 96 : index
    %swap3A_704 = tpu.vector_load %arg11[%swap3A_702, %swap3A_703] {strides = array<i32>} : memref<2x128xi32, #tpu.memory_space<vmem>>, vector<16xi32>,
    tpu.vector_store %arg11[%swap3A_702, %swap3A_703], %add3A_700 {strides = array<i32>} : memref<2x128xi32, #tpu.memory_space<vmem>>, vector<16xi32>,
    %get3A_705 = arith.constant 1 : i32
    %get3A_706 = arith.index_cast %get3A_705 : i32 to index
    %get3A_707 = arith.constant 112 : index
    %get3A_708 = tpu.vector_load %arg5[%get3A_706, %get3A_707] {strides = array<i32>} : memref<2x128xi32, #tpu.memory_space<vmem>>, vector<16xi32>,
    %shift_right_arithmetic3A_709 = arith.constant 2 : i32
    %shift_right_arithmetic3A_710 = vector.broadcast %shift_right_arithmetic3A_709 : i32 to vector<16xi32>
    %shift_right_arithmetic3A_711 = arith.shrsi %get3A_708, %shift_right_arithmetic3A_710 : vector<16xi32>
    %swap3A_712 = arith.constant 1 : i32
    %swap3A_713 = arith.index_cast %swap3A_712 : i32 to index
    %swap3A_714 = arith.constant 112 : index
    %swap3A_715 = tpu.vector_load %arg7[%swap3A_713, %swap3A_714] {strides = array<i32>} : memref<2x128xi32, #tpu.memory_space<vmem>>, vector<16xi32>,
    tpu.vector_store %arg7[%swap3A_713, %swap3A_714], %shift_right_arithmetic3A_711 {strides = array<i32>} : memref<2x128xi32, #tpu.memory_space<vmem>>, vector<16xi32>,
    %and3A_716 = arith.constant 3 : i32
    %and3A_717 = vector.broadcast %and3A_716 : i32 to vector<16xi32>
    %and3A_718 = arith.andi %get3A_708, %and3A_717 : vector<16xi32>
    %mul3A_719 = arith.constant 32 : i32
    %mul3A_720 = vector.broadcast %mul3A_719 : i32 to vector<16xi32>
    %mul3A_721 = arith.muli %and3A_718, %mul3A_720 : vector<16xi32>
    %swap3A_722 = arith.constant 1 : i32
    %swap3A_723 = arith.index_cast %swap3A_722 : i32 to index
    %swap3A_724 = arith.constant 112 : index
    %swap3A_725 = tpu.vector_load %arg9[%swap3A_723, %swap3A_724] {strides = array<i32>} : memref<2x128xi32, #tpu.memory_space<vmem>>, vector<16xi32>,
    tpu.vector_store %arg9[%swap3A_723, %swap3A_724], %mul3A_721 {strides = array<i32>} : memref<2x128xi32, #tpu.memory_space<vmem>>, vector<16xi32>,
    %add3A_726 = arith.constant 240 : i32
    %add3A_727 = vector.broadcast %add3A_726 : i32 to vector<16xi32>
    %add3A_728 = arith.addi %iota3A, %add3A_727 : vector<16xi32>
    %shift_right_arithmetic3A_729 = arith.constant 2 : i32
    %shift_right_arithmetic3A_730 = vector.broadcast %shift_right_arithmetic3A_729 : i32 to vector<16xi32>
    %shift_right_arithmetic3A_731 = arith.shrsi %add3A_728, %shift_right_arithmetic3A_730 : vector<16xi32>
    %mul3A_732 = arith.constant 20972 : i32
    %mul3A_733 = vector.broadcast %mul3A_732 : i32 to vector<16xi32>
    %mul3A_734 = arith.muli %shift_right_arithmetic3A_731, %mul3A_733 : vector<16xi32>
    %shift_right_arithmetic3A_735 = arith.constant 19 : i32
    %shift_right_arithmetic3A_736 = vector.broadcast %shift_right_arithmetic3A_735 : i32 to vector<16xi32>
    %shift_right_arithmetic3A_737 = arith.shrsi %mul3A_734, %shift_right_arithmetic3A_736 : vector<16xi32>
    %mul3A_738 = arith.constant 4 : i32
    %mul3A_739 = vector.broadcast %mul3A_738 : i32 to vector<16xi32>
    %mul3A_740 = arith.muli %add3A_728, %mul3A_739 : vector<16xi32>
    %add3A_741 = vector.broadcast %mul3A_8 : i32 to vector<16xi32>
    %add3A_742 = arith.addi %add3A_741, %mul3A_740 : vector<16xi32>
    %mul3A_743 = arith.constant 16 : i32
    %mul3A_744 = vector.broadcast %mul3A_743 : i32 to vector<16xi32>
    %mul3A_745 = arith.muli %shift_right_arithmetic3A_737, %mul3A_744 : vector<16xi32>
    %add3A_746 = arith.addi %add3A_742, %mul3A_745 : vector<16xi32>
    %swap3A_747 = arith.constant 1 : i32
    %swap3A_748 = arith.index_cast %swap3A_747 : i32 to index
    %swap3A_749 = arith.constant 112 : index
    %swap3A_750 = tpu.vector_load %arg11[%swap3A_748, %swap3A_749] {strides = array<i32>} : memref<2x128xi32, #tpu.memory_space<vmem>>, vector<16xi32>,
    tpu.vector_store %arg11[%swap3A_748, %swap3A_749], %add3A_746 {strides = array<i32>} : memref<2x128xi32, #tpu.memory_space<vmem>>, vector<16xi32>,
    %dma_start3A_751 = arith.constant 0 : i32
    %dma_start3A_752 = arith.constant 0 : i32
    %dma_start3A_753 = arith.constant 0 : i32
    %dma_start3A_754 = tpu.memref_slice %arg13[%dma_start3A_752, %dma_start3A_753] : memref<256x128xf32, #tpu.memory_space<vmem>> -> memref<128x128xf32, #tpu.memory_space<vmem>>
    %dma_start3A_755 = arith.constant 0 : i32
    %dma_start3A_756 = tpu.memref_slice %arg7[%dma_start3A_751, %dma_start3A_755] : memref<2x128xi32, #tpu.memory_space<vmem>> -> memref<1x128xi32, #tpu.memory_space<vmem>>
    %dma_start3A_757 = tpu.memref_squeeze %dma_start3A_756 : memref<1x128xi32, #tpu.memory_space<vmem>> -> memref<128xi32, #tpu.memory_space<vmem>>
    %dma_start3A_758 = arith.constant 0 : i32
    %dma_start3A_759 = arith.constant 0 : i32
    %dma_start3A_760 = tpu.memref_slice %arg3[%dma_start3A_758, %dma_start3A_759] : memref<250000x128xf32, #tpu.memory_space<hbm>> -> memref<250000x128xf32, #tpu.memory_space<hbm>>
    tpu.enqueue_indirect_dma source(%dma_start3A_760 : memref<250000x128xf32, #tpu.memory_space<hbm>>) target(%dma_start3A_754 : memref<128x128xf32, #tpu.memory_space<vmem>>) offsets(%dma_start3A_757 : memref<128xi32, #tpu.memory_space<vmem>>) semaphore(%arg19 : memref<!tpu.dma_semaphore, #tpu.memory_space<semaphore_mem>>)
    %dma_start3A_761 = arith.constant 1 : i32
    %dma_start3A_762 = arith.constant 128 : i32
    %dma_start3A_763 = arith.constant 0 : i32
    %dma_start3A_764 = tpu.memref_slice %arg13[%dma_start3A_762, %dma_start3A_763] : memref<256x128xf32, #tpu.memory_space<vmem>> -> memref<128x128xf32, #tpu.memory_space<vmem>>
    %dma_start3A_765 = arith.constant 0 : i32
    %dma_start3A_766 = tpu.memref_slice %arg7[%dma_start3A_761, %dma_start3A_765] : memref<2x128xi32, #tpu.memory_space<vmem>> -> memref<1x128xi32, #tpu.memory_space<vmem>>
    %dma_start3A_767 = tpu.memref_squeeze %dma_start3A_766 : memref<1x128xi32, #tpu.memory_space<vmem>> -> memref<128xi32, #tpu.memory_space<vmem>>
    %dma_start3A_768 = arith.constant 0 : i32
    %dma_start3A_769 = arith.constant 0 : i32
    %dma_start3A_770 = tpu.memref_slice %arg3[%dma_start3A_768, %dma_start3A_769] : memref<250000x128xf32, #tpu.memory_space<hbm>> -> memref<250000x128xf32, #tpu.memory_space<hbm>>
    tpu.enqueue_indirect_dma source(%dma_start3A_770 : memref<250000x128xf32, #tpu.memory_space<hbm>>) target(%dma_start3A_764 : memref<128x128xf32, #tpu.memory_space<vmem>>) offsets(%dma_start3A_767 : memref<128xi32, #tpu.memory_space<vmem>>) semaphore(%arg19 : memref<!tpu.dma_semaphore, #tpu.memory_space<semaphore_mem>>)
    %add3A_771 = arith.constant 2 : i32
    %add3A_772 = arith.addi %mul3A_2, %add3A_771 : i32
    %dma_start3A_773 = arith.constant 0 : i32
    %dma_start3A_774 = tpu.memref_slice %arg2[%add3A_772, %dma_start3A_773] : memref<12800x128xi32, #tpu.memory_space<hbm>> -> memref<2x128xi32, #tpu.memory_space<hbm>>
    %dma_start3A_775 = arith.constant 0 : i32
    %dma_start3A_776 = tpu.memref_slice %arg2[%add3A_772, %dma_start3A_775] : memref<12800x128xi32, #tpu.memory_space<hbm>> -> memref<2x128xi32, #tpu.memory_space<hbm>>
    tpu.enqueue_dma source(%dma_start3A_776 : memref<2x128xi32, #tpu.memory_space<hbm>>) target(%arg6 : memref<2x128xi32, #tpu.memory_space<vmem>>) target_semaphore(%arg18 : memref<!tpu.dma_semaphore, #tpu.memory_space<semaphore_mem>>)
    %scan3A = arith.constant 0 : i32
    %scan3A_777 = arith.constant 0 : i32
    %scan3A_778 = arith.constant 100 : i32
    %scan3A_779 = arith.addi %scan3A_777, %scan3A_778 : i32
    %scan3A_780 = arith.constant 1 : i32
    %scan3A_781 = scf.for %scan3A_795 = %scan3A_777 to %scan3A_779 step %scan3A_780 iter_args(%scan3A_796 = %scan3A) -> (i32)  : i32 {
      %mul3A_797 = arith.constant 2 : i32
      %mul3A_798 = arith.muli %scan3A_795, %mul3A_797 : i32
      %add3A_799 = arith.constant 1 : i32
      %add3A_800 = arith.addi %mul3A_798, %add3A_799 : i32
      %lt3A = arith.constant 200 : i32
      %lt3A_801 = arith.cmpi slt, %add3A_800, %lt3A : i32
      %convert_element_type3A = arith.extui %lt3A_801 : i1 to i32
      %cond3A = arith.constant 0 : i32
      %cond3A_802 = arith.cmpi ne, %convert_element_type3A, %cond3A : i32
      scf.if %cond3A_802 {
        %dma_wait3A_907 = arith.constant 0 : i32
        %dma_wait3A_908 = arith.constant 0 : i32
        %dma_wait3A_909 = tpu.memref_slice %arg2[%dma_wait3A_907, %dma_wait3A_908] : memref<12800x128xi32, #tpu.memory_space<hbm>> -> memref<2x128xi32, #tpu.memory_space<hbm>>
        %dma_wait3A_910 = arith.constant 0 : i32
        %dma_wait3A_911 = arith.constant 0 : i32
        %dma_wait3A_912 = tpu.memref_slice %arg2[%dma_wait3A_910, %dma_wait3A_911] : memref<12800x128xi32, #tpu.memory_space<hbm>> -> memref<2x128xi32, #tpu.memory_space<hbm>>
        tpu.wait_dma2 semaphore(%arg18 : memref<!tpu.dma_semaphore, #tpu.memory_space<semaphore_mem>>) src(%dma_wait3A_912 : memref<2x128xi32, #tpu.memory_space<hbm>>) dst(%arg6 : memref<2x128xi32, #tpu.memory_space<vmem>>)
        %ge3A = arith.constant 1 : i32
        %ge3A_913 = arith.cmpi sge, %mul3A_798, %ge3A : i32
        %convert_element_type3A_914 = arith.extui %ge3A_913 : i1 to i32
        %cond3A_915 = arith.constant 0 : i32
        %cond3A_916 = arith.cmpi ne, %convert_element_type3A_914, %cond3A_915 : i32
        scf.if %cond3A_916 {
          %dma_wait3A_1735 = arith.constant 0 : i32
          %dma_wait3A_1736 = arith.constant 0 : i32
          %dma_wait3A_1737 = tpu.memref_slice %arg4[%dma_wait3A_1735, %dma_wait3A_1736] : memref<6815744x32xf32, #tpu.memory_space<hbm>> -> memref<256x32xf32, #tpu.memory_space<hbm>>
          %dma_wait3A_1738 = arith.constant 0 : i32
          %dma_wait3A_1739 = arith.constant 0 : i32
          %dma_wait3A_1740 = tpu.memref_slice %arg4[%dma_wait3A_1738, %dma_wait3A_1739] : memref<6815744x32xf32, #tpu.memory_space<hbm>> -> memref<256x32xf32, #tpu.memory_space<hbm>>
          tpu.wait_dma2 semaphore(%arg22 : memref<!tpu.dma_semaphore, #tpu.memory_space<semaphore_mem>>) src(%arg16 : memref<256x32xf32, #tpu.memory_space<vmem>>) dst(%dma_wait3A_1740 : memref<256x32xf32, #tpu.memory_space<hbm>>)
        } else {
        }
        %add3A_917 = arith.constant 1 : i32
        %add3A_918 = arith.addi %mul3A_798, %add3A_917 : i32
        %get3A_919 = arith.constant 0 : i32
        %get3A_920 = arith.index_cast %get3A_919 : i32 to index
        %get3A_921 = arith.constant 0 : index
        %get3A_922 = tpu.vector_load %arg6[%get3A_920, %get3A_921] {strides = array<i32>} : memref<2x128xi32, #tpu.memory_space<vmem>>, vector<16xi32>,
        %shift_right_arithmetic3A_923 = arith.constant 2 : i32
        %shift_right_arithmetic3A_924 = vector.broadcast %shift_right_arithmetic3A_923 : i32 to vector<16xi32>
        %shift_right_arithmetic3A_925 = arith.shrsi %get3A_922, %shift_right_arithmetic3A_924 : vector<16xi32>
        %swap3A_926 = arith.constant 0 : i32
        %swap3A_927 = arith.index_cast %swap3A_926 : i32 to index
        %swap3A_928 = arith.constant 0 : index
        %swap3A_929 = tpu.vector_load %arg8[%swap3A_927, %swap3A_928] {strides = array<i32>} : memref<2x128xi32, #tpu.memory_space<vmem>>, vector<16xi32>,
        tpu.vector_store %arg8[%swap3A_927, %swap3A_928], %shift_right_arithmetic3A_925 {strides = array<i32>} : memref<2x128xi32, #tpu.memory_space<vmem>>, vector<16xi32>,
        %and3A_930 = arith.constant 3 : i32
        %and3A_931 = vector.broadcast %and3A_930 : i32 to vector<16xi32>
        %and3A_932 = arith.andi %get3A_922, %and3A_931 : vector<16xi32>
        %mul3A_933 = arith.constant 32 : i32
        %mul3A_934 = vector.broadcast %mul3A_933 : i32 to vector<16xi32>
        %mul3A_935 = arith.muli %and3A_932, %mul3A_934 : vector<16xi32>
        %swap3A_936 = arith.constant 0 : i32
        %swap3A_937 = arith.index_cast %swap3A_936 : i32 to index
        %swap3A_938 = arith.constant 0 : index
        %swap3A_939 = tpu.vector_load %arg10[%swap3A_937, %swap3A_938] {strides = array<i32>} : memref<2x128xi32, #tpu.memory_space<vmem>>, vector<16xi32>,
        tpu.vector_store %arg10[%swap3A_937, %swap3A_938], %mul3A_935 {strides = array<i32>} : memref<2x128xi32, #tpu.memory_space<vmem>>, vector<16xi32>,
        %mul3A_940 = arith.constant 256 : i32
        %mul3A_941 = arith.muli %add3A_918, %mul3A_940 : i32
        %add3A_942 = arith.constant 0 : i32
        %add3A_943 = arith.addi %mul3A_941, %add3A_942 : i32
        %add3A_944 = arith.constant 0 : i32
        %add3A_945 = arith.addi %add3A_943, %add3A_944 : i32
        %add3A_946 = vector.broadcast %add3A_945 : i32 to vector<16xi32>
        %add3A_947 = arith.addi %iota3A, %add3A_946 : vector<16xi32>
        %shift_right_arithmetic3A_948 = arith.constant 2 : i32
        %shift_right_arithmetic3A_949 = vector.broadcast %shift_right_arithmetic3A_948 : i32 to vector<16xi32>
        %shift_right_arithmetic3A_950 = arith.shrsi %add3A_947, %shift_right_arithmetic3A_949 : vector<16xi32>
        %mul3A_951 = arith.constant 20972 : i32
        %mul3A_952 = vector.broadcast %mul3A_951 : i32 to vector<16xi32>
        %mul3A_953 = arith.muli %shift_right_arithmetic3A_950, %mul3A_952 : vector<16xi32>
        %shift_right_arithmetic3A_954 = arith.constant 19 : i32
        %shift_right_arithmetic3A_955 = vector.broadcast %shift_right_arithmetic3A_954 : i32 to vector<16xi32>
        %shift_right_arithmetic3A_956 = arith.shrsi %mul3A_953, %shift_right_arithmetic3A_955 : vector<16xi32>
        %mul3A_957 = arith.constant 4 : i32
        %mul3A_958 = vector.broadcast %mul3A_957 : i32 to vector<16xi32>
        %mul3A_959 = arith.muli %add3A_947, %mul3A_958 : vector<16xi32>
        %add3A_960 = vector.broadcast %mul3A_8 : i32 to vector<16xi32>
        %add3A_961 = arith.addi %add3A_960, %mul3A_959 : vector<16xi32>
        %mul3A_962 = arith.constant 16 : i32
        %mul3A_963 = vector.broadcast %mul3A_962 : i32 to vector<16xi32>
        %mul3A_964 = arith.muli %shift_right_arithmetic3A_956, %mul3A_963 : vector<16xi32>
        %add3A_965 = arith.addi %add3A_961, %mul3A_964 : vector<16xi32>
        %swap3A_966 = arith.constant 0 : i32
        %swap3A_967 = arith.index_cast %swap3A_966 : i32 to index
        %swap3A_968 = arith.constant 0 : index
        %swap3A_969 = tpu.vector_load %arg12[%swap3A_967, %swap3A_968] {strides = array<i32>} : memref<2x128xi32, #tpu.memory_space<vmem>>, vector<16xi32>,
        tpu.vector_store %arg12[%swap3A_967, %swap3A_968], %add3A_965 {strides = array<i32>} : memref<2x128xi32, #tpu.memory_space<vmem>>, vector<16xi32>,
        %get3A_970 = arith.constant 0 : i32
        %get3A_971 = arith.index_cast %get3A_970 : i32 to index
        %get3A_972 = arith.constant 16 : index
        %get3A_973 = tpu.vector_load %arg6[%get3A_971, %get3A_972] {strides = array<i32>} : memref<2x128xi32, #tpu.memory_space<vmem>>, vector<16xi32>,
        %shift_right_arithmetic3A_974 = arith.constant 2 : i32
        %shift_right_arithmetic3A_975 = vector.broadcast %shift_right_arithmetic3A_974 : i32 to vector<16xi32>
        %shift_right_arithmetic3A_976 = arith.shrsi %get3A_973, %shift_right_arithmetic3A_975 : vector<16xi32>
        %swap3A_977 = arith.constant 0 : i32
        %swap3A_978 = arith.index_cast %swap3A_977 : i32 to index
        %swap3A_979 = arith.constant 16 : index
        %swap3A_980 = tpu.vector_load %arg8[%swap3A_978, %swap3A_979] {strides = array<i32>} : memref<2x128xi32, #tpu.memory_space<vmem>>, vector<16xi32>,
        tpu.vector_store %arg8[%swap3A_978, %swap3A_979], %shift_right_arithmetic3A_976 {strides = array<i32>} : memref<2x128xi32, #tpu.memory_space<vmem>>, vector<16xi32>,
        %and3A_981 = arith.constant 3 : i32
        %and3A_982 = vector.broadcast %and3A_981 : i32 to vector<16xi32>
        %and3A_983 = arith.andi %get3A_973, %and3A_982 : vector<16xi32>
        %mul3A_984 = arith.constant 32 : i32
        %mul3A_985 = vector.broadcast %mul3A_984 : i32 to vector<16xi32>
        %mul3A_986 = arith.muli %and3A_983, %mul3A_985 : vector<16xi32>
        %swap3A_987 = arith.constant 0 : i32
        %swap3A_988 = arith.index_cast %swap3A_987 : i32 to index
        %swap3A_989 = arith.constant 16 : index
        %swap3A_990 = tpu.vector_load %arg10[%swap3A_988, %swap3A_989] {strides = array<i32>} : memref<2x128xi32, #tpu.memory_space<vmem>>, vector<16xi32>,
        tpu.vector_store %arg10[%swap3A_988, %swap3A_989], %mul3A_986 {strides = array<i32>} : memref<2x128xi32, #tpu.memory_space<vmem>>, vector<16xi32>,
        %mul3A_991 = arith.constant 256 : i32
        %mul3A_992 = arith.muli %add3A_918, %mul3A_991 : i32
        %add3A_993 = arith.constant 0 : i32
        %add3A_994 = arith.addi %mul3A_992, %add3A_993 : i32
        %add3A_995 = arith.constant 16 : i32
        %add3A_996 = arith.addi %add3A_994, %add3A_995 : i32
        %add3A_997 = vector.broadcast %add3A_996 : i32 to vector<16xi32>
        %add3A_998 = arith.addi %iota3A, %add3A_997 : vector<16xi32>
        %shift_right_arithmetic3A_999 = arith.constant 2 : i32
        %shift_right_arithmetic3A_1000 = vector.broadcast %shift_right_arithmetic3A_999 : i32 to vector<16xi32>
        %shift_right_arithmetic3A_1001 = arith.shrsi %add3A_998, %shift_right_arithmetic3A_1000 : vector<16xi32>
        %mul3A_1002 = arith.constant 20972 : i32
        %mul3A_1003 = vector.broadcast %mul3A_1002 : i32 to vector<16xi32>
        %mul3A_1004 = arith.muli %shift_right_arithmetic3A_1001, %mul3A_1003 : vector<16xi32>
        %shift_right_arithmetic3A_1005 = arith.constant 19 : i32
        %shift_right_arithmetic3A_1006 = vector.broadcast %shift_right_arithmetic3A_1005 : i32 to vector<16xi32>
        %shift_right_arithmetic3A_1007 = arith.shrsi %mul3A_1004, %shift_right_arithmetic3A_1006 : vector<16xi32>
        %mul3A_1008 = arith.constant 4 : i32
        %mul3A_1009 = vector.broadcast %mul3A_1008 : i32 to vector<16xi32>
        %mul3A_1010 = arith.muli %add3A_998, %mul3A_1009 : vector<16xi32>
        %add3A_1011 = vector.broadcast %mul3A_8 : i32 to vector<16xi32>
        %add3A_1012 = arith.addi %add3A_1011, %mul3A_1010 : vector<16xi32>
        %mul3A_1013 = arith.constant 16 : i32
        %mul3A_1014 = vector.broadcast %mul3A_1013 : i32 to vector<16xi32>
        %mul3A_1015 = arith.muli %shift_right_arithmetic3A_1007, %mul3A_1014 : vector<16xi32>
        %add3A_1016 = arith.addi %add3A_1012, %mul3A_1015 : vector<16xi32>
        %swap3A_1017 = arith.constant 0 : i32
        %swap3A_1018 = arith.index_cast %swap3A_1017 : i32 to index
        %swap3A_1019 = arith.constant 16 : index
        %swap3A_1020 = tpu.vector_load %arg12[%swap3A_1018, %swap3A_1019] {strides = array<i32>} : memref<2x128xi32, #tpu.memory_space<vmem>>, vector<16xi32>,
        tpu.vector_store %arg12[%swap3A_1018, %swap3A_1019], %add3A_1016 {strides = array<i32>} : memref<2x128xi32, #tpu.memory_space<vmem>>, vector<16xi32>,
        %get3A_1021 = arith.constant 0 : i32
        %get3A_1022 = arith.index_cast %get3A_1021 : i32 to index
        %get3A_1023 = arith.constant 32 : index
        %get3A_1024 = tpu.vector_load %arg6[%get3A_1022, %get3A_1023] {strides = array<i32>} : memref<2x128xi32, #tpu.memory_space<vmem>>, vector<16xi32>,
        %shift_right_arithmetic3A_1025 = arith.constant 2 : i32
        %shift_right_arithmetic3A_1026 = vector.broadcast %shift_right_arithmetic3A_1025 : i32 to vector<16xi32>
        %shift_right_arithmetic3A_1027 = arith.shrsi %get3A_1024, %shift_right_arithmetic3A_1026 : vector<16xi32>
        %swap3A_1028 = arith.constant 0 : i32
        %swap3A_1029 = arith.index_cast %swap3A_1028 : i32 to index
        %swap3A_1030 = arith.constant 32 : index
        %swap3A_1031 = tpu.vector_load %arg8[%swap3A_1029, %swap3A_1030] {strides = array<i32>} : memref<2x128xi32, #tpu.memory_space<vmem>>, vector<16xi32>,
        tpu.vector_store %arg8[%swap3A_1029, %swap3A_1030], %shift_right_arithmetic3A_1027 {strides = array<i32>} : memref<2x128xi32, #tpu.memory_space<vmem>>, vector<16xi32>,
        %and3A_1032 = arith.constant 3 : i32
        %and3A_1033 = vector.broadcast %and3A_1032 : i32 to vector<16xi32>
        %and3A_1034 = arith.andi %get3A_1024, %and3A_1033 : vector<16xi32>
        %mul3A_1035 = arith.constant 32 : i32
        %mul3A_1036 = vector.broadcast %mul3A_1035 : i32 to vector<16xi32>
        %mul3A_1037 = arith.muli %and3A_1034, %mul3A_1036 : vector<16xi32>
        %swap3A_1038 = arith.constant 0 : i32
        %swap3A_1039 = arith.index_cast %swap3A_1038 : i32 to index
        %swap3A_1040 = arith.constant 32 : index
        %swap3A_1041 = tpu.vector_load %arg10[%swap3A_1039, %swap3A_1040] {strides = array<i32>} : memref<2x128xi32, #tpu.memory_space<vmem>>, vector<16xi32>,
        tpu.vector_store %arg10[%swap3A_1039, %swap3A_1040], %mul3A_1037 {strides = array<i32>} : memref<2x128xi32, #tpu.memory_space<vmem>>, vector<16xi32>,
        %mul3A_1042 = arith.constant 256 : i32
        %mul3A_1043 = arith.muli %add3A_918, %mul3A_1042 : i32
        %add3A_1044 = arith.constant 0 : i32
        %add3A_1045 = arith.addi %mul3A_1043, %add3A_1044 : i32
        %add3A_1046 = arith.constant 32 : i32
        %add3A_1047 = arith.addi %add3A_1045, %add3A_1046 : i32
        %add3A_1048 = vector.broadcast %add3A_1047 : i32 to vector<16xi32>
        %add3A_1049 = arith.addi %iota3A, %add3A_1048 : vector<16xi32>
        %shift_right_arithmetic3A_1050 = arith.constant 2 : i32
        %shift_right_arithmetic3A_1051 = vector.broadcast %shift_right_arithmetic3A_1050 : i32 to vector<16xi32>
        %shift_right_arithmetic3A_1052 = arith.shrsi %add3A_1049, %shift_right_arithmetic3A_1051 : vector<16xi32>
        %mul3A_1053 = arith.constant 20972 : i32
        %mul3A_1054 = vector.broadcast %mul3A_1053 : i32 to vector<16xi32>
        %mul3A_1055 = arith.muli %shift_right_arithmetic3A_1052, %mul3A_1054 : vector<16xi32>
        %shift_right_arithmetic3A_1056 = arith.constant 19 : i32
        %shift_right_arithmetic3A_1057 = vector.broadcast %shift_right_arithmetic3A_1056 : i32 to vector<16xi32>
        %shift_right_arithmetic3A_1058 = arith.shrsi %mul3A_1055, %shift_right_arithmetic3A_1057 : vector<16xi32>
        %mul3A_1059 = arith.constant 4 : i32
        %mul3A_1060 = vector.broadcast %mul3A_1059 : i32 to vector<16xi32>
        %mul3A_1061 = arith.muli %add3A_1049, %mul3A_1060 : vector<16xi32>
        %add3A_1062 = vector.broadcast %mul3A_8 : i32 to vector<16xi32>
        %add3A_1063 = arith.addi %add3A_1062, %mul3A_1061 : vector<16xi32>
        %mul3A_1064 = arith.constant 16 : i32
        %mul3A_1065 = vector.broadcast %mul3A_1064 : i32 to vector<16xi32>
        %mul3A_1066 = arith.muli %shift_right_arithmetic3A_1058, %mul3A_1065 : vector<16xi32>
        %add3A_1067 = arith.addi %add3A_1063, %mul3A_1066 : vector<16xi32>
        %swap3A_1068 = arith.constant 0 : i32
        %swap3A_1069 = arith.index_cast %swap3A_1068 : i32 to index
        %swap3A_1070 = arith.constant 32 : index
        %swap3A_1071 = tpu.vector_load %arg12[%swap3A_1069, %swap3A_1070] {strides = array<i32>} : memref<2x128xi32, #tpu.memory_space<vmem>>, vector<16xi32>,
        tpu.vector_store %arg12[%swap3A_1069, %swap3A_1070], %add3A_1067 {strides = array<i32>} : memref<2x128xi32, #tpu.memory_space<vmem>>, vector<16xi32>,
        %get3A_1072 = arith.constant 0 : i32
        %get3A_1073 = arith.index_cast %get3A_1072 : i32 to index
        %get3A_1074 = arith.constant 48 : index
        %get3A_1075 = tpu.vector_load %arg6[%get3A_1073, %get3A_1074] {strides = array<i32>} : memref<2x128xi32, #tpu.memory_space<vmem>>, vector<16xi32>,
        %shift_right_arithmetic3A_1076 = arith.constant 2 : i32
        %shift_right_arithmetic3A_1077 = vector.broadcast %shift_right_arithmetic3A_1076 : i32 to vector<16xi32>
        %shift_right_arithmetic3A_1078 = arith.shrsi %get3A_1075, %shift_right_arithmetic3A_1077 : vector<16xi32>
        %swap3A_1079 = arith.constant 0 : i32
        %swap3A_1080 = arith.index_cast %swap3A_1079 : i32 to index
        %swap3A_1081 = arith.constant 48 : index
        %swap3A_1082 = tpu.vector_load %arg8[%swap3A_1080, %swap3A_1081] {strides = array<i32>} : memref<2x128xi32, #tpu.memory_space<vmem>>, vector<16xi32>,
        tpu.vector_store %arg8[%swap3A_1080, %swap3A_1081], %shift_right_arithmetic3A_1078 {strides = array<i32>} : memref<2x128xi32, #tpu.memory_space<vmem>>, vector<16xi32>,
        %and3A_1083 = arith.constant 3 : i32
        %and3A_1084 = vector.broadcast %and3A_1083 : i32 to vector<16xi32>
        %and3A_1085 = arith.andi %get3A_1075, %and3A_1084 : vector<16xi32>
        %mul3A_1086 = arith.constant 32 : i32
        %mul3A_1087 = vector.broadcast %mul3A_1086 : i32 to vector<16xi32>
        %mul3A_1088 = arith.muli %and3A_1085, %mul3A_1087 : vector<16xi32>
        %swap3A_1089 = arith.constant 0 : i32
        %swap3A_1090 = arith.index_cast %swap3A_1089 : i32 to index
        %swap3A_1091 = arith.constant 48 : index
        %swap3A_1092 = tpu.vector_load %arg10[%swap3A_1090, %swap3A_1091] {strides = array<i32>} : memref<2x128xi32, #tpu.memory_space<vmem>>, vector<16xi32>,
        tpu.vector_store %arg10[%swap3A_1090, %swap3A_1091], %mul3A_1088 {strides = array<i32>} : memref<2x128xi32, #tpu.memory_space<vmem>>, vector<16xi32>,
        %mul3A_1093 = arith.constant 256 : i32
        %mul3A_1094 = arith.muli %add3A_918, %mul3A_1093 : i32
        %add3A_1095 = arith.constant 0 : i32
        %add3A_1096 = arith.addi %mul3A_1094, %add3A_1095 : i32
        %add3A_1097 = arith.constant 48 : i32
        %add3A_1098 = arith.addi %add3A_1096, %add3A_1097 : i32
        %add3A_1099 = vector.broadcast %add3A_1098 : i32 to vector<16xi32>
        %add3A_1100 = arith.addi %iota3A, %add3A_1099 : vector<16xi32>
        %shift_right_arithmetic3A_1101 = arith.constant 2 : i32
        %shift_right_arithmetic3A_1102 = vector.broadcast %shift_right_arithmetic3A_1101 : i32 to vector<16xi32>
        %shift_right_arithmetic3A_1103 = arith.shrsi %add3A_1100, %shift_right_arithmetic3A_1102 : vector<16xi32>
        %mul3A_1104 = arith.constant 20972 : i32
        %mul3A_1105 = vector.broadcast %mul3A_1104 : i32 to vector<16xi32>
        %mul3A_1106 = arith.muli %shift_right_arithmetic3A_1103, %mul3A_1105 : vector<16xi32>
        %shift_right_arithmetic3A_1107 = arith.constant 19 : i32
        %shift_right_arithmetic3A_1108 = vector.broadcast %shift_right_arithmetic3A_1107 : i32 to vector<16xi32>
        %shift_right_arithmetic3A_1109 = arith.shrsi %mul3A_1106, %shift_right_arithmetic3A_1108 : vector<16xi32>
        %mul3A_1110 = arith.constant 4 : i32
        %mul3A_1111 = vector.broadcast %mul3A_1110 : i32 to vector<16xi32>
        %mul3A_1112 = arith.muli %add3A_1100, %mul3A_1111 : vector<16xi32>
        %add3A_1113 = vector.broadcast %mul3A_8 : i32 to vector<16xi32>
        %add3A_1114 = arith.addi %add3A_1113, %mul3A_1112 : vector<16xi32>
        %mul3A_1115 = arith.constant 16 : i32
        %mul3A_1116 = vector.broadcast %mul3A_1115 : i32 to vector<16xi32>
        %mul3A_1117 = arith.muli %shift_right_arithmetic3A_1109, %mul3A_1116 : vector<16xi32>
        %add3A_1118 = arith.addi %add3A_1114, %mul3A_1117 : vector<16xi32>
        %swap3A_1119 = arith.constant 0 : i32
        %swap3A_1120 = arith.index_cast %swap3A_1119 : i32 to index
        %swap3A_1121 = arith.constant 48 : index
        %swap3A_1122 = tpu.vector_load %arg12[%swap3A_1120, %swap3A_1121] {strides = array<i32>} : memref<2x128xi32, #tpu.memory_space<vmem>>, vector<16xi32>,
        tpu.vector_store %arg12[%swap3A_1120, %swap3A_1121], %add3A_1118 {strides = array<i32>} : memref<2x128xi32, #tpu.memory_space<vmem>>, vector<16xi32>,
        %get3A_1123 = arith.constant 0 : i32
        %get3A_1124 = arith.index_cast %get3A_1123 : i32 to index
        %get3A_1125 = arith.constant 64 : index
        %get3A_1126 = tpu.vector_load %arg6[%get3A_1124, %get3A_1125] {strides = array<i32>} : memref<2x128xi32, #tpu.memory_space<vmem>>, vector<16xi32>,
        %shift_right_arithmetic3A_1127 = arith.constant 2 : i32
        %shift_right_arithmetic3A_1128 = vector.broadcast %shift_right_arithmetic3A_1127 : i32 to vector<16xi32>
        %shift_right_arithmetic3A_1129 = arith.shrsi %get3A_1126, %shift_right_arithmetic3A_1128 : vector<16xi32>
        %swap3A_1130 = arith.constant 0 : i32
        %swap3A_1131 = arith.index_cast %swap3A_1130 : i32 to index
        %swap3A_1132 = arith.constant 64 : index
        %swap3A_1133 = tpu.vector_load %arg8[%swap3A_1131, %swap3A_1132] {strides = array<i32>} : memref<2x128xi32, #tpu.memory_space<vmem>>, vector<16xi32>,
        tpu.vector_store %arg8[%swap3A_1131, %swap3A_1132], %shift_right_arithmetic3A_1129 {strides = array<i32>} : memref<2x128xi32, #tpu.memory_space<vmem>>, vector<16xi32>,
        %and3A_1134 = arith.constant 3 : i32
        %and3A_1135 = vector.broadcast %and3A_1134 : i32 to vector<16xi32>
        %and3A_1136 = arith.andi %get3A_1126, %and3A_1135 : vector<16xi32>
        %mul3A_1137 = arith.constant 32 : i32
        %mul3A_1138 = vector.broadcast %mul3A_1137 : i32 to vector<16xi32>
        %mul3A_1139 = arith.muli %and3A_1136, %mul3A_1138 : vector<16xi32>
        %swap3A_1140 = arith.constant 0 : i32
        %swap3A_1141 = arith.index_cast %swap3A_1140 : i32 to index
        %swap3A_1142 = arith.constant 64 : index
        %swap3A_1143 = tpu.vector_load %arg10[%swap3A_1141, %swap3A_1142] {strides = array<i32>} : memref<2x128xi32, #tpu.memory_space<vmem>>, vector<16xi32>,
        tpu.vector_store %arg10[%swap3A_1141, %swap3A_1142], %mul3A_1139 {strides = array<i32>} : memref<2x128xi32, #tpu.memory_space<vmem>>, vector<16xi32>,
        %mul3A_1144 = arith.constant 256 : i32
        %mul3A_1145 = arith.muli %add3A_918, %mul3A_1144 : i32
        %add3A_1146 = arith.constant 0 : i32
        %add3A_1147 = arith.addi %mul3A_1145, %add3A_1146 : i32
        %add3A_1148 = arith.constant 64 : i32
        %add3A_1149 = arith.addi %add3A_1147, %add3A_1148 : i32
        %add3A_1150 = vector.broadcast %add3A_1149 : i32 to vector<16xi32>
        %add3A_1151 = arith.addi %iota3A, %add3A_1150 : vector<16xi32>
        %shift_right_arithmetic3A_1152 = arith.constant 2 : i32
        %shift_right_arithmetic3A_1153 = vector.broadcast %shift_right_arithmetic3A_1152 : i32 to vector<16xi32>
        %shift_right_arithmetic3A_1154 = arith.shrsi %add3A_1151, %shift_right_arithmetic3A_1153 : vector<16xi32>
        %mul3A_1155 = arith.constant 20972 : i32
        %mul3A_1156 = vector.broadcast %mul3A_1155 : i32 to vector<16xi32>
        %mul3A_1157 = arith.muli %shift_right_arithmetic3A_1154, %mul3A_1156 : vector<16xi32>
        %shift_right_arithmetic3A_1158 = arith.constant 19 : i32
        %shift_right_arithmetic3A_1159 = vector.broadcast %shift_right_arithmetic3A_1158 : i32 to vector<16xi32>
        %shift_right_arithmetic3A_1160 = arith.shrsi %mul3A_1157, %shift_right_arithmetic3A_1159 : vector<16xi32>
        %mul3A_1161 = arith.constant 4 : i32
        %mul3A_1162 = vector.broadcast %mul3A_1161 : i32 to vector<16xi32>
        %mul3A_1163 = arith.muli %add3A_1151, %mul3A_1162 : vector<16xi32>
        %add3A_1164 = vector.broadcast %mul3A_8 : i32 to vector<16xi32>
        %add3A_1165 = arith.addi %add3A_1164, %mul3A_1163 : vector<16xi32>
        %mul3A_1166 = arith.constant 16 : i32
        %mul3A_1167 = vector.broadcast %mul3A_1166 : i32 to vector<16xi32>
        %mul3A_1168 = arith.muli %shift_right_arithmetic3A_1160, %mul3A_1167 : vector<16xi32>
        %add3A_1169 = arith.addi %add3A_1165, %mul3A_1168 : vector<16xi32>
        %swap3A_1170 = arith.constant 0 : i32
        %swap3A_1171 = arith.index_cast %swap3A_1170 : i32 to index
        %swap3A_1172 = arith.constant 64 : index
        %swap3A_1173 = tpu.vector_load %arg12[%swap3A_1171, %swap3A_1172] {strides = array<i32>} : memref<2x128xi32, #tpu.memory_space<vmem>>, vector<16xi32>,
        tpu.vector_store %arg12[%swap3A_1171, %swap3A_1172], %add3A_1169 {strides = array<i32>} : memref<2x128xi32, #tpu.memory_space<vmem>>, vector<16xi32>,
        %get3A_1174 = arith.constant 0 : i32
        %get3A_1175 = arith.index_cast %get3A_1174 : i32 to index
        %get3A_1176 = arith.constant 80 : index
        %get3A_1177 = tpu.vector_load %arg6[%get3A_1175, %get3A_1176] {strides = array<i32>} : memref<2x128xi32, #tpu.memory_space<vmem>>, vector<16xi32>,
        %shift_right_arithmetic3A_1178 = arith.constant 2 : i32
        %shift_right_arithmetic3A_1179 = vector.broadcast %shift_right_arithmetic3A_1178 : i32 to vector<16xi32>
        %shift_right_arithmetic3A_1180 = arith.shrsi %get3A_1177, %shift_right_arithmetic3A_1179 : vector<16xi32>
        %swap3A_1181 = arith.constant 0 : i32
        %swap3A_1182 = arith.index_cast %swap3A_1181 : i32 to index
        %swap3A_1183 = arith.constant 80 : index
        %swap3A_1184 = tpu.vector_load %arg8[%swap3A_1182, %swap3A_1183] {strides = array<i32>} : memref<2x128xi32, #tpu.memory_space<vmem>>, vector<16xi32>,
        tpu.vector_store %arg8[%swap3A_1182, %swap3A_1183], %shift_right_arithmetic3A_1180 {strides = array<i32>} : memref<2x128xi32, #tpu.memory_space<vmem>>, vector<16xi32>,
        %and3A_1185 = arith.constant 3 : i32
        %and3A_1186 = vector.broadcast %and3A_1185 : i32 to vector<16xi32>
        %and3A_1187 = arith.andi %get3A_1177, %and3A_1186 : vector<16xi32>
        %mul3A_1188 = arith.constant 32 : i32
        %mul3A_1189 = vector.broadcast %mul3A_1188 : i32 to vector<16xi32>
        %mul3A_1190 = arith.muli %and3A_1187, %mul3A_1189 : vector<16xi32>
        %swap3A_1191 = arith.constant 0 : i32
        %swap3A_1192 = arith.index_cast %swap3A_1191 : i32 to index
        %swap3A_1193 = arith.constant 80 : index
        %swap3A_1194 = tpu.vector_load %arg10[%swap3A_1192, %swap3A_1193] {strides = array<i32>} : memref<2x128xi32, #tpu.memory_space<vmem>>, vector<16xi32>,
        tpu.vector_store %arg10[%swap3A_1192, %swap3A_1193], %mul3A_1190 {strides = array<i32>} : memref<2x128xi32, #tpu.memory_space<vmem>>, vector<16xi32>,
        %mul3A_1195 = arith.constant 256 : i32
        %mul3A_1196 = arith.muli %add3A_918, %mul3A_1195 : i32
        %add3A_1197 = arith.constant 0 : i32
        %add3A_1198 = arith.addi %mul3A_1196, %add3A_1197 : i32
        %add3A_1199 = arith.constant 80 : i32
        %add3A_1200 = arith.addi %add3A_1198, %add3A_1199 : i32
        %add3A_1201 = vector.broadcast %add3A_1200 : i32 to vector<16xi32>
        %add3A_1202 = arith.addi %iota3A, %add3A_1201 : vector<16xi32>
        %shift_right_arithmetic3A_1203 = arith.constant 2 : i32
        %shift_right_arithmetic3A_1204 = vector.broadcast %shift_right_arithmetic3A_1203 : i32 to vector<16xi32>
        %shift_right_arithmetic3A_1205 = arith.shrsi %add3A_1202, %shift_right_arithmetic3A_1204 : vector<16xi32>
        %mul3A_1206 = arith.constant 20972 : i32
        %mul3A_1207 = vector.broadcast %mul3A_1206 : i32 to vector<16xi32>
        %mul3A_1208 = arith.muli %shift_right_arithmetic3A_1205, %mul3A_1207 : vector<16xi32>
        %shift_right_arithmetic3A_1209 = arith.constant 19 : i32
        %shift_right_arithmetic3A_1210 = vector.broadcast %shift_right_arithmetic3A_1209 : i32 to vector<16xi32>
        %shift_right_arithmetic3A_1211 = arith.shrsi %mul3A_1208, %shift_right_arithmetic3A_1210 : vector<16xi32>
        %mul3A_1212 = arith.constant 4 : i32
        %mul3A_1213 = vector.broadcast %mul3A_1212 : i32 to vector<16xi32>
        %mul3A_1214 = arith.muli %add3A_1202, %mul3A_1213 : vector<16xi32>
        %add3A_1215 = vector.broadcast %mul3A_8 : i32 to vector<16xi32>
        %add3A_1216 = arith.addi %add3A_1215, %mul3A_1214 : vector<16xi32>
        %mul3A_1217 = arith.constant 16 : i32
        %mul3A_1218 = vector.broadcast %mul3A_1217 : i32 to vector<16xi32>
        %mul3A_1219 = arith.muli %shift_right_arithmetic3A_1211, %mul3A_1218 : vector<16xi32>
        %add3A_1220 = arith.addi %add3A_1216, %mul3A_1219 : vector<16xi32>
        %swap3A_1221 = arith.constant 0 : i32
        %swap3A_1222 = arith.index_cast %swap3A_1221 : i32 to index
        %swap3A_1223 = arith.constant 80 : index
        %swap3A_1224 = tpu.vector_load %arg12[%swap3A_1222, %swap3A_1223] {strides = array<i32>} : memref<2x128xi32, #tpu.memory_space<vmem>>, vector<16xi32>,
        tpu.vector_store %arg12[%swap3A_1222, %swap3A_1223], %add3A_1220 {strides = array<i32>} : memref<2x128xi32, #tpu.memory_space<vmem>>, vector<16xi32>,
        %get3A_1225 = arith.constant 0 : i32
        %get3A_1226 = arith.index_cast %get3A_1225 : i32 to index
        %get3A_1227 = arith.constant 96 : index
        %get3A_1228 = tpu.vector_load %arg6[%get3A_1226, %get3A_1227] {strides = array<i32>} : memref<2x128xi32, #tpu.memory_space<vmem>>, vector<16xi32>,
        %shift_right_arithmetic3A_1229 = arith.constant 2 : i32
        %shift_right_arithmetic3A_1230 = vector.broadcast %shift_right_arithmetic3A_1229 : i32 to vector<16xi32>
        %shift_right_arithmetic3A_1231 = arith.shrsi %get3A_1228, %shift_right_arithmetic3A_1230 : vector<16xi32>
        %swap3A_1232 = arith.constant 0 : i32
        %swap3A_1233 = arith.index_cast %swap3A_1232 : i32 to index
        %swap3A_1234 = arith.constant 96 : index
        %swap3A_1235 = tpu.vector_load %arg8[%swap3A_1233, %swap3A_1234] {strides = array<i32>} : memref<2x128xi32, #tpu.memory_space<vmem>>, vector<16xi32>,
        tpu.vector_store %arg8[%swap3A_1233, %swap3A_1234], %shift_right_arithmetic3A_1231 {strides = array<i32>} : memref<2x128xi32, #tpu.memory_space<vmem>>, vector<16xi32>,
        %and3A_1236 = arith.constant 3 : i32
        %and3A_1237 = vector.broadcast %and3A_1236 : i32 to vector<16xi32>
        %and3A_1238 = arith.andi %get3A_1228, %and3A_1237 : vector<16xi32>
        %mul3A_1239 = arith.constant 32 : i32
        %mul3A_1240 = vector.broadcast %mul3A_1239 : i32 to vector<16xi32>
        %mul3A_1241 = arith.muli %and3A_1238, %mul3A_1240 : vector<16xi32>
        %swap3A_1242 = arith.constant 0 : i32
        %swap3A_1243 = arith.index_cast %swap3A_1242 : i32 to index
        %swap3A_1244 = arith.constant 96 : index
        %swap3A_1245 = tpu.vector_load %arg10[%swap3A_1243, %swap3A_1244] {strides = array<i32>} : memref<2x128xi32, #tpu.memory_space<vmem>>, vector<16xi32>,
        tpu.vector_store %arg10[%swap3A_1243, %swap3A_1244], %mul3A_1241 {strides = array<i32>} : memref<2x128xi32, #tpu.memory_space<vmem>>, vector<16xi32>,
        %mul3A_1246 = arith.constant 256 : i32
        %mul3A_1247 = arith.muli %add3A_918, %mul3A_1246 : i32
        %add3A_1248 = arith.constant 0 : i32
        %add3A_1249 = arith.addi %mul3A_1247, %add3A_1248 : i32
        %add3A_1250 = arith.constant 96 : i32
        %add3A_1251 = arith.addi %add3A_1249, %add3A_1250 : i32
        %add3A_1252 = vector.broadcast %add3A_1251 : i32 to vector<16xi32>
        %add3A_1253 = arith.addi %iota3A, %add3A_1252 : vector<16xi32>
        %shift_right_arithmetic3A_1254 = arith.constant 2 : i32
        %shift_right_arithmetic3A_1255 = vector.broadcast %shift_right_arithmetic3A_1254 : i32 to vector<16xi32>
        %shift_right_arithmetic3A_1256 = arith.shrsi %add3A_1253, %shift_right_arithmetic3A_1255 : vector<16xi32>
        %mul3A_1257 = arith.constant 20972 : i32
        %mul3A_1258 = vector.broadcast %mul3A_1257 : i32 to vector<16xi32>
        %mul3A_1259 = arith.muli %shift_right_arithmetic3A_1256, %mul3A_1258 : vector<16xi32>
        %shift_right_arithmetic3A_1260 = arith.constant 19 : i32
        %shift_right_arithmetic3A_1261 = vector.broadcast %shift_right_arithmetic3A_1260 : i32 to vector<16xi32>
        %shift_right_arithmetic3A_1262 = arith.shrsi %mul3A_1259, %shift_right_arithmetic3A_1261 : vector<16xi32>
        %mul3A_1263 = arith.constant 4 : i32
        %mul3A_1264 = vector.broadcast %mul3A_1263 : i32 to vector<16xi32>
        %mul3A_1265 = arith.muli %add3A_1253, %mul3A_1264 : vector<16xi32>
        %add3A_1266 = vector.broadcast %mul3A_8 : i32 to vector<16xi32>
        %add3A_1267 = arith.addi %add3A_1266, %mul3A_1265 : vector<16xi32>
        %mul3A_1268 = arith.constant 16 : i32
        %mul3A_1269 = vector.broadcast %mul3A_1268 : i32 to vector<16xi32>
        %mul3A_1270 = arith.muli %shift_right_arithmetic3A_1262, %mul3A_1269 : vector<16xi32>
        %add3A_1271 = arith.addi %add3A_1267, %mul3A_1270 : vector<16xi32>
        %swap3A_1272 = arith.constant 0 : i32
        %swap3A_1273 = arith.index_cast %swap3A_1272 : i32 to index
        %swap3A_1274 = arith.constant 96 : index
        %swap3A_1275 = tpu.vector_load %arg12[%swap3A_1273, %swap3A_1274] {strides = array<i32>} : memref<2x128xi32, #tpu.memory_space<vmem>>, vector<16xi32>,
        tpu.vector_store %arg12[%swap3A_1273, %swap3A_1274], %add3A_1271 {strides = array<i32>} : memref<2x128xi32, #tpu.memory_space<vmem>>, vector<16xi32>,
        %get3A_1276 = arith.constant 0 : i32
        %get3A_1277 = arith.index_cast %get3A_1276 : i32 to index
        %get3A_1278 = arith.constant 112 : index
        %get3A_1279 = tpu.vector_load %arg6[%get3A_1277, %get3A_1278] {strides = array<i32>} : memref<2x128xi32, #tpu.memory_space<vmem>>, vector<16xi32>,
        %shift_right_arithmetic3A_1280 = arith.constant 2 : i32
        %shift_right_arithmetic3A_1281 = vector.broadcast %shift_right_arithmetic3A_1280 : i32 to vector<16xi32>
        %shift_right_arithmetic3A_1282 = arith.shrsi %get3A_1279, %shift_right_arithmetic3A_1281 : vector<16xi32>
        %swap3A_1283 = arith.constant 0 : i32
        %swap3A_1284 = arith.index_cast %swap3A_1283 : i32 to index
        %swap3A_1285 = arith.constant 112 : index
        %swap3A_1286 = tpu.vector_load %arg8[%swap3A_1284, %swap3A_1285] {strides = array<i32>} : memref<2x128xi32, #tpu.memory_space<vmem>>, vector<16xi32>,
        tpu.vector_store %arg8[%swap3A_1284, %swap3A_1285], %shift_right_arithmetic3A_1282 {strides = array<i32>} : memref<2x128xi32, #tpu.memory_space<vmem>>, vector<16xi32>,
        %and3A_1287 = arith.constant 3 : i32
        %and3A_1288 = vector.broadcast %and3A_1287 : i32 to vector<16xi32>
        %and3A_1289 = arith.andi %get3A_1279, %and3A_1288 : vector<16xi32>
        %mul3A_1290 = arith.constant 32 : i32
        %mul3A_1291 = vector.broadcast %mul3A_1290 : i32 to vector<16xi32>
        %mul3A_1292 = arith.muli %and3A_1289, %mul3A_1291 : vector<16xi32>
        %swap3A_1293 = arith.constant 0 : i32
        %swap3A_1294 = arith.index_cast %swap3A_1293 : i32 to index
        %swap3A_1295 = arith.constant 112 : index
        %swap3A_1296 = tpu.vector_load %arg10[%swap3A_1294, %swap3A_1295] {strides = array<i32>} : memref<2x128xi32, #tpu.memory_space<vmem>>, vector<16xi32>,
        tpu.vector_store %arg10[%swap3A_1294, %swap3A_1295], %mul3A_1292 {strides = array<i32>} : memref<2x128xi32, #tpu.memory_space<vmem>>, vector<16xi32>,
        %mul3A_1297 = arith.constant 256 : i32
        %mul3A_1298 = arith.muli %add3A_918, %mul3A_1297 : i32
        %add3A_1299 = arith.constant 0 : i32
        %add3A_1300 = arith.addi %mul3A_1298, %add3A_1299 : i32
        %add3A_1301 = arith.constant 112 : i32
        %add3A_1302 = arith.addi %add3A_1300, %add3A_1301 : i32
        %add3A_1303 = vector.broadcast %add3A_1302 : i32 to vector<16xi32>
        %add3A_1304 = arith.addi %iota3A, %add3A_1303 : vector<16xi32>
        %shift_right_arithmetic3A_1305 = arith.constant 2 : i32
        %shift_right_arithmetic3A_1306 = vector.broadcast %shift_right_arithmetic3A_1305 : i32 to vector<16xi32>
        %shift_right_arithmetic3A_1307 = arith.shrsi %add3A_1304, %shift_right_arithmetic3A_1306 : vector<16xi32>
        %mul3A_1308 = arith.constant 20972 : i32
        %mul3A_1309 = vector.broadcast %mul3A_1308 : i32 to vector<16xi32>
        %mul3A_1310 = arith.muli %shift_right_arithmetic3A_1307, %mul3A_1309 : vector<16xi32>
        %shift_right_arithmetic3A_1311 = arith.constant 19 : i32
        %shift_right_arithmetic3A_1312 = vector.broadcast %shift_right_arithmetic3A_1311 : i32 to vector<16xi32>
        %shift_right_arithmetic3A_1313 = arith.shrsi %mul3A_1310, %shift_right_arithmetic3A_1312 : vector<16xi32>
        %mul3A_1314 = arith.constant 4 : i32
        %mul3A_1315 = vector.broadcast %mul3A_1314 : i32 to vector<16xi32>
        %mul3A_1316 = arith.muli %add3A_1304, %mul3A_1315 : vector<16xi32>
        %add3A_1317 = vector.broadcast %mul3A_8 : i32 to vector<16xi32>
        %add3A_1318 = arith.addi %add3A_1317, %mul3A_1316 : vector<16xi32>
        %mul3A_1319 = arith.constant 16 : i32
        %mul3A_1320 = vector.broadcast %mul3A_1319 : i32 to vector<16xi32>
        %mul3A_1321 = arith.muli %shift_right_arithmetic3A_1313, %mul3A_1320 : vector<16xi32>
        %add3A_1322 = arith.addi %add3A_1318, %mul3A_1321 : vector<16xi32>
        %swap3A_1323 = arith.constant 0 : i32
        %swap3A_1324 = arith.index_cast %swap3A_1323 : i32 to index
        %swap3A_1325 = arith.constant 112 : index
        %swap3A_1326 = tpu.vector_load %arg12[%swap3A_1324, %swap3A_1325] {strides = array<i32>} : memref<2x128xi32, #tpu.memory_space<vmem>>, vector<16xi32>,
        tpu.vector_store %arg12[%swap3A_1324, %swap3A_1325], %add3A_1322 {strides = array<i32>} : memref<2x128xi32, #tpu.memory_space<vmem>>, vector<16xi32>,
        %get3A_1327 = arith.constant 1 : i32
        %get3A_1328 = arith.index_cast %get3A_1327 : i32 to index
        %get3A_1329 = arith.constant 0 : index
        %get3A_1330 = tpu.vector_load %arg6[%get3A_1328, %get3A_1329] {strides = array<i32>} : memref<2x128xi32, #tpu.memory_space<vmem>>, vector<16xi32>,
        %shift_right_arithmetic3A_1331 = arith.constant 2 : i32
        %shift_right_arithmetic3A_1332 = vector.broadcast %shift_right_arithmetic3A_1331 : i32 to vector<16xi32>
        %shift_right_arithmetic3A_1333 = arith.shrsi %get3A_1330, %shift_right_arithmetic3A_1332 : vector<16xi32>
        %swap3A_1334 = arith.constant 1 : i32
        %swap3A_1335 = arith.index_cast %swap3A_1334 : i32 to index
        %swap3A_1336 = arith.constant 0 : index
        %swap3A_1337 = tpu.vector_load %arg8[%swap3A_1335, %swap3A_1336] {strides = array<i32>} : memref<2x128xi32, #tpu.memory_space<vmem>>, vector<16xi32>,
        tpu.vector_store %arg8[%swap3A_1335, %swap3A_1336], %shift_right_arithmetic3A_1333 {strides = array<i32>} : memref<2x128xi32, #tpu.memory_space<vmem>>, vector<16xi32>,
        %and3A_1338 = arith.constant 3 : i32
        %and3A_1339 = vector.broadcast %and3A_1338 : i32 to vector<16xi32>
        %and3A_1340 = arith.andi %get3A_1330, %and3A_1339 : vector<16xi32>
        %mul3A_1341 = arith.constant 32 : i32
        %mul3A_1342 = vector.broadcast %mul3A_1341 : i32 to vector<16xi32>
        %mul3A_1343 = arith.muli %and3A_1340, %mul3A_1342 : vector<16xi32>
        %swap3A_1344 = arith.constant 1 : i32
        %swap3A_1345 = arith.index_cast %swap3A_1344 : i32 to index
        %swap3A_1346 = arith.constant 0 : index
        %swap3A_1347 = tpu.vector_load %arg10[%swap3A_1345, %swap3A_1346] {strides = array<i32>} : memref<2x128xi32, #tpu.memory_space<vmem>>, vector<16xi32>,
        tpu.vector_store %arg10[%swap3A_1345, %swap3A_1346], %mul3A_1343 {strides = array<i32>} : memref<2x128xi32, #tpu.memory_space<vmem>>, vector<16xi32>,
        %mul3A_1348 = arith.constant 256 : i32
        %mul3A_1349 = arith.muli %add3A_918, %mul3A_1348 : i32
        %add3A_1350 = arith.constant 128 : i32
        %add3A_1351 = arith.addi %mul3A_1349, %add3A_1350 : i32
        %add3A_1352 = arith.constant 0 : i32
        %add3A_1353 = arith.addi %add3A_1351, %add3A_1352 : i32
        %add3A_1354 = vector.broadcast %add3A_1353 : i32 to vector<16xi32>
        %add3A_1355 = arith.addi %iota3A, %add3A_1354 : vector<16xi32>
        %shift_right_arithmetic3A_1356 = arith.constant 2 : i32
        %shift_right_arithmetic3A_1357 = vector.broadcast %shift_right_arithmetic3A_1356 : i32 to vector<16xi32>
        %shift_right_arithmetic3A_1358 = arith.shrsi %add3A_1355, %shift_right_arithmetic3A_1357 : vector<16xi32>
        %mul3A_1359 = arith.constant 20972 : i32
        %mul3A_1360 = vector.broadcast %mul3A_1359 : i32 to vector<16xi32>
        %mul3A_1361 = arith.muli %shift_right_arithmetic3A_1358, %mul3A_1360 : vector<16xi32>
        %shift_right_arithmetic3A_1362 = arith.constant 19 : i32
        %shift_right_arithmetic3A_1363 = vector.broadcast %shift_right_arithmetic3A_1362 : i32 to vector<16xi32>
        %shift_right_arithmetic3A_1364 = arith.shrsi %mul3A_1361, %shift_right_arithmetic3A_1363 : vector<16xi32>
        %mul3A_1365 = arith.constant 4 : i32
        %mul3A_1366 = vector.broadcast %mul3A_1365 : i32 to vector<16xi32>
        %mul3A_1367 = arith.muli %add3A_1355, %mul3A_1366 : vector<16xi32>
        %add3A_1368 = vector.broadcast %mul3A_8 : i32 to vector<16xi32>
        %add3A_1369 = arith.addi %add3A_1368, %mul3A_1367 : vector<16xi32>
        %mul3A_1370 = arith.constant 16 : i32
        %mul3A_1371 = vector.broadcast %mul3A_1370 : i32 to vector<16xi32>
        %mul3A_1372 = arith.muli %shift_right_arithmetic3A_1364, %mul3A_1371 : vector<16xi32>
        %add3A_1373 = arith.addi %add3A_1369, %mul3A_1372 : vector<16xi32>
        %swap3A_1374 = arith.constant 1 : i32
        %swap3A_1375 = arith.index_cast %swap3A_1374 : i32 to index
        %swap3A_1376 = arith.constant 0 : index
        %swap3A_1377 = tpu.vector_load %arg12[%swap3A_1375, %swap3A_1376] {strides = array<i32>} : memref<2x128xi32, #tpu.memory_space<vmem>>, vector<16xi32>,
        tpu.vector_store %arg12[%swap3A_1375, %swap3A_1376], %add3A_1373 {strides = array<i32>} : memref<2x128xi32, #tpu.memory_space<vmem>>, vector<16xi32>,
        %get3A_1378 = arith.constant 1 : i32
        %get3A_1379 = arith.index_cast %get3A_1378 : i32 to index
        %get3A_1380 = arith.constant 16 : index
        %get3A_1381 = tpu.vector_load %arg6[%get3A_1379, %get3A_1380] {strides = array<i32>} : memref<2x128xi32, #tpu.memory_space<vmem>>, vector<16xi32>,
        %shift_right_arithmetic3A_1382 = arith.constant 2 : i32
        %shift_right_arithmetic3A_1383 = vector.broadcast %shift_right_arithmetic3A_1382 : i32 to vector<16xi32>
        %shift_right_arithmetic3A_1384 = arith.shrsi %get3A_1381, %shift_right_arithmetic3A_1383 : vector<16xi32>
        %swap3A_1385 = arith.constant 1 : i32
        %swap3A_1386 = arith.index_cast %swap3A_1385 : i32 to index
        %swap3A_1387 = arith.constant 16 : index
        %swap3A_1388 = tpu.vector_load %arg8[%swap3A_1386, %swap3A_1387] {strides = array<i32>} : memref<2x128xi32, #tpu.memory_space<vmem>>, vector<16xi32>,
        tpu.vector_store %arg8[%swap3A_1386, %swap3A_1387], %shift_right_arithmetic3A_1384 {strides = array<i32>} : memref<2x128xi32, #tpu.memory_space<vmem>>, vector<16xi32>,
        %and3A_1389 = arith.constant 3 : i32
        %and3A_1390 = vector.broadcast %and3A_1389 : i32 to vector<16xi32>
        %and3A_1391 = arith.andi %get3A_1381, %and3A_1390 : vector<16xi32>
        %mul3A_1392 = arith.constant 32 : i32
        %mul3A_1393 = vector.broadcast %mul3A_1392 : i32 to vector<16xi32>
        %mul3A_1394 = arith.muli %and3A_1391, %mul3A_1393 : vector<16xi32>
        %swap3A_1395 = arith.constant 1 : i32
        %swap3A_1396 = arith.index_cast %swap3A_1395 : i32 to index
        %swap3A_1397 = arith.constant 16 : index
        %swap3A_1398 = tpu.vector_load %arg10[%swap3A_1396, %swap3A_1397] {strides = array<i32>} : memref<2x128xi32, #tpu.memory_space<vmem>>, vector<16xi32>,
        tpu.vector_store %arg10[%swap3A_1396, %swap3A_1397], %mul3A_1394 {strides = array<i32>} : memref<2x128xi32, #tpu.memory_space<vmem>>, vector<16xi32>,
        %mul3A_1399 = arith.constant 256 : i32
        %mul3A_1400 = arith.muli %add3A_918, %mul3A_1399 : i32
        %add3A_1401 = arith.constant 128 : i32
        %add3A_1402 = arith.addi %mul3A_1400, %add3A_1401 : i32
        %add3A_1403 = arith.constant 16 : i32
        %add3A_1404 = arith.addi %add3A_1402, %add3A_1403 : i32
        %add3A_1405 = vector.broadcast %add3A_1404 : i32 to vector<16xi32>
        %add3A_1406 = arith.addi %iota3A, %add3A_1405 : vector<16xi32>
        %shift_right_arithmetic3A_1407 = arith.constant 2 : i32
        %shift_right_arithmetic3A_1408 = vector.broadcast %shift_right_arithmetic3A_1407 : i32 to vector<16xi32>
        %shift_right_arithmetic3A_1409 = arith.shrsi %add3A_1406, %shift_right_arithmetic3A_1408 : vector<16xi32>
        %mul3A_1410 = arith.constant 20972 : i32
        %mul3A_1411 = vector.broadcast %mul3A_1410 : i32 to vector<16xi32>
        %mul3A_1412 = arith.muli %shift_right_arithmetic3A_1409, %mul3A_1411 : vector<16xi32>
        %shift_right_arithmetic3A_1413 = arith.constant 19 : i32
        %shift_right_arithmetic3A_1414 = vector.broadcast %shift_right_arithmetic3A_1413 : i32 to vector<16xi32>
        %shift_right_arithmetic3A_1415 = arith.shrsi %mul3A_1412, %shift_right_arithmetic3A_1414 : vector<16xi32>
        %mul3A_1416 = arith.constant 4 : i32
        %mul3A_1417 = vector.broadcast %mul3A_1416 : i32 to vector<16xi32>
        %mul3A_1418 = arith.muli %add3A_1406, %mul3A_1417 : vector<16xi32>
        %add3A_1419 = vector.broadcast %mul3A_8 : i32 to vector<16xi32>
        %add3A_1420 = arith.addi %add3A_1419, %mul3A_1418 : vector<16xi32>
        %mul3A_1421 = arith.constant 16 : i32
        %mul3A_1422 = vector.broadcast %mul3A_1421 : i32 to vector<16xi32>
        %mul3A_1423 = arith.muli %shift_right_arithmetic3A_1415, %mul3A_1422 : vector<16xi32>
        %add3A_1424 = arith.addi %add3A_1420, %mul3A_1423 : vector<16xi32>
        %swap3A_1425 = arith.constant 1 : i32
        %swap3A_1426 = arith.index_cast %swap3A_1425 : i32 to index
        %swap3A_1427 = arith.constant 16 : index
        %swap3A_1428 = tpu.vector_load %arg12[%swap3A_1426, %swap3A_1427] {strides = array<i32>} : memref<2x128xi32, #tpu.memory_space<vmem>>, vector<16xi32>,
        tpu.vector_store %arg12[%swap3A_1426, %swap3A_1427], %add3A_1424 {strides = array<i32>} : memref<2x128xi32, #tpu.memory_space<vmem>>, vector<16xi32>,
        %get3A_1429 = arith.constant 1 : i32
        %get3A_1430 = arith.index_cast %get3A_1429 : i32 to index
        %get3A_1431 = arith.constant 32 : index
        %get3A_1432 = tpu.vector_load %arg6[%get3A_1430, %get3A_1431] {strides = array<i32>} : memref<2x128xi32, #tpu.memory_space<vmem>>, vector<16xi32>,
        %shift_right_arithmetic3A_1433 = arith.constant 2 : i32
        %shift_right_arithmetic3A_1434 = vector.broadcast %shift_right_arithmetic3A_1433 : i32 to vector<16xi32>
        %shift_right_arithmetic3A_1435 = arith.shrsi %get3A_1432, %shift_right_arithmetic3A_1434 : vector<16xi32>
        %swap3A_1436 = arith.constant 1 : i32
        %swap3A_1437 = arith.index_cast %swap3A_1436 : i32 to index
        %swap3A_1438 = arith.constant 32 : index
        %swap3A_1439 = tpu.vector_load %arg8[%swap3A_1437, %swap3A_1438] {strides = array<i32>} : memref<2x128xi32, #tpu.memory_space<vmem>>, vector<16xi32>,
        tpu.vector_store %arg8[%swap3A_1437, %swap3A_1438], %shift_right_arithmetic3A_1435 {strides = array<i32>} : memref<2x128xi32, #tpu.memory_space<vmem>>, vector<16xi32>,
        %and3A_1440 = arith.constant 3 : i32
        %and3A_1441 = vector.broadcast %and3A_1440 : i32 to vector<16xi32>
        %and3A_1442 = arith.andi %get3A_1432, %and3A_1441 : vector<16xi32>
        %mul3A_1443 = arith.constant 32 : i32
        %mul3A_1444 = vector.broadcast %mul3A_1443 : i32 to vector<16xi32>
        %mul3A_1445 = arith.muli %and3A_1442, %mul3A_1444 : vector<16xi32>
        %swap3A_1446 = arith.constant 1 : i32
        %swap3A_1447 = arith.index_cast %swap3A_1446 : i32 to index
        %swap3A_1448 = arith.constant 32 : index
        %swap3A_1449 = tpu.vector_load %arg10[%swap3A_1447, %swap3A_1448] {strides = array<i32>} : memref<2x128xi32, #tpu.memory_space<vmem>>, vector<16xi32>,
        tpu.vector_store %arg10[%swap3A_1447, %swap3A_1448], %mul3A_1445 {strides = array<i32>} : memref<2x128xi32, #tpu.memory_space<vmem>>, vector<16xi32>,
        %mul3A_1450 = arith.constant 256 : i32
        %mul3A_1451 = arith.muli %add3A_918, %mul3A_1450 : i32
        %add3A_1452 = arith.constant 128 : i32
        %add3A_1453 = arith.addi %mul3A_1451, %add3A_1452 : i32
        %add3A_1454 = arith.constant 32 : i32
        %add3A_1455 = arith.addi %add3A_1453, %add3A_1454 : i32
        %add3A_1456 = vector.broadcast %add3A_1455 : i32 to vector<16xi32>
        %add3A_1457 = arith.addi %iota3A, %add3A_1456 : vector<16xi32>
        %shift_right_arithmetic3A_1458 = arith.constant 2 : i32
        %shift_right_arithmetic3A_1459 = vector.broadcast %shift_right_arithmetic3A_1458 : i32 to vector<16xi32>
        %shift_right_arithmetic3A_1460 = arith.shrsi %add3A_1457, %shift_right_arithmetic3A_1459 : vector<16xi32>
        %mul3A_1461 = arith.constant 20972 : i32
        %mul3A_1462 = vector.broadcast %mul3A_1461 : i32 to vector<16xi32>
        %mul3A_1463 = arith.muli %shift_right_arithmetic3A_1460, %mul3A_1462 : vector<16xi32>
        %shift_right_arithmetic3A_1464 = arith.constant 19 : i32
        %shift_right_arithmetic3A_1465 = vector.broadcast %shift_right_arithmetic3A_1464 : i32 to vector<16xi32>
        %shift_right_arithmetic3A_1466 = arith.shrsi %mul3A_1463, %shift_right_arithmetic3A_1465 : vector<16xi32>
        %mul3A_1467 = arith.constant 4 : i32
        %mul3A_1468 = vector.broadcast %mul3A_1467 : i32 to vector<16xi32>
        %mul3A_1469 = arith.muli %add3A_1457, %mul3A_1468 : vector<16xi32>
        %add3A_1470 = vector.broadcast %mul3A_8 : i32 to vector<16xi32>
        %add3A_1471 = arith.addi %add3A_1470, %mul3A_1469 : vector<16xi32>
        %mul3A_1472 = arith.constant 16 : i32
        %mul3A_1473 = vector.broadcast %mul3A_1472 : i32 to vector<16xi32>
        %mul3A_1474 = arith.muli %shift_right_arithmetic3A_1466, %mul3A_1473 : vector<16xi32>
        %add3A_1475 = arith.addi %add3A_1471, %mul3A_1474 : vector<16xi32>
        %swap3A_1476 = arith.constant 1 : i32
        %swap3A_1477 = arith.index_cast %swap3A_1476 : i32 to index
        %swap3A_1478 = arith.constant 32 : index
        %swap3A_1479 = tpu.vector_load %arg12[%swap3A_1477, %swap3A_1478] {strides = array<i32>} : memref<2x128xi32, #tpu.memory_space<vmem>>, vector<16xi32>,
        tpu.vector_store %arg12[%swap3A_1477, %swap3A_1478], %add3A_1475 {strides = array<i32>} : memref<2x128xi32, #tpu.memory_space<vmem>>, vector<16xi32>,
        %get3A_1480 = arith.constant 1 : i32
        %get3A_1481 = arith.index_cast %get3A_1480 : i32 to index
        %get3A_1482 = arith.constant 48 : index
        %get3A_1483 = tpu.vector_load %arg6[%get3A_1481, %get3A_1482] {strides = array<i32>} : memref<2x128xi32, #tpu.memory_space<vmem>>, vector<16xi32>,
        %shift_right_arithmetic3A_1484 = arith.constant 2 : i32
        %shift_right_arithmetic3A_1485 = vector.broadcast %shift_right_arithmetic3A_1484 : i32 to vector<16xi32>
        %shift_right_arithmetic3A_1486 = arith.shrsi %get3A_1483, %shift_right_arithmetic3A_1485 : vector<16xi32>
        %swap3A_1487 = arith.constant 1 : i32
        %swap3A_1488 = arith.index_cast %swap3A_1487 : i32 to index
        %swap3A_1489 = arith.constant 48 : index
        %swap3A_1490 = tpu.vector_load %arg8[%swap3A_1488, %swap3A_1489] {strides = array<i32>} : memref<2x128xi32, #tpu.memory_space<vmem>>, vector<16xi32>,
        tpu.vector_store %arg8[%swap3A_1488, %swap3A_1489], %shift_right_arithmetic3A_1486 {strides = array<i32>} : memref<2x128xi32, #tpu.memory_space<vmem>>, vector<16xi32>,
        %and3A_1491 = arith.constant 3 : i32
        %and3A_1492 = vector.broadcast %and3A_1491 : i32 to vector<16xi32>
        %and3A_1493 = arith.andi %get3A_1483, %and3A_1492 : vector<16xi32>
        %mul3A_1494 = arith.constant 32 : i32
        %mul3A_1495 = vector.broadcast %mul3A_1494 : i32 to vector<16xi32>
        %mul3A_1496 = arith.muli %and3A_1493, %mul3A_1495 : vector<16xi32>
        %swap3A_1497 = arith.constant 1 : i32
        %swap3A_1498 = arith.index_cast %swap3A_1497 : i32 to index
        %swap3A_1499 = arith.constant 48 : index
        %swap3A_1500 = tpu.vector_load %arg10[%swap3A_1498, %swap3A_1499] {strides = array<i32>} : memref<2x128xi32, #tpu.memory_space<vmem>>, vector<16xi32>,
        tpu.vector_store %arg10[%swap3A_1498, %swap3A_1499], %mul3A_1496 {strides = array<i32>} : memref<2x128xi32, #tpu.memory_space<vmem>>, vector<16xi32>,
        %mul3A_1501 = arith.constant 256 : i32
        %mul3A_1502 = arith.muli %add3A_918, %mul3A_1501 : i32
        %add3A_1503 = arith.constant 128 : i32
        %add3A_1504 = arith.addi %mul3A_1502, %add3A_1503 : i32
        %add3A_1505 = arith.constant 48 : i32
        %add3A_1506 = arith.addi %add3A_1504, %add3A_1505 : i32
        %add3A_1507 = vector.broadcast %add3A_1506 : i32 to vector<16xi32>
        %add3A_1508 = arith.addi %iota3A, %add3A_1507 : vector<16xi32>
        %shift_right_arithmetic3A_1509 = arith.constant 2 : i32
        %shift_right_arithmetic3A_1510 = vector.broadcast %shift_right_arithmetic3A_1509 : i32 to vector<16xi32>
        %shift_right_arithmetic3A_1511 = arith.shrsi %add3A_1508, %shift_right_arithmetic3A_1510 : vector<16xi32>
        %mul3A_1512 = arith.constant 20972 : i32
        %mul3A_1513 = vector.broadcast %mul3A_1512 : i32 to vector<16xi32>
        %mul3A_1514 = arith.muli %shift_right_arithmetic3A_1511, %mul3A_1513 : vector<16xi32>
        %shift_right_arithmetic3A_1515 = arith.constant 19 : i32
        %shift_right_arithmetic3A_1516 = vector.broadcast %shift_right_arithmetic3A_1515 : i32 to vector<16xi32>
        %shift_right_arithmetic3A_1517 = arith.shrsi %mul3A_1514, %shift_right_arithmetic3A_1516 : vector<16xi32>
        %mul3A_1518 = arith.constant 4 : i32
        %mul3A_1519 = vector.broadcast %mul3A_1518 : i32 to vector<16xi32>
        %mul3A_1520 = arith.muli %add3A_1508, %mul3A_1519 : vector<16xi32>
        %add3A_1521 = vector.broadcast %mul3A_8 : i32 to vector<16xi32>
        %add3A_1522 = arith.addi %add3A_1521, %mul3A_1520 : vector<16xi32>
        %mul3A_1523 = arith.constant 16 : i32
        %mul3A_1524 = vector.broadcast %mul3A_1523 : i32 to vector<16xi32>
        %mul3A_1525 = arith.muli %shift_right_arithmetic3A_1517, %mul3A_1524 : vector<16xi32>
        %add3A_1526 = arith.addi %add3A_1522, %mul3A_1525 : vector<16xi32>
        %swap3A_1527 = arith.constant 1 : i32
        %swap3A_1528 = arith.index_cast %swap3A_1527 : i32 to index
        %swap3A_1529 = arith.constant 48 : index
        %swap3A_1530 = tpu.vector_load %arg12[%swap3A_1528, %swap3A_1529] {strides = array<i32>} : memref<2x128xi32, #tpu.memory_space<vmem>>, vector<16xi32>,
        tpu.vector_store %arg12[%swap3A_1528, %swap3A_1529], %add3A_1526 {strides = array<i32>} : memref<2x128xi32, #tpu.memory_space<vmem>>, vector<16xi32>,
        %get3A_1531 = arith.constant 1 : i32
        %get3A_1532 = arith.index_cast %get3A_1531 : i32 to index
        %get3A_1533 = arith.constant 64 : index
        %get3A_1534 = tpu.vector_load %arg6[%get3A_1532, %get3A_1533] {strides = array<i32>} : memref<2x128xi32, #tpu.memory_space<vmem>>, vector<16xi32>,
        %shift_right_arithmetic3A_1535 = arith.constant 2 : i32
        %shift_right_arithmetic3A_1536 = vector.broadcast %shift_right_arithmetic3A_1535 : i32 to vector<16xi32>
        %shift_right_arithmetic3A_1537 = arith.shrsi %get3A_1534, %shift_right_arithmetic3A_1536 : vector<16xi32>
        %swap3A_1538 = arith.constant 1 : i32
        %swap3A_1539 = arith.index_cast %swap3A_1538 : i32 to index
        %swap3A_1540 = arith.constant 64 : index
        %swap3A_1541 = tpu.vector_load %arg8[%swap3A_1539, %swap3A_1540] {strides = array<i32>} : memref<2x128xi32, #tpu.memory_space<vmem>>, vector<16xi32>,
        tpu.vector_store %arg8[%swap3A_1539, %swap3A_1540], %shift_right_arithmetic3A_1537 {strides = array<i32>} : memref<2x128xi32, #tpu.memory_space<vmem>>, vector<16xi32>,
        %and3A_1542 = arith.constant 3 : i32
        %and3A_1543 = vector.broadcast %and3A_1542 : i32 to vector<16xi32>
        %and3A_1544 = arith.andi %get3A_1534, %and3A_1543 : vector<16xi32>
        %mul3A_1545 = arith.constant 32 : i32
        %mul3A_1546 = vector.broadcast %mul3A_1545 : i32 to vector<16xi32>
        %mul3A_1547 = arith.muli %and3A_1544, %mul3A_1546 : vector<16xi32>
        %swap3A_1548 = arith.constant 1 : i32
        %swap3A_1549 = arith.index_cast %swap3A_1548 : i32 to index
        %swap3A_1550 = arith.constant 64 : index
        %swap3A_1551 = tpu.vector_load %arg10[%swap3A_1549, %swap3A_1550] {strides = array<i32>} : memref<2x128xi32, #tpu.memory_space<vmem>>, vector<16xi32>,
        tpu.vector_store %arg10[%swap3A_1549, %swap3A_1550], %mul3A_1547 {strides = array<i32>} : memref<2x128xi32, #tpu.memory_space<vmem>>, vector<16xi32>,
        %mul3A_1552 = arith.constant 256 : i32
        %mul3A_1553 = arith.muli %add3A_918, %mul3A_1552 : i32
        %add3A_1554 = arith.constant 128 : i32
        %add3A_1555 = arith.addi %mul3A_1553, %add3A_1554 : i32
        %add3A_1556 = arith.constant 64 : i32
        %add3A_1557 = arith.addi %add3A_1555, %add3A_1556 : i32
        %add3A_1558 = vector.broadcast %add3A_1557 : i32 to vector<16xi32>
        %add3A_1559 = arith.addi %iota3A, %add3A_1558 : vector<16xi32>
        %shift_right_arithmetic3A_1560 = arith.constant 2 : i32
        %shift_right_arithmetic3A_1561 = vector.broadcast %shift_right_arithmetic3A_1560 : i32 to vector<16xi32>
        %shift_right_arithmetic3A_1562 = arith.shrsi %add3A_1559, %shift_right_arithmetic3A_1561 : vector<16xi32>
        %mul3A_1563 = arith.constant 20972 : i32
        %mul3A_1564 = vector.broadcast %mul3A_1563 : i32 to vector<16xi32>
        %mul3A_1565 = arith.muli %shift_right_arithmetic3A_1562, %mul3A_1564 : vector<16xi32>
        %shift_right_arithmetic3A_1566 = arith.constant 19 : i32
        %shift_right_arithmetic3A_1567 = vector.broadcast %shift_right_arithmetic3A_1566 : i32 to vector<16xi32>
        %shift_right_arithmetic3A_1568 = arith.shrsi %mul3A_1565, %shift_right_arithmetic3A_1567 : vector<16xi32>
        %mul3A_1569 = arith.constant 4 : i32
        %mul3A_1570 = vector.broadcast %mul3A_1569 : i32 to vector<16xi32>
        %mul3A_1571 = arith.muli %add3A_1559, %mul3A_1570 : vector<16xi32>
        %add3A_1572 = vector.broadcast %mul3A_8 : i32 to vector<16xi32>
        %add3A_1573 = arith.addi %add3A_1572, %mul3A_1571 : vector<16xi32>
        %mul3A_1574 = arith.constant 16 : i32
        %mul3A_1575 = vector.broadcast %mul3A_1574 : i32 to vector<16xi32>
        %mul3A_1576 = arith.muli %shift_right_arithmetic3A_1568, %mul3A_1575 : vector<16xi32>
        %add3A_1577 = arith.addi %add3A_1573, %mul3A_1576 : vector<16xi32>
        %swap3A_1578 = arith.constant 1 : i32
        %swap3A_1579 = arith.index_cast %swap3A_1578 : i32 to index
        %swap3A_1580 = arith.constant 64 : index
        %swap3A_1581 = tpu.vector_load %arg12[%swap3A_1579, %swap3A_1580] {strides = array<i32>} : memref<2x128xi32, #tpu.memory_space<vmem>>, vector<16xi32>,
        tpu.vector_store %arg12[%swap3A_1579, %swap3A_1580], %add3A_1577 {strides = array<i32>} : memref<2x128xi32, #tpu.memory_space<vmem>>, vector<16xi32>,
        %get3A_1582 = arith.constant 1 : i32
        %get3A_1583 = arith.index_cast %get3A_1582 : i32 to index
        %get3A_1584 = arith.constant 80 : index
        %get3A_1585 = tpu.vector_load %arg6[%get3A_1583, %get3A_1584] {strides = array<i32>} : memref<2x128xi32, #tpu.memory_space<vmem>>, vector<16xi32>,
        %shift_right_arithmetic3A_1586 = arith.constant 2 : i32
        %shift_right_arithmetic3A_1587 = vector.broadcast %shift_right_arithmetic3A_1586 : i32 to vector<16xi32>
        %shift_right_arithmetic3A_1588 = arith.shrsi %get3A_1585, %shift_right_arithmetic3A_1587 : vector<16xi32>
        %swap3A_1589 = arith.constant 1 : i32
        %swap3A_1590 = arith.index_cast %swap3A_1589 : i32 to index
        %swap3A_1591 = arith.constant 80 : index
        %swap3A_1592 = tpu.vector_load %arg8[%swap3A_1590, %swap3A_1591] {strides = array<i32>} : memref<2x128xi32, #tpu.memory_space<vmem>>, vector<16xi32>,
        tpu.vector_store %arg8[%swap3A_1590, %swap3A_1591], %shift_right_arithmetic3A_1588 {strides = array<i32>} : memref<2x128xi32, #tpu.memory_space<vmem>>, vector<16xi32>,
        %and3A_1593 = arith.constant 3 : i32
        %and3A_1594 = vector.broadcast %and3A_1593 : i32 to vector<16xi32>
        %and3A_1595 = arith.andi %get3A_1585, %and3A_1594 : vector<16xi32>
        %mul3A_1596 = arith.constant 32 : i32
        %mul3A_1597 = vector.broadcast %mul3A_1596 : i32 to vector<16xi32>
        %mul3A_1598 = arith.muli %and3A_1595, %mul3A_1597 : vector<16xi32>
        %swap3A_1599 = arith.constant 1 : i32
        %swap3A_1600 = arith.index_cast %swap3A_1599 : i32 to index
        %swap3A_1601 = arith.constant 80 : index
        %swap3A_1602 = tpu.vector_load %arg10[%swap3A_1600, %swap3A_1601] {strides = array<i32>} : memref<2x128xi32, #tpu.memory_space<vmem>>, vector<16xi32>,
        tpu.vector_store %arg10[%swap3A_1600, %swap3A_1601], %mul3A_1598 {strides = array<i32>} : memref<2x128xi32, #tpu.memory_space<vmem>>, vector<16xi32>,
        %mul3A_1603 = arith.constant 256 : i32
        %mul3A_1604 = arith.muli %add3A_918, %mul3A_1603 : i32
        %add3A_1605 = arith.constant 128 : i32
        %add3A_1606 = arith.addi %mul3A_1604, %add3A_1605 : i32
        %add3A_1607 = arith.constant 80 : i32
        %add3A_1608 = arith.addi %add3A_1606, %add3A_1607 : i32
        %add3A_1609 = vector.broadcast %add3A_1608 : i32 to vector<16xi32>
        %add3A_1610 = arith.addi %iota3A, %add3A_1609 : vector<16xi32>
        %shift_right_arithmetic3A_1611 = arith.constant 2 : i32
        %shift_right_arithmetic3A_1612 = vector.broadcast %shift_right_arithmetic3A_1611 : i32 to vector<16xi32>
        %shift_right_arithmetic3A_1613 = arith.shrsi %add3A_1610, %shift_right_arithmetic3A_1612 : vector<16xi32>
        %mul3A_1614 = arith.constant 20972 : i32
        %mul3A_1615 = vector.broadcast %mul3A_1614 : i32 to vector<16xi32>
        %mul3A_1616 = arith.muli %shift_right_arithmetic3A_1613, %mul3A_1615 : vector<16xi32>
        %shift_right_arithmetic3A_1617 = arith.constant 19 : i32
        %shift_right_arithmetic3A_1618 = vector.broadcast %shift_right_arithmetic3A_1617 : i32 to vector<16xi32>
        %shift_right_arithmetic3A_1619 = arith.shrsi %mul3A_1616, %shift_right_arithmetic3A_1618 : vector<16xi32>
        %mul3A_1620 = arith.constant 4 : i32
        %mul3A_1621 = vector.broadcast %mul3A_1620 : i32 to vector<16xi32>
        %mul3A_1622 = arith.muli %add3A_1610, %mul3A_1621 : vector<16xi32>
        %add3A_1623 = vector.broadcast %mul3A_8 : i32 to vector<16xi32>
        %add3A_1624 = arith.addi %add3A_1623, %mul3A_1622 : vector<16xi32>
        %mul3A_1625 = arith.constant 16 : i32
        %mul3A_1626 = vector.broadcast %mul3A_1625 : i32 to vector<16xi32>
        %mul3A_1627 = arith.muli %shift_right_arithmetic3A_1619, %mul3A_1626 : vector<16xi32>
        %add3A_1628 = arith.addi %add3A_1624, %mul3A_1627 : vector<16xi32>
        %swap3A_1629 = arith.constant 1 : i32
        %swap3A_1630 = arith.index_cast %swap3A_1629 : i32 to index
        %swap3A_1631 = arith.constant 80 : index
        %swap3A_1632 = tpu.vector_load %arg12[%swap3A_1630, %swap3A_1631] {strides = array<i32>} : memref<2x128xi32, #tpu.memory_space<vmem>>, vector<16xi32>,
        tpu.vector_store %arg12[%swap3A_1630, %swap3A_1631], %add3A_1628 {strides = array<i32>} : memref<2x128xi32, #tpu.memory_space<vmem>>, vector<16xi32>,
        %get3A_1633 = arith.constant 1 : i32
        %get3A_1634 = arith.index_cast %get3A_1633 : i32 to index
        %get3A_1635 = arith.constant 96 : index
        %get3A_1636 = tpu.vector_load %arg6[%get3A_1634, %get3A_1635] {strides = array<i32>} : memref<2x128xi32, #tpu.memory_space<vmem>>, vector<16xi32>,
        %shift_right_arithmetic3A_1637 = arith.constant 2 : i32
        %shift_right_arithmetic3A_1638 = vector.broadcast %shift_right_arithmetic3A_1637 : i32 to vector<16xi32>
        %shift_right_arithmetic3A_1639 = arith.shrsi %get3A_1636, %shift_right_arithmetic3A_1638 : vector<16xi32>
        %swap3A_1640 = arith.constant 1 : i32
        %swap3A_1641 = arith.index_cast %swap3A_1640 : i32 to index
        %swap3A_1642 = arith.constant 96 : index
        %swap3A_1643 = tpu.vector_load %arg8[%swap3A_1641, %swap3A_1642] {strides = array<i32>} : memref<2x128xi32, #tpu.memory_space<vmem>>, vector<16xi32>,
        tpu.vector_store %arg8[%swap3A_1641, %swap3A_1642], %shift_right_arithmetic3A_1639 {strides = array<i32>} : memref<2x128xi32, #tpu.memory_space<vmem>>, vector<16xi32>,
        %and3A_1644 = arith.constant 3 : i32
        %and3A_1645 = vector.broadcast %and3A_1644 : i32 to vector<16xi32>
        %and3A_1646 = arith.andi %get3A_1636, %and3A_1645 : vector<16xi32>
        %mul3A_1647 = arith.constant 32 : i32
        %mul3A_1648 = vector.broadcast %mul3A_1647 : i32 to vector<16xi32>
        %mul3A_1649 = arith.muli %and3A_1646, %mul3A_1648 : vector<16xi32>
        %swap3A_1650 = arith.constant 1 : i32
        %swap3A_1651 = arith.index_cast %swap3A_1650 : i32 to index
        %swap3A_1652 = arith.constant 96 : index
        %swap3A_1653 = tpu.vector_load %arg10[%swap3A_1651, %swap3A_1652] {strides = array<i32>} : memref<2x128xi32, #tpu.memory_space<vmem>>, vector<16xi32>,
        tpu.vector_store %arg10[%swap3A_1651, %swap3A_1652], %mul3A_1649 {strides = array<i32>} : memref<2x128xi32, #tpu.memory_space<vmem>>, vector<16xi32>,
        %mul3A_1654 = arith.constant 256 : i32
        %mul3A_1655 = arith.muli %add3A_918, %mul3A_1654 : i32
        %add3A_1656 = arith.constant 128 : i32
        %add3A_1657 = arith.addi %mul3A_1655, %add3A_1656 : i32
        %add3A_1658 = arith.constant 96 : i32
        %add3A_1659 = arith.addi %add3A_1657, %add3A_1658 : i32
        %add3A_1660 = vector.broadcast %add3A_1659 : i32 to vector<16xi32>
        %add3A_1661 = arith.addi %iota3A, %add3A_1660 : vector<16xi32>
        %shift_right_arithmetic3A_1662 = arith.constant 2 : i32
        %shift_right_arithmetic3A_1663 = vector.broadcast %shift_right_arithmetic3A_1662 : i32 to vector<16xi32>
        %shift_right_arithmetic3A_1664 = arith.shrsi %add3A_1661, %shift_right_arithmetic3A_1663 : vector<16xi32>
        %mul3A_1665 = arith.constant 20972 : i32
        %mul3A_1666 = vector.broadcast %mul3A_1665 : i32 to vector<16xi32>
        %mul3A_1667 = arith.muli %shift_right_arithmetic3A_1664, %mul3A_1666 : vector<16xi32>
        %shift_right_arithmetic3A_1668 = arith.constant 19 : i32
        %shift_right_arithmetic3A_1669 = vector.broadcast %shift_right_arithmetic3A_1668 : i32 to vector<16xi32>
        %shift_right_arithmetic3A_1670 = arith.shrsi %mul3A_1667, %shift_right_arithmetic3A_1669 : vector<16xi32>
        %mul3A_1671 = arith.constant 4 : i32
        %mul3A_1672 = vector.broadcast %mul3A_1671 : i32 to vector<16xi32>
        %mul3A_1673 = arith.muli %add3A_1661, %mul3A_1672 : vector<16xi32>
        %add3A_1674 = vector.broadcast %mul3A_8 : i32 to vector<16xi32>
        %add3A_1675 = arith.addi %add3A_1674, %mul3A_1673 : vector<16xi32>
        %mul3A_1676 = arith.constant 16 : i32
        %mul3A_1677 = vector.broadcast %mul3A_1676 : i32 to vector<16xi32>
        %mul3A_1678 = arith.muli %shift_right_arithmetic3A_1670, %mul3A_1677 : vector<16xi32>
        %add3A_1679 = arith.addi %add3A_1675, %mul3A_1678 : vector<16xi32>
        %swap3A_1680 = arith.constant 1 : i32
        %swap3A_1681 = arith.index_cast %swap3A_1680 : i32 to index
        %swap3A_1682 = arith.constant 96 : index
        %swap3A_1683 = tpu.vector_load %arg12[%swap3A_1681, %swap3A_1682] {strides = array<i32>} : memref<2x128xi32, #tpu.memory_space<vmem>>, vector<16xi32>,
        tpu.vector_store %arg12[%swap3A_1681, %swap3A_1682], %add3A_1679 {strides = array<i32>} : memref<2x128xi32, #tpu.memory_space<vmem>>, vector<16xi32>,
        %get3A_1684 = arith.constant 1 : i32
        %get3A_1685 = arith.index_cast %get3A_1684 : i32 to index
        %get3A_1686 = arith.constant 112 : index
        %get3A_1687 = tpu.vector_load %arg6[%get3A_1685, %get3A_1686] {strides = array<i32>} : memref<2x128xi32, #tpu.memory_space<vmem>>, vector<16xi32>,
        %shift_right_arithmetic3A_1688 = arith.constant 2 : i32
        %shift_right_arithmetic3A_1689 = vector.broadcast %shift_right_arithmetic3A_1688 : i32 to vector<16xi32>
        %shift_right_arithmetic3A_1690 = arith.shrsi %get3A_1687, %shift_right_arithmetic3A_1689 : vector<16xi32>
        %swap3A_1691 = arith.constant 1 : i32
        %swap3A_1692 = arith.index_cast %swap3A_1691 : i32 to index
        %swap3A_1693 = arith.constant 112 : index
        %swap3A_1694 = tpu.vector_load %arg8[%swap3A_1692, %swap3A_1693] {strides = array<i32>} : memref<2x128xi32, #tpu.memory_space<vmem>>, vector<16xi32>,
        tpu.vector_store %arg8[%swap3A_1692, %swap3A_1693], %shift_right_arithmetic3A_1690 {strides = array<i32>} : memref<2x128xi32, #tpu.memory_space<vmem>>, vector<16xi32>,
        %and3A_1695 = arith.constant 3 : i32
        %and3A_1696 = vector.broadcast %and3A_1695 : i32 to vector<16xi32>
        %and3A_1697 = arith.andi %get3A_1687, %and3A_1696 : vector<16xi32>
        %mul3A_1698 = arith.constant 32 : i32
        %mul3A_1699 = vector.broadcast %mul3A_1698 : i32 to vector<16xi32>
        %mul3A_1700 = arith.muli %and3A_1697, %mul3A_1699 : vector<16xi32>
        %swap3A_1701 = arith.constant 1 : i32
        %swap3A_1702 = arith.index_cast %swap3A_1701 : i32 to index
        %swap3A_1703 = arith.constant 112 : index
        %swap3A_1704 = tpu.vector_load %arg10[%swap3A_1702, %swap3A_1703] {strides = array<i32>} : memref<2x128xi32, #tpu.memory_space<vmem>>, vector<16xi32>,
        tpu.vector_store %arg10[%swap3A_1702, %swap3A_1703], %mul3A_1700 {strides = array<i32>} : memref<2x128xi32, #tpu.memory_space<vmem>>, vector<16xi32>,
        %mul3A_1705 = arith.constant 256 : i32
        %mul3A_1706 = arith.muli %add3A_918, %mul3A_1705 : i32
        %add3A_1707 = arith.constant 128 : i32
        %add3A_1708 = arith.addi %mul3A_1706, %add3A_1707 : i32
        %add3A_1709 = arith.constant 112 : i32
        %add3A_1710 = arith.addi %add3A_1708, %add3A_1709 : i32
        %add3A_1711 = vector.broadcast %add3A_1710 : i32 to vector<16xi32>
        %add3A_1712 = arith.addi %iota3A, %add3A_1711 : vector<16xi32>
        %shift_right_arithmetic3A_1713 = arith.constant 2 : i32
        %shift_right_arithmetic3A_1714 = vector.broadcast %shift_right_arithmetic3A_1713 : i32 to vector<16xi32>
        %shift_right_arithmetic3A_1715 = arith.shrsi %add3A_1712, %shift_right_arithmetic3A_1714 : vector<16xi32>
        %mul3A_1716 = arith.constant 20972 : i32
        %mul3A_1717 = vector.broadcast %mul3A_1716 : i32 to vector<16xi32>
        %mul3A_1718 = arith.muli %shift_right_arithmetic3A_1715, %mul3A_1717 : vector<16xi32>
        %shift_right_arithmetic3A_1719 = arith.constant 19 : i32
        %shift_right_arithmetic3A_1720 = vector.broadcast %shift_right_arithmetic3A_1719 : i32 to vector<16xi32>
        %shift_right_arithmetic3A_1721 = arith.shrsi %mul3A_1718, %shift_right_arithmetic3A_1720 : vector<16xi32>
        %mul3A_1722 = arith.constant 4 : i32
        %mul3A_1723 = vector.broadcast %mul3A_1722 : i32 to vector<16xi32>
        %mul3A_1724 = arith.muli %add3A_1712, %mul3A_1723 : vector<16xi32>
        %add3A_1725 = vector.broadcast %mul3A_8 : i32 to vector<16xi32>
        %add3A_1726 = arith.addi %add3A_1725, %mul3A_1724 : vector<16xi32>
        %mul3A_1727 = arith.constant 16 : i32
        %mul3A_1728 = vector.broadcast %mul3A_1727 : i32 to vector<16xi32>
        %mul3A_1729 = arith.muli %shift_right_arithmetic3A_1721, %mul3A_1728 : vector<16xi32>
        %add3A_1730 = arith.addi %add3A_1726, %mul3A_1729 : vector<16xi32>
        %swap3A_1731 = arith.constant 1 : i32
        %swap3A_1732 = arith.index_cast %swap3A_1731 : i32 to index
        %swap3A_1733 = arith.constant 112 : index
        %swap3A_1734 = tpu.vector_load %arg12[%swap3A_1732, %swap3A_1733] {strides = array<i32>} : memref<2x128xi32, #tpu.memory_space<vmem>>, vector<16xi32>,
        tpu.vector_store %arg12[%swap3A_1732, %swap3A_1733], %add3A_1730 {strides = array<i32>} : memref<2x128xi32, #tpu.memory_space<vmem>>, vector<16xi32>,
      } else {
      }
      %dma_wait3A_803 = arith.constant 0 : i32
      %dma_wait3A_804 = arith.constant 0 : i32
      %dma_wait3A_805 = tpu.memref_slice %arg3[%dma_wait3A_803, %dma_wait3A_804] : memref<250000x128xf32, #tpu.memory_space<hbm>> -> memref<256x128xf32, #tpu.memory_space<hbm>>
      %dma_wait3A_806 = arith.constant 0 : i32
      %dma_wait3A_807 = arith.constant 0 : i32
      %dma_wait3A_808 = tpu.memref_slice %arg3[%dma_wait3A_806, %dma_wait3A_807] : memref<250000x128xf32, #tpu.memory_space<hbm>> -> memref<256x128xf32, #tpu.memory_space<hbm>>
      tpu.wait_dma2 semaphore(%arg19 : memref<!tpu.dma_semaphore, #tpu.memory_space<semaphore_mem>>) src(%dma_wait3A_808 : memref<256x128xf32, #tpu.memory_space<hbm>>) dst(%arg13 : memref<256x128xf32, #tpu.memory_space<vmem>>)
      %add3A_809 = arith.constant 1 : i32
      %add3A_810 = arith.addi %mul3A_798, %add3A_809 : i32
      %lt3A_811 = arith.constant 200 : i32
      %lt3A_812 = arith.cmpi slt, %add3A_810, %lt3A_811 : i32
      %convert_element_type3A_813 = arith.extui %lt3A_812 : i1 to i32
      %cond3A_814 = arith.constant 0 : i32
      %cond3A_815 = arith.cmpi ne, %convert_element_type3A_813, %cond3A_814 : i32
      scf.if %cond3A_815 {
        %dma_start3A_907 = arith.constant 0 : i32
        %dma_start3A_908 = arith.constant 0 : i32
        %dma_start3A_909 = arith.constant 0 : i32
        %dma_start3A_910 = tpu.memref_slice %arg14[%dma_start3A_908, %dma_start3A_909] : memref<256x128xf32, #tpu.memory_space<vmem>> -> memref<128x128xf32, #tpu.memory_space<vmem>>
        %dma_start3A_911 = arith.constant 0 : i32
        %dma_start3A_912 = tpu.memref_slice %arg8[%dma_start3A_907, %dma_start3A_911] : memref<2x128xi32, #tpu.memory_space<vmem>> -> memref<1x128xi32, #tpu.memory_space<vmem>>
        %dma_start3A_913 = tpu.memref_squeeze %dma_start3A_912 : memref<1x128xi32, #tpu.memory_space<vmem>> -> memref<128xi32, #tpu.memory_space<vmem>>
        %dma_start3A_914 = arith.constant 0 : i32
        %dma_start3A_915 = arith.constant 0 : i32
        %dma_start3A_916 = tpu.memref_slice %arg3[%dma_start3A_914, %dma_start3A_915] : memref<250000x128xf32, #tpu.memory_space<hbm>> -> memref<250000x128xf32, #tpu.memory_space<hbm>>
        tpu.enqueue_indirect_dma source(%dma_start3A_916 : memref<250000x128xf32, #tpu.memory_space<hbm>>) target(%dma_start3A_910 : memref<128x128xf32, #tpu.memory_space<vmem>>) offsets(%dma_start3A_913 : memref<128xi32, #tpu.memory_space<vmem>>) semaphore(%arg20 : memref<!tpu.dma_semaphore, #tpu.memory_space<semaphore_mem>>)
        %dma_start3A_917 = arith.constant 1 : i32
        %dma_start3A_918 = arith.constant 128 : i32
        %dma_start3A_919 = arith.constant 0 : i32
        %dma_start3A_920 = tpu.memref_slice %arg14[%dma_start3A_918, %dma_start3A_919] : memref<256x128xf32, #tpu.memory_space<vmem>> -> memref<128x128xf32, #tpu.memory_space<vmem>>
        %dma_start3A_921 = arith.constant 0 : i32
        %dma_start3A_922 = tpu.memref_slice %arg8[%dma_start3A_917, %dma_start3A_921] : memref<2x128xi32, #tpu.memory_space<vmem>> -> memref<1x128xi32, #tpu.memory_space<vmem>>
        %dma_start3A_923 = tpu.memref_squeeze %dma_start3A_922 : memref<1x128xi32, #tpu.memory_space<vmem>> -> memref<128xi32, #tpu.memory_space<vmem>>
        %dma_start3A_924 = arith.constant 0 : i32
        %dma_start3A_925 = arith.constant 0 : i32
        %dma_start3A_926 = tpu.memref_slice %arg3[%dma_start3A_924, %dma_start3A_925] : memref<250000x128xf32, #tpu.memory_space<hbm>> -> memref<250000x128xf32, #tpu.memory_space<hbm>>
        tpu.enqueue_indirect_dma source(%dma_start3A_926 : memref<250000x128xf32, #tpu.memory_space<hbm>>) target(%dma_start3A_920 : memref<128x128xf32, #tpu.memory_space<vmem>>) offsets(%dma_start3A_923 : memref<128xi32, #tpu.memory_space<vmem>>) semaphore(%arg20 : memref<!tpu.dma_semaphore, #tpu.memory_space<semaphore_mem>>)
      } else {
      }
      %add3A_816 = arith.constant 2 : i32
      %add3A_817 = arith.addi %mul3A_798, %add3A_816 : i32
      %lt3A_818 = arith.constant 200 : i32
      %lt3A_819 = arith.cmpi slt, %add3A_817, %lt3A_818 : i32
      %convert_element_type3A_820 = arith.extui %lt3A_819 : i1 to i32
      %cond3A_821 = arith.constant 0 : i32
      %cond3A_822 = arith.cmpi ne, %convert_element_type3A_820, %cond3A_821 : i32
      scf.if %cond3A_822 {
        %add3A_907 = arith.constant 2 : i32
        %add3A_908 = arith.addi %mul3A_798, %add3A_907 : i32
        %mul3A_909 = arith.constant 2 : i32
        %mul3A_910 = arith.muli %add3A_908, %mul3A_909 : i32
        %add3A_911 = arith.addi %mul3A_2, %mul3A_910 : i32
        %dma_start3A_912 = arith.constant 0 : i32
        %dma_start3A_913 = tpu.memref_slice %arg2[%add3A_911, %dma_start3A_912] : memref<12800x128xi32, #tpu.memory_space<hbm>> -> memref<2x128xi32, #tpu.memory_space<hbm>>
        %dma_start3A_914 = arith.constant 0 : i32
        %dma_start3A_915 = tpu.memref_slice %arg2[%add3A_911, %dma_start3A_914] : memref<12800x128xi32, #tpu.memory_space<hbm>> -> memref<2x128xi32, #tpu.memory_space<hbm>>
        tpu.enqueue_dma source(%dma_start3A_915 : memref<2x128xi32, #tpu.memory_space<hbm>>) target(%arg5 : memref<2x128xi32, #tpu.memory_space<vmem>>) target_semaphore(%arg17 : memref<!tpu.dma_semaphore, #tpu.memory_space<semaphore_mem>>)
      } else {
      }
      %scan3A_823 = arith.constant 0 : i32
      %scan3A_824 = arith.constant 0 : i32
      %scan3A_825 = arith.constant 16 : i32
      %scan3A_826 = arith.addi %scan3A_824, %scan3A_825 : i32
      %scan3A_827 = arith.constant 1 : i32
      %scan3A_828 = scf.for %scan3A_907 = %scan3A_824 to %scan3A_826 step %scan3A_827 iter_args(%scan3A_908 = %scan3A_823) -> (i32)  : i32 {
        %jit3A = arith.constant 8 : i32
        %div3A = arith.divsi %scan3A_907, %jit3A : i32
        %sign3A = arith.constant 0 : i32
        %sign3A_909 = arith.cmpi sgt, %scan3A_907, %sign3A : i32
        %sign3A_910 = arith.extui %sign3A_909 : i1 to i32
        %sign3A_911 = arith.constant 0 : i32
        %sign3A_912 = arith.cmpi slt, %scan3A_907, %sign3A_911 : i32
        %sign3A_913 = arith.extui %sign3A_912 : i1 to i32
        %sign3A_914 = arith.subi %sign3A_910, %sign3A_913 : i32
        %sign3A_915 = arith.constant 0 : i32
        %sign3A_916 = arith.cmpi sgt, %jit3A, %sign3A_915 : i32
        %sign3A_917 = arith.extui %sign3A_916 : i1 to i32
        %sign3A_918 = arith.constant 0 : i32
        %sign3A_919 = arith.cmpi slt, %jit3A, %sign3A_918 : i32
        %sign3A_920 = arith.extui %sign3A_919 : i1 to i32
        %sign3A_921 = arith.subi %sign3A_917, %sign3A_920 : i32
        %ne3A = arith.cmpi ne, %sign3A_914, %sign3A_921 : i32
        %rem3A = arith.remsi %scan3A_907, %jit3A : i32
        %ne3A_922 = arith.constant 0 : i32
        %ne3A_923 = arith.cmpi ne, %rem3A, %ne3A_922 : i32
        %and3A_924 = arith.andi %ne3A, %ne3A_923 : i1
        %sub3A = arith.constant 1 : i32
        %sub3A_925 = arith.subi %div3A, %sub3A : i32
        %select_n3A = arith.select %and3A_924, %sub3A_925, %div3A : i32
        %jit3A_926 = arith.constant 8 : i32
        %eq3A = arith.constant 0 : i32
        %eq3A_927 = arith.cmpi eq, %jit3A_926, %eq3A : i32
        %jit3A_928 = arith.constant 1 : i32
        %select_n3A_929 = arith.select %eq3A_927, %jit3A_928, %jit3A_926 : i32
        %rem3A_930 = arith.remsi %scan3A_907, %select_n3A_929 : i32
        %ne3A_931 = arith.constant 0 : i32
        %ne3A_932 = arith.cmpi ne, %rem3A_930, %ne3A_931 : i32
        %lt3A_933 = arith.constant 0 : i32
        %lt3A_934 = arith.cmpi slt, %rem3A_930, %lt3A_933 : i32
        %lt3A_935 = arith.constant 0 : i32
        %lt3A_936 = arith.cmpi slt, %select_n3A_929, %lt3A_935 : i32
        %ne3A_937 = arith.xori %lt3A_934, %lt3A_936 : i1
        %and3A_938 = arith.andi %ne3A_937, %ne3A_932 : i1
        %add3A_939 = arith.addi %rem3A_930, %select_n3A_929 : i32
        %select_n3A_940 = arith.select %and3A_938, %add3A_939, %rem3A_930 : i32
        %mul3A_941 = arith.constant 16 : i32
        %mul3A_942 = arith.muli %select_n3A_940, %mul3A_941 : i32
        %get3A_943 = arith.index_cast %select_n3A : i32 to index
        %get3A_944 = arith.index_cast %mul3A_942 : i32 to index
        %get3A_945 = tpu.vector_load %arg9[%get3A_943, %get3A_944] {strides = array<i32>} : memref<2x128xi32, #tpu.memory_space<vmem>>, vector<16xi32>,
        %mul3A_946 = arith.constant 16 : i32
        %mul3A_947 = arith.muli %scan3A_907, %mul3A_946 : i32
        %add3A_948 = vector.broadcast %mul3A_947 : i32 to vector<16xi32>
        %add3A_949 = arith.addi %iota3A, %add3A_948 : vector<16xi32>
        %add3A_950 = arith.constant 0 : i32
        %add3A_951 = vector.broadcast %add3A_950 : i32 to vector<16xi32>
        %add3A_952 = arith.addi %iota3A, %add3A_951 : vector<16xi32>
        %and3A_953 = arith.constant 31 : i32
        %and3A_954 = vector.broadcast %and3A_953 : i32 to vector<16xi32>
        %and3A_955 = arith.andi %add3A_952, %and3A_954 : vector<16xi32>
        %add3A_956 = arith.addi %get3A_945, %and3A_955 : vector<16xi32>
        %gather3A = tpu.vector_load_idx %arg13[%add3A_949, %add3A_956] : memref<256x128xf32, #tpu.memory_space<vmem>>[vector<16xi32>, vector<16xi32>], vector<16xf32>,
        tpu.vector_store_idx %arg15[%add3A_949, %and3A_955], %gather3A : memref<256x32xf32, #tpu.memory_space<vmem>>[vector<16xi32>, vector<16xi32>], vector<16xf32>,
        %add3A_957 = arith.constant 1 : i32
        %add3A_958 = vector.broadcast %add3A_957 : i32 to vector<16xi32>
        %add3A_959 = arith.addi %iota3A, %add3A_958 : vector<16xi32>
        %and3A_960 = arith.constant 31 : i32
        %and3A_961 = vector.broadcast %and3A_960 : i32 to vector<16xi32>
        %and3A_962 = arith.andi %add3A_959, %and3A_961 : vector<16xi32>
        %add3A_963 = arith.addi %get3A_945, %and3A_962 : vector<16xi32>
        %gather3A_964 = tpu.vector_load_idx %arg13[%add3A_949, %add3A_963] : memref<256x128xf32, #tpu.memory_space<vmem>>[vector<16xi32>, vector<16xi32>], vector<16xf32>,
        tpu.vector_store_idx %arg15[%add3A_949, %and3A_962], %gather3A_964 : memref<256x32xf32, #tpu.memory_space<vmem>>[vector<16xi32>, vector<16xi32>], vector<16xf32>,
        %add3A_965 = arith.constant 2 : i32
        %add3A_966 = vector.broadcast %add3A_965 : i32 to vector<16xi32>
        %add3A_967 = arith.addi %iota3A, %add3A_966 : vector<16xi32>
        %and3A_968 = arith.constant 31 : i32
        %and3A_969 = vector.broadcast %and3A_968 : i32 to vector<16xi32>
        %and3A_970 = arith.andi %add3A_967, %and3A_969 : vector<16xi32>
        %add3A_971 = arith.addi %get3A_945, %and3A_970 : vector<16xi32>
        %gather3A_972 = tpu.vector_load_idx %arg13[%add3A_949, %add3A_971] : memref<256x128xf32, #tpu.memory_space<vmem>>[vector<16xi32>, vector<16xi32>], vector<16xf32>,
        tpu.vector_store_idx %arg15[%add3A_949, %and3A_970], %gather3A_972 : memref<256x32xf32, #tpu.memory_space<vmem>>[vector<16xi32>, vector<16xi32>], vector<16xf32>,
        %add3A_973 = arith.constant 3 : i32
        %add3A_974 = vector.broadcast %add3A_973 : i32 to vector<16xi32>
        %add3A_975 = arith.addi %iota3A, %add3A_974 : vector<16xi32>
        %and3A_976 = arith.constant 31 : i32
        %and3A_977 = vector.broadcast %and3A_976 : i32 to vector<16xi32>
        %and3A_978 = arith.andi %add3A_975, %and3A_977 : vector<16xi32>
        %add3A_979 = arith.addi %get3A_945, %and3A_978 : vector<16xi32>
        %gather3A_980 = tpu.vector_load_idx %arg13[%add3A_949, %add3A_979] : memref<256x128xf32, #tpu.memory_space<vmem>>[vector<16xi32>, vector<16xi32>], vector<16xf32>,
        tpu.vector_store_idx %arg15[%add3A_949, %and3A_978], %gather3A_980 : memref<256x32xf32, #tpu.memory_space<vmem>>[vector<16xi32>, vector<16xi32>], vector<16xf32>,
        %add3A_981 = arith.constant 4 : i32
        %add3A_982 = vector.broadcast %add3A_981 : i32 to vector<16xi32>
        %add3A_983 = arith.addi %iota3A, %add3A_982 : vector<16xi32>
        %and3A_984 = arith.constant 31 : i32
        %and3A_985 = vector.broadcast %and3A_984 : i32 to vector<16xi32>
        %and3A_986 = arith.andi %add3A_983, %and3A_985 : vector<16xi32>
        %add3A_987 = arith.addi %get3A_945, %and3A_986 : vector<16xi32>
        %gather3A_988 = tpu.vector_load_idx %arg13[%add3A_949, %add3A_987] : memref<256x128xf32, #tpu.memory_space<vmem>>[vector<16xi32>, vector<16xi32>], vector<16xf32>,
        tpu.vector_store_idx %arg15[%add3A_949, %and3A_986], %gather3A_988 : memref<256x32xf32, #tpu.memory_space<vmem>>[vector<16xi32>, vector<16xi32>], vector<16xf32>,
        %add3A_989 = arith.constant 5 : i32
        %add3A_990 = vector.broadcast %add3A_989 : i32 to vector<16xi32>
        %add3A_991 = arith.addi %iota3A, %add3A_990 : vector<16xi32>
        %and3A_992 = arith.constant 31 : i32
        %and3A_993 = vector.broadcast %and3A_992 : i32 to vector<16xi32>
        %and3A_994 = arith.andi %add3A_991, %and3A_993 : vector<16xi32>
        %add3A_995 = arith.addi %get3A_945, %and3A_994 : vector<16xi32>
        %gather3A_996 = tpu.vector_load_idx %arg13[%add3A_949, %add3A_995] : memref<256x128xf32, #tpu.memory_space<vmem>>[vector<16xi32>, vector<16xi32>], vector<16xf32>,
        tpu.vector_store_idx %arg15[%add3A_949, %and3A_994], %gather3A_996 : memref<256x32xf32, #tpu.memory_space<vmem>>[vector<16xi32>, vector<16xi32>], vector<16xf32>,
        %add3A_997 = arith.constant 6 : i32
        %add3A_998 = vector.broadcast %add3A_997 : i32 to vector<16xi32>
        %add3A_999 = arith.addi %iota3A, %add3A_998 : vector<16xi32>
        %and3A_1000 = arith.constant 31 : i32
        %and3A_1001 = vector.broadcast %and3A_1000 : i32 to vector<16xi32>
        %and3A_1002 = arith.andi %add3A_999, %and3A_1001 : vector<16xi32>
        %add3A_1003 = arith.addi %get3A_945, %and3A_1002 : vector<16xi32>
        %gather3A_1004 = tpu.vector_load_idx %arg13[%add3A_949, %add3A_1003] : memref<256x128xf32, #tpu.memory_space<vmem>>[vector<16xi32>, vector<16xi32>], vector<16xf32>,
        tpu.vector_store_idx %arg15[%add3A_949, %and3A_1002], %gather3A_1004 : memref<256x32xf32, #tpu.memory_space<vmem>>[vector<16xi32>, vector<16xi32>], vector<16xf32>,
        %add3A_1005 = arith.constant 7 : i32
        %add3A_1006 = vector.broadcast %add3A_1005 : i32 to vector<16xi32>
        %add3A_1007 = arith.addi %iota3A, %add3A_1006 : vector<16xi32>
        %and3A_1008 = arith.constant 31 : i32
        %and3A_1009 = vector.broadcast %and3A_1008 : i32 to vector<16xi32>
        %and3A_1010 = arith.andi %add3A_1007, %and3A_1009 : vector<16xi32>
        %add3A_1011 = arith.addi %get3A_945, %and3A_1010 : vector<16xi32>
        %gather3A_1012 = tpu.vector_load_idx %arg13[%add3A_949, %add3A_1011] : memref<256x128xf32, #tpu.memory_space<vmem>>[vector<16xi32>, vector<16xi32>], vector<16xf32>,
        tpu.vector_store_idx %arg15[%add3A_949, %and3A_1010], %gather3A_1012 : memref<256x32xf32, #tpu.memory_space<vmem>>[vector<16xi32>, vector<16xi32>], vector<16xf32>,
        %add3A_1013 = arith.constant 8 : i32
        %add3A_1014 = vector.broadcast %add3A_1013 : i32 to vector<16xi32>
        %add3A_1015 = arith.addi %iota3A, %add3A_1014 : vector<16xi32>
        %and3A_1016 = arith.constant 31 : i32
        %and3A_1017 = vector.broadcast %and3A_1016 : i32 to vector<16xi32>
        %and3A_1018 = arith.andi %add3A_1015, %and3A_1017 : vector<16xi32>
        %add3A_1019 = arith.addi %get3A_945, %and3A_1018 : vector<16xi32>
        %gather3A_1020 = tpu.vector_load_idx %arg13[%add3A_949, %add3A_1019] : memref<256x128xf32, #tpu.memory_space<vmem>>[vector<16xi32>, vector<16xi32>], vector<16xf32>,
        tpu.vector_store_idx %arg15[%add3A_949, %and3A_1018], %gather3A_1020 : memref<256x32xf32, #tpu.memory_space<vmem>>[vector<16xi32>, vector<16xi32>], vector<16xf32>,
        %add3A_1021 = arith.constant 9 : i32
        %add3A_1022 = vector.broadcast %add3A_1021 : i32 to vector<16xi32>
        %add3A_1023 = arith.addi %iota3A, %add3A_1022 : vector<16xi32>
        %and3A_1024 = arith.constant 31 : i32
        %and3A_1025 = vector.broadcast %and3A_1024 : i32 to vector<16xi32>
        %and3A_1026 = arith.andi %add3A_1023, %and3A_1025 : vector<16xi32>
        %add3A_1027 = arith.addi %get3A_945, %and3A_1026 : vector<16xi32>
        %gather3A_1028 = tpu.vector_load_idx %arg13[%add3A_949, %add3A_1027] : memref<256x128xf32, #tpu.memory_space<vmem>>[vector<16xi32>, vector<16xi32>], vector<16xf32>,
        tpu.vector_store_idx %arg15[%add3A_949, %and3A_1026], %gather3A_1028 : memref<256x32xf32, #tpu.memory_space<vmem>>[vector<16xi32>, vector<16xi32>], vector<16xf32>,
        %add3A_1029 = arith.constant 10 : i32
        %add3A_1030 = vector.broadcast %add3A_1029 : i32 to vector<16xi32>
        %add3A_1031 = arith.addi %iota3A, %add3A_1030 : vector<16xi32>
        %and3A_1032 = arith.constant 31 : i32
        %and3A_1033 = vector.broadcast %and3A_1032 : i32 to vector<16xi32>
        %and3A_1034 = arith.andi %add3A_1031, %and3A_1033 : vector<16xi32>
        %add3A_1035 = arith.addi %get3A_945, %and3A_1034 : vector<16xi32>
        %gather3A_1036 = tpu.vector_load_idx %arg13[%add3A_949, %add3A_1035] : memref<256x128xf32, #tpu.memory_space<vmem>>[vector<16xi32>, vector<16xi32>], vector<16xf32>,
        tpu.vector_store_idx %arg15[%add3A_949, %and3A_1034], %gather3A_1036 : memref<256x32xf32, #tpu.memory_space<vmem>>[vector<16xi32>, vector<16xi32>], vector<16xf32>,
        %add3A_1037 = arith.constant 11 : i32
        %add3A_1038 = vector.broadcast %add3A_1037 : i32 to vector<16xi32>
        %add3A_1039 = arith.addi %iota3A, %add3A_1038 : vector<16xi32>
        %and3A_1040 = arith.constant 31 : i32
        %and3A_1041 = vector.broadcast %and3A_1040 : i32 to vector<16xi32>
        %and3A_1042 = arith.andi %add3A_1039, %and3A_1041 : vector<16xi32>
        %add3A_1043 = arith.addi %get3A_945, %and3A_1042 : vector<16xi32>
        %gather3A_1044 = tpu.vector_load_idx %arg13[%add3A_949, %add3A_1043] : memref<256x128xf32, #tpu.memory_space<vmem>>[vector<16xi32>, vector<16xi32>], vector<16xf32>,
        tpu.vector_store_idx %arg15[%add3A_949, %and3A_1042], %gather3A_1044 : memref<256x32xf32, #tpu.memory_space<vmem>>[vector<16xi32>, vector<16xi32>], vector<16xf32>,
        %add3A_1045 = arith.constant 12 : i32
        %add3A_1046 = vector.broadcast %add3A_1045 : i32 to vector<16xi32>
        %add3A_1047 = arith.addi %iota3A, %add3A_1046 : vector<16xi32>
        %and3A_1048 = arith.constant 31 : i32
        %and3A_1049 = vector.broadcast %and3A_1048 : i32 to vector<16xi32>
        %and3A_1050 = arith.andi %add3A_1047, %and3A_1049 : vector<16xi32>
        %add3A_1051 = arith.addi %get3A_945, %and3A_1050 : vector<16xi32>
        %gather3A_1052 = tpu.vector_load_idx %arg13[%add3A_949, %add3A_1051] : memref<256x128xf32, #tpu.memory_space<vmem>>[vector<16xi32>, vector<16xi32>], vector<16xf32>,
        tpu.vector_store_idx %arg15[%add3A_949, %and3A_1050], %gather3A_1052 : memref<256x32xf32, #tpu.memory_space<vmem>>[vector<16xi32>, vector<16xi32>], vector<16xf32>,
        %add3A_1053 = arith.constant 13 : i32
        %add3A_1054 = vector.broadcast %add3A_1053 : i32 to vector<16xi32>
        %add3A_1055 = arith.addi %iota3A, %add3A_1054 : vector<16xi32>
        %and3A_1056 = arith.constant 31 : i32
        %and3A_1057 = vector.broadcast %and3A_1056 : i32 to vector<16xi32>
        %and3A_1058 = arith.andi %add3A_1055, %and3A_1057 : vector<16xi32>
        %add3A_1059 = arith.addi %get3A_945, %and3A_1058 : vector<16xi32>
        %gather3A_1060 = tpu.vector_load_idx %arg13[%add3A_949, %add3A_1059] : memref<256x128xf32, #tpu.memory_space<vmem>>[vector<16xi32>, vector<16xi32>], vector<16xf32>,
        tpu.vector_store_idx %arg15[%add3A_949, %and3A_1058], %gather3A_1060 : memref<256x32xf32, #tpu.memory_space<vmem>>[vector<16xi32>, vector<16xi32>], vector<16xf32>,
        %add3A_1061 = arith.constant 14 : i32
        %add3A_1062 = vector.broadcast %add3A_1061 : i32 to vector<16xi32>
        %add3A_1063 = arith.addi %iota3A, %add3A_1062 : vector<16xi32>
        %and3A_1064 = arith.constant 31 : i32
        %and3A_1065 = vector.broadcast %and3A_1064 : i32 to vector<16xi32>
        %and3A_1066 = arith.andi %add3A_1063, %and3A_1065 : vector<16xi32>
        %add3A_1067 = arith.addi %get3A_945, %and3A_1066 : vector<16xi32>
        %gather3A_1068 = tpu.vector_load_idx %arg13[%add3A_949, %add3A_1067] : memref<256x128xf32, #tpu.memory_space<vmem>>[vector<16xi32>, vector<16xi32>], vector<16xf32>,
        tpu.vector_store_idx %arg15[%add3A_949, %and3A_1066], %gather3A_1068 : memref<256x32xf32, #tpu.memory_space<vmem>>[vector<16xi32>, vector<16xi32>], vector<16xf32>,
        %add3A_1069 = arith.constant 15 : i32
        %add3A_1070 = vector.broadcast %add3A_1069 : i32 to vector<16xi32>
        %add3A_1071 = arith.addi %iota3A, %add3A_1070 : vector<16xi32>
        %and3A_1072 = arith.constant 31 : i32
        %and3A_1073 = vector.broadcast %and3A_1072 : i32 to vector<16xi32>
        %and3A_1074 = arith.andi %add3A_1071, %and3A_1073 : vector<16xi32>
        %add3A_1075 = arith.addi %get3A_945, %and3A_1074 : vector<16xi32>
        %gather3A_1076 = tpu.vector_load_idx %arg13[%add3A_949, %add3A_1075] : memref<256x128xf32, #tpu.memory_space<vmem>>[vector<16xi32>, vector<16xi32>], vector<16xf32>,
        tpu.vector_store_idx %arg15[%add3A_949, %and3A_1074], %gather3A_1076 : memref<256x32xf32, #tpu.memory_space<vmem>>[vector<16xi32>, vector<16xi32>], vector<16xf32>,
        %add3A_1077 = arith.constant 16 : i32
        %add3A_1078 = vector.broadcast %add3A_1077 : i32 to vector<16xi32>
        %add3A_1079 = arith.addi %iota3A, %add3A_1078 : vector<16xi32>
        %and3A_1080 = arith.constant 31 : i32
        %and3A_1081 = vector.broadcast %and3A_1080 : i32 to vector<16xi32>
        %and3A_1082 = arith.andi %add3A_1079, %and3A_1081 : vector<16xi32>
        %add3A_1083 = arith.addi %get3A_945, %and3A_1082 : vector<16xi32>
        %gather3A_1084 = tpu.vector_load_idx %arg13[%add3A_949, %add3A_1083] : memref<256x128xf32, #tpu.memory_space<vmem>>[vector<16xi32>, vector<16xi32>], vector<16xf32>,
        tpu.vector_store_idx %arg15[%add3A_949, %and3A_1082], %gather3A_1084 : memref<256x32xf32, #tpu.memory_space<vmem>>[vector<16xi32>, vector<16xi32>], vector<16xf32>,
        %add3A_1085 = arith.constant 17 : i32
        %add3A_1086 = vector.broadcast %add3A_1085 : i32 to vector<16xi32>
        %add3A_1087 = arith.addi %iota3A, %add3A_1086 : vector<16xi32>
        %and3A_1088 = arith.constant 31 : i32
        %and3A_1089 = vector.broadcast %and3A_1088 : i32 to vector<16xi32>
        %and3A_1090 = arith.andi %add3A_1087, %and3A_1089 : vector<16xi32>
        %add3A_1091 = arith.addi %get3A_945, %and3A_1090 : vector<16xi32>
        %gather3A_1092 = tpu.vector_load_idx %arg13[%add3A_949, %add3A_1091] : memref<256x128xf32, #tpu.memory_space<vmem>>[vector<16xi32>, vector<16xi32>], vector<16xf32>,
        tpu.vector_store_idx %arg15[%add3A_949, %and3A_1090], %gather3A_1092 : memref<256x32xf32, #tpu.memory_space<vmem>>[vector<16xi32>, vector<16xi32>], vector<16xf32>,
        %add3A_1093 = arith.constant 18 : i32
        %add3A_1094 = vector.broadcast %add3A_1093 : i32 to vector<16xi32>
        %add3A_1095 = arith.addi %iota3A, %add3A_1094 : vector<16xi32>
        %and3A_1096 = arith.constant 31 : i32
        %and3A_1097 = vector.broadcast %and3A_1096 : i32 to vector<16xi32>
        %and3A_1098 = arith.andi %add3A_1095, %and3A_1097 : vector<16xi32>
        %add3A_1099 = arith.addi %get3A_945, %and3A_1098 : vector<16xi32>
        %gather3A_1100 = tpu.vector_load_idx %arg13[%add3A_949, %add3A_1099] : memref<256x128xf32, #tpu.memory_space<vmem>>[vector<16xi32>, vector<16xi32>], vector<16xf32>,
        tpu.vector_store_idx %arg15[%add3A_949, %and3A_1098], %gather3A_1100 : memref<256x32xf32, #tpu.memory_space<vmem>>[vector<16xi32>, vector<16xi32>], vector<16xf32>,
        %add3A_1101 = arith.constant 19 : i32
        %add3A_1102 = vector.broadcast %add3A_1101 : i32 to vector<16xi32>
        %add3A_1103 = arith.addi %iota3A, %add3A_1102 : vector<16xi32>
        %and3A_1104 = arith.constant 31 : i32
        %and3A_1105 = vector.broadcast %and3A_1104 : i32 to vector<16xi32>
        %and3A_1106 = arith.andi %add3A_1103, %and3A_1105 : vector<16xi32>
        %add3A_1107 = arith.addi %get3A_945, %and3A_1106 : vector<16xi32>
        %gather3A_1108 = tpu.vector_load_idx %arg13[%add3A_949, %add3A_1107] : memref<256x128xf32, #tpu.memory_space<vmem>>[vector<16xi32>, vector<16xi32>], vector<16xf32>,
        tpu.vector_store_idx %arg15[%add3A_949, %and3A_1106], %gather3A_1108 : memref<256x32xf32, #tpu.memory_space<vmem>>[vector<16xi32>, vector<16xi32>], vector<16xf32>,
        %add3A_1109 = arith.constant 20 : i32
        %add3A_1110 = vector.broadcast %add3A_1109 : i32 to vector<16xi32>
        %add3A_1111 = arith.addi %iota3A, %add3A_1110 : vector<16xi32>
        %and3A_1112 = arith.constant 31 : i32
        %and3A_1113 = vector.broadcast %and3A_1112 : i32 to vector<16xi32>
        %and3A_1114 = arith.andi %add3A_1111, %and3A_1113 : vector<16xi32>
        %add3A_1115 = arith.addi %get3A_945, %and3A_1114 : vector<16xi32>
        %gather3A_1116 = tpu.vector_load_idx %arg13[%add3A_949, %add3A_1115] : memref<256x128xf32, #tpu.memory_space<vmem>>[vector<16xi32>, vector<16xi32>], vector<16xf32>,
        tpu.vector_store_idx %arg15[%add3A_949, %and3A_1114], %gather3A_1116 : memref<256x32xf32, #tpu.memory_space<vmem>>[vector<16xi32>, vector<16xi32>], vector<16xf32>,
        %add3A_1117 = arith.constant 21 : i32
        %add3A_1118 = vector.broadcast %add3A_1117 : i32 to vector<16xi32>
        %add3A_1119 = arith.addi %iota3A, %add3A_1118 : vector<16xi32>
        %and3A_1120 = arith.constant 31 : i32
        %and3A_1121 = vector.broadcast %and3A_1120 : i32 to vector<16xi32>
        %and3A_1122 = arith.andi %add3A_1119, %and3A_1121 : vector<16xi32>
        %add3A_1123 = arith.addi %get3A_945, %and3A_1122 : vector<16xi32>
        %gather3A_1124 = tpu.vector_load_idx %arg13[%add3A_949, %add3A_1123] : memref<256x128xf32, #tpu.memory_space<vmem>>[vector<16xi32>, vector<16xi32>], vector<16xf32>,
        tpu.vector_store_idx %arg15[%add3A_949, %and3A_1122], %gather3A_1124 : memref<256x32xf32, #tpu.memory_space<vmem>>[vector<16xi32>, vector<16xi32>], vector<16xf32>,
        %add3A_1125 = arith.constant 22 : i32
        %add3A_1126 = vector.broadcast %add3A_1125 : i32 to vector<16xi32>
        %add3A_1127 = arith.addi %iota3A, %add3A_1126 : vector<16xi32>
        %and3A_1128 = arith.constant 31 : i32
        %and3A_1129 = vector.broadcast %and3A_1128 : i32 to vector<16xi32>
        %and3A_1130 = arith.andi %add3A_1127, %and3A_1129 : vector<16xi32>
        %add3A_1131 = arith.addi %get3A_945, %and3A_1130 : vector<16xi32>
        %gather3A_1132 = tpu.vector_load_idx %arg13[%add3A_949, %add3A_1131] : memref<256x128xf32, #tpu.memory_space<vmem>>[vector<16xi32>, vector<16xi32>], vector<16xf32>,
        tpu.vector_store_idx %arg15[%add3A_949, %and3A_1130], %gather3A_1132 : memref<256x32xf32, #tpu.memory_space<vmem>>[vector<16xi32>, vector<16xi32>], vector<16xf32>,
        %add3A_1133 = arith.constant 23 : i32
        %add3A_1134 = vector.broadcast %add3A_1133 : i32 to vector<16xi32>
        %add3A_1135 = arith.addi %iota3A, %add3A_1134 : vector<16xi32>
        %and3A_1136 = arith.constant 31 : i32
        %and3A_1137 = vector.broadcast %and3A_1136 : i32 to vector<16xi32>
        %and3A_1138 = arith.andi %add3A_1135, %and3A_1137 : vector<16xi32>
        %add3A_1139 = arith.addi %get3A_945, %and3A_1138 : vector<16xi32>
        %gather3A_1140 = tpu.vector_load_idx %arg13[%add3A_949, %add3A_1139] : memref<256x128xf32, #tpu.memory_space<vmem>>[vector<16xi32>, vector<16xi32>], vector<16xf32>,
        tpu.vector_store_idx %arg15[%add3A_949, %and3A_1138], %gather3A_1140 : memref<256x32xf32, #tpu.memory_space<vmem>>[vector<16xi32>, vector<16xi32>], vector<16xf32>,
        %add3A_1141 = arith.constant 24 : i32
        %add3A_1142 = vector.broadcast %add3A_1141 : i32 to vector<16xi32>
        %add3A_1143 = arith.addi %iota3A, %add3A_1142 : vector<16xi32>
        %and3A_1144 = arith.constant 31 : i32
        %and3A_1145 = vector.broadcast %and3A_1144 : i32 to vector<16xi32>
        %and3A_1146 = arith.andi %add3A_1143, %and3A_1145 : vector<16xi32>
        %add3A_1147 = arith.addi %get3A_945, %and3A_1146 : vector<16xi32>
        %gather3A_1148 = tpu.vector_load_idx %arg13[%add3A_949, %add3A_1147] : memref<256x128xf32, #tpu.memory_space<vmem>>[vector<16xi32>, vector<16xi32>], vector<16xf32>,
        tpu.vector_store_idx %arg15[%add3A_949, %and3A_1146], %gather3A_1148 : memref<256x32xf32, #tpu.memory_space<vmem>>[vector<16xi32>, vector<16xi32>], vector<16xf32>,
        %add3A_1149 = arith.constant 25 : i32
        %add3A_1150 = vector.broadcast %add3A_1149 : i32 to vector<16xi32>
        %add3A_1151 = arith.addi %iota3A, %add3A_1150 : vector<16xi32>
        %and3A_1152 = arith.constant 31 : i32
        %and3A_1153 = vector.broadcast %and3A_1152 : i32 to vector<16xi32>
        %and3A_1154 = arith.andi %add3A_1151, %and3A_1153 : vector<16xi32>
        %add3A_1155 = arith.addi %get3A_945, %and3A_1154 : vector<16xi32>
        %gather3A_1156 = tpu.vector_load_idx %arg13[%add3A_949, %add3A_1155] : memref<256x128xf32, #tpu.memory_space<vmem>>[vector<16xi32>, vector<16xi32>], vector<16xf32>,
        tpu.vector_store_idx %arg15[%add3A_949, %and3A_1154], %gather3A_1156 : memref<256x32xf32, #tpu.memory_space<vmem>>[vector<16xi32>, vector<16xi32>], vector<16xf32>,
        %add3A_1157 = arith.constant 26 : i32
        %add3A_1158 = vector.broadcast %add3A_1157 : i32 to vector<16xi32>
        %add3A_1159 = arith.addi %iota3A, %add3A_1158 : vector<16xi32>
        %and3A_1160 = arith.constant 31 : i32
        %and3A_1161 = vector.broadcast %and3A_1160 : i32 to vector<16xi32>
        %and3A_1162 = arith.andi %add3A_1159, %and3A_1161 : vector<16xi32>
        %add3A_1163 = arith.addi %get3A_945, %and3A_1162 : vector<16xi32>
        %gather3A_1164 = tpu.vector_load_idx %arg13[%add3A_949, %add3A_1163] : memref<256x128xf32, #tpu.memory_space<vmem>>[vector<16xi32>, vector<16xi32>], vector<16xf32>,
        tpu.vector_store_idx %arg15[%add3A_949, %and3A_1162], %gather3A_1164 : memref<256x32xf32, #tpu.memory_space<vmem>>[vector<16xi32>, vector<16xi32>], vector<16xf32>,
        %add3A_1165 = arith.constant 27 : i32
        %add3A_1166 = vector.broadcast %add3A_1165 : i32 to vector<16xi32>
        %add3A_1167 = arith.addi %iota3A, %add3A_1166 : vector<16xi32>
        %and3A_1168 = arith.constant 31 : i32
        %and3A_1169 = vector.broadcast %and3A_1168 : i32 to vector<16xi32>
        %and3A_1170 = arith.andi %add3A_1167, %and3A_1169 : vector<16xi32>
        %add3A_1171 = arith.addi %get3A_945, %and3A_1170 : vector<16xi32>
        %gather3A_1172 = tpu.vector_load_idx %arg13[%add3A_949, %add3A_1171] : memref<256x128xf32, #tpu.memory_space<vmem>>[vector<16xi32>, vector<16xi32>], vector<16xf32>,
        tpu.vector_store_idx %arg15[%add3A_949, %and3A_1170], %gather3A_1172 : memref<256x32xf32, #tpu.memory_space<vmem>>[vector<16xi32>, vector<16xi32>], vector<16xf32>,
        %add3A_1173 = arith.constant 28 : i32
        %add3A_1174 = vector.broadcast %add3A_1173 : i32 to vector<16xi32>
        %add3A_1175 = arith.addi %iota3A, %add3A_1174 : vector<16xi32>
        %and3A_1176 = arith.constant 31 : i32
        %and3A_1177 = vector.broadcast %and3A_1176 : i32 to vector<16xi32>
        %and3A_1178 = arith.andi %add3A_1175, %and3A_1177 : vector<16xi32>
        %add3A_1179 = arith.addi %get3A_945, %and3A_1178 : vector<16xi32>
        %gather3A_1180 = tpu.vector_load_idx %arg13[%add3A_949, %add3A_1179] : memref<256x128xf32, #tpu.memory_space<vmem>>[vector<16xi32>, vector<16xi32>], vector<16xf32>,
        tpu.vector_store_idx %arg15[%add3A_949, %and3A_1178], %gather3A_1180 : memref<256x32xf32, #tpu.memory_space<vmem>>[vector<16xi32>, vector<16xi32>], vector<16xf32>,
        %add3A_1181 = arith.constant 29 : i32
        %add3A_1182 = vector.broadcast %add3A_1181 : i32 to vector<16xi32>
        %add3A_1183 = arith.addi %iota3A, %add3A_1182 : vector<16xi32>
        %and3A_1184 = arith.constant 31 : i32
        %and3A_1185 = vector.broadcast %and3A_1184 : i32 to vector<16xi32>
        %and3A_1186 = arith.andi %add3A_1183, %and3A_1185 : vector<16xi32>
        %add3A_1187 = arith.addi %get3A_945, %and3A_1186 : vector<16xi32>
        %gather3A_1188 = tpu.vector_load_idx %arg13[%add3A_949, %add3A_1187] : memref<256x128xf32, #tpu.memory_space<vmem>>[vector<16xi32>, vector<16xi32>], vector<16xf32>,
        tpu.vector_store_idx %arg15[%add3A_949, %and3A_1186], %gather3A_1188 : memref<256x32xf32, #tpu.memory_space<vmem>>[vector<16xi32>, vector<16xi32>], vector<16xf32>,
        %add3A_1189 = arith.constant 30 : i32
        %add3A_1190 = vector.broadcast %add3A_1189 : i32 to vector<16xi32>
        %add3A_1191 = arith.addi %iota3A, %add3A_1190 : vector<16xi32>
        %and3A_1192 = arith.constant 31 : i32
        %and3A_1193 = vector.broadcast %and3A_1192 : i32 to vector<16xi32>
        %and3A_1194 = arith.andi %add3A_1191, %and3A_1193 : vector<16xi32>
        %add3A_1195 = arith.addi %get3A_945, %and3A_1194 : vector<16xi32>
        %gather3A_1196 = tpu.vector_load_idx %arg13[%add3A_949, %add3A_1195] : memref<256x128xf32, #tpu.memory_space<vmem>>[vector<16xi32>, vector<16xi32>], vector<16xf32>,
        tpu.vector_store_idx %arg15[%add3A_949, %and3A_1194], %gather3A_1196 : memref<256x32xf32, #tpu.memory_space<vmem>>[vector<16xi32>, vector<16xi32>], vector<16xf32>,
        %add3A_1197 = arith.constant 31 : i32
        %add3A_1198 = vector.broadcast %add3A_1197 : i32 to vector<16xi32>
        %add3A_1199 = arith.addi %iota3A, %add3A_1198 : vector<16xi32>
        %and3A_1200 = arith.constant 31 : i32
        %and3A_1201 = vector.broadcast %and3A_1200 : i32 to vector<16xi32>
        %and3A_1202 = arith.andi %add3A_1199, %and3A_1201 : vector<16xi32>
        %add3A_1203 = arith.addi %get3A_945, %and3A_1202 : vector<16xi32>
        %gather3A_1204 = tpu.vector_load_idx %arg13[%add3A_949, %add3A_1203] : memref<256x128xf32, #tpu.memory_space<vmem>>[vector<16xi32>, vector<16xi32>], vector<16xf32>,
        tpu.vector_store_idx %arg15[%add3A_949, %and3A_1202], %gather3A_1204 : memref<256x32xf32, #tpu.memory_space<vmem>>[vector<16xi32>, vector<16xi32>], vector<16xf32>,
        %scan3A_1205 = arith.constant 0 : i32
        scf.yield %scan3A_1205 : i32
      }
      %scan3A_829 = arith.constant 16 : i32
      %dma_start3A_830 = arith.constant 0 : i32
      %dma_start3A_831 = arith.constant 0 : i32
      %dma_start3A_832 = arith.constant 0 : i32
      %dma_start3A_833 = tpu.memref_slice %arg15[%dma_start3A_831, %dma_start3A_832] : memref<256x32xf32, #tpu.memory_space<vmem>> -> memref<128x32xf32, #tpu.memory_space<vmem>>
      %dma_start3A_834 = arith.constant 0 : i32
      %dma_start3A_835 = tpu.memref_slice %arg11[%dma_start3A_830, %dma_start3A_834] : memref<2x128xi32, #tpu.memory_space<vmem>> -> memref<1x128xi32, #tpu.memory_space<vmem>>
      %dma_start3A_836 = tpu.memref_squeeze %dma_start3A_835 : memref<1x128xi32, #tpu.memory_space<vmem>> -> memref<128xi32, #tpu.memory_space<vmem>>
      %dma_start3A_837 = arith.constant 0 : i32
      %dma_start3A_838 = arith.constant 0 : i32
      %dma_start3A_839 = tpu.memref_slice %arg4[%dma_start3A_837, %dma_start3A_838] : memref<6815744x32xf32, #tpu.memory_space<hbm>> -> memref<6815744x32xf32, #tpu.memory_space<hbm>>
      tpu.enqueue_indirect_dma source(%dma_start3A_833 : memref<128x32xf32, #tpu.memory_space<vmem>>) target(%dma_start3A_839 : memref<6815744x32xf32, #tpu.memory_space<hbm>>) offsets(%dma_start3A_836 : memref<128xi32, #tpu.memory_space<vmem>>) semaphore(%arg21 : memref<!tpu.dma_semaphore, #tpu.memory_space<semaphore_mem>>)
      %dma_start3A_840 = arith.constant 1 : i32
      %dma_start3A_841 = arith.constant 128 : i32
      %dma_start3A_842 = arith.constant 0 : i32
      %dma_start3A_843 = tpu.memref_slice %arg15[%dma_start3A_841, %dma_start3A_842] : memref<256x32xf32, #tpu.memory_space<vmem>> -> memref<128x32xf32, #tpu.memory_space<vmem>>
      %dma_start3A_844 = arith.constant 0 : i32
      %dma_start3A_845 = tpu.memref_slice %arg11[%dma_start3A_840, %dma_start3A_844] : memref<2x128xi32, #tpu.memory_space<vmem>> -> memref<1x128xi32, #tpu.memory_space<vmem>>
      %dma_start3A_846 = tpu.memref_squeeze %dma_start3A_845 : memref<1x128xi32, #tpu.memory_space<vmem>> -> memref<128xi32, #tpu.memory_space<vmem>>
      %dma_start3A_847 = arith.constant 0 : i32
      %dma_start3A_848 = arith.constant 0 : i32
      %dma_start3A_849 = tpu.memref_slice %arg4[%dma_start3A_847, %dma_start3A_848] : memref<6815744x32xf32, #tpu.memory_space<hbm>> -> memref<6815744x32xf32, #tpu.memory_space<hbm>>
      tpu.enqueue_indirect_dma source(%dma_start3A_843 : memref<128x32xf32, #tpu.memory_space<vmem>>) target(%dma_start3A_849 : memref<6815744x32xf32, #tpu.memory_space<hbm>>) offsets(%dma_start3A_846 : memref<128xi32, #tpu.memory_space<vmem>>) semaphore(%arg21 : memref<!tpu.dma_semaphore, #tpu.memory_space<semaphore_mem>>)
      %add3A_850 = arith.constant 1 : i32
      %add3A_851 = arith.addi %mul3A_798, %add3A_850 : i32
      %add3A_852 = arith.constant 1 : i32
      %add3A_853 = arith.addi %add3A_851, %add3A_852 : i32
      %lt3A_854 = arith.constant 200 : i32
      %lt3A_855 = arith.cmpi slt, %add3A_853, %lt3A_854 : i32
      %convert_element_type3A_856 = arith.extui %lt3A_855 : i1 to i32
      %cond3A_857 = arith.constant 0 : i32
      %cond3A_858 = arith.cmpi ne, %convert_element_type3A_856, %cond3A_857 : i32
      scf.if %cond3A_858 {
        %dma_wait3A_907 = arith.constant 0 : i32
        %dma_wait3A_908 = arith.constant 0 : i32
        %dma_wait3A_909 = tpu.memref_slice %arg2[%dma_wait3A_907, %dma_wait3A_908] : memref<12800x128xi32, #tpu.memory_space<hbm>> -> memref<2x128xi32, #tpu.memory_space<hbm>>
        %dma_wait3A_910 = arith.constant 0 : i32
        %dma_wait3A_911 = arith.constant 0 : i32
        %dma_wait3A_912 = tpu.memref_slice %arg2[%dma_wait3A_910, %dma_wait3A_911] : memref<12800x128xi32, #tpu.memory_space<hbm>> -> memref<2x128xi32, #tpu.memory_space<hbm>>
        tpu.wait_dma2 semaphore(%arg17 : memref<!tpu.dma_semaphore, #tpu.memory_space<semaphore_mem>>) src(%dma_wait3A_912 : memref<2x128xi32, #tpu.memory_space<hbm>>) dst(%arg5 : memref<2x128xi32, #tpu.memory_space<vmem>>)
        %ge3A = arith.constant 1 : i32
        %ge3A_913 = arith.cmpi sge, %add3A_851, %ge3A : i32
        %convert_element_type3A_914 = arith.extui %ge3A_913 : i1 to i32
        %cond3A_915 = arith.constant 0 : i32
        %cond3A_916 = arith.cmpi ne, %convert_element_type3A_914, %cond3A_915 : i32
        scf.if %cond3A_916 {
          %dma_wait3A_1735 = arith.constant 0 : i32
          %dma_wait3A_1736 = arith.constant 0 : i32
          %dma_wait3A_1737 = tpu.memref_slice %arg4[%dma_wait3A_1735, %dma_wait3A_1736] : memref<6815744x32xf32, #tpu.memory_space<hbm>> -> memref<256x32xf32, #tpu.memory_space<hbm>>
          %dma_wait3A_1738 = arith.constant 0 : i32
          %dma_wait3A_1739 = arith.constant 0 : i32
          %dma_wait3A_1740 = tpu.memref_slice %arg4[%dma_wait3A_1738, %dma_wait3A_1739] : memref<6815744x32xf32, #tpu.memory_space<hbm>> -> memref<256x32xf32, #tpu.memory_space<hbm>>
          tpu.wait_dma2 semaphore(%arg21 : memref<!tpu.dma_semaphore, #tpu.memory_space<semaphore_mem>>) src(%arg15 : memref<256x32xf32, #tpu.memory_space<vmem>>) dst(%dma_wait3A_1740 : memref<256x32xf32, #tpu.memory_space<hbm>>)
        } else {
        }
        %add3A_917 = arith.constant 1 : i32
        %add3A_918 = arith.addi %add3A_851, %add3A_917 : i32
        %get3A_919 = arith.constant 0 : i32
        %get3A_920 = arith.index_cast %get3A_919 : i32 to index
        %get3A_921 = arith.constant 0 : index
        %get3A_922 = tpu.vector_load %arg5[%get3A_920, %get3A_921] {strides = array<i32>} : memref<2x128xi32, #tpu.memory_space<vmem>>, vector<16xi32>,
        %shift_right_arithmetic3A_923 = arith.constant 2 : i32
        %shift_right_arithmetic3A_924 = vector.broadcast %shift_right_arithmetic3A_923 : i32 to vector<16xi32>
        %shift_right_arithmetic3A_925 = arith.shrsi %get3A_922, %shift_right_arithmetic3A_924 : vector<16xi32>
        %swap3A_926 = arith.constant 0 : i32
        %swap3A_927 = arith.index_cast %swap3A_926 : i32 to index
        %swap3A_928 = arith.constant 0 : index
        %swap3A_929 = tpu.vector_load %arg7[%swap3A_927, %swap3A_928] {strides = array<i32>} : memref<2x128xi32, #tpu.memory_space<vmem>>, vector<16xi32>,
        tpu.vector_store %arg7[%swap3A_927, %swap3A_928], %shift_right_arithmetic3A_925 {strides = array<i32>} : memref<2x128xi32, #tpu.memory_space<vmem>>, vector<16xi32>,
        %and3A_930 = arith.constant 3 : i32
        %and3A_931 = vector.broadcast %and3A_930 : i32 to vector<16xi32>
        %and3A_932 = arith.andi %get3A_922, %and3A_931 : vector<16xi32>
        %mul3A_933 = arith.constant 32 : i32
        %mul3A_934 = vector.broadcast %mul3A_933 : i32 to vector<16xi32>
        %mul3A_935 = arith.muli %and3A_932, %mul3A_934 : vector<16xi32>
        %swap3A_936 = arith.constant 0 : i32
        %swap3A_937 = arith.index_cast %swap3A_936 : i32 to index
        %swap3A_938 = arith.constant 0 : index
        %swap3A_939 = tpu.vector_load %arg9[%swap3A_937, %swap3A_938] {strides = array<i32>} : memref<2x128xi32, #tpu.memory_space<vmem>>, vector<16xi32>,
        tpu.vector_store %arg9[%swap3A_937, %swap3A_938], %mul3A_935 {strides = array<i32>} : memref<2x128xi32, #tpu.memory_space<vmem>>, vector<16xi32>,
        %mul3A_940 = arith.constant 256 : i32
        %mul3A_941 = arith.muli %add3A_918, %mul3A_940 : i32
        %add3A_942 = arith.constant 0 : i32
        %add3A_943 = arith.addi %mul3A_941, %add3A_942 : i32
        %add3A_944 = arith.constant 0 : i32
        %add3A_945 = arith.addi %add3A_943, %add3A_944 : i32
        %add3A_946 = vector.broadcast %add3A_945 : i32 to vector<16xi32>
        %add3A_947 = arith.addi %iota3A, %add3A_946 : vector<16xi32>
        %shift_right_arithmetic3A_948 = arith.constant 2 : i32
        %shift_right_arithmetic3A_949 = vector.broadcast %shift_right_arithmetic3A_948 : i32 to vector<16xi32>
        %shift_right_arithmetic3A_950 = arith.shrsi %add3A_947, %shift_right_arithmetic3A_949 : vector<16xi32>
        %mul3A_951 = arith.constant 20972 : i32
        %mul3A_952 = vector.broadcast %mul3A_951 : i32 to vector<16xi32>
        %mul3A_953 = arith.muli %shift_right_arithmetic3A_950, %mul3A_952 : vector<16xi32>
        %shift_right_arithmetic3A_954 = arith.constant 19 : i32
        %shift_right_arithmetic3A_955 = vector.broadcast %shift_right_arithmetic3A_954 : i32 to vector<16xi32>
        %shift_right_arithmetic3A_956 = arith.shrsi %mul3A_953, %shift_right_arithmetic3A_955 : vector<16xi32>
        %mul3A_957 = arith.constant 4 : i32
        %mul3A_958 = vector.broadcast %mul3A_957 : i32 to vector<16xi32>
        %mul3A_959 = arith.muli %add3A_947, %mul3A_958 : vector<16xi32>
        %add3A_960 = vector.broadcast %mul3A_8 : i32 to vector<16xi32>
        %add3A_961 = arith.addi %add3A_960, %mul3A_959 : vector<16xi32>
        %mul3A_962 = arith.constant 16 : i32
        %mul3A_963 = vector.broadcast %mul3A_962 : i32 to vector<16xi32>
        %mul3A_964 = arith.muli %shift_right_arithmetic3A_956, %mul3A_963 : vector<16xi32>
        %add3A_965 = arith.addi %add3A_961, %mul3A_964 : vector<16xi32>
        %swap3A_966 = arith.constant 0 : i32
        %swap3A_967 = arith.index_cast %swap3A_966 : i32 to index
        %swap3A_968 = arith.constant 0 : index
        %swap3A_969 = tpu.vector_load %arg11[%swap3A_967, %swap3A_968] {strides = array<i32>} : memref<2x128xi32, #tpu.memory_space<vmem>>, vector<16xi32>,
        tpu.vector_store %arg11[%swap3A_967, %swap3A_968], %add3A_965 {strides = array<i32>} : memref<2x128xi32, #tpu.memory_space<vmem>>, vector<16xi32>,
        %get3A_970 = arith.constant 0 : i32
        %get3A_971 = arith.index_cast %get3A_970 : i32 to index
        %get3A_972 = arith.constant 16 : index
        %get3A_973 = tpu.vector_load %arg5[%get3A_971, %get3A_972] {strides = array<i32>} : memref<2x128xi32, #tpu.memory_space<vmem>>, vector<16xi32>,
        %shift_right_arithmetic3A_974 = arith.constant 2 : i32
        %shift_right_arithmetic3A_975 = vector.broadcast %shift_right_arithmetic3A_974 : i32 to vector<16xi32>
        %shift_right_arithmetic3A_976 = arith.shrsi %get3A_973, %shift_right_arithmetic3A_975 : vector<16xi32>
        %swap3A_977 = arith.constant 0 : i32
        %swap3A_978 = arith.index_cast %swap3A_977 : i32 to index
        %swap3A_979 = arith.constant 16 : index
        %swap3A_980 = tpu.vector_load %arg7[%swap3A_978, %swap3A_979] {strides = array<i32>} : memref<2x128xi32, #tpu.memory_space<vmem>>, vector<16xi32>,
        tpu.vector_store %arg7[%swap3A_978, %swap3A_979], %shift_right_arithmetic3A_976 {strides = array<i32>} : memref<2x128xi32, #tpu.memory_space<vmem>>, vector<16xi32>,
        %and3A_981 = arith.constant 3 : i32
        %and3A_982 = vector.broadcast %and3A_981 : i32 to vector<16xi32>
        %and3A_983 = arith.andi %get3A_973, %and3A_982 : vector<16xi32>
        %mul3A_984 = arith.constant 32 : i32
        %mul3A_985 = vector.broadcast %mul3A_984 : i32 to vector<16xi32>
        %mul3A_986 = arith.muli %and3A_983, %mul3A_985 : vector<16xi32>
        %swap3A_987 = arith.constant 0 : i32
        %swap3A_988 = arith.index_cast %swap3A_987 : i32 to index
        %swap3A_989 = arith.constant 16 : index
        %swap3A_990 = tpu.vector_load %arg9[%swap3A_988, %swap3A_989] {strides = array<i32>} : memref<2x128xi32, #tpu.memory_space<vmem>>, vector<16xi32>,
        tpu.vector_store %arg9[%swap3A_988, %swap3A_989], %mul3A_986 {strides = array<i32>} : memref<2x128xi32, #tpu.memory_space<vmem>>, vector<16xi32>,
        %mul3A_991 = arith.constant 256 : i32
        %mul3A_992 = arith.muli %add3A_918, %mul3A_991 : i32
        %add3A_993 = arith.constant 0 : i32
        %add3A_994 = arith.addi %mul3A_992, %add3A_993 : i32
        %add3A_995 = arith.constant 16 : i32
        %add3A_996 = arith.addi %add3A_994, %add3A_995 : i32
        %add3A_997 = vector.broadcast %add3A_996 : i32 to vector<16xi32>
        %add3A_998 = arith.addi %iota3A, %add3A_997 : vector<16xi32>
        %shift_right_arithmetic3A_999 = arith.constant 2 : i32
        %shift_right_arithmetic3A_1000 = vector.broadcast %shift_right_arithmetic3A_999 : i32 to vector<16xi32>
        %shift_right_arithmetic3A_1001 = arith.shrsi %add3A_998, %shift_right_arithmetic3A_1000 : vector<16xi32>
        %mul3A_1002 = arith.constant 20972 : i32
        %mul3A_1003 = vector.broadcast %mul3A_1002 : i32 to vector<16xi32>
        %mul3A_1004 = arith.muli %shift_right_arithmetic3A_1001, %mul3A_1003 : vector<16xi32>
        %shift_right_arithmetic3A_1005 = arith.constant 19 : i32
        %shift_right_arithmetic3A_1006 = vector.broadcast %shift_right_arithmetic3A_1005 : i32 to vector<16xi32>
        %shift_right_arithmetic3A_1007 = arith.shrsi %mul3A_1004, %shift_right_arithmetic3A_1006 : vector<16xi32>
        %mul3A_1008 = arith.constant 4 : i32
        %mul3A_1009 = vector.broadcast %mul3A_1008 : i32 to vector<16xi32>
        %mul3A_1010 = arith.muli %add3A_998, %mul3A_1009 : vector<16xi32>
        %add3A_1011 = vector.broadcast %mul3A_8 : i32 to vector<16xi32>
        %add3A_1012 = arith.addi %add3A_1011, %mul3A_1010 : vector<16xi32>
        %mul3A_1013 = arith.constant 16 : i32
        %mul3A_1014 = vector.broadcast %mul3A_1013 : i32 to vector<16xi32>
        %mul3A_1015 = arith.muli %shift_right_arithmetic3A_1007, %mul3A_1014 : vector<16xi32>
        %add3A_1016 = arith.addi %add3A_1012, %mul3A_1015 : vector<16xi32>
        %swap3A_1017 = arith.constant 0 : i32
        %swap3A_1018 = arith.index_cast %swap3A_1017 : i32 to index
        %swap3A_1019 = arith.constant 16 : index
        %swap3A_1020 = tpu.vector_load %arg11[%swap3A_1018, %swap3A_1019] {strides = array<i32>} : memref<2x128xi32, #tpu.memory_space<vmem>>, vector<16xi32>,
        tpu.vector_store %arg11[%swap3A_1018, %swap3A_1019], %add3A_1016 {strides = array<i32>} : memref<2x128xi32, #tpu.memory_space<vmem>>, vector<16xi32>,
        %get3A_1021 = arith.constant 0 : i32
        %get3A_1022 = arith.index_cast %get3A_1021 : i32 to index
        %get3A_1023 = arith.constant 32 : index
        %get3A_1024 = tpu.vector_load %arg5[%get3A_1022, %get3A_1023] {strides = array<i32>} : memref<2x128xi32, #tpu.memory_space<vmem>>, vector<16xi32>,
        %shift_right_arithmetic3A_1025 = arith.constant 2 : i32
        %shift_right_arithmetic3A_1026 = vector.broadcast %shift_right_arithmetic3A_1025 : i32 to vector<16xi32>
        %shift_right_arithmetic3A_1027 = arith.shrsi %get3A_1024, %shift_right_arithmetic3A_1026 : vector<16xi32>
        %swap3A_1028 = arith.constant 0 : i32
        %swap3A_1029 = arith.index_cast %swap3A_1028 : i32 to index
        %swap3A_1030 = arith.constant 32 : index
        %swap3A_1031 = tpu.vector_load %arg7[%swap3A_1029, %swap3A_1030] {strides = array<i32>} : memref<2x128xi32, #tpu.memory_space<vmem>>, vector<16xi32>,
        tpu.vector_store %arg7[%swap3A_1029, %swap3A_1030], %shift_right_arithmetic3A_1027 {strides = array<i32>} : memref<2x128xi32, #tpu.memory_space<vmem>>, vector<16xi32>,
        %and3A_1032 = arith.constant 3 : i32
        %and3A_1033 = vector.broadcast %and3A_1032 : i32 to vector<16xi32>
        %and3A_1034 = arith.andi %get3A_1024, %and3A_1033 : vector<16xi32>
        %mul3A_1035 = arith.constant 32 : i32
        %mul3A_1036 = vector.broadcast %mul3A_1035 : i32 to vector<16xi32>
        %mul3A_1037 = arith.muli %and3A_1034, %mul3A_1036 : vector<16xi32>
        %swap3A_1038 = arith.constant 0 : i32
        %swap3A_1039 = arith.index_cast %swap3A_1038 : i32 to index
        %swap3A_1040 = arith.constant 32 : index
        %swap3A_1041 = tpu.vector_load %arg9[%swap3A_1039, %swap3A_1040] {strides = array<i32>} : memref<2x128xi32, #tpu.memory_space<vmem>>, vector<16xi32>,
        tpu.vector_store %arg9[%swap3A_1039, %swap3A_1040], %mul3A_1037 {strides = array<i32>} : memref<2x128xi32, #tpu.memory_space<vmem>>, vector<16xi32>,
        %mul3A_1042 = arith.constant 256 : i32
        %mul3A_1043 = arith.muli %add3A_918, %mul3A_1042 : i32
        %add3A_1044 = arith.constant 0 : i32
        %add3A_1045 = arith.addi %mul3A_1043, %add3A_1044 : i32
        %add3A_1046 = arith.constant 32 : i32
        %add3A_1047 = arith.addi %add3A_1045, %add3A_1046 : i32
        %add3A_1048 = vector.broadcast %add3A_1047 : i32 to vector<16xi32>
        %add3A_1049 = arith.addi %iota3A, %add3A_1048 : vector<16xi32>
        %shift_right_arithmetic3A_1050 = arith.constant 2 : i32
        %shift_right_arithmetic3A_1051 = vector.broadcast %shift_right_arithmetic3A_1050 : i32 to vector<16xi32>
        %shift_right_arithmetic3A_1052 = arith.shrsi %add3A_1049, %shift_right_arithmetic3A_1051 : vector<16xi32>
        %mul3A_1053 = arith.constant 20972 : i32
        %mul3A_1054 = vector.broadcast %mul3A_1053 : i32 to vector<16xi32>
        %mul3A_1055 = arith.muli %shift_right_arithmetic3A_1052, %mul3A_1054 : vector<16xi32>
        %shift_right_arithmetic3A_1056 = arith.constant 19 : i32
        %shift_right_arithmetic3A_1057 = vector.broadcast %shift_right_arithmetic3A_1056 : i32 to vector<16xi32>
        %shift_right_arithmetic3A_1058 = arith.shrsi %mul3A_1055, %shift_right_arithmetic3A_1057 : vector<16xi32>
        %mul3A_1059 = arith.constant 4 : i32
        %mul3A_1060 = vector.broadcast %mul3A_1059 : i32 to vector<16xi32>
        %mul3A_1061 = arith.muli %add3A_1049, %mul3A_1060 : vector<16xi32>
        %add3A_1062 = vector.broadcast %mul3A_8 : i32 to vector<16xi32>
        %add3A_1063 = arith.addi %add3A_1062, %mul3A_1061 : vector<16xi32>
        %mul3A_1064 = arith.constant 16 : i32
        %mul3A_1065 = vector.broadcast %mul3A_1064 : i32 to vector<16xi32>
        %mul3A_1066 = arith.muli %shift_right_arithmetic3A_1058, %mul3A_1065 : vector<16xi32>
        %add3A_1067 = arith.addi %add3A_1063, %mul3A_1066 : vector<16xi32>
        %swap3A_1068 = arith.constant 0 : i32
        %swap3A_1069 = arith.index_cast %swap3A_1068 : i32 to index
        %swap3A_1070 = arith.constant 32 : index
        %swap3A_1071 = tpu.vector_load %arg11[%swap3A_1069, %swap3A_1070] {strides = array<i32>} : memref<2x128xi32, #tpu.memory_space<vmem>>, vector<16xi32>,
        tpu.vector_store %arg11[%swap3A_1069, %swap3A_1070], %add3A_1067 {strides = array<i32>} : memref<2x128xi32, #tpu.memory_space<vmem>>, vector<16xi32>,
        %get3A_1072 = arith.constant 0 : i32
        %get3A_1073 = arith.index_cast %get3A_1072 : i32 to index
        %get3A_1074 = arith.constant 48 : index
        %get3A_1075 = tpu.vector_load %arg5[%get3A_1073, %get3A_1074] {strides = array<i32>} : memref<2x128xi32, #tpu.memory_space<vmem>>, vector<16xi32>,
        %shift_right_arithmetic3A_1076 = arith.constant 2 : i32
        %shift_right_arithmetic3A_1077 = vector.broadcast %shift_right_arithmetic3A_1076 : i32 to vector<16xi32>
        %shift_right_arithmetic3A_1078 = arith.shrsi %get3A_1075, %shift_right_arithmetic3A_1077 : vector<16xi32>
        %swap3A_1079 = arith.constant 0 : i32
        %swap3A_1080 = arith.index_cast %swap3A_1079 : i32 to index
        %swap3A_1081 = arith.constant 48 : index
        %swap3A_1082 = tpu.vector_load %arg7[%swap3A_1080, %swap3A_1081] {strides = array<i32>} : memref<2x128xi32, #tpu.memory_space<vmem>>, vector<16xi32>,
        tpu.vector_store %arg7[%swap3A_1080, %swap3A_1081], %shift_right_arithmetic3A_1078 {strides = array<i32>} : memref<2x128xi32, #tpu.memory_space<vmem>>, vector<16xi32>,
        %and3A_1083 = arith.constant 3 : i32
        %and3A_1084 = vector.broadcast %and3A_1083 : i32 to vector<16xi32>
        %and3A_1085 = arith.andi %get3A_1075, %and3A_1084 : vector<16xi32>
        %mul3A_1086 = arith.constant 32 : i32
        %mul3A_1087 = vector.broadcast %mul3A_1086 : i32 to vector<16xi32>
        %mul3A_1088 = arith.muli %and3A_1085, %mul3A_1087 : vector<16xi32>
        %swap3A_1089 = arith.constant 0 : i32
        %swap3A_1090 = arith.index_cast %swap3A_1089 : i32 to index
        %swap3A_1091 = arith.constant 48 : index
        %swap3A_1092 = tpu.vector_load %arg9[%swap3A_1090, %swap3A_1091] {strides = array<i32>} : memref<2x128xi32, #tpu.memory_space<vmem>>, vector<16xi32>,
        tpu.vector_store %arg9[%swap3A_1090, %swap3A_1091], %mul3A_1088 {strides = array<i32>} : memref<2x128xi32, #tpu.memory_space<vmem>>, vector<16xi32>,
        %mul3A_1093 = arith.constant 256 : i32
        %mul3A_1094 = arith.muli %add3A_918, %mul3A_1093 : i32
        %add3A_1095 = arith.constant 0 : i32
        %add3A_1096 = arith.addi %mul3A_1094, %add3A_1095 : i32
        %add3A_1097 = arith.constant 48 : i32
        %add3A_1098 = arith.addi %add3A_1096, %add3A_1097 : i32
        %add3A_1099 = vector.broadcast %add3A_1098 : i32 to vector<16xi32>
        %add3A_1100 = arith.addi %iota3A, %add3A_1099 : vector<16xi32>
        %shift_right_arithmetic3A_1101 = arith.constant 2 : i32
        %shift_right_arithmetic3A_1102 = vector.broadcast %shift_right_arithmetic3A_1101 : i32 to vector<16xi32>
        %shift_right_arithmetic3A_1103 = arith.shrsi %add3A_1100, %shift_right_arithmetic3A_1102 : vector<16xi32>
        %mul3A_1104 = arith.constant 20972 : i32
        %mul3A_1105 = vector.broadcast %mul3A_1104 : i32 to vector<16xi32>
        %mul3A_1106 = arith.muli %shift_right_arithmetic3A_1103, %mul3A_1105 : vector<16xi32>
        %shift_right_arithmetic3A_1107 = arith.constant 19 : i32
        %shift_right_arithmetic3A_1108 = vector.broadcast %shift_right_arithmetic3A_1107 : i32 to vector<16xi32>
        %shift_right_arithmetic3A_1109 = arith.shrsi %mul3A_1106, %shift_right_arithmetic3A_1108 : vector<16xi32>
        %mul3A_1110 = arith.constant 4 : i32
        %mul3A_1111 = vector.broadcast %mul3A_1110 : i32 to vector<16xi32>
        %mul3A_1112 = arith.muli %add3A_1100, %mul3A_1111 : vector<16xi32>
        %add3A_1113 = vector.broadcast %mul3A_8 : i32 to vector<16xi32>
        %add3A_1114 = arith.addi %add3A_1113, %mul3A_1112 : vector<16xi32>
        %mul3A_1115 = arith.constant 16 : i32
        %mul3A_1116 = vector.broadcast %mul3A_1115 : i32 to vector<16xi32>
        %mul3A_1117 = arith.muli %shift_right_arithmetic3A_1109, %mul3A_1116 : vector<16xi32>
        %add3A_1118 = arith.addi %add3A_1114, %mul3A_1117 : vector<16xi32>
        %swap3A_1119 = arith.constant 0 : i32
        %swap3A_1120 = arith.index_cast %swap3A_1119 : i32 to index
        %swap3A_1121 = arith.constant 48 : index
        %swap3A_1122 = tpu.vector_load %arg11[%swap3A_1120, %swap3A_1121] {strides = array<i32>} : memref<2x128xi32, #tpu.memory_space<vmem>>, vector<16xi32>,
        tpu.vector_store %arg11[%swap3A_1120, %swap3A_1121], %add3A_1118 {strides = array<i32>} : memref<2x128xi32, #tpu.memory_space<vmem>>, vector<16xi32>,
        %get3A_1123 = arith.constant 0 : i32
        %get3A_1124 = arith.index_cast %get3A_1123 : i32 to index
        %get3A_1125 = arith.constant 64 : index
        %get3A_1126 = tpu.vector_load %arg5[%get3A_1124, %get3A_1125] {strides = array<i32>} : memref<2x128xi32, #tpu.memory_space<vmem>>, vector<16xi32>,
        %shift_right_arithmetic3A_1127 = arith.constant 2 : i32
        %shift_right_arithmetic3A_1128 = vector.broadcast %shift_right_arithmetic3A_1127 : i32 to vector<16xi32>
        %shift_right_arithmetic3A_1129 = arith.shrsi %get3A_1126, %shift_right_arithmetic3A_1128 : vector<16xi32>
        %swap3A_1130 = arith.constant 0 : i32
        %swap3A_1131 = arith.index_cast %swap3A_1130 : i32 to index
        %swap3A_1132 = arith.constant 64 : index
        %swap3A_1133 = tpu.vector_load %arg7[%swap3A_1131, %swap3A_1132] {strides = array<i32>} : memref<2x128xi32, #tpu.memory_space<vmem>>, vector<16xi32>,
        tpu.vector_store %arg7[%swap3A_1131, %swap3A_1132], %shift_right_arithmetic3A_1129 {strides = array<i32>} : memref<2x128xi32, #tpu.memory_space<vmem>>, vector<16xi32>,
        %and3A_1134 = arith.constant 3 : i32
        %and3A_1135 = vector.broadcast %and3A_1134 : i32 to vector<16xi32>
        %and3A_1136 = arith.andi %get3A_1126, %and3A_1135 : vector<16xi32>
        %mul3A_1137 = arith.constant 32 : i32
        %mul3A_1138 = vector.broadcast %mul3A_1137 : i32 to vector<16xi32>
        %mul3A_1139 = arith.muli %and3A_1136, %mul3A_1138 : vector<16xi32>
        %swap3A_1140 = arith.constant 0 : i32
        %swap3A_1141 = arith.index_cast %swap3A_1140 : i32 to index
        %swap3A_1142 = arith.constant 64 : index
        %swap3A_1143 = tpu.vector_load %arg9[%swap3A_1141, %swap3A_1142] {strides = array<i32>} : memref<2x128xi32, #tpu.memory_space<vmem>>, vector<16xi32>,
        tpu.vector_store %arg9[%swap3A_1141, %swap3A_1142], %mul3A_1139 {strides = array<i32>} : memref<2x128xi32, #tpu.memory_space<vmem>>, vector<16xi32>,
        %mul3A_1144 = arith.constant 256 : i32
        %mul3A_1145 = arith.muli %add3A_918, %mul3A_1144 : i32
        %add3A_1146 = arith.constant 0 : i32
        %add3A_1147 = arith.addi %mul3A_1145, %add3A_1146 : i32
        %add3A_1148 = arith.constant 64 : i32
        %add3A_1149 = arith.addi %add3A_1147, %add3A_1148 : i32
        %add3A_1150 = vector.broadcast %add3A_1149 : i32 to vector<16xi32>
        %add3A_1151 = arith.addi %iota3A, %add3A_1150 : vector<16xi32>
        %shift_right_arithmetic3A_1152 = arith.constant 2 : i32
        %shift_right_arithmetic3A_1153 = vector.broadcast %shift_right_arithmetic3A_1152 : i32 to vector<16xi32>
        %shift_right_arithmetic3A_1154 = arith.shrsi %add3A_1151, %shift_right_arithmetic3A_1153 : vector<16xi32>
        %mul3A_1155 = arith.constant 20972 : i32
        %mul3A_1156 = vector.broadcast %mul3A_1155 : i32 to vector<16xi32>
        %mul3A_1157 = arith.muli %shift_right_arithmetic3A_1154, %mul3A_1156 : vector<16xi32>
        %shift_right_arithmetic3A_1158 = arith.constant 19 : i32
        %shift_right_arithmetic3A_1159 = vector.broadcast %shift_right_arithmetic3A_1158 : i32 to vector<16xi32>
        %shift_right_arithmetic3A_1160 = arith.shrsi %mul3A_1157, %shift_right_arithmetic3A_1159 : vector<16xi32>
        %mul3A_1161 = arith.constant 4 : i32
        %mul3A_1162 = vector.broadcast %mul3A_1161 : i32 to vector<16xi32>
        %mul3A_1163 = arith.muli %add3A_1151, %mul3A_1162 : vector<16xi32>
        %add3A_1164 = vector.broadcast %mul3A_8 : i32 to vector<16xi32>
        %add3A_1165 = arith.addi %add3A_1164, %mul3A_1163 : vector<16xi32>
        %mul3A_1166 = arith.constant 16 : i32
        %mul3A_1167 = vector.broadcast %mul3A_1166 : i32 to vector<16xi32>
        %mul3A_1168 = arith.muli %shift_right_arithmetic3A_1160, %mul3A_1167 : vector<16xi32>
        %add3A_1169 = arith.addi %add3A_1165, %mul3A_1168 : vector<16xi32>
        %swap3A_1170 = arith.constant 0 : i32
        %swap3A_1171 = arith.index_cast %swap3A_1170 : i32 to index
        %swap3A_1172 = arith.constant 64 : index
        %swap3A_1173 = tpu.vector_load %arg11[%swap3A_1171, %swap3A_1172] {strides = array<i32>} : memref<2x128xi32, #tpu.memory_space<vmem>>, vector<16xi32>,
        tpu.vector_store %arg11[%swap3A_1171, %swap3A_1172], %add3A_1169 {strides = array<i32>} : memref<2x128xi32, #tpu.memory_space<vmem>>, vector<16xi32>,
        %get3A_1174 = arith.constant 0 : i32
        %get3A_1175 = arith.index_cast %get3A_1174 : i32 to index
        %get3A_1176 = arith.constant 80 : index
        %get3A_1177 = tpu.vector_load %arg5[%get3A_1175, %get3A_1176] {strides = array<i32>} : memref<2x128xi32, #tpu.memory_space<vmem>>, vector<16xi32>,
        %shift_right_arithmetic3A_1178 = arith.constant 2 : i32
        %shift_right_arithmetic3A_1179 = vector.broadcast %shift_right_arithmetic3A_1178 : i32 to vector<16xi32>
        %shift_right_arithmetic3A_1180 = arith.shrsi %get3A_1177, %shift_right_arithmetic3A_1179 : vector<16xi32>
        %swap3A_1181 = arith.constant 0 : i32
        %swap3A_1182 = arith.index_cast %swap3A_1181 : i32 to index
        %swap3A_1183 = arith.constant 80 : index
        %swap3A_1184 = tpu.vector_load %arg7[%swap3A_1182, %swap3A_1183] {strides = array<i32>} : memref<2x128xi32, #tpu.memory_space<vmem>>, vector<16xi32>,
        tpu.vector_store %arg7[%swap3A_1182, %swap3A_1183], %shift_right_arithmetic3A_1180 {strides = array<i32>} : memref<2x128xi32, #tpu.memory_space<vmem>>, vector<16xi32>,
        %and3A_1185 = arith.constant 3 : i32
        %and3A_1186 = vector.broadcast %and3A_1185 : i32 to vector<16xi32>
        %and3A_1187 = arith.andi %get3A_1177, %and3A_1186 : vector<16xi32>
        %mul3A_1188 = arith.constant 32 : i32
        %mul3A_1189 = vector.broadcast %mul3A_1188 : i32 to vector<16xi32>
        %mul3A_1190 = arith.muli %and3A_1187, %mul3A_1189 : vector<16xi32>
        %swap3A_1191 = arith.constant 0 : i32
        %swap3A_1192 = arith.index_cast %swap3A_1191 : i32 to index
        %swap3A_1193 = arith.constant 80 : index
        %swap3A_1194 = tpu.vector_load %arg9[%swap3A_1192, %swap3A_1193] {strides = array<i32>} : memref<2x128xi32, #tpu.memory_space<vmem>>, vector<16xi32>,
        tpu.vector_store %arg9[%swap3A_1192, %swap3A_1193], %mul3A_1190 {strides = array<i32>} : memref<2x128xi32, #tpu.memory_space<vmem>>, vector<16xi32>,
        %mul3A_1195 = arith.constant 256 : i32
        %mul3A_1196 = arith.muli %add3A_918, %mul3A_1195 : i32
        %add3A_1197 = arith.constant 0 : i32
        %add3A_1198 = arith.addi %mul3A_1196, %add3A_1197 : i32
        %add3A_1199 = arith.constant 80 : i32
        %add3A_1200 = arith.addi %add3A_1198, %add3A_1199 : i32
        %add3A_1201 = vector.broadcast %add3A_1200 : i32 to vector<16xi32>
        %add3A_1202 = arith.addi %iota3A, %add3A_1201 : vector<16xi32>
        %shift_right_arithmetic3A_1203 = arith.constant 2 : i32
        %shift_right_arithmetic3A_1204 = vector.broadcast %shift_right_arithmetic3A_1203 : i32 to vector<16xi32>
        %shift_right_arithmetic3A_1205 = arith.shrsi %add3A_1202, %shift_right_arithmetic3A_1204 : vector<16xi32>
        %mul3A_1206 = arith.constant 20972 : i32
        %mul3A_1207 = vector.broadcast %mul3A_1206 : i32 to vector<16xi32>
        %mul3A_1208 = arith.muli %shift_right_arithmetic3A_1205, %mul3A_1207 : vector<16xi32>
        %shift_right_arithmetic3A_1209 = arith.constant 19 : i32
        %shift_right_arithmetic3A_1210 = vector.broadcast %shift_right_arithmetic3A_1209 : i32 to vector<16xi32>
        %shift_right_arithmetic3A_1211 = arith.shrsi %mul3A_1208, %shift_right_arithmetic3A_1210 : vector<16xi32>
        %mul3A_1212 = arith.constant 4 : i32
        %mul3A_1213 = vector.broadcast %mul3A_1212 : i32 to vector<16xi32>
        %mul3A_1214 = arith.muli %add3A_1202, %mul3A_1213 : vector<16xi32>
        %add3A_1215 = vector.broadcast %mul3A_8 : i32 to vector<16xi32>
        %add3A_1216 = arith.addi %add3A_1215, %mul3A_1214 : vector<16xi32>
        %mul3A_1217 = arith.constant 16 : i32
        %mul3A_1218 = vector.broadcast %mul3A_1217 : i32 to vector<16xi32>
        %mul3A_1219 = arith.muli %shift_right_arithmetic3A_1211, %mul3A_1218 : vector<16xi32>
        %add3A_1220 = arith.addi %add3A_1216, %mul3A_1219 : vector<16xi32>
        %swap3A_1221 = arith.constant 0 : i32
        %swap3A_1222 = arith.index_cast %swap3A_1221 : i32 to index
        %swap3A_1223 = arith.constant 80 : index
        %swap3A_1224 = tpu.vector_load %arg11[%swap3A_1222, %swap3A_1223] {strides = array<i32>} : memref<2x128xi32, #tpu.memory_space<vmem>>, vector<16xi32>,
        tpu.vector_store %arg11[%swap3A_1222, %swap3A_1223], %add3A_1220 {strides = array<i32>} : memref<2x128xi32, #tpu.memory_space<vmem>>, vector<16xi32>,
        %get3A_1225 = arith.constant 0 : i32
        %get3A_1226 = arith.index_cast %get3A_1225 : i32 to index
        %get3A_1227 = arith.constant 96 : index
        %get3A_1228 = tpu.vector_load %arg5[%get3A_1226, %get3A_1227] {strides = array<i32>} : memref<2x128xi32, #tpu.memory_space<vmem>>, vector<16xi32>,
        %shift_right_arithmetic3A_1229 = arith.constant 2 : i32
        %shift_right_arithmetic3A_1230 = vector.broadcast %shift_right_arithmetic3A_1229 : i32 to vector<16xi32>
        %shift_right_arithmetic3A_1231 = arith.shrsi %get3A_1228, %shift_right_arithmetic3A_1230 : vector<16xi32>
        %swap3A_1232 = arith.constant 0 : i32
        %swap3A_1233 = arith.index_cast %swap3A_1232 : i32 to index
        %swap3A_1234 = arith.constant 96 : index
        %swap3A_1235 = tpu.vector_load %arg7[%swap3A_1233, %swap3A_1234] {strides = array<i32>} : memref<2x128xi32, #tpu.memory_space<vmem>>, vector<16xi32>,
        tpu.vector_store %arg7[%swap3A_1233, %swap3A_1234], %shift_right_arithmetic3A_1231 {strides = array<i32>} : memref<2x128xi32, #tpu.memory_space<vmem>>, vector<16xi32>,
        %and3A_1236 = arith.constant 3 : i32
        %and3A_1237 = vector.broadcast %and3A_1236 : i32 to vector<16xi32>
        %and3A_1238 = arith.andi %get3A_1228, %and3A_1237 : vector<16xi32>
        %mul3A_1239 = arith.constant 32 : i32
        %mul3A_1240 = vector.broadcast %mul3A_1239 : i32 to vector<16xi32>
        %mul3A_1241 = arith.muli %and3A_1238, %mul3A_1240 : vector<16xi32>
        %swap3A_1242 = arith.constant 0 : i32
        %swap3A_1243 = arith.index_cast %swap3A_1242 : i32 to index
        %swap3A_1244 = arith.constant 96 : index
        %swap3A_1245 = tpu.vector_load %arg9[%swap3A_1243, %swap3A_1244] {strides = array<i32>} : memref<2x128xi32, #tpu.memory_space<vmem>>, vector<16xi32>,
        tpu.vector_store %arg9[%swap3A_1243, %swap3A_1244], %mul3A_1241 {strides = array<i32>} : memref<2x128xi32, #tpu.memory_space<vmem>>, vector<16xi32>,
        %mul3A_1246 = arith.constant 256 : i32
        %mul3A_1247 = arith.muli %add3A_918, %mul3A_1246 : i32
        %add3A_1248 = arith.constant 0 : i32
        %add3A_1249 = arith.addi %mul3A_1247, %add3A_1248 : i32
        %add3A_1250 = arith.constant 96 : i32
        %add3A_1251 = arith.addi %add3A_1249, %add3A_1250 : i32
        %add3A_1252 = vector.broadcast %add3A_1251 : i32 to vector<16xi32>
        %add3A_1253 = arith.addi %iota3A, %add3A_1252 : vector<16xi32>
        %shift_right_arithmetic3A_1254 = arith.constant 2 : i32
        %shift_right_arithmetic3A_1255 = vector.broadcast %shift_right_arithmetic3A_1254 : i32 to vector<16xi32>
        %shift_right_arithmetic3A_1256 = arith.shrsi %add3A_1253, %shift_right_arithmetic3A_1255 : vector<16xi32>
        %mul3A_1257 = arith.constant 20972 : i32
        %mul3A_1258 = vector.broadcast %mul3A_1257 : i32 to vector<16xi32>
        %mul3A_1259 = arith.muli %shift_right_arithmetic3A_1256, %mul3A_1258 : vector<16xi32>
        %shift_right_arithmetic3A_1260 = arith.constant 19 : i32
        %shift_right_arithmetic3A_1261 = vector.broadcast %shift_right_arithmetic3A_1260 : i32 to vector<16xi32>
        %shift_right_arithmetic3A_1262 = arith.shrsi %mul3A_1259, %shift_right_arithmetic3A_1261 : vector<16xi32>
        %mul3A_1263 = arith.constant 4 : i32
        %mul3A_1264 = vector.broadcast %mul3A_1263 : i32 to vector<16xi32>
        %mul3A_1265 = arith.muli %add3A_1253, %mul3A_1264 : vector<16xi32>
        %add3A_1266 = vector.broadcast %mul3A_8 : i32 to vector<16xi32>
        %add3A_1267 = arith.addi %add3A_1266, %mul3A_1265 : vector<16xi32>
        %mul3A_1268 = arith.constant 16 : i32
        %mul3A_1269 = vector.broadcast %mul3A_1268 : i32 to vector<16xi32>
        %mul3A_1270 = arith.muli %shift_right_arithmetic3A_1262, %mul3A_1269 : vector<16xi32>
        %add3A_1271 = arith.addi %add3A_1267, %mul3A_1270 : vector<16xi32>
        %swap3A_1272 = arith.constant 0 : i32
        %swap3A_1273 = arith.index_cast %swap3A_1272 : i32 to index
        %swap3A_1274 = arith.constant 96 : index
        %swap3A_1275 = tpu.vector_load %arg11[%swap3A_1273, %swap3A_1274] {strides = array<i32>} : memref<2x128xi32, #tpu.memory_space<vmem>>, vector<16xi32>,
        tpu.vector_store %arg11[%swap3A_1273, %swap3A_1274], %add3A_1271 {strides = array<i32>} : memref<2x128xi32, #tpu.memory_space<vmem>>, vector<16xi32>,
        %get3A_1276 = arith.constant 0 : i32
        %get3A_1277 = arith.index_cast %get3A_1276 : i32 to index
        %get3A_1278 = arith.constant 112 : index
        %get3A_1279 = tpu.vector_load %arg5[%get3A_1277, %get3A_1278] {strides = array<i32>} : memref<2x128xi32, #tpu.memory_space<vmem>>, vector<16xi32>,
        %shift_right_arithmetic3A_1280 = arith.constant 2 : i32
        %shift_right_arithmetic3A_1281 = vector.broadcast %shift_right_arithmetic3A_1280 : i32 to vector<16xi32>
        %shift_right_arithmetic3A_1282 = arith.shrsi %get3A_1279, %shift_right_arithmetic3A_1281 : vector<16xi32>
        %swap3A_1283 = arith.constant 0 : i32
        %swap3A_1284 = arith.index_cast %swap3A_1283 : i32 to index
        %swap3A_1285 = arith.constant 112 : index
        %swap3A_1286 = tpu.vector_load %arg7[%swap3A_1284, %swap3A_1285] {strides = array<i32>} : memref<2x128xi32, #tpu.memory_space<vmem>>, vector<16xi32>,
        tpu.vector_store %arg7[%swap3A_1284, %swap3A_1285], %shift_right_arithmetic3A_1282 {strides = array<i32>} : memref<2x128xi32, #tpu.memory_space<vmem>>, vector<16xi32>,
        %and3A_1287 = arith.constant 3 : i32
        %and3A_1288 = vector.broadcast %and3A_1287 : i32 to vector<16xi32>
        %and3A_1289 = arith.andi %get3A_1279, %and3A_1288 : vector<16xi32>
        %mul3A_1290 = arith.constant 32 : i32
        %mul3A_1291 = vector.broadcast %mul3A_1290 : i32 to vector<16xi32>
        %mul3A_1292 = arith.muli %and3A_1289, %mul3A_1291 : vector<16xi32>
        %swap3A_1293 = arith.constant 0 : i32
        %swap3A_1294 = arith.index_cast %swap3A_1293 : i32 to index
        %swap3A_1295 = arith.constant 112 : index
        %swap3A_1296 = tpu.vector_load %arg9[%swap3A_1294, %swap3A_1295] {strides = array<i32>} : memref<2x128xi32, #tpu.memory_space<vmem>>, vector<16xi32>,
        tpu.vector_store %arg9[%swap3A_1294, %swap3A_1295], %mul3A_1292 {strides = array<i32>} : memref<2x128xi32, #tpu.memory_space<vmem>>, vector<16xi32>,
        %mul3A_1297 = arith.constant 256 : i32
        %mul3A_1298 = arith.muli %add3A_918, %mul3A_1297 : i32
        %add3A_1299 = arith.constant 0 : i32
        %add3A_1300 = arith.addi %mul3A_1298, %add3A_1299 : i32
        %add3A_1301 = arith.constant 112 : i32
        %add3A_1302 = arith.addi %add3A_1300, %add3A_1301 : i32
        %add3A_1303 = vector.broadcast %add3A_1302 : i32 to vector<16xi32>
        %add3A_1304 = arith.addi %iota3A, %add3A_1303 : vector<16xi32>
        %shift_right_arithmetic3A_1305 = arith.constant 2 : i32
        %shift_right_arithmetic3A_1306 = vector.broadcast %shift_right_arithmetic3A_1305 : i32 to vector<16xi32>
        %shift_right_arithmetic3A_1307 = arith.shrsi %add3A_1304, %shift_right_arithmetic3A_1306 : vector<16xi32>
        %mul3A_1308 = arith.constant 20972 : i32
        %mul3A_1309 = vector.broadcast %mul3A_1308 : i32 to vector<16xi32>
        %mul3A_1310 = arith.muli %shift_right_arithmetic3A_1307, %mul3A_1309 : vector<16xi32>
        %shift_right_arithmetic3A_1311 = arith.constant 19 : i32
        %shift_right_arithmetic3A_1312 = vector.broadcast %shift_right_arithmetic3A_1311 : i32 to vector<16xi32>
        %shift_right_arithmetic3A_1313 = arith.shrsi %mul3A_1310, %shift_right_arithmetic3A_1312 : vector<16xi32>
        %mul3A_1314 = arith.constant 4 : i32
        %mul3A_1315 = vector.broadcast %mul3A_1314 : i32 to vector<16xi32>
        %mul3A_1316 = arith.muli %add3A_1304, %mul3A_1315 : vector<16xi32>
        %add3A_1317 = vector.broadcast %mul3A_8 : i32 to vector<16xi32>
        %add3A_1318 = arith.addi %add3A_1317, %mul3A_1316 : vector<16xi32>
        %mul3A_1319 = arith.constant 16 : i32
        %mul3A_1320 = vector.broadcast %mul3A_1319 : i32 to vector<16xi32>
        %mul3A_1321 = arith.muli %shift_right_arithmetic3A_1313, %mul3A_1320 : vector<16xi32>
        %add3A_1322 = arith.addi %add3A_1318, %mul3A_1321 : vector<16xi32>
        %swap3A_1323 = arith.constant 0 : i32
        %swap3A_1324 = arith.index_cast %swap3A_1323 : i32 to index
        %swap3A_1325 = arith.constant 112 : index
        %swap3A_1326 = tpu.vector_load %arg11[%swap3A_1324, %swap3A_1325] {strides = array<i32>} : memref<2x128xi32, #tpu.memory_space<vmem>>, vector<16xi32>,
        tpu.vector_store %arg11[%swap3A_1324, %swap3A_1325], %add3A_1322 {strides = array<i32>} : memref<2x128xi32, #tpu.memory_space<vmem>>, vector<16xi32>,
        %get3A_1327 = arith.constant 1 : i32
        %get3A_1328 = arith.index_cast %get3A_1327 : i32 to index
        %get3A_1329 = arith.constant 0 : index
        %get3A_1330 = tpu.vector_load %arg5[%get3A_1328, %get3A_1329] {strides = array<i32>} : memref<2x128xi32, #tpu.memory_space<vmem>>, vector<16xi32>,
        %shift_right_arithmetic3A_1331 = arith.constant 2 : i32
        %shift_right_arithmetic3A_1332 = vector.broadcast %shift_right_arithmetic3A_1331 : i32 to vector<16xi32>
        %shift_right_arithmetic3A_1333 = arith.shrsi %get3A_1330, %shift_right_arithmetic3A_1332 : vector<16xi32>
        %swap3A_1334 = arith.constant 1 : i32
        %swap3A_1335 = arith.index_cast %swap3A_1334 : i32 to index
        %swap3A_1336 = arith.constant 0 : index
        %swap3A_1337 = tpu.vector_load %arg7[%swap3A_1335, %swap3A_1336] {strides = array<i32>} : memref<2x128xi32, #tpu.memory_space<vmem>>, vector<16xi32>,
        tpu.vector_store %arg7[%swap3A_1335, %swap3A_1336], %shift_right_arithmetic3A_1333 {strides = array<i32>} : memref<2x128xi32, #tpu.memory_space<vmem>>, vector<16xi32>,
        %and3A_1338 = arith.constant 3 : i32
        %and3A_1339 = vector.broadcast %and3A_1338 : i32 to vector<16xi32>
        %and3A_1340 = arith.andi %get3A_1330, %and3A_1339 : vector<16xi32>
        %mul3A_1341 = arith.constant 32 : i32
        %mul3A_1342 = vector.broadcast %mul3A_1341 : i32 to vector<16xi32>
        %mul3A_1343 = arith.muli %and3A_1340, %mul3A_1342 : vector<16xi32>
        %swap3A_1344 = arith.constant 1 : i32
        %swap3A_1345 = arith.index_cast %swap3A_1344 : i32 to index
        %swap3A_1346 = arith.constant 0 : index
        %swap3A_1347 = tpu.vector_load %arg9[%swap3A_1345, %swap3A_1346] {strides = array<i32>} : memref<2x128xi32, #tpu.memory_space<vmem>>, vector<16xi32>,
        tpu.vector_store %arg9[%swap3A_1345, %swap3A_1346], %mul3A_1343 {strides = array<i32>} : memref<2x128xi32, #tpu.memory_space<vmem>>, vector<16xi32>,
        %mul3A_1348 = arith.constant 256 : i32
        %mul3A_1349 = arith.muli %add3A_918, %mul3A_1348 : i32
        %add3A_1350 = arith.constant 128 : i32
        %add3A_1351 = arith.addi %mul3A_1349, %add3A_1350 : i32
        %add3A_1352 = arith.constant 0 : i32
        %add3A_1353 = arith.addi %add3A_1351, %add3A_1352 : i32
        %add3A_1354 = vector.broadcast %add3A_1353 : i32 to vector<16xi32>
        %add3A_1355 = arith.addi %iota3A, %add3A_1354 : vector<16xi32>
        %shift_right_arithmetic3A_1356 = arith.constant 2 : i32
        %shift_right_arithmetic3A_1357 = vector.broadcast %shift_right_arithmetic3A_1356 : i32 to vector<16xi32>
        %shift_right_arithmetic3A_1358 = arith.shrsi %add3A_1355, %shift_right_arithmetic3A_1357 : vector<16xi32>
        %mul3A_1359 = arith.constant 20972 : i32
        %mul3A_1360 = vector.broadcast %mul3A_1359 : i32 to vector<16xi32>
        %mul3A_1361 = arith.muli %shift_right_arithmetic3A_1358, %mul3A_1360 : vector<16xi32>
        %shift_right_arithmetic3A_1362 = arith.constant 19 : i32
        %shift_right_arithmetic3A_1363 = vector.broadcast %shift_right_arithmetic3A_1362 : i32 to vector<16xi32>
        %shift_right_arithmetic3A_1364 = arith.shrsi %mul3A_1361, %shift_right_arithmetic3A_1363 : vector<16xi32>
        %mul3A_1365 = arith.constant 4 : i32
        %mul3A_1366 = vector.broadcast %mul3A_1365 : i32 to vector<16xi32>
        %mul3A_1367 = arith.muli %add3A_1355, %mul3A_1366 : vector<16xi32>
        %add3A_1368 = vector.broadcast %mul3A_8 : i32 to vector<16xi32>
        %add3A_1369 = arith.addi %add3A_1368, %mul3A_1367 : vector<16xi32>
        %mul3A_1370 = arith.constant 16 : i32
        %mul3A_1371 = vector.broadcast %mul3A_1370 : i32 to vector<16xi32>
        %mul3A_1372 = arith.muli %shift_right_arithmetic3A_1364, %mul3A_1371 : vector<16xi32>
        %add3A_1373 = arith.addi %add3A_1369, %mul3A_1372 : vector<16xi32>
        %swap3A_1374 = arith.constant 1 : i32
        %swap3A_1375 = arith.index_cast %swap3A_1374 : i32 to index
        %swap3A_1376 = arith.constant 0 : index
        %swap3A_1377 = tpu.vector_load %arg11[%swap3A_1375, %swap3A_1376] {strides = array<i32>} : memref<2x128xi32, #tpu.memory_space<vmem>>, vector<16xi32>,
        tpu.vector_store %arg11[%swap3A_1375, %swap3A_1376], %add3A_1373 {strides = array<i32>} : memref<2x128xi32, #tpu.memory_space<vmem>>, vector<16xi32>,
        %get3A_1378 = arith.constant 1 : i32
        %get3A_1379 = arith.index_cast %get3A_1378 : i32 to index
        %get3A_1380 = arith.constant 16 : index
        %get3A_1381 = tpu.vector_load %arg5[%get3A_1379, %get3A_1380] {strides = array<i32>} : memref<2x128xi32, #tpu.memory_space<vmem>>, vector<16xi32>,
        %shift_right_arithmetic3A_1382 = arith.constant 2 : i32
        %shift_right_arithmetic3A_1383 = vector.broadcast %shift_right_arithmetic3A_1382 : i32 to vector<16xi32>
        %shift_right_arithmetic3A_1384 = arith.shrsi %get3A_1381, %shift_right_arithmetic3A_1383 : vector<16xi32>
        %swap3A_1385 = arith.constant 1 : i32
        %swap3A_1386 = arith.index_cast %swap3A_1385 : i32 to index
        %swap3A_1387 = arith.constant 16 : index
        %swap3A_1388 = tpu.vector_load %arg7[%swap3A_1386, %swap3A_1387] {strides = array<i32>} : memref<2x128xi32, #tpu.memory_space<vmem>>, vector<16xi32>,
        tpu.vector_store %arg7[%swap3A_1386, %swap3A_1387], %shift_right_arithmetic3A_1384 {strides = array<i32>} : memref<2x128xi32, #tpu.memory_space<vmem>>, vector<16xi32>,
        %and3A_1389 = arith.constant 3 : i32
        %and3A_1390 = vector.broadcast %and3A_1389 : i32 to vector<16xi32>
        %and3A_1391 = arith.andi %get3A_1381, %and3A_1390 : vector<16xi32>
        %mul3A_1392 = arith.constant 32 : i32
        %mul3A_1393 = vector.broadcast %mul3A_1392 : i32 to vector<16xi32>
        %mul3A_1394 = arith.muli %and3A_1391, %mul3A_1393 : vector<16xi32>
        %swap3A_1395 = arith.constant 1 : i32
        %swap3A_1396 = arith.index_cast %swap3A_1395 : i32 to index
        %swap3A_1397 = arith.constant 16 : index
        %swap3A_1398 = tpu.vector_load %arg9[%swap3A_1396, %swap3A_1397] {strides = array<i32>} : memref<2x128xi32, #tpu.memory_space<vmem>>, vector<16xi32>,
        tpu.vector_store %arg9[%swap3A_1396, %swap3A_1397], %mul3A_1394 {strides = array<i32>} : memref<2x128xi32, #tpu.memory_space<vmem>>, vector<16xi32>,
        %mul3A_1399 = arith.constant 256 : i32
        %mul3A_1400 = arith.muli %add3A_918, %mul3A_1399 : i32
        %add3A_1401 = arith.constant 128 : i32
        %add3A_1402 = arith.addi %mul3A_1400, %add3A_1401 : i32
        %add3A_1403 = arith.constant 16 : i32
        %add3A_1404 = arith.addi %add3A_1402, %add3A_1403 : i32
        %add3A_1405 = vector.broadcast %add3A_1404 : i32 to vector<16xi32>
        %add3A_1406 = arith.addi %iota3A, %add3A_1405 : vector<16xi32>
        %shift_right_arithmetic3A_1407 = arith.constant 2 : i32
        %shift_right_arithmetic3A_1408 = vector.broadcast %shift_right_arithmetic3A_1407 : i32 to vector<16xi32>
        %shift_right_arithmetic3A_1409 = arith.shrsi %add3A_1406, %shift_right_arithmetic3A_1408 : vector<16xi32>
        %mul3A_1410 = arith.constant 20972 : i32
        %mul3A_1411 = vector.broadcast %mul3A_1410 : i32 to vector<16xi32>
        %mul3A_1412 = arith.muli %shift_right_arithmetic3A_1409, %mul3A_1411 : vector<16xi32>
        %shift_right_arithmetic3A_1413 = arith.constant 19 : i32
        %shift_right_arithmetic3A_1414 = vector.broadcast %shift_right_arithmetic3A_1413 : i32 to vector<16xi32>
        %shift_right_arithmetic3A_1415 = arith.shrsi %mul3A_1412, %shift_right_arithmetic3A_1414 : vector<16xi32>
        %mul3A_1416 = arith.constant 4 : i32
        %mul3A_1417 = vector.broadcast %mul3A_1416 : i32 to vector<16xi32>
        %mul3A_1418 = arith.muli %add3A_1406, %mul3A_1417 : vector<16xi32>
        %add3A_1419 = vector.broadcast %mul3A_8 : i32 to vector<16xi32>
        %add3A_1420 = arith.addi %add3A_1419, %mul3A_1418 : vector<16xi32>
        %mul3A_1421 = arith.constant 16 : i32
        %mul3A_1422 = vector.broadcast %mul3A_1421 : i32 to vector<16xi32>
        %mul3A_1423 = arith.muli %shift_right_arithmetic3A_1415, %mul3A_1422 : vector<16xi32>
        %add3A_1424 = arith.addi %add3A_1420, %mul3A_1423 : vector<16xi32>
        %swap3A_1425 = arith.constant 1 : i32
        %swap3A_1426 = arith.index_cast %swap3A_1425 : i32 to index
        %swap3A_1427 = arith.constant 16 : index
        %swap3A_1428 = tpu.vector_load %arg11[%swap3A_1426, %swap3A_1427] {strides = array<i32>} : memref<2x128xi32, #tpu.memory_space<vmem>>, vector<16xi32>,
        tpu.vector_store %arg11[%swap3A_1426, %swap3A_1427], %add3A_1424 {strides = array<i32>} : memref<2x128xi32, #tpu.memory_space<vmem>>, vector<16xi32>,
        %get3A_1429 = arith.constant 1 : i32
        %get3A_1430 = arith.index_cast %get3A_1429 : i32 to index
        %get3A_1431 = arith.constant 32 : index
        %get3A_1432 = tpu.vector_load %arg5[%get3A_1430, %get3A_1431] {strides = array<i32>} : memref<2x128xi32, #tpu.memory_space<vmem>>, vector<16xi32>,
        %shift_right_arithmetic3A_1433 = arith.constant 2 : i32
        %shift_right_arithmetic3A_1434 = vector.broadcast %shift_right_arithmetic3A_1433 : i32 to vector<16xi32>
        %shift_right_arithmetic3A_1435 = arith.shrsi %get3A_1432, %shift_right_arithmetic3A_1434 : vector<16xi32>
        %swap3A_1436 = arith.constant 1 : i32
        %swap3A_1437 = arith.index_cast %swap3A_1436 : i32 to index
        %swap3A_1438 = arith.constant 32 : index
        %swap3A_1439 = tpu.vector_load %arg7[%swap3A_1437, %swap3A_1438] {strides = array<i32>} : memref<2x128xi32, #tpu.memory_space<vmem>>, vector<16xi32>,
        tpu.vector_store %arg7[%swap3A_1437, %swap3A_1438], %shift_right_arithmetic3A_1435 {strides = array<i32>} : memref<2x128xi32, #tpu.memory_space<vmem>>, vector<16xi32>,
        %and3A_1440 = arith.constant 3 : i32
        %and3A_1441 = vector.broadcast %and3A_1440 : i32 to vector<16xi32>
        %and3A_1442 = arith.andi %get3A_1432, %and3A_1441 : vector<16xi32>
        %mul3A_1443 = arith.constant 32 : i32
        %mul3A_1444 = vector.broadcast %mul3A_1443 : i32 to vector<16xi32>
        %mul3A_1445 = arith.muli %and3A_1442, %mul3A_1444 : vector<16xi32>
        %swap3A_1446 = arith.constant 1 : i32
        %swap3A_1447 = arith.index_cast %swap3A_1446 : i32 to index
        %swap3A_1448 = arith.constant 32 : index
        %swap3A_1449 = tpu.vector_load %arg9[%swap3A_1447, %swap3A_1448] {strides = array<i32>} : memref<2x128xi32, #tpu.memory_space<vmem>>, vector<16xi32>,
        tpu.vector_store %arg9[%swap3A_1447, %swap3A_1448], %mul3A_1445 {strides = array<i32>} : memref<2x128xi32, #tpu.memory_space<vmem>>, vector<16xi32>,
        %mul3A_1450 = arith.constant 256 : i32
        %mul3A_1451 = arith.muli %add3A_918, %mul3A_1450 : i32
        %add3A_1452 = arith.constant 128 : i32
        %add3A_1453 = arith.addi %mul3A_1451, %add3A_1452 : i32
        %add3A_1454 = arith.constant 32 : i32
        %add3A_1455 = arith.addi %add3A_1453, %add3A_1454 : i32
        %add3A_1456 = vector.broadcast %add3A_1455 : i32 to vector<16xi32>
        %add3A_1457 = arith.addi %iota3A, %add3A_1456 : vector<16xi32>
        %shift_right_arithmetic3A_1458 = arith.constant 2 : i32
        %shift_right_arithmetic3A_1459 = vector.broadcast %shift_right_arithmetic3A_1458 : i32 to vector<16xi32>
        %shift_right_arithmetic3A_1460 = arith.shrsi %add3A_1457, %shift_right_arithmetic3A_1459 : vector<16xi32>
        %mul3A_1461 = arith.constant 20972 : i32
        %mul3A_1462 = vector.broadcast %mul3A_1461 : i32 to vector<16xi32>
        %mul3A_1463 = arith.muli %shift_right_arithmetic3A_1460, %mul3A_1462 : vector<16xi32>
        %shift_right_arithmetic3A_1464 = arith.constant 19 : i32
        %shift_right_arithmetic3A_1465 = vector.broadcast %shift_right_arithmetic3A_1464 : i32 to vector<16xi32>
        %shift_right_arithmetic3A_1466 = arith.shrsi %mul3A_1463, %shift_right_arithmetic3A_1465 : vector<16xi32>
        %mul3A_1467 = arith.constant 4 : i32
        %mul3A_1468 = vector.broadcast %mul3A_1467 : i32 to vector<16xi32>
        %mul3A_1469 = arith.muli %add3A_1457, %mul3A_1468 : vector<16xi32>
        %add3A_1470 = vector.broadcast %mul3A_8 : i32 to vector<16xi32>
        %add3A_1471 = arith.addi %add3A_1470, %mul3A_1469 : vector<16xi32>
        %mul3A_1472 = arith.constant 16 : i32
        %mul3A_1473 = vector.broadcast %mul3A_1472 : i32 to vector<16xi32>
        %mul3A_1474 = arith.muli %shift_right_arithmetic3A_1466, %mul3A_1473 : vector<16xi32>
        %add3A_1475 = arith.addi %add3A_1471, %mul3A_1474 : vector<16xi32>
        %swap3A_1476 = arith.constant 1 : i32
        %swap3A_1477 = arith.index_cast %swap3A_1476 : i32 to index
        %swap3A_1478 = arith.constant 32 : index
        %swap3A_1479 = tpu.vector_load %arg11[%swap3A_1477, %swap3A_1478] {strides = array<i32>} : memref<2x128xi32, #tpu.memory_space<vmem>>, vector<16xi32>,
        tpu.vector_store %arg11[%swap3A_1477, %swap3A_1478], %add3A_1475 {strides = array<i32>} : memref<2x128xi32, #tpu.memory_space<vmem>>, vector<16xi32>,
        %get3A_1480 = arith.constant 1 : i32
        %get3A_1481 = arith.index_cast %get3A_1480 : i32 to index
        %get3A_1482 = arith.constant 48 : index
        %get3A_1483 = tpu.vector_load %arg5[%get3A_1481, %get3A_1482] {strides = array<i32>} : memref<2x128xi32, #tpu.memory_space<vmem>>, vector<16xi32>,
        %shift_right_arithmetic3A_1484 = arith.constant 2 : i32
        %shift_right_arithmetic3A_1485 = vector.broadcast %shift_right_arithmetic3A_1484 : i32 to vector<16xi32>
        %shift_right_arithmetic3A_1486 = arith.shrsi %get3A_1483, %shift_right_arithmetic3A_1485 : vector<16xi32>
        %swap3A_1487 = arith.constant 1 : i32
        %swap3A_1488 = arith.index_cast %swap3A_1487 : i32 to index
        %swap3A_1489 = arith.constant 48 : index
        %swap3A_1490 = tpu.vector_load %arg7[%swap3A_1488, %swap3A_1489] {strides = array<i32>} : memref<2x128xi32, #tpu.memory_space<vmem>>, vector<16xi32>,
        tpu.vector_store %arg7[%swap3A_1488, %swap3A_1489], %shift_right_arithmetic3A_1486 {strides = array<i32>} : memref<2x128xi32, #tpu.memory_space<vmem>>, vector<16xi32>,
        %and3A_1491 = arith.constant 3 : i32
        %and3A_1492 = vector.broadcast %and3A_1491 : i32 to vector<16xi32>
        %and3A_1493 = arith.andi %get3A_1483, %and3A_1492 : vector<16xi32>
        %mul3A_1494 = arith.constant 32 : i32
        %mul3A_1495 = vector.broadcast %mul3A_1494 : i32 to vector<16xi32>
        %mul3A_1496 = arith.muli %and3A_1493, %mul3A_1495 : vector<16xi32>
        %swap3A_1497 = arith.constant 1 : i32
        %swap3A_1498 = arith.index_cast %swap3A_1497 : i32 to index
        %swap3A_1499 = arith.constant 48 : index
        %swap3A_1500 = tpu.vector_load %arg9[%swap3A_1498, %swap3A_1499] {strides = array<i32>} : memref<2x128xi32, #tpu.memory_space<vmem>>, vector<16xi32>,
        tpu.vector_store %arg9[%swap3A_1498, %swap3A_1499], %mul3A_1496 {strides = array<i32>} : memref<2x128xi32, #tpu.memory_space<vmem>>, vector<16xi32>,
        %mul3A_1501 = arith.constant 256 : i32
        %mul3A_1502 = arith.muli %add3A_918, %mul3A_1501 : i32
        %add3A_1503 = arith.constant 128 : i32
        %add3A_1504 = arith.addi %mul3A_1502, %add3A_1503 : i32
        %add3A_1505 = arith.constant 48 : i32
        %add3A_1506 = arith.addi %add3A_1504, %add3A_1505 : i32
        %add3A_1507 = vector.broadcast %add3A_1506 : i32 to vector<16xi32>
        %add3A_1508 = arith.addi %iota3A, %add3A_1507 : vector<16xi32>
        %shift_right_arithmetic3A_1509 = arith.constant 2 : i32
        %shift_right_arithmetic3A_1510 = vector.broadcast %shift_right_arithmetic3A_1509 : i32 to vector<16xi32>
        %shift_right_arithmetic3A_1511 = arith.shrsi %add3A_1508, %shift_right_arithmetic3A_1510 : vector<16xi32>
        %mul3A_1512 = arith.constant 20972 : i32
        %mul3A_1513 = vector.broadcast %mul3A_1512 : i32 to vector<16xi32>
        %mul3A_1514 = arith.muli %shift_right_arithmetic3A_1511, %mul3A_1513 : vector<16xi32>
        %shift_right_arithmetic3A_1515 = arith.constant 19 : i32
        %shift_right_arithmetic3A_1516 = vector.broadcast %shift_right_arithmetic3A_1515 : i32 to vector<16xi32>
        %shift_right_arithmetic3A_1517 = arith.shrsi %mul3A_1514, %shift_right_arithmetic3A_1516 : vector<16xi32>
        %mul3A_1518 = arith.constant 4 : i32
        %mul3A_1519 = vector.broadcast %mul3A_1518 : i32 to vector<16xi32>
        %mul3A_1520 = arith.muli %add3A_1508, %mul3A_1519 : vector<16xi32>
        %add3A_1521 = vector.broadcast %mul3A_8 : i32 to vector<16xi32>
        %add3A_1522 = arith.addi %add3A_1521, %mul3A_1520 : vector<16xi32>
        %mul3A_1523 = arith.constant 16 : i32
        %mul3A_1524 = vector.broadcast %mul3A_1523 : i32 to vector<16xi32>
        %mul3A_1525 = arith.muli %shift_right_arithmetic3A_1517, %mul3A_1524 : vector<16xi32>
        %add3A_1526 = arith.addi %add3A_1522, %mul3A_1525 : vector<16xi32>
        %swap3A_1527 = arith.constant 1 : i32
        %swap3A_1528 = arith.index_cast %swap3A_1527 : i32 to index
        %swap3A_1529 = arith.constant 48 : index
        %swap3A_1530 = tpu.vector_load %arg11[%swap3A_1528, %swap3A_1529] {strides = array<i32>} : memref<2x128xi32, #tpu.memory_space<vmem>>, vector<16xi32>,
        tpu.vector_store %arg11[%swap3A_1528, %swap3A_1529], %add3A_1526 {strides = array<i32>} : memref<2x128xi32, #tpu.memory_space<vmem>>, vector<16xi32>,
        %get3A_1531 = arith.constant 1 : i32
        %get3A_1532 = arith.index_cast %get3A_1531 : i32 to index
        %get3A_1533 = arith.constant 64 : index
        %get3A_1534 = tpu.vector_load %arg5[%get3A_1532, %get3A_1533] {strides = array<i32>} : memref<2x128xi32, #tpu.memory_space<vmem>>, vector<16xi32>,
        %shift_right_arithmetic3A_1535 = arith.constant 2 : i32
        %shift_right_arithmetic3A_1536 = vector.broadcast %shift_right_arithmetic3A_1535 : i32 to vector<16xi32>
        %shift_right_arithmetic3A_1537 = arith.shrsi %get3A_1534, %shift_right_arithmetic3A_1536 : vector<16xi32>
        %swap3A_1538 = arith.constant 1 : i32
        %swap3A_1539 = arith.index_cast %swap3A_1538 : i32 to index
        %swap3A_1540 = arith.constant 64 : index
        %swap3A_1541 = tpu.vector_load %arg7[%swap3A_1539, %swap3A_1540] {strides = array<i32>} : memref<2x128xi32, #tpu.memory_space<vmem>>, vector<16xi32>,
        tpu.vector_store %arg7[%swap3A_1539, %swap3A_1540], %shift_right_arithmetic3A_1537 {strides = array<i32>} : memref<2x128xi32, #tpu.memory_space<vmem>>, vector<16xi32>,
        %and3A_1542 = arith.constant 3 : i32
        %and3A_1543 = vector.broadcast %and3A_1542 : i32 to vector<16xi32>
        %and3A_1544 = arith.andi %get3A_1534, %and3A_1543 : vector<16xi32>
        %mul3A_1545 = arith.constant 32 : i32
        %mul3A_1546 = vector.broadcast %mul3A_1545 : i32 to vector<16xi32>
        %mul3A_1547 = arith.muli %and3A_1544, %mul3A_1546 : vector<16xi32>
        %swap3A_1548 = arith.constant 1 : i32
        %swap3A_1549 = arith.index_cast %swap3A_1548 : i32 to index
        %swap3A_1550 = arith.constant 64 : index
        %swap3A_1551 = tpu.vector_load %arg9[%swap3A_1549, %swap3A_1550] {strides = array<i32>} : memref<2x128xi32, #tpu.memory_space<vmem>>, vector<16xi32>,
        tpu.vector_store %arg9[%swap3A_1549, %swap3A_1550], %mul3A_1547 {strides = array<i32>} : memref<2x128xi32, #tpu.memory_space<vmem>>, vector<16xi32>,
        %mul3A_1552 = arith.constant 256 : i32
        %mul3A_1553 = arith.muli %add3A_918, %mul3A_1552 : i32
        %add3A_1554 = arith.constant 128 : i32
        %add3A_1555 = arith.addi %mul3A_1553, %add3A_1554 : i32
        %add3A_1556 = arith.constant 64 : i32
        %add3A_1557 = arith.addi %add3A_1555, %add3A_1556 : i32
        %add3A_1558 = vector.broadcast %add3A_1557 : i32 to vector<16xi32>
        %add3A_1559 = arith.addi %iota3A, %add3A_1558 : vector<16xi32>
        %shift_right_arithmetic3A_1560 = arith.constant 2 : i32
        %shift_right_arithmetic3A_1561 = vector.broadcast %shift_right_arithmetic3A_1560 : i32 to vector<16xi32>
        %shift_right_arithmetic3A_1562 = arith.shrsi %add3A_1559, %shift_right_arithmetic3A_1561 : vector<16xi32>
        %mul3A_1563 = arith.constant 20972 : i32
        %mul3A_1564 = vector.broadcast %mul3A_1563 : i32 to vector<16xi32>
        %mul3A_1565 = arith.muli %shift_right_arithmetic3A_1562, %mul3A_1564 : vector<16xi32>
        %shift_right_arithmetic3A_1566 = arith.constant 19 : i32
        %shift_right_arithmetic3A_1567 = vector.broadcast %shift_right_arithmetic3A_1566 : i32 to vector<16xi32>
        %shift_right_arithmetic3A_1568 = arith.shrsi %mul3A_1565, %shift_right_arithmetic3A_1567 : vector<16xi32>
        %mul3A_1569 = arith.constant 4 : i32
        %mul3A_1570 = vector.broadcast %mul3A_1569 : i32 to vector<16xi32>
        %mul3A_1571 = arith.muli %add3A_1559, %mul3A_1570 : vector<16xi32>
        %add3A_1572 = vector.broadcast %mul3A_8 : i32 to vector<16xi32>
        %add3A_1573 = arith.addi %add3A_1572, %mul3A_1571 : vector<16xi32>
        %mul3A_1574 = arith.constant 16 : i32
        %mul3A_1575 = vector.broadcast %mul3A_1574 : i32 to vector<16xi32>
        %mul3A_1576 = arith.muli %shift_right_arithmetic3A_1568, %mul3A_1575 : vector<16xi32>
        %add3A_1577 = arith.addi %add3A_1573, %mul3A_1576 : vector<16xi32>
        %swap3A_1578 = arith.constant 1 : i32
        %swap3A_1579 = arith.index_cast %swap3A_1578 : i32 to index
        %swap3A_1580 = arith.constant 64 : index
        %swap3A_1581 = tpu.vector_load %arg11[%swap3A_1579, %swap3A_1580] {strides = array<i32>} : memref<2x128xi32, #tpu.memory_space<vmem>>, vector<16xi32>,
        tpu.vector_store %arg11[%swap3A_1579, %swap3A_1580], %add3A_1577 {strides = array<i32>} : memref<2x128xi32, #tpu.memory_space<vmem>>, vector<16xi32>,
        %get3A_1582 = arith.constant 1 : i32
        %get3A_1583 = arith.index_cast %get3A_1582 : i32 to index
        %get3A_1584 = arith.constant 80 : index
        %get3A_1585 = tpu.vector_load %arg5[%get3A_1583, %get3A_1584] {strides = array<i32>} : memref<2x128xi32, #tpu.memory_space<vmem>>, vector<16xi32>,
        %shift_right_arithmetic3A_1586 = arith.constant 2 : i32
        %shift_right_arithmetic3A_1587 = vector.broadcast %shift_right_arithmetic3A_1586 : i32 to vector<16xi32>
        %shift_right_arithmetic3A_1588 = arith.shrsi %get3A_1585, %shift_right_arithmetic3A_1587 : vector<16xi32>
        %swap3A_1589 = arith.constant 1 : i32
        %swap3A_1590 = arith.index_cast %swap3A_1589 : i32 to index
        %swap3A_1591 = arith.constant 80 : index
        %swap3A_1592 = tpu.vector_load %arg7[%swap3A_1590, %swap3A_1591] {strides = array<i32>} : memref<2x128xi32, #tpu.memory_space<vmem>>, vector<16xi32>,
        tpu.vector_store %arg7[%swap3A_1590, %swap3A_1591], %shift_right_arithmetic3A_1588 {strides = array<i32>} : memref<2x128xi32, #tpu.memory_space<vmem>>, vector<16xi32>,
        %and3A_1593 = arith.constant 3 : i32
        %and3A_1594 = vector.broadcast %and3A_1593 : i32 to vector<16xi32>
        %and3A_1595 = arith.andi %get3A_1585, %and3A_1594 : vector<16xi32>
        %mul3A_1596 = arith.constant 32 : i32
        %mul3A_1597 = vector.broadcast %mul3A_1596 : i32 to vector<16xi32>
        %mul3A_1598 = arith.muli %and3A_1595, %mul3A_1597 : vector<16xi32>
        %swap3A_1599 = arith.constant 1 : i32
        %swap3A_1600 = arith.index_cast %swap3A_1599 : i32 to index
        %swap3A_1601 = arith.constant 80 : index
        %swap3A_1602 = tpu.vector_load %arg9[%swap3A_1600, %swap3A_1601] {strides = array<i32>} : memref<2x128xi32, #tpu.memory_space<vmem>>, vector<16xi32>,
        tpu.vector_store %arg9[%swap3A_1600, %swap3A_1601], %mul3A_1598 {strides = array<i32>} : memref<2x128xi32, #tpu.memory_space<vmem>>, vector<16xi32>,
        %mul3A_1603 = arith.constant 256 : i32
        %mul3A_1604 = arith.muli %add3A_918, %mul3A_1603 : i32
        %add3A_1605 = arith.constant 128 : i32
        %add3A_1606 = arith.addi %mul3A_1604, %add3A_1605 : i32
        %add3A_1607 = arith.constant 80 : i32
        %add3A_1608 = arith.addi %add3A_1606, %add3A_1607 : i32
        %add3A_1609 = vector.broadcast %add3A_1608 : i32 to vector<16xi32>
        %add3A_1610 = arith.addi %iota3A, %add3A_1609 : vector<16xi32>
        %shift_right_arithmetic3A_1611 = arith.constant 2 : i32
        %shift_right_arithmetic3A_1612 = vector.broadcast %shift_right_arithmetic3A_1611 : i32 to vector<16xi32>
        %shift_right_arithmetic3A_1613 = arith.shrsi %add3A_1610, %shift_right_arithmetic3A_1612 : vector<16xi32>
        %mul3A_1614 = arith.constant 20972 : i32
        %mul3A_1615 = vector.broadcast %mul3A_1614 : i32 to vector<16xi32>
        %mul3A_1616 = arith.muli %shift_right_arithmetic3A_1613, %mul3A_1615 : vector<16xi32>
        %shift_right_arithmetic3A_1617 = arith.constant 19 : i32
        %shift_right_arithmetic3A_1618 = vector.broadcast %shift_right_arithmetic3A_1617 : i32 to vector<16xi32>
        %shift_right_arithmetic3A_1619 = arith.shrsi %mul3A_1616, %shift_right_arithmetic3A_1618 : vector<16xi32>
        %mul3A_1620 = arith.constant 4 : i32
        %mul3A_1621 = vector.broadcast %mul3A_1620 : i32 to vector<16xi32>
        %mul3A_1622 = arith.muli %add3A_1610, %mul3A_1621 : vector<16xi32>
        %add3A_1623 = vector.broadcast %mul3A_8 : i32 to vector<16xi32>
        %add3A_1624 = arith.addi %add3A_1623, %mul3A_1622 : vector<16xi32>
        %mul3A_1625 = arith.constant 16 : i32
        %mul3A_1626 = vector.broadcast %mul3A_1625 : i32 to vector<16xi32>
        %mul3A_1627 = arith.muli %shift_right_arithmetic3A_1619, %mul3A_1626 : vector<16xi32>
        %add3A_1628 = arith.addi %add3A_1624, %mul3A_1627 : vector<16xi32>
        %swap3A_1629 = arith.constant 1 : i32
        %swap3A_1630 = arith.index_cast %swap3A_1629 : i32 to index
        %swap3A_1631 = arith.constant 80 : index
        %swap3A_1632 = tpu.vector_load %arg11[%swap3A_1630, %swap3A_1631] {strides = array<i32>} : memref<2x128xi32, #tpu.memory_space<vmem>>, vector<16xi32>,
        tpu.vector_store %arg11[%swap3A_1630, %swap3A_1631], %add3A_1628 {strides = array<i32>} : memref<2x128xi32, #tpu.memory_space<vmem>>, vector<16xi32>,
        %get3A_1633 = arith.constant 1 : i32
        %get3A_1634 = arith.index_cast %get3A_1633 : i32 to index
        %get3A_1635 = arith.constant 96 : index
        %get3A_1636 = tpu.vector_load %arg5[%get3A_1634, %get3A_1635] {strides = array<i32>} : memref<2x128xi32, #tpu.memory_space<vmem>>, vector<16xi32>,
        %shift_right_arithmetic3A_1637 = arith.constant 2 : i32
        %shift_right_arithmetic3A_1638 = vector.broadcast %shift_right_arithmetic3A_1637 : i32 to vector<16xi32>
        %shift_right_arithmetic3A_1639 = arith.shrsi %get3A_1636, %shift_right_arithmetic3A_1638 : vector<16xi32>
        %swap3A_1640 = arith.constant 1 : i32
        %swap3A_1641 = arith.index_cast %swap3A_1640 : i32 to index
        %swap3A_1642 = arith.constant 96 : index
        %swap3A_1643 = tpu.vector_load %arg7[%swap3A_1641, %swap3A_1642] {strides = array<i32>} : memref<2x128xi32, #tpu.memory_space<vmem>>, vector<16xi32>,
        tpu.vector_store %arg7[%swap3A_1641, %swap3A_1642], %shift_right_arithmetic3A_1639 {strides = array<i32>} : memref<2x128xi32, #tpu.memory_space<vmem>>, vector<16xi32>,
        %and3A_1644 = arith.constant 3 : i32
        %and3A_1645 = vector.broadcast %and3A_1644 : i32 to vector<16xi32>
        %and3A_1646 = arith.andi %get3A_1636, %and3A_1645 : vector<16xi32>
        %mul3A_1647 = arith.constant 32 : i32
        %mul3A_1648 = vector.broadcast %mul3A_1647 : i32 to vector<16xi32>
        %mul3A_1649 = arith.muli %and3A_1646, %mul3A_1648 : vector<16xi32>
        %swap3A_1650 = arith.constant 1 : i32
        %swap3A_1651 = arith.index_cast %swap3A_1650 : i32 to index
        %swap3A_1652 = arith.constant 96 : index
        %swap3A_1653 = tpu.vector_load %arg9[%swap3A_1651, %swap3A_1652] {strides = array<i32>} : memref<2x128xi32, #tpu.memory_space<vmem>>, vector<16xi32>,
        tpu.vector_store %arg9[%swap3A_1651, %swap3A_1652], %mul3A_1649 {strides = array<i32>} : memref<2x128xi32, #tpu.memory_space<vmem>>, vector<16xi32>,
        %mul3A_1654 = arith.constant 256 : i32
        %mul3A_1655 = arith.muli %add3A_918, %mul3A_1654 : i32
        %add3A_1656 = arith.constant 128 : i32
        %add3A_1657 = arith.addi %mul3A_1655, %add3A_1656 : i32
        %add3A_1658 = arith.constant 96 : i32
        %add3A_1659 = arith.addi %add3A_1657, %add3A_1658 : i32
        %add3A_1660 = vector.broadcast %add3A_1659 : i32 to vector<16xi32>
        %add3A_1661 = arith.addi %iota3A, %add3A_1660 : vector<16xi32>
        %shift_right_arithmetic3A_1662 = arith.constant 2 : i32
        %shift_right_arithmetic3A_1663 = vector.broadcast %shift_right_arithmetic3A_1662 : i32 to vector<16xi32>
        %shift_right_arithmetic3A_1664 = arith.shrsi %add3A_1661, %shift_right_arithmetic3A_1663 : vector<16xi32>
        %mul3A_1665 = arith.constant 20972 : i32
        %mul3A_1666 = vector.broadcast %mul3A_1665 : i32 to vector<16xi32>
        %mul3A_1667 = arith.muli %shift_right_arithmetic3A_1664, %mul3A_1666 : vector<16xi32>
        %shift_right_arithmetic3A_1668 = arith.constant 19 : i32
        %shift_right_arithmetic3A_1669 = vector.broadcast %shift_right_arithmetic3A_1668 : i32 to vector<16xi32>
        %shift_right_arithmetic3A_1670 = arith.shrsi %mul3A_1667, %shift_right_arithmetic3A_1669 : vector<16xi32>
        %mul3A_1671 = arith.constant 4 : i32
        %mul3A_1672 = vector.broadcast %mul3A_1671 : i32 to vector<16xi32>
        %mul3A_1673 = arith.muli %add3A_1661, %mul3A_1672 : vector<16xi32>
        %add3A_1674 = vector.broadcast %mul3A_8 : i32 to vector<16xi32>
        %add3A_1675 = arith.addi %add3A_1674, %mul3A_1673 : vector<16xi32>
        %mul3A_1676 = arith.constant 16 : i32
        %mul3A_1677 = vector.broadcast %mul3A_1676 : i32 to vector<16xi32>
        %mul3A_1678 = arith.muli %shift_right_arithmetic3A_1670, %mul3A_1677 : vector<16xi32>
        %add3A_1679 = arith.addi %add3A_1675, %mul3A_1678 : vector<16xi32>
        %swap3A_1680 = arith.constant 1 : i32
        %swap3A_1681 = arith.index_cast %swap3A_1680 : i32 to index
        %swap3A_1682 = arith.constant 96 : index
        %swap3A_1683 = tpu.vector_load %arg11[%swap3A_1681, %swap3A_1682] {strides = array<i32>} : memref<2x128xi32, #tpu.memory_space<vmem>>, vector<16xi32>,
        tpu.vector_store %arg11[%swap3A_1681, %swap3A_1682], %add3A_1679 {strides = array<i32>} : memref<2x128xi32, #tpu.memory_space<vmem>>, vector<16xi32>,
        %get3A_1684 = arith.constant 1 : i32
        %get3A_1685 = arith.index_cast %get3A_1684 : i32 to index
        %get3A_1686 = arith.constant 112 : index
        %get3A_1687 = tpu.vector_load %arg5[%get3A_1685, %get3A_1686] {strides = array<i32>} : memref<2x128xi32, #tpu.memory_space<vmem>>, vector<16xi32>,
        %shift_right_arithmetic3A_1688 = arith.constant 2 : i32
        %shift_right_arithmetic3A_1689 = vector.broadcast %shift_right_arithmetic3A_1688 : i32 to vector<16xi32>
        %shift_right_arithmetic3A_1690 = arith.shrsi %get3A_1687, %shift_right_arithmetic3A_1689 : vector<16xi32>
        %swap3A_1691 = arith.constant 1 : i32
        %swap3A_1692 = arith.index_cast %swap3A_1691 : i32 to index
        %swap3A_1693 = arith.constant 112 : index
        %swap3A_1694 = tpu.vector_load %arg7[%swap3A_1692, %swap3A_1693] {strides = array<i32>} : memref<2x128xi32, #tpu.memory_space<vmem>>, vector<16xi32>,
        tpu.vector_store %arg7[%swap3A_1692, %swap3A_1693], %shift_right_arithmetic3A_1690 {strides = array<i32>} : memref<2x128xi32, #tpu.memory_space<vmem>>, vector<16xi32>,
        %and3A_1695 = arith.constant 3 : i32
        %and3A_1696 = vector.broadcast %and3A_1695 : i32 to vector<16xi32>
        %and3A_1697 = arith.andi %get3A_1687, %and3A_1696 : vector<16xi32>
        %mul3A_1698 = arith.constant 32 : i32
        %mul3A_1699 = vector.broadcast %mul3A_1698 : i32 to vector<16xi32>
        %mul3A_1700 = arith.muli %and3A_1697, %mul3A_1699 : vector<16xi32>
        %swap3A_1701 = arith.constant 1 : i32
        %swap3A_1702 = arith.index_cast %swap3A_1701 : i32 to index
        %swap3A_1703 = arith.constant 112 : index
        %swap3A_1704 = tpu.vector_load %arg9[%swap3A_1702, %swap3A_1703] {strides = array<i32>} : memref<2x128xi32, #tpu.memory_space<vmem>>, vector<16xi32>,
        tpu.vector_store %arg9[%swap3A_1702, %swap3A_1703], %mul3A_1700 {strides = array<i32>} : memref<2x128xi32, #tpu.memory_space<vmem>>, vector<16xi32>,
        %mul3A_1705 = arith.constant 256 : i32
        %mul3A_1706 = arith.muli %add3A_918, %mul3A_1705 : i32
        %add3A_1707 = arith.constant 128 : i32
        %add3A_1708 = arith.addi %mul3A_1706, %add3A_1707 : i32
        %add3A_1709 = arith.constant 112 : i32
        %add3A_1710 = arith.addi %add3A_1708, %add3A_1709 : i32
        %add3A_1711 = vector.broadcast %add3A_1710 : i32 to vector<16xi32>
        %add3A_1712 = arith.addi %iota3A, %add3A_1711 : vector<16xi32>
        %shift_right_arithmetic3A_1713 = arith.constant 2 : i32
        %shift_right_arithmetic3A_1714 = vector.broadcast %shift_right_arithmetic3A_1713 : i32 to vector<16xi32>
        %shift_right_arithmetic3A_1715 = arith.shrsi %add3A_1712, %shift_right_arithmetic3A_1714 : vector<16xi32>
        %mul3A_1716 = arith.constant 20972 : i32
        %mul3A_1717 = vector.broadcast %mul3A_1716 : i32 to vector<16xi32>
        %mul3A_1718 = arith.muli %shift_right_arithmetic3A_1715, %mul3A_1717 : vector<16xi32>
        %shift_right_arithmetic3A_1719 = arith.constant 19 : i32
        %shift_right_arithmetic3A_1720 = vector.broadcast %shift_right_arithmetic3A_1719 : i32 to vector<16xi32>
        %shift_right_arithmetic3A_1721 = arith.shrsi %mul3A_1718, %shift_right_arithmetic3A_1720 : vector<16xi32>
        %mul3A_1722 = arith.constant 4 : i32
        %mul3A_1723 = vector.broadcast %mul3A_1722 : i32 to vector<16xi32>
        %mul3A_1724 = arith.muli %add3A_1712, %mul3A_1723 : vector<16xi32>
        %add3A_1725 = vector.broadcast %mul3A_8 : i32 to vector<16xi32>
        %add3A_1726 = arith.addi %add3A_1725, %mul3A_1724 : vector<16xi32>
        %mul3A_1727 = arith.constant 16 : i32
        %mul3A_1728 = vector.broadcast %mul3A_1727 : i32 to vector<16xi32>
        %mul3A_1729 = arith.muli %shift_right_arithmetic3A_1721, %mul3A_1728 : vector<16xi32>
        %add3A_1730 = arith.addi %add3A_1726, %mul3A_1729 : vector<16xi32>
        %swap3A_1731 = arith.constant 1 : i32
        %swap3A_1732 = arith.index_cast %swap3A_1731 : i32 to index
        %swap3A_1733 = arith.constant 112 : index
        %swap3A_1734 = tpu.vector_load %arg11[%swap3A_1732, %swap3A_1733] {strides = array<i32>} : memref<2x128xi32, #tpu.memory_space<vmem>>, vector<16xi32>,
        tpu.vector_store %arg11[%swap3A_1732, %swap3A_1733], %add3A_1730 {strides = array<i32>} : memref<2x128xi32, #tpu.memory_space<vmem>>, vector<16xi32>,
      } else {
      }
      %dma_wait3A_859 = arith.constant 0 : i32
      %dma_wait3A_860 = arith.constant 0 : i32
      %dma_wait3A_861 = tpu.memref_slice %arg3[%dma_wait3A_859, %dma_wait3A_860] : memref<250000x128xf32, #tpu.memory_space<hbm>> -> memref<256x128xf32, #tpu.memory_space<hbm>>
      %dma_wait3A_862 = arith.constant 0 : i32
      %dma_wait3A_863 = arith.constant 0 : i32
      %dma_wait3A_864 = tpu.memref_slice %arg3[%dma_wait3A_862, %dma_wait3A_863] : memref<250000x128xf32, #tpu.memory_space<hbm>> -> memref<256x128xf32, #tpu.memory_space<hbm>>
      tpu.wait_dma2 semaphore(%arg20 : memref<!tpu.dma_semaphore, #tpu.memory_space<semaphore_mem>>) src(%dma_wait3A_864 : memref<256x128xf32, #tpu.memory_space<hbm>>) dst(%arg14 : memref<256x128xf32, #tpu.memory_space<vmem>>)
      %add3A_865 = arith.constant 1 : i32
      %add3A_866 = arith.addi %add3A_851, %add3A_865 : i32
      %lt3A_867 = arith.constant 200 : i32
      %lt3A_868 = arith.cmpi slt, %add3A_866, %lt3A_867 : i32
      %convert_element_type3A_869 = arith.extui %lt3A_868 : i1 to i32
      %cond3A_870 = arith.constant 0 : i32
      %cond3A_871 = arith.cmpi ne, %convert_element_type3A_869, %cond3A_870 : i32
      scf.if %cond3A_871 {
        %dma_start3A_907 = arith.constant 0 : i32
        %dma_start3A_908 = arith.constant 0 : i32
        %dma_start3A_909 = arith.constant 0 : i32
        %dma_start3A_910 = tpu.memref_slice %arg13[%dma_start3A_908, %dma_start3A_909] : memref<256x128xf32, #tpu.memory_space<vmem>> -> memref<128x128xf32, #tpu.memory_space<vmem>>
        %dma_start3A_911 = arith.constant 0 : i32
        %dma_start3A_912 = tpu.memref_slice %arg7[%dma_start3A_907, %dma_start3A_911] : memref<2x128xi32, #tpu.memory_space<vmem>> -> memref<1x128xi32, #tpu.memory_space<vmem>>
        %dma_start3A_913 = tpu.memref_squeeze %dma_start3A_912 : memref<1x128xi32, #tpu.memory_space<vmem>> -> memref<128xi32, #tpu.memory_space<vmem>>
        %dma_start3A_914 = arith.constant 0 : i32
        %dma_start3A_915 = arith.constant 0 : i32
        %dma_start3A_916 = tpu.memref_slice %arg3[%dma_start3A_914, %dma_start3A_915] : memref<250000x128xf32, #tpu.memory_space<hbm>> -> memref<250000x128xf32, #tpu.memory_space<hbm>>
        tpu.enqueue_indirect_dma source(%dma_start3A_916 : memref<250000x128xf32, #tpu.memory_space<hbm>>) target(%dma_start3A_910 : memref<128x128xf32, #tpu.memory_space<vmem>>) offsets(%dma_start3A_913 : memref<128xi32, #tpu.memory_space<vmem>>) semaphore(%arg19 : memref<!tpu.dma_semaphore, #tpu.memory_space<semaphore_mem>>)
        %dma_start3A_917 = arith.constant 1 : i32
        %dma_start3A_918 = arith.constant 128 : i32
        %dma_start3A_919 = arith.constant 0 : i32
        %dma_start3A_920 = tpu.memref_slice %arg13[%dma_start3A_918, %dma_start3A_919] : memref<256x128xf32, #tpu.memory_space<vmem>> -> memref<128x128xf32, #tpu.memory_space<vmem>>
        %dma_start3A_921 = arith.constant 0 : i32
        %dma_start3A_922 = tpu.memref_slice %arg7[%dma_start3A_917, %dma_start3A_921] : memref<2x128xi32, #tpu.memory_space<vmem>> -> memref<1x128xi32, #tpu.memory_space<vmem>>
        %dma_start3A_923 = tpu.memref_squeeze %dma_start3A_922 : memref<1x128xi32, #tpu.memory_space<vmem>> -> memref<128xi32, #tpu.memory_space<vmem>>
        %dma_start3A_924 = arith.constant 0 : i32
        %dma_start3A_925 = arith.constant 0 : i32
        %dma_start3A_926 = tpu.memref_slice %arg3[%dma_start3A_924, %dma_start3A_925] : memref<250000x128xf32, #tpu.memory_space<hbm>> -> memref<250000x128xf32, #tpu.memory_space<hbm>>
        tpu.enqueue_indirect_dma source(%dma_start3A_926 : memref<250000x128xf32, #tpu.memory_space<hbm>>) target(%dma_start3A_920 : memref<128x128xf32, #tpu.memory_space<vmem>>) offsets(%dma_start3A_923 : memref<128xi32, #tpu.memory_space<vmem>>) semaphore(%arg19 : memref<!tpu.dma_semaphore, #tpu.memory_space<semaphore_mem>>)
      } else {
      }
      %add3A_872 = arith.constant 2 : i32
      %add3A_873 = arith.addi %add3A_851, %add3A_872 : i32
      %lt3A_874 = arith.constant 200 : i32
      %lt3A_875 = arith.cmpi slt, %add3A_873, %lt3A_874 : i32
      %convert_element_type3A_876 = arith.extui %lt3A_875 : i1 to i32
      %cond3A_877 = arith.constant 0 : i32
      %cond3A_878 = arith.cmpi ne, %convert_element_type3A_876, %cond3A_877 : i32
      scf.if %cond3A_878 {
        %add3A_907 = arith.constant 2 : i32
        %add3A_908 = arith.addi %add3A_851, %add3A_907 : i32
        %mul3A_909 = arith.constant 2 : i32
        %mul3A_910 = arith.muli %add3A_908, %mul3A_909 : i32
        %add3A_911 = arith.addi %mul3A_2, %mul3A_910 : i32
        %dma_start3A_912 = arith.constant 0 : i32
        %dma_start3A_913 = tpu.memref_slice %arg2[%add3A_911, %dma_start3A_912] : memref<12800x128xi32, #tpu.memory_space<hbm>> -> memref<2x128xi32, #tpu.memory_space<hbm>>
        %dma_start3A_914 = arith.constant 0 : i32
        %dma_start3A_915 = tpu.memref_slice %arg2[%add3A_911, %dma_start3A_914] : memref<12800x128xi32, #tpu.memory_space<hbm>> -> memref<2x128xi32, #tpu.memory_space<hbm>>
        tpu.enqueue_dma source(%dma_start3A_915 : memref<2x128xi32, #tpu.memory_space<hbm>>) target(%arg6 : memref<2x128xi32, #tpu.memory_space<vmem>>) target_semaphore(%arg18 : memref<!tpu.dma_semaphore, #tpu.memory_space<semaphore_mem>>)
      } else {
      }
      %scan3A_879 = arith.constant 0 : i32
      %scan3A_880 = arith.constant 0 : i32
      %scan3A_881 = arith.constant 16 : i32
      %scan3A_882 = arith.addi %scan3A_880, %scan3A_881 : i32
      %scan3A_883 = arith.constant 1 : i32
      %scan3A_884 = scf.for %scan3A_907 = %scan3A_880 to %scan3A_882 step %scan3A_883 iter_args(%scan3A_908 = %scan3A_879) -> (i32)  : i32 {
        %jit3A = arith.constant 8 : i32
        %div3A = arith.divsi %scan3A_907, %jit3A : i32
        %sign3A = arith.constant 0 : i32
        %sign3A_909 = arith.cmpi sgt, %scan3A_907, %sign3A : i32
        %sign3A_910 = arith.extui %sign3A_909 : i1 to i32
        %sign3A_911 = arith.constant 0 : i32
        %sign3A_912 = arith.cmpi slt, %scan3A_907, %sign3A_911 : i32
        %sign3A_913 = arith.extui %sign3A_912 : i1 to i32
        %sign3A_914 = arith.subi %sign3A_910, %sign3A_913 : i32
        %sign3A_915 = arith.constant 0 : i32
        %sign3A_916 = arith.cmpi sgt, %jit3A, %sign3A_915 : i32
        %sign3A_917 = arith.extui %sign3A_916 : i1 to i32
        %sign3A_918 = arith.constant 0 : i32
        %sign3A_919 = arith.cmpi slt, %jit3A, %sign3A_918 : i32
        %sign3A_920 = arith.extui %sign3A_919 : i1 to i32
        %sign3A_921 = arith.subi %sign3A_917, %sign3A_920 : i32
        %ne3A = arith.cmpi ne, %sign3A_914, %sign3A_921 : i32
        %rem3A = arith.remsi %scan3A_907, %jit3A : i32
        %ne3A_922 = arith.constant 0 : i32
        %ne3A_923 = arith.cmpi ne, %rem3A, %ne3A_922 : i32
        %and3A_924 = arith.andi %ne3A, %ne3A_923 : i1
        %sub3A = arith.constant 1 : i32
        %sub3A_925 = arith.subi %div3A, %sub3A : i32
        %select_n3A = arith.select %and3A_924, %sub3A_925, %div3A : i32
        %jit3A_926 = arith.constant 8 : i32
        %eq3A = arith.constant 0 : i32
        %eq3A_927 = arith.cmpi eq, %jit3A_926, %eq3A : i32
        %jit3A_928 = arith.constant 1 : i32
        %select_n3A_929 = arith.select %eq3A_927, %jit3A_928, %jit3A_926 : i32
        %rem3A_930 = arith.remsi %scan3A_907, %select_n3A_929 : i32
        %ne3A_931 = arith.constant 0 : i32
        %ne3A_932 = arith.cmpi ne, %rem3A_930, %ne3A_931 : i32
        %lt3A_933 = arith.constant 0 : i32
        %lt3A_934 = arith.cmpi slt, %rem3A_930, %lt3A_933 : i32
        %lt3A_935 = arith.constant 0 : i32
        %lt3A_936 = arith.cmpi slt, %select_n3A_929, %lt3A_935 : i32
        %ne3A_937 = arith.xori %lt3A_934, %lt3A_936 : i1
        %and3A_938 = arith.andi %ne3A_937, %ne3A_932 : i1
        %add3A_939 = arith.addi %rem3A_930, %select_n3A_929 : i32
        %select_n3A_940 = arith.select %and3A_938, %add3A_939, %rem3A_930 : i32
        %mul3A_941 = arith.constant 16 : i32
        %mul3A_942 = arith.muli %select_n3A_940, %mul3A_941 : i32
        %get3A_943 = arith.index_cast %select_n3A : i32 to index
        %get3A_944 = arith.index_cast %mul3A_942 : i32 to index
        %get3A_945 = tpu.vector_load %arg10[%get3A_943, %get3A_944] {strides = array<i32>} : memref<2x128xi32, #tpu.memory_space<vmem>>, vector<16xi32>,
        %mul3A_946 = arith.constant 16 : i32
        %mul3A_947 = arith.muli %scan3A_907, %mul3A_946 : i32
        %add3A_948 = vector.broadcast %mul3A_947 : i32 to vector<16xi32>
        %add3A_949 = arith.addi %iota3A, %add3A_948 : vector<16xi32>
        %add3A_950 = arith.constant 0 : i32
        %add3A_951 = vector.broadcast %add3A_950 : i32 to vector<16xi32>
        %add3A_952 = arith.addi %iota3A, %add3A_951 : vector<16xi32>
        %and3A_953 = arith.constant 31 : i32
        %and3A_954 = vector.broadcast %and3A_953 : i32 to vector<16xi32>
        %and3A_955 = arith.andi %add3A_952, %and3A_954 : vector<16xi32>
        %add3A_956 = arith.addi %get3A_945, %and3A_955 : vector<16xi32>
        %gather3A = tpu.vector_load_idx %arg14[%add3A_949, %add3A_956] : memref<256x128xf32, #tpu.memory_space<vmem>>[vector<16xi32>, vector<16xi32>], vector<16xf32>,
        tpu.vector_store_idx %arg16[%add3A_949, %and3A_955], %gather3A : memref<256x32xf32, #tpu.memory_space<vmem>>[vector<16xi32>, vector<16xi32>], vector<16xf32>,
        %add3A_957 = arith.constant 1 : i32
        %add3A_958 = vector.broadcast %add3A_957 : i32 to vector<16xi32>
        %add3A_959 = arith.addi %iota3A, %add3A_958 : vector<16xi32>
        %and3A_960 = arith.constant 31 : i32
        %and3A_961 = vector.broadcast %and3A_960 : i32 to vector<16xi32>
        %and3A_962 = arith.andi %add3A_959, %and3A_961 : vector<16xi32>
        %add3A_963 = arith.addi %get3A_945, %and3A_962 : vector<16xi32>
        %gather3A_964 = tpu.vector_load_idx %arg14[%add3A_949, %add3A_963] : memref<256x128xf32, #tpu.memory_space<vmem>>[vector<16xi32>, vector<16xi32>], vector<16xf32>,
        tpu.vector_store_idx %arg16[%add3A_949, %and3A_962], %gather3A_964 : memref<256x32xf32, #tpu.memory_space<vmem>>[vector<16xi32>, vector<16xi32>], vector<16xf32>,
        %add3A_965 = arith.constant 2 : i32
        %add3A_966 = vector.broadcast %add3A_965 : i32 to vector<16xi32>
        %add3A_967 = arith.addi %iota3A, %add3A_966 : vector<16xi32>
        %and3A_968 = arith.constant 31 : i32
        %and3A_969 = vector.broadcast %and3A_968 : i32 to vector<16xi32>
        %and3A_970 = arith.andi %add3A_967, %and3A_969 : vector<16xi32>
        %add3A_971 = arith.addi %get3A_945, %and3A_970 : vector<16xi32>
        %gather3A_972 = tpu.vector_load_idx %arg14[%add3A_949, %add3A_971] : memref<256x128xf32, #tpu.memory_space<vmem>>[vector<16xi32>, vector<16xi32>], vector<16xf32>,
        tpu.vector_store_idx %arg16[%add3A_949, %and3A_970], %gather3A_972 : memref<256x32xf32, #tpu.memory_space<vmem>>[vector<16xi32>, vector<16xi32>], vector<16xf32>,
        %add3A_973 = arith.constant 3 : i32
        %add3A_974 = vector.broadcast %add3A_973 : i32 to vector<16xi32>
        %add3A_975 = arith.addi %iota3A, %add3A_974 : vector<16xi32>
        %and3A_976 = arith.constant 31 : i32
        %and3A_977 = vector.broadcast %and3A_976 : i32 to vector<16xi32>
        %and3A_978 = arith.andi %add3A_975, %and3A_977 : vector<16xi32>
        %add3A_979 = arith.addi %get3A_945, %and3A_978 : vector<16xi32>
        %gather3A_980 = tpu.vector_load_idx %arg14[%add3A_949, %add3A_979] : memref<256x128xf32, #tpu.memory_space<vmem>>[vector<16xi32>, vector<16xi32>], vector<16xf32>,
        tpu.vector_store_idx %arg16[%add3A_949, %and3A_978], %gather3A_980 : memref<256x32xf32, #tpu.memory_space<vmem>>[vector<16xi32>, vector<16xi32>], vector<16xf32>,
        %add3A_981 = arith.constant 4 : i32
        %add3A_982 = vector.broadcast %add3A_981 : i32 to vector<16xi32>
        %add3A_983 = arith.addi %iota3A, %add3A_982 : vector<16xi32>
        %and3A_984 = arith.constant 31 : i32
        %and3A_985 = vector.broadcast %and3A_984 : i32 to vector<16xi32>
        %and3A_986 = arith.andi %add3A_983, %and3A_985 : vector<16xi32>
        %add3A_987 = arith.addi %get3A_945, %and3A_986 : vector<16xi32>
        %gather3A_988 = tpu.vector_load_idx %arg14[%add3A_949, %add3A_987] : memref<256x128xf32, #tpu.memory_space<vmem>>[vector<16xi32>, vector<16xi32>], vector<16xf32>,
        tpu.vector_store_idx %arg16[%add3A_949, %and3A_986], %gather3A_988 : memref<256x32xf32, #tpu.memory_space<vmem>>[vector<16xi32>, vector<16xi32>], vector<16xf32>,
        %add3A_989 = arith.constant 5 : i32
        %add3A_990 = vector.broadcast %add3A_989 : i32 to vector<16xi32>
        %add3A_991 = arith.addi %iota3A, %add3A_990 : vector<16xi32>
        %and3A_992 = arith.constant 31 : i32
        %and3A_993 = vector.broadcast %and3A_992 : i32 to vector<16xi32>
        %and3A_994 = arith.andi %add3A_991, %and3A_993 : vector<16xi32>
        %add3A_995 = arith.addi %get3A_945, %and3A_994 : vector<16xi32>
        %gather3A_996 = tpu.vector_load_idx %arg14[%add3A_949, %add3A_995] : memref<256x128xf32, #tpu.memory_space<vmem>>[vector<16xi32>, vector<16xi32>], vector<16xf32>,
        tpu.vector_store_idx %arg16[%add3A_949, %and3A_994], %gather3A_996 : memref<256x32xf32, #tpu.memory_space<vmem>>[vector<16xi32>, vector<16xi32>], vector<16xf32>,
        %add3A_997 = arith.constant 6 : i32
        %add3A_998 = vector.broadcast %add3A_997 : i32 to vector<16xi32>
        %add3A_999 = arith.addi %iota3A, %add3A_998 : vector<16xi32>
        %and3A_1000 = arith.constant 31 : i32
        %and3A_1001 = vector.broadcast %and3A_1000 : i32 to vector<16xi32>
        %and3A_1002 = arith.andi %add3A_999, %and3A_1001 : vector<16xi32>
        %add3A_1003 = arith.addi %get3A_945, %and3A_1002 : vector<16xi32>
        %gather3A_1004 = tpu.vector_load_idx %arg14[%add3A_949, %add3A_1003] : memref<256x128xf32, #tpu.memory_space<vmem>>[vector<16xi32>, vector<16xi32>], vector<16xf32>,
        tpu.vector_store_idx %arg16[%add3A_949, %and3A_1002], %gather3A_1004 : memref<256x32xf32, #tpu.memory_space<vmem>>[vector<16xi32>, vector<16xi32>], vector<16xf32>,
        %add3A_1005 = arith.constant 7 : i32
        %add3A_1006 = vector.broadcast %add3A_1005 : i32 to vector<16xi32>
        %add3A_1007 = arith.addi %iota3A, %add3A_1006 : vector<16xi32>
        %and3A_1008 = arith.constant 31 : i32
        %and3A_1009 = vector.broadcast %and3A_1008 : i32 to vector<16xi32>
        %and3A_1010 = arith.andi %add3A_1007, %and3A_1009 : vector<16xi32>
        %add3A_1011 = arith.addi %get3A_945, %and3A_1010 : vector<16xi32>
        %gather3A_1012 = tpu.vector_load_idx %arg14[%add3A_949, %add3A_1011] : memref<256x128xf32, #tpu.memory_space<vmem>>[vector<16xi32>, vector<16xi32>], vector<16xf32>,
        tpu.vector_store_idx %arg16[%add3A_949, %and3A_1010], %gather3A_1012 : memref<256x32xf32, #tpu.memory_space<vmem>>[vector<16xi32>, vector<16xi32>], vector<16xf32>,
        %add3A_1013 = arith.constant 8 : i32
        %add3A_1014 = vector.broadcast %add3A_1013 : i32 to vector<16xi32>
        %add3A_1015 = arith.addi %iota3A, %add3A_1014 : vector<16xi32>
        %and3A_1016 = arith.constant 31 : i32
        %and3A_1017 = vector.broadcast %and3A_1016 : i32 to vector<16xi32>
        %and3A_1018 = arith.andi %add3A_1015, %and3A_1017 : vector<16xi32>
        %add3A_1019 = arith.addi %get3A_945, %and3A_1018 : vector<16xi32>
        %gather3A_1020 = tpu.vector_load_idx %arg14[%add3A_949, %add3A_1019] : memref<256x128xf32, #tpu.memory_space<vmem>>[vector<16xi32>, vector<16xi32>], vector<16xf32>,
        tpu.vector_store_idx %arg16[%add3A_949, %and3A_1018], %gather3A_1020 : memref<256x32xf32, #tpu.memory_space<vmem>>[vector<16xi32>, vector<16xi32>], vector<16xf32>,
        %add3A_1021 = arith.constant 9 : i32
        %add3A_1022 = vector.broadcast %add3A_1021 : i32 to vector<16xi32>
        %add3A_1023 = arith.addi %iota3A, %add3A_1022 : vector<16xi32>
        %and3A_1024 = arith.constant 31 : i32
        %and3A_1025 = vector.broadcast %and3A_1024 : i32 to vector<16xi32>
        %and3A_1026 = arith.andi %add3A_1023, %and3A_1025 : vector<16xi32>
        %add3A_1027 = arith.addi %get3A_945, %and3A_1026 : vector<16xi32>
        %gather3A_1028 = tpu.vector_load_idx %arg14[%add3A_949, %add3A_1027] : memref<256x128xf32, #tpu.memory_space<vmem>>[vector<16xi32>, vector<16xi32>], vector<16xf32>,
        tpu.vector_store_idx %arg16[%add3A_949, %and3A_1026], %gather3A_1028 : memref<256x32xf32, #tpu.memory_space<vmem>>[vector<16xi32>, vector<16xi32>], vector<16xf32>,
        %add3A_1029 = arith.constant 10 : i32
        %add3A_1030 = vector.broadcast %add3A_1029 : i32 to vector<16xi32>
        %add3A_1031 = arith.addi %iota3A, %add3A_1030 : vector<16xi32>
        %and3A_1032 = arith.constant 31 : i32
        %and3A_1033 = vector.broadcast %and3A_1032 : i32 to vector<16xi32>
        %and3A_1034 = arith.andi %add3A_1031, %and3A_1033 : vector<16xi32>
        %add3A_1035 = arith.addi %get3A_945, %and3A_1034 : vector<16xi32>
        %gather3A_1036 = tpu.vector_load_idx %arg14[%add3A_949, %add3A_1035] : memref<256x128xf32, #tpu.memory_space<vmem>>[vector<16xi32>, vector<16xi32>], vector<16xf32>,
        tpu.vector_store_idx %arg16[%add3A_949, %and3A_1034], %gather3A_1036 : memref<256x32xf32, #tpu.memory_space<vmem>>[vector<16xi32>, vector<16xi32>], vector<16xf32>,
        %add3A_1037 = arith.constant 11 : i32
        %add3A_1038 = vector.broadcast %add3A_1037 : i32 to vector<16xi32>
        %add3A_1039 = arith.addi %iota3A, %add3A_1038 : vector<16xi32>
        %and3A_1040 = arith.constant 31 : i32
        %and3A_1041 = vector.broadcast %and3A_1040 : i32 to vector<16xi32>
        %and3A_1042 = arith.andi %add3A_1039, %and3A_1041 : vector<16xi32>
        %add3A_1043 = arith.addi %get3A_945, %and3A_1042 : vector<16xi32>
        %gather3A_1044 = tpu.vector_load_idx %arg14[%add3A_949, %add3A_1043] : memref<256x128xf32, #tpu.memory_space<vmem>>[vector<16xi32>, vector<16xi32>], vector<16xf32>,
        tpu.vector_store_idx %arg16[%add3A_949, %and3A_1042], %gather3A_1044 : memref<256x32xf32, #tpu.memory_space<vmem>>[vector<16xi32>, vector<16xi32>], vector<16xf32>,
        %add3A_1045 = arith.constant 12 : i32
        %add3A_1046 = vector.broadcast %add3A_1045 : i32 to vector<16xi32>
        %add3A_1047 = arith.addi %iota3A, %add3A_1046 : vector<16xi32>
        %and3A_1048 = arith.constant 31 : i32
        %and3A_1049 = vector.broadcast %and3A_1048 : i32 to vector<16xi32>
        %and3A_1050 = arith.andi %add3A_1047, %and3A_1049 : vector<16xi32>
        %add3A_1051 = arith.addi %get3A_945, %and3A_1050 : vector<16xi32>
        %gather3A_1052 = tpu.vector_load_idx %arg14[%add3A_949, %add3A_1051] : memref<256x128xf32, #tpu.memory_space<vmem>>[vector<16xi32>, vector<16xi32>], vector<16xf32>,
        tpu.vector_store_idx %arg16[%add3A_949, %and3A_1050], %gather3A_1052 : memref<256x32xf32, #tpu.memory_space<vmem>>[vector<16xi32>, vector<16xi32>], vector<16xf32>,
        %add3A_1053 = arith.constant 13 : i32
        %add3A_1054 = vector.broadcast %add3A_1053 : i32 to vector<16xi32>
        %add3A_1055 = arith.addi %iota3A, %add3A_1054 : vector<16xi32>
        %and3A_1056 = arith.constant 31 : i32
        %and3A_1057 = vector.broadcast %and3A_1056 : i32 to vector<16xi32>
        %and3A_1058 = arith.andi %add3A_1055, %and3A_1057 : vector<16xi32>
        %add3A_1059 = arith.addi %get3A_945, %and3A_1058 : vector<16xi32>
        %gather3A_1060 = tpu.vector_load_idx %arg14[%add3A_949, %add3A_1059] : memref<256x128xf32, #tpu.memory_space<vmem>>[vector<16xi32>, vector<16xi32>], vector<16xf32>,
        tpu.vector_store_idx %arg16[%add3A_949, %and3A_1058], %gather3A_1060 : memref<256x32xf32, #tpu.memory_space<vmem>>[vector<16xi32>, vector<16xi32>], vector<16xf32>,
        %add3A_1061 = arith.constant 14 : i32
        %add3A_1062 = vector.broadcast %add3A_1061 : i32 to vector<16xi32>
        %add3A_1063 = arith.addi %iota3A, %add3A_1062 : vector<16xi32>
        %and3A_1064 = arith.constant 31 : i32
        %and3A_1065 = vector.broadcast %and3A_1064 : i32 to vector<16xi32>
        %and3A_1066 = arith.andi %add3A_1063, %and3A_1065 : vector<16xi32>
        %add3A_1067 = arith.addi %get3A_945, %and3A_1066 : vector<16xi32>
        %gather3A_1068 = tpu.vector_load_idx %arg14[%add3A_949, %add3A_1067] : memref<256x128xf32, #tpu.memory_space<vmem>>[vector<16xi32>, vector<16xi32>], vector<16xf32>,
        tpu.vector_store_idx %arg16[%add3A_949, %and3A_1066], %gather3A_1068 : memref<256x32xf32, #tpu.memory_space<vmem>>[vector<16xi32>, vector<16xi32>], vector<16xf32>,
        %add3A_1069 = arith.constant 15 : i32
        %add3A_1070 = vector.broadcast %add3A_1069 : i32 to vector<16xi32>
        %add3A_1071 = arith.addi %iota3A, %add3A_1070 : vector<16xi32>
        %and3A_1072 = arith.constant 31 : i32
        %and3A_1073 = vector.broadcast %and3A_1072 : i32 to vector<16xi32>
        %and3A_1074 = arith.andi %add3A_1071, %and3A_1073 : vector<16xi32>
        %add3A_1075 = arith.addi %get3A_945, %and3A_1074 : vector<16xi32>
        %gather3A_1076 = tpu.vector_load_idx %arg14[%add3A_949, %add3A_1075] : memref<256x128xf32, #tpu.memory_space<vmem>>[vector<16xi32>, vector<16xi32>], vector<16xf32>,
        tpu.vector_store_idx %arg16[%add3A_949, %and3A_1074], %gather3A_1076 : memref<256x32xf32, #tpu.memory_space<vmem>>[vector<16xi32>, vector<16xi32>], vector<16xf32>,
        %add3A_1077 = arith.constant 16 : i32
        %add3A_1078 = vector.broadcast %add3A_1077 : i32 to vector<16xi32>
        %add3A_1079 = arith.addi %iota3A, %add3A_1078 : vector<16xi32>
        %and3A_1080 = arith.constant 31 : i32
        %and3A_1081 = vector.broadcast %and3A_1080 : i32 to vector<16xi32>
        %and3A_1082 = arith.andi %add3A_1079, %and3A_1081 : vector<16xi32>
        %add3A_1083 = arith.addi %get3A_945, %and3A_1082 : vector<16xi32>
        %gather3A_1084 = tpu.vector_load_idx %arg14[%add3A_949, %add3A_1083] : memref<256x128xf32, #tpu.memory_space<vmem>>[vector<16xi32>, vector<16xi32>], vector<16xf32>,
        tpu.vector_store_idx %arg16[%add3A_949, %and3A_1082], %gather3A_1084 : memref<256x32xf32, #tpu.memory_space<vmem>>[vector<16xi32>, vector<16xi32>], vector<16xf32>,
        %add3A_1085 = arith.constant 17 : i32
        %add3A_1086 = vector.broadcast %add3A_1085 : i32 to vector<16xi32>
        %add3A_1087 = arith.addi %iota3A, %add3A_1086 : vector<16xi32>
        %and3A_1088 = arith.constant 31 : i32
        %and3A_1089 = vector.broadcast %and3A_1088 : i32 to vector<16xi32>
        %and3A_1090 = arith.andi %add3A_1087, %and3A_1089 : vector<16xi32>
        %add3A_1091 = arith.addi %get3A_945, %and3A_1090 : vector<16xi32>
        %gather3A_1092 = tpu.vector_load_idx %arg14[%add3A_949, %add3A_1091] : memref<256x128xf32, #tpu.memory_space<vmem>>[vector<16xi32>, vector<16xi32>], vector<16xf32>,
        tpu.vector_store_idx %arg16[%add3A_949, %and3A_1090], %gather3A_1092 : memref<256x32xf32, #tpu.memory_space<vmem>>[vector<16xi32>, vector<16xi32>], vector<16xf32>,
        %add3A_1093 = arith.constant 18 : i32
        %add3A_1094 = vector.broadcast %add3A_1093 : i32 to vector<16xi32>
        %add3A_1095 = arith.addi %iota3A, %add3A_1094 : vector<16xi32>
        %and3A_1096 = arith.constant 31 : i32
        %and3A_1097 = vector.broadcast %and3A_1096 : i32 to vector<16xi32>
        %and3A_1098 = arith.andi %add3A_1095, %and3A_1097 : vector<16xi32>
        %add3A_1099 = arith.addi %get3A_945, %and3A_1098 : vector<16xi32>
        %gather3A_1100 = tpu.vector_load_idx %arg14[%add3A_949, %add3A_1099] : memref<256x128xf32, #tpu.memory_space<vmem>>[vector<16xi32>, vector<16xi32>], vector<16xf32>,
        tpu.vector_store_idx %arg16[%add3A_949, %and3A_1098], %gather3A_1100 : memref<256x32xf32, #tpu.memory_space<vmem>>[vector<16xi32>, vector<16xi32>], vector<16xf32>,
        %add3A_1101 = arith.constant 19 : i32
        %add3A_1102 = vector.broadcast %add3A_1101 : i32 to vector<16xi32>
        %add3A_1103 = arith.addi %iota3A, %add3A_1102 : vector<16xi32>
        %and3A_1104 = arith.constant 31 : i32
        %and3A_1105 = vector.broadcast %and3A_1104 : i32 to vector<16xi32>
        %and3A_1106 = arith.andi %add3A_1103, %and3A_1105 : vector<16xi32>
        %add3A_1107 = arith.addi %get3A_945, %and3A_1106 : vector<16xi32>
        %gather3A_1108 = tpu.vector_load_idx %arg14[%add3A_949, %add3A_1107] : memref<256x128xf32, #tpu.memory_space<vmem>>[vector<16xi32>, vector<16xi32>], vector<16xf32>,
        tpu.vector_store_idx %arg16[%add3A_949, %and3A_1106], %gather3A_1108 : memref<256x32xf32, #tpu.memory_space<vmem>>[vector<16xi32>, vector<16xi32>], vector<16xf32>,
        %add3A_1109 = arith.constant 20 : i32
        %add3A_1110 = vector.broadcast %add3A_1109 : i32 to vector<16xi32>
        %add3A_1111 = arith.addi %iota3A, %add3A_1110 : vector<16xi32>
        %and3A_1112 = arith.constant 31 : i32
        %and3A_1113 = vector.broadcast %and3A_1112 : i32 to vector<16xi32>
        %and3A_1114 = arith.andi %add3A_1111, %and3A_1113 : vector<16xi32>
        %add3A_1115 = arith.addi %get3A_945, %and3A_1114 : vector<16xi32>
        %gather3A_1116 = tpu.vector_load_idx %arg14[%add3A_949, %add3A_1115] : memref<256x128xf32, #tpu.memory_space<vmem>>[vector<16xi32>, vector<16xi32>], vector<16xf32>,
        tpu.vector_store_idx %arg16[%add3A_949, %and3A_1114], %gather3A_1116 : memref<256x32xf32, #tpu.memory_space<vmem>>[vector<16xi32>, vector<16xi32>], vector<16xf32>,
        %add3A_1117 = arith.constant 21 : i32
        %add3A_1118 = vector.broadcast %add3A_1117 : i32 to vector<16xi32>
        %add3A_1119 = arith.addi %iota3A, %add3A_1118 : vector<16xi32>
        %and3A_1120 = arith.constant 31 : i32
        %and3A_1121 = vector.broadcast %and3A_1120 : i32 to vector<16xi32>
        %and3A_1122 = arith.andi %add3A_1119, %and3A_1121 : vector<16xi32>
        %add3A_1123 = arith.addi %get3A_945, %and3A_1122 : vector<16xi32>
        %gather3A_1124 = tpu.vector_load_idx %arg14[%add3A_949, %add3A_1123] : memref<256x128xf32, #tpu.memory_space<vmem>>[vector<16xi32>, vector<16xi32>], vector<16xf32>,
        tpu.vector_store_idx %arg16[%add3A_949, %and3A_1122], %gather3A_1124 : memref<256x32xf32, #tpu.memory_space<vmem>>[vector<16xi32>, vector<16xi32>], vector<16xf32>,
        %add3A_1125 = arith.constant 22 : i32
        %add3A_1126 = vector.broadcast %add3A_1125 : i32 to vector<16xi32>
        %add3A_1127 = arith.addi %iota3A, %add3A_1126 : vector<16xi32>
        %and3A_1128 = arith.constant 31 : i32
        %and3A_1129 = vector.broadcast %and3A_1128 : i32 to vector<16xi32>
        %and3A_1130 = arith.andi %add3A_1127, %and3A_1129 : vector<16xi32>
        %add3A_1131 = arith.addi %get3A_945, %and3A_1130 : vector<16xi32>
        %gather3A_1132 = tpu.vector_load_idx %arg14[%add3A_949, %add3A_1131] : memref<256x128xf32, #tpu.memory_space<vmem>>[vector<16xi32>, vector<16xi32>], vector<16xf32>,
        tpu.vector_store_idx %arg16[%add3A_949, %and3A_1130], %gather3A_1132 : memref<256x32xf32, #tpu.memory_space<vmem>>[vector<16xi32>, vector<16xi32>], vector<16xf32>,
        %add3A_1133 = arith.constant 23 : i32
        %add3A_1134 = vector.broadcast %add3A_1133 : i32 to vector<16xi32>
        %add3A_1135 = arith.addi %iota3A, %add3A_1134 : vector<16xi32>
        %and3A_1136 = arith.constant 31 : i32
        %and3A_1137 = vector.broadcast %and3A_1136 : i32 to vector<16xi32>
        %and3A_1138 = arith.andi %add3A_1135, %and3A_1137 : vector<16xi32>
        %add3A_1139 = arith.addi %get3A_945, %and3A_1138 : vector<16xi32>
        %gather3A_1140 = tpu.vector_load_idx %arg14[%add3A_949, %add3A_1139] : memref<256x128xf32, #tpu.memory_space<vmem>>[vector<16xi32>, vector<16xi32>], vector<16xf32>,
        tpu.vector_store_idx %arg16[%add3A_949, %and3A_1138], %gather3A_1140 : memref<256x32xf32, #tpu.memory_space<vmem>>[vector<16xi32>, vector<16xi32>], vector<16xf32>,
        %add3A_1141 = arith.constant 24 : i32
        %add3A_1142 = vector.broadcast %add3A_1141 : i32 to vector<16xi32>
        %add3A_1143 = arith.addi %iota3A, %add3A_1142 : vector<16xi32>
        %and3A_1144 = arith.constant 31 : i32
        %and3A_1145 = vector.broadcast %and3A_1144 : i32 to vector<16xi32>
        %and3A_1146 = arith.andi %add3A_1143, %and3A_1145 : vector<16xi32>
        %add3A_1147 = arith.addi %get3A_945, %and3A_1146 : vector<16xi32>
        %gather3A_1148 = tpu.vector_load_idx %arg14[%add3A_949, %add3A_1147] : memref<256x128xf32, #tpu.memory_space<vmem>>[vector<16xi32>, vector<16xi32>], vector<16xf32>,
        tpu.vector_store_idx %arg16[%add3A_949, %and3A_1146], %gather3A_1148 : memref<256x32xf32, #tpu.memory_space<vmem>>[vector<16xi32>, vector<16xi32>], vector<16xf32>,
        %add3A_1149 = arith.constant 25 : i32
        %add3A_1150 = vector.broadcast %add3A_1149 : i32 to vector<16xi32>
        %add3A_1151 = arith.addi %iota3A, %add3A_1150 : vector<16xi32>
        %and3A_1152 = arith.constant 31 : i32
        %and3A_1153 = vector.broadcast %and3A_1152 : i32 to vector<16xi32>
        %and3A_1154 = arith.andi %add3A_1151, %and3A_1153 : vector<16xi32>
        %add3A_1155 = arith.addi %get3A_945, %and3A_1154 : vector<16xi32>
        %gather3A_1156 = tpu.vector_load_idx %arg14[%add3A_949, %add3A_1155] : memref<256x128xf32, #tpu.memory_space<vmem>>[vector<16xi32>, vector<16xi32>], vector<16xf32>,
        tpu.vector_store_idx %arg16[%add3A_949, %and3A_1154], %gather3A_1156 : memref<256x32xf32, #tpu.memory_space<vmem>>[vector<16xi32>, vector<16xi32>], vector<16xf32>,
        %add3A_1157 = arith.constant 26 : i32
        %add3A_1158 = vector.broadcast %add3A_1157 : i32 to vector<16xi32>
        %add3A_1159 = arith.addi %iota3A, %add3A_1158 : vector<16xi32>
        %and3A_1160 = arith.constant 31 : i32
        %and3A_1161 = vector.broadcast %and3A_1160 : i32 to vector<16xi32>
        %and3A_1162 = arith.andi %add3A_1159, %and3A_1161 : vector<16xi32>
        %add3A_1163 = arith.addi %get3A_945, %and3A_1162 : vector<16xi32>
        %gather3A_1164 = tpu.vector_load_idx %arg14[%add3A_949, %add3A_1163] : memref<256x128xf32, #tpu.memory_space<vmem>>[vector<16xi32>, vector<16xi32>], vector<16xf32>,
        tpu.vector_store_idx %arg16[%add3A_949, %and3A_1162], %gather3A_1164 : memref<256x32xf32, #tpu.memory_space<vmem>>[vector<16xi32>, vector<16xi32>], vector<16xf32>,
        %add3A_1165 = arith.constant 27 : i32
        %add3A_1166 = vector.broadcast %add3A_1165 : i32 to vector<16xi32>
        %add3A_1167 = arith.addi %iota3A, %add3A_1166 : vector<16xi32>
        %and3A_1168 = arith.constant 31 : i32
        %and3A_1169 = vector.broadcast %and3A_1168 : i32 to vector<16xi32>
        %and3A_1170 = arith.andi %add3A_1167, %and3A_1169 : vector<16xi32>
        %add3A_1171 = arith.addi %get3A_945, %and3A_1170 : vector<16xi32>
        %gather3A_1172 = tpu.vector_load_idx %arg14[%add3A_949, %add3A_1171] : memref<256x128xf32, #tpu.memory_space<vmem>>[vector<16xi32>, vector<16xi32>], vector<16xf32>,
        tpu.vector_store_idx %arg16[%add3A_949, %and3A_1170], %gather3A_1172 : memref<256x32xf32, #tpu.memory_space<vmem>>[vector<16xi32>, vector<16xi32>], vector<16xf32>,
        %add3A_1173 = arith.constant 28 : i32
        %add3A_1174 = vector.broadcast %add3A_1173 : i32 to vector<16xi32>
        %add3A_1175 = arith.addi %iota3A, %add3A_1174 : vector<16xi32>
        %and3A_1176 = arith.constant 31 : i32
        %and3A_1177 = vector.broadcast %and3A_1176 : i32 to vector<16xi32>
        %and3A_1178 = arith.andi %add3A_1175, %and3A_1177 : vector<16xi32>
        %add3A_1179 = arith.addi %get3A_945, %and3A_1178 : vector<16xi32>
        %gather3A_1180 = tpu.vector_load_idx %arg14[%add3A_949, %add3A_1179] : memref<256x128xf32, #tpu.memory_space<vmem>>[vector<16xi32>, vector<16xi32>], vector<16xf32>,
        tpu.vector_store_idx %arg16[%add3A_949, %and3A_1178], %gather3A_1180 : memref<256x32xf32, #tpu.memory_space<vmem>>[vector<16xi32>, vector<16xi32>], vector<16xf32>,
        %add3A_1181 = arith.constant 29 : i32
        %add3A_1182 = vector.broadcast %add3A_1181 : i32 to vector<16xi32>
        %add3A_1183 = arith.addi %iota3A, %add3A_1182 : vector<16xi32>
        %and3A_1184 = arith.constant 31 : i32
        %and3A_1185 = vector.broadcast %and3A_1184 : i32 to vector<16xi32>
        %and3A_1186 = arith.andi %add3A_1183, %and3A_1185 : vector<16xi32>
        %add3A_1187 = arith.addi %get3A_945, %and3A_1186 : vector<16xi32>
        %gather3A_1188 = tpu.vector_load_idx %arg14[%add3A_949, %add3A_1187] : memref<256x128xf32, #tpu.memory_space<vmem>>[vector<16xi32>, vector<16xi32>], vector<16xf32>,
        tpu.vector_store_idx %arg16[%add3A_949, %and3A_1186], %gather3A_1188 : memref<256x32xf32, #tpu.memory_space<vmem>>[vector<16xi32>, vector<16xi32>], vector<16xf32>,
        %add3A_1189 = arith.constant 30 : i32
        %add3A_1190 = vector.broadcast %add3A_1189 : i32 to vector<16xi32>
        %add3A_1191 = arith.addi %iota3A, %add3A_1190 : vector<16xi32>
        %and3A_1192 = arith.constant 31 : i32
        %and3A_1193 = vector.broadcast %and3A_1192 : i32 to vector<16xi32>
        %and3A_1194 = arith.andi %add3A_1191, %and3A_1193 : vector<16xi32>
        %add3A_1195 = arith.addi %get3A_945, %and3A_1194 : vector<16xi32>
        %gather3A_1196 = tpu.vector_load_idx %arg14[%add3A_949, %add3A_1195] : memref<256x128xf32, #tpu.memory_space<vmem>>[vector<16xi32>, vector<16xi32>], vector<16xf32>,
        tpu.vector_store_idx %arg16[%add3A_949, %and3A_1194], %gather3A_1196 : memref<256x32xf32, #tpu.memory_space<vmem>>[vector<16xi32>, vector<16xi32>], vector<16xf32>,
        %add3A_1197 = arith.constant 31 : i32
        %add3A_1198 = vector.broadcast %add3A_1197 : i32 to vector<16xi32>
        %add3A_1199 = arith.addi %iota3A, %add3A_1198 : vector<16xi32>
        %and3A_1200 = arith.constant 31 : i32
        %and3A_1201 = vector.broadcast %and3A_1200 : i32 to vector<16xi32>
        %and3A_1202 = arith.andi %add3A_1199, %and3A_1201 : vector<16xi32>
        %add3A_1203 = arith.addi %get3A_945, %and3A_1202 : vector<16xi32>
        %gather3A_1204 = tpu.vector_load_idx %arg14[%add3A_949, %add3A_1203] : memref<256x128xf32, #tpu.memory_space<vmem>>[vector<16xi32>, vector<16xi32>], vector<16xf32>,
        tpu.vector_store_idx %arg16[%add3A_949, %and3A_1202], %gather3A_1204 : memref<256x32xf32, #tpu.memory_space<vmem>>[vector<16xi32>, vector<16xi32>], vector<16xf32>,
        %scan3A_1205 = arith.constant 0 : i32
        scf.yield %scan3A_1205 : i32
      }
      %scan3A_885 = arith.constant 16 : i32
      %dma_start3A_886 = arith.constant 0 : i32
      %dma_start3A_887 = arith.constant 0 : i32
      %dma_start3A_888 = arith.constant 0 : i32
      %dma_start3A_889 = tpu.memref_slice %arg16[%dma_start3A_887, %dma_start3A_888] : memref<256x32xf32, #tpu.memory_space<vmem>> -> memref<128x32xf32, #tpu.memory_space<vmem>>
      %dma_start3A_890 = arith.constant 0 : i32
      %dma_start3A_891 = tpu.memref_slice %arg12[%dma_start3A_886, %dma_start3A_890] : memref<2x128xi32, #tpu.memory_space<vmem>> -> memref<1x128xi32, #tpu.memory_space<vmem>>
      %dma_start3A_892 = tpu.memref_squeeze %dma_start3A_891 : memref<1x128xi32, #tpu.memory_space<vmem>> -> memref<128xi32, #tpu.memory_space<vmem>>
      %dma_start3A_893 = arith.constant 0 : i32
      %dma_start3A_894 = arith.constant 0 : i32
      %dma_start3A_895 = tpu.memref_slice %arg4[%dma_start3A_893, %dma_start3A_894] : memref<6815744x32xf32, #tpu.memory_space<hbm>> -> memref<6815744x32xf32, #tpu.memory_space<hbm>>
      tpu.enqueue_indirect_dma source(%dma_start3A_889 : memref<128x32xf32, #tpu.memory_space<vmem>>) target(%dma_start3A_895 : memref<6815744x32xf32, #tpu.memory_space<hbm>>) offsets(%dma_start3A_892 : memref<128xi32, #tpu.memory_space<vmem>>) semaphore(%arg22 : memref<!tpu.dma_semaphore, #tpu.memory_space<semaphore_mem>>)
      %dma_start3A_896 = arith.constant 1 : i32
      %dma_start3A_897 = arith.constant 128 : i32
      %dma_start3A_898 = arith.constant 0 : i32
      %dma_start3A_899 = tpu.memref_slice %arg16[%dma_start3A_897, %dma_start3A_898] : memref<256x32xf32, #tpu.memory_space<vmem>> -> memref<128x32xf32, #tpu.memory_space<vmem>>
      %dma_start3A_900 = arith.constant 0 : i32
      %dma_start3A_901 = tpu.memref_slice %arg12[%dma_start3A_896, %dma_start3A_900] : memref<2x128xi32, #tpu.memory_space<vmem>> -> memref<1x128xi32, #tpu.memory_space<vmem>>
      %dma_start3A_902 = tpu.memref_squeeze %dma_start3A_901 : memref<1x128xi32, #tpu.memory_space<vmem>> -> memref<128xi32, #tpu.memory_space<vmem>>
      %dma_start3A_903 = arith.constant 0 : i32
      %dma_start3A_904 = arith.constant 0 : i32
      %dma_start3A_905 = tpu.memref_slice %arg4[%dma_start3A_903, %dma_start3A_904] : memref<6815744x32xf32, #tpu.memory_space<hbm>> -> memref<6815744x32xf32, #tpu.memory_space<hbm>>
      tpu.enqueue_indirect_dma source(%dma_start3A_899 : memref<128x32xf32, #tpu.memory_space<vmem>>) target(%dma_start3A_905 : memref<6815744x32xf32, #tpu.memory_space<hbm>>) offsets(%dma_start3A_902 : memref<128xi32, #tpu.memory_space<vmem>>) semaphore(%arg22 : memref<!tpu.dma_semaphore, #tpu.memory_space<semaphore_mem>>)
      %scan3A_906 = arith.constant 0 : i32
      scf.yield %scan3A_906 : i32
    }
    %scan3A_782 = arith.constant 100 : i32
    %dma_wait3A_783 = arith.constant 0 : i32
    %dma_wait3A_784 = arith.constant 0 : i32
    %dma_wait3A_785 = tpu.memref_slice %arg4[%dma_wait3A_783, %dma_wait3A_784] : memref<6815744x32xf32, #tpu.memory_space<hbm>> -> memref<256x32xf32, #tpu.memory_space<hbm>>
    %dma_wait3A_786 = arith.constant 0 : i32
    %dma_wait3A_787 = arith.constant 0 : i32
    %dma_wait3A_788 = tpu.memref_slice %arg4[%dma_wait3A_786, %dma_wait3A_787] : memref<6815744x32xf32, #tpu.memory_space<hbm>> -> memref<256x32xf32, #tpu.memory_space<hbm>>
    tpu.wait_dma2 semaphore(%arg21 : memref<!tpu.dma_semaphore, #tpu.memory_space<semaphore_mem>>) src(%arg15 : memref<256x32xf32, #tpu.memory_space<vmem>>) dst(%dma_wait3A_788 : memref<256x32xf32, #tpu.memory_space<hbm>>)
    %dma_wait3A_789 = arith.constant 0 : i32
    %dma_wait3A_790 = arith.constant 0 : i32
    %dma_wait3A_791 = tpu.memref_slice %arg4[%dma_wait3A_789, %dma_wait3A_790] : memref<6815744x32xf32, #tpu.memory_space<hbm>> -> memref<256x32xf32, #tpu.memory_space<hbm>>
    %dma_wait3A_792 = arith.constant 0 : i32
    %dma_wait3A_793 = arith.constant 0 : i32
    %dma_wait3A_794 = tpu.memref_slice %arg4[%dma_wait3A_792, %dma_wait3A_793] : memref<6815744x32xf32, #tpu.memory_space<hbm>> -> memref<256x32xf32, #tpu.memory_space<hbm>>
    tpu.wait_dma2 semaphore(%arg22 : memref<!tpu.dma_semaphore, #tpu.memory_space<semaphore_mem>>) src(%arg16 : memref<256x32xf32, #tpu.memory_space<vmem>>) dst(%dma_wait3A_794 : memref<256x32xf32, #tpu.memory_space<hbm>>)
    return
  }
}

</mosaic_0001>

<sc_bundles>
// kernel: kernel.3.cloned.1.call-start
scs
__scs_entry_jumppad:
0x0: {  	(pc) =	sbr.rel $0x88, $3  }
0x1: {  	(tag) =	ssettag $0x0;
	lr =	simm.s32 $0x1  }
0x2: {  	[smem:$0x3F9F] =	sst lr;
	_ =	strace $0xD0000000  }
0x3: {  	_ = 	snop  }
0x4: {  	_ = 	snop  }
0x5: {  	_ = 	snop  }
0x6: {  	_ = 	snop  }
0x7: {  	_ = 	snop  }
__scs_overlays_trampoline_lowered:
0x8: {  	[smem:$0x3FAE] =	sst s0  }
0x9: {  	[smem:$0x3FAF] =	sst s1  }
0xa: {  	[smem:$0x3FB0] =	sst s2  }
0xb: {  	[smem:$0x3FB1] =	sst s3  }
0xc: {  	[smem:$0x3FB2] =	sst s4  }
0xd: {  	[smem:$0x3FB3] =	sst s5  }
0xe: {  	[smem:$0x3FB4] =	sst s6  }
0xf: {  	[smem:$0x3FB5] =	sst s7  }
0x10: {  	[smem:$0x3FB6] =	sst s8  }
0x11: {  	[smem:$0x3FB7] =	sst s9;
	s0 =	simm.s32 @!p0 $0x0  }
0x12: {  	s1 =	sld [smem:$0x3F9D];
	s0 =	simm.s32 @p0 $0x1  }
0x13: {  	[smem:$0x3FB8] =	sst s0;
	s0 =	simm.s32 @!p1 $0x0  }
0x14: {  	s2 =	sld [smem:$0x3F9C];
	s0 =	simm.s32 @p1 $0x1  }
0x15: {  	[smem:$0x3FB9] =	sst s0;
	s0 =	simm.s32 @!p2 $0x0  }
0x16: {  	s3 =	sld [smem:$0x3FDB];
	s0 =	simm.s32 @p2 $0x1  }
0x17: {  	s4 =	simm.s32 $0x1BF5;
	[smem:$0x3FBB] =	sst s0  }
0x18: {  	s0 =	sld [smem:$0x3F9E];
	_ =	swait.ge [sflag:s4], $0x0  }
0x19: {  	s7 =	sld [smem:$0x3F9F]  }
0x1a: {  	s8 =	sadd.s32 $0xFFFFE003, lr  }
0x1b: {  	s9 =	sadd.s32 $0xFFFFFEF7, lr;
	s5 =	simm.s32 $0xFFFFFFFF;
	p2 =	slt.u32 s8, $0xFFFFF086  }
0x1c: {  	p1 =	slt.u32 s9, $0xF7A;
	s5 =	simm.s32 @!p2 $0x0  }
0x1d: {  	s5 =	simm.s32 @p1 $0x1;
	p0 =	seq.s32 s7, s2  }
0x1e: {  	s7 =	smul.u32 @!p0 $0xF7A, s2;
	p2 =	seq.s32 @!p0 s5, $0x0  }
0x1f: {  	s9 =	smul.u32 $0xF7A, s1;
	s8 =	simm.s32 @!p0 $0x1BF5;
	p2 =	por !p2, p0  }
0x20: {  	[sflag:s8] =	ssyncset.s32 @!p0 $0xFFFFF086;
	s6 =	sadd.s32 @!p0 s3, s7;
	s7 =	simm.s32 @!p0 $0x108  }
0x21: {  	s3 =	sadd.s32 s3, s9;
	s6 =	sadd.s32 @!p0 $0x88, s6;
	s7 =	simm.s32 @p2 $0x1082  }
0x22: {  	[simem:s7], [sflag:s8] =	dma.local @!p0 [hbm:s6], $0xF7A  }
0x23: {  	s9 =	sor.u32 $0xD0000000, s2;
	s6 =	simm.s32 $0x108;
	_ =	swait.ge @!p0 [sflag:s8], $0x0  }
0x24: {  	s3 =	sadd.s32 $0x88, s3;
	s6 =	simm.s32 @!p1 $0x1082;
	[sflag:s4] =	ssyncset.s32 $0xFFFFF086  }
0x25: {  	[simem:s6], [sflag:s4] =	dma.local [hbm:s3], $0xF7A  }
0x26: {  	[smem:$0x3F9F] =	sst s1;
	(tag) =	ssettag s2;
	_ =	strace s9  }
0x27: {  	s1 =	sld [smem:$0x3FAF]  }
0x28: {  	s2 =	sld [smem:$0x3FB0]  }
0x29: {  	s4 =	sld [smem:$0x3FB2]  }
0x2a: {  	p0 =	seq.s32 s5, $0x0;
	s5 =	sld [smem:$0x3FB3]  }
0x2b: {  	s6 =	sld [smem:$0x3FB4]  }
0x2c: {  	s7 =	sld [smem:$0x3FB5]  }
0x2d: {  	s3 =	simm.s32 $0x108;
	s8 =	sld [smem:$0x3FB6]  }
0x2e: {  	s3 =	simm.s32 @!p0 $0x1082;
	s9 =	sld [smem:$0x3FB7]  }
0x2f: {  	lr =	sadd.s32 s0, s3;
	s0 =	sld [smem:$0x3FAE]  }
0x30: {  	s3 =	sld [smem:$0x3FB1]  }
0x31: {  	[smem:$0x3FBA] =	sst s10  }
0x32: {  	s10 =	sld [smem:$0x3FB8];
	_ =	sdelay $0x3  }
0x33: {  	p0 =	seq.s32 s10, $0x1;
	s10 =	sld [smem:$0x3FBA];
	_ =	sdelay $0x3  }
0x34: {  	[smem:$0x3FBA] =	sst s10  }
0x35: {  	s10 =	sld [smem:$0x3FB9];
	_ =	sdelay $0x3  }
0x36: {  	p1 =	seq.s32 s10, $0x1;
	s10 =	sld [smem:$0x3FBA];
	_ =	sdelay $0x3  }
0x37: {  	[smem:$0x3FBA] =	sst s10  }
0x38: {  	s10 =	sld [smem:$0x3FBB]  }
0x39: {  	_ = 	snop;
	(pc) =	sbr.ind lr, $3  }
0x3a: {  	_ = 	snop  }
0x3b: {  	_ = 	snop  }
0x3c: {  	p2 =	seq.s32 s10, $0x1;
	s10 =	sld [smem:$0x3FBA]  }
0x3d: {  	_ =	shalt  }
0x3e: {  	_ =	shalt  }
0x3f: {  	_ =	shalt  }
0x40: {  	_ =	shalt  }
0x41: {  	_ =	shalt  }
0x42: {  	_ =	shalt  }
0x43: {  	_ =	shalt  }
0x44: {  	_ =	shalt  }
0x45: {  	_ =	shalt  }
0x46: {  	_ =	shalt  }
0x47: {  	_ =	shalt  }
0x48: {  	_ =	shalt  }
0x49: {  	_ =	shalt  }
0x4a: {  	_ =	shalt  }
0x4b: {  	_ =	shalt  }
0x4c: {  	_ =	shalt  }
0x4d: {  	_ =	shalt  }
0x4e: {  	_ =	shalt  }
0x4f: {  	_ =	shalt  }
0x50: {  	_ =	shalt  }
0x51: {  	_ =	shalt  }
0x52: {  	_ =	shalt  }
0x53: {  	_ =	shalt  }
0x54: {  	_ =	shalt  }
0x55: {  	_ =	shalt  }
0x56: {  	_ =	shalt  }
0x57: {  	_ =	shalt  }
0x58: {  	_ =	shalt  }
0x59: {  	_ =	shalt  }
0x5a: {  	_ =	shalt  }
0x5b: {  	_ =	shalt  }
0x5c: {  	_ =	shalt  }
0x5d: {  	_ =	shalt  }
0x5e: {  	_ =	shalt  }
0x5f: {  	_ =	shalt  }
0x60: {  	_ =	shalt  }
0x61: {  	_ =	shalt  }
0x62: {  	_ =	shalt  }
0x63: {  	_ =	shalt  }
0x64: {  	_ =	shalt  }
0x65: {  	_ =	shalt  }
0x66: {  	_ =	shalt  }
0x67: {  	_ =	shalt  }
0x68: {  	_ =	shalt  }
0x69: {  	_ =	shalt  }
0x6a: {  	_ =	shalt  }
0x6b: {  	_ =	shalt  }
0x6c: {  	_ =	shalt  }
0x6d: {  	_ =	shalt  }
0x6e: {  	_ =	shalt  }
0x6f: {  	_ =	shalt  }
0x70: {  	_ =	shalt  }
0x71: {  	_ =	shalt  }
0x72: {  	_ =	shalt  }
0x73: {  	_ =	shalt  }
0x74: {  	_ =	shalt  }
0x75: {  	_ =	shalt  }
0x76: {  	_ =	shalt  }
0x77: {  	_ =	shalt  }
0x78: {  	_ =	shalt  }
0x79: {  	_ =	shalt  }
0x7a: {  	_ =	shalt  }
0x7b: {  	_ =	shalt  }
0x7c: {  	_ =	shalt  }
0x7d: {  	_ =	shalt  }
0x7e: {  	_ =	shalt  }
0x7f: {  	_ =	shalt  }
0x80: {  	_ =	shalt  }
0x81: {  	_ =	shalt  }
0x82: {  	_ =	shalt  }
0x83: {  	_ =	shalt  }
0x84: {  	_ =	shalt  }
0x85: {  	_ =	shalt  }
0x86: {  	_ =	shalt  }
0x87: {  	_ =	shalt  }
.Lfunc_end0:
.L_simem_size_0:
called_computation.1_lowered:
.L_overlay_start_0:
0x88: {  	s2 =	sld [smem:$0x3FD9]  }
0x89: {  	s3 =	sld [smem:$0x3FFE];
	_ =	sdelay $0x1  }
0x8a: {  	s1 =	srdreg.scid  }
0x8b: {  	s0 =	sand.u32 $0x1, s1  }
0x8c: {  	s17 =	sshll.u32 s0, $0xA;
	s2 =	sadd.s32 s3, s2  }
0x8d: {  	s2 =	sadd.s32 s2, s17  }
0x8e: {  	[smem:$0x3FC6] =	sst s2  }
0x8f: {  	_ = 	snop  }
0x90: {  	s2 =	sld [smem:$0x3FD0];
	(tm) =	ssettm $0x1  }
0x91: {  	s18 =	sld [smem:$0x3FFB];
	_ =	sdelay $0x3  }
0x92: {  	_ =	strace s18  }
0x93: {  	s3 =	sld [smem:$0x3FFC];
	_ =	sdelay $0x3  }
0x94: {  	_ =	strace s3  }
0x95: {  	s3 =	sld [smem:$0x3FFD];
	_ =	sdelay $0x3  }
0x96: {  	_ =	strace s3  }
0x97: {  	_ =	strace $0x8FFFFFFF  }
0x98: {  	s19 =	sld [smem:$0x3FDB];
	_ =	sdelay $0x1  }
0x99: {  	s4 =	simm.s32 $_scs_section_size  }
0x9a: {  	s5 =	simm.s32 $_size__tile_overlayer_lowered;
	s6 =	simm.s32 $_tile_overlayer_lowered  }
0x9b: {  	s22 =	simm.s32 $0x1BFF;
	s21 =	sshll.u32 s6, $0x1;
	s3 =	sadd.s32 s4, s19  }
0x9c: {  	s7 =	simm.s32 $0x0;
	s20 =	sshll.u32 s5, $0x1;
	s5 =	sadd.s32 s21, s3  }
0x9d: {  	[timem:s7], [sflag:s22] =	dma.local [hbm:s5], s20  }
0x9e: {  	_ =	swait.ge [sflag:s22], s20  }
0x9f: {  	s4 =	ssub.s32 $0x0, s20;
	[sflag:s22] =	ssyncset.done $0x0  }
0xa0: {  	[sflag:s22] =	ssyncadd.s32 s4;
	_ =	sdelay $0x1  }
0xa1: {  	s23 =	simm.s32 $0x1B8B  }
0xa2: {  	_ =	swait.ge [sflag:s23], $0x1  }
0xa3: {  	[sflag:s23] =	ssyncset.done $0x0  }
0xa4: {  	s25 =	simm.s32 $0x1B8E;
	s24 =	sld [smem:$0x3FFE];
	[sflag:s23] =	ssyncadd.s32 $0xFFFFFFFF  }
0xa5: {  	s26 =	simm.s32 $execute0_lowered;
	[smem:$0x3FD2] =	sst s25  }
0xa6: {  	s5 =	sshll.u32 s26, $0x1;
	_ =	strace $0x80000046;
	[dreg:$0x1] =	wrdreg $0xFFFFFFFF  }
0xa7: {  	s28 =	simm.s32 $_size_execute0_lowered;
	s3 =	sadd.s32 s3, s5;
	[dreg:$0x0] =	wrdreg $0x0  }
0xa8: {  	s5 =	sshll.u32 s28, $0x1;
	[dreg:$0x2] =	wrdreg s3  }
0xa9: {  	[dreg:$0x3] =	wrdreg s5  }
0xaa: {  	[dreg:$0x4] =	wrdreg $0xC0  }
0xab: {  	_ =	task [dreg:s7], $0x5FFFF  }
0xac: {  	[dreg:$0x1] =	wrdreg $0xFFFFFFFF  }
0xad: {  	[dreg:$0x0] =	wrdreg $0x60  }
0xae: {  	[dreg:$0x2] =	wrdreg s24  }
0xaf: {  	[dreg:$0x3] =	wrdreg s2  }
0xb0: {  	[dreg:$0x4] =	wrdreg $0x9  }
0xb1: {  	_ =	task.clear_ibuf [dreg:s7], $0x5FFFF;
	_ =	strace $0x90000046  }
0xb2: {  	s29 =	simm.s32 $0x9;
	_ =	strace $0x80000048  }
0xb3: {  	_ =	swait.ge [sflag:s29], $0x1  }
0xb4: {  	[sflag:s29] =	ssyncadd.s32 $0xFFFFFFFF  }
0xb5: {  	_ =	strace $0x90000048  }
0xb6: {  	_ =	sfence  }
0xb7: {  	s30 =	sld [smem:$0x0];
	_ =	sdelay $0x2  }
0xb8: {  	s31 =	sshll.u32 s1, $0xD;
	s1 =	sshrl.u32 s1, $0x2  }
0xb9: {  	s3 =	sand.u32 $0x4000, s31;
	s1 =	sadd.s32 s1, s30  }
0xba: {  	s0 =	sor.u32 s3, s0;
	s1 =	sshll.u32 s1, $0x11  }
0xbb: {  	s0 =	sor.u32 s1, s0  }
0xbc: {  	s0 =	sadd.s32 $0x8F2B, s0  }
0xbd: {  	[sflag:s0] =	ssyncadd.remote.s32 $0x1  }
0xbe: {  	_ =	sfence.sel $0xFFFF  }
0xbf: {  	[dreg:$0x0] =	wrdreg $0xFFFFFFFF;
	(pc) =	sbr.abs _section_cstart, $3  }
0xc0: {  	[dreg:$0x1] =	wrdreg $0xFFFFFFFF  }
0xc1: {  	_ =	task.clear_ibuf [dreg:s7], $0x2FFFF;
	_ =	strace $0x9FFFFFFF  }
0xc2: {  	(tm) =	ssettm $0x7FFFFFFF  }
0xc3: {  	_ =	shalt  }
tec
execute0_lowered:
.L_overlay_start_1:
0x0: {  	(tag) =	ssettag $0x1  }
0x1: {  	v22 =	vlaneseq.u32  }
0x2: {  	v50 =	vimm.s32 $0x1CC;
	vm0 =	vcmask $0x300;
	vm1 =	vcmask $0x704  }
0x3: {  	vm2 =	vcmask $0xB08;
	vm3 =	vcmask $0xF0C;
	vm4 =	vcmask $0x1310  }
0x4: {  	v53 =	vimm.s32 $0x35C;
	vm5 =	vcmask $0x1714;
	vm14 =	vcmask $0x2B28  }
0x5: {  	s0 =	srdreg.scid;
	s2 =	stileid.u32;
	vm15 =	vcmask $0x2F2C;
	v34 =	vimm.s32 $0x19181716;
	v0 =	vmul.u32 $0x4, v22  }
0x6: {  	s1 =	sand.u32 $0x1, s0;
	s23 =	sshll.u32 s2, $0x1;
	v51 =	vsel vm0, $0x180, v50;
	v63 =	vadd.s32 $0x5, v22;
	v24 =	vadd.s32 $0x6, v22  }
0x7: {  	v25 =	vadd.s32 $0x8, v22;
	v28 =	vadd.s32 $0xC, v22;
	v29 =	vadd.s32 $0xD, v22;
	s0 =	sor.u32 s1, s23  }
0x8: {  	v4 =	vunpack.c.0.s8.s32 v34;
	s24 =	smul.u32 $0x34000, s0;
	v46 =	vor.u32 $0x40, v0;
	v2 =	vor.u32 $0x80, v0  }
0x9: {  	v3 =	vor.u32 $0xC0, v0;
	v49 =	vor.u32 $0x100, v0;
	v52 =	vor.u32 $0x140, v0  }
0xa: {  	v56 =	vadd.s32 $0x210, v0;
	v58 =	vadd.s32 $0x290, v0;
	v1 =	vmov s24  }
0xb: {  	v60 =	vadd.s32 $0x360, v0;
	v47 =	vor.u32 s24, v2;
	v2 =	vor.u32 s24, v52;
	[tilespmem:$0x1FC70] =	vst v1  }
0xc: {  	v61 =	vadd.s32 $0x3A0, v0;
	v45 =	vor.u32 s24, v0;
	v1 =	vor.u32 s24, v46;
	[tilespmem:$0x1FCD0] =	vst v2  }
0xd: {  	v48 =	vor.u32 s24, v3;
	v3 =	vadd.s32 $0x1D0, v0;
	[tilespmem:$0x1FC90] =	vst v1;
	v1 =	vor.u32 s24, v49  }
0xe: {  	v62 =	vor.u32 s24, v61;
	v2 =	vsel vm0, $0x310, v53;
	[tilespmem:$0x1FCC0] =	vst v1;
	v1 =	vsel vm1, $0x184, v51  }
0xf: {  	[tilespmem:$0x1FD80] =	vst v63;
	vm0 =	vcmask $0x1B18;
	v54 =	vor.u32 s24, v3;
	v1 =	vsel vm2, $0x188, v1  }
0x10: {  	[tilespmem:$0x1FD90] =	vst v24;
	v3 =	vadd.s32 $0x250, v0;
	v2 =	vsel vm1, $0x314, v2;
	v1 =	vsel vm3, $0x18C, v1  }
0x11: {  	[tilespmem:$0x1FDA0] =	vst v25;
	v57 =	vor.u32 s24, v3;
	v3 =	vadd.s32 $0x2D0, v0;
	v1 =	vsel vm4, $0x1A0, v1  }
0x12: {  	[tilespmem:$0x1FDB0] =	vst v28;
	v0 =	vadd.s32 $0x3E0, v0;
	vm1 =	vcmask $0x1F1C;
	v1 =	vsel vm5, $0x1A4, v1  }
0x13: {  	[tilespmem:$0x1FDC0] =	vst v29;
	v2 =	vsel vm2, $0x318, v2;
	v59 =	vor.u32 s24, v3;
	v1 =	vsel vm0, $0x1A8, v1  }
0x14: {  	[tilespmem:$0x1FE00] =	vst v4;
	vm2 =	vcmask $0x2320;
	v2 =	vsel vm3, $0x31C, v2;
	v1 =	vsel vm1, $0x1AC, v1  }
0x15: {  	[tilespmem:$0x1FC80] =	vst v45;
	vm3 =	vcmask $0x2724;
	v2 =	vsel vm4, $0x320, v2;
	v1 =	vsel vm2, $0x1B0, v1  }
0x16: {  	[tilespmem:$0x1FCA0] =	vst v47;
	v0 =	vor.u32 s24, v0;
	v2 =	vsel vm5, $0x324, v2;
	v1 =	vsel vm3, $0x1B4, v1  }
0x17: {  	[tilespmem:$0x1FCB0] =	vst v48;
	v3 =	vimm.s32 $0x1D1C1B1A;
	v2 =	vsel vm0, $0x328, v2;
	v1 =	vsel vm14, $0x1B8, v1  }
0x18: {  	[tilespmem:$0x1FD60] =	vst v62;
	vm0 =	vcmask $0x3330;
	v2 =	vsel vm1, $0x32C, v2;
	v1 =	vsel vm15, $0x1BC, v1  }
0x19: {  	[tilespmem:$0x1FCF0] =	vst v54;
	vm1 =	vcmask $0x3734;
	v2 =	vsel vm2, $0x340, v2;
	v1 =	vsel vm0, $0x1C0, v1  }
0x1a: {  	[tilespmem:$0x1FD10] =	vst v57;
	vm2 =	vcmask $0x3B38;
	v2 =	vsel vm3, $0x344, v2;
	v1 =	vsel vm1, $0x1C4, v1  }
0x1b: {  	[tilespmem:$0x1FD30] =	vst v59;
	v37 =	vunpack.c.0.s8.s32 v3;
	v2 =	vsel vm14, $0x348, v2;
	v1 =	vsel vm2, $0x1C8, v1  }
0x1c: {  	[tilespmem:$0x1FD70] =	vst v0;
	v3 =	vimm.s32 $0x1B1A1918;
	v55 =	vsel vm15, $0x34C, v2;
	v1 =	vor.u32 s24, v1  }
0x1d: {  	v3 =	vunpack.c.0.s8.s32 v3;
	[tilespmem:$0x1FCE0] =	vst v1;
	v1 =	vsel vm0, $0x350, v55  }
0x1e: {  	v26 =	vimm.s32 $0x14131211;
	v27 =	vimm.s32 $0x18171615;
	[tilespmem:$0x1FE20] =	vst v37;
	v1 =	vsel vm1, $0x354, v1  }
0x1f: {  	v30 =	vimm.s32 $0x1C1B1A19;
	[tilespmem:$0x1FE60] =	vst v3;
	v2 =	vor.u32 s24, v56;
	v1 =	vsel vm2, $0x358, v1  }
0x20: {  	v31 =	vimm.s32 $0x1F1E1D;
	v32 =	vimm.s32 $0x15141312;
	[tilespmem:$0x1FD00] =	vst v2;
	v1 =	vor.u32 s24, v1  }
0x21: {  	v35 =	vimm.s32 $0x16151413;
	v36 =	vimm.s32 $0x1A191817;
	[tilespmem:$0x1FD40] =	vst v1;
	v1 =	vor.u32 s24, v60  }
0x22: {  	v0 =	vunpack.c.0.s8.s32 v26;
	v2 =	vor.u32 s24, v58;
	[tilespmem:$0x1FD50] =	vst v1;
	v1 =	vunpack.c.0.s8.s32 v27  }
0x23: {  	v39 =	vimm.s32 $0x1001F1E;
	v42 =	vimm.s32 $0x1E1D1C1B;
	[tilespmem:$0x1FD20] =	vst v2;
	vm0 =	vcmask $0x1F10  }
0x24: {  	v2 =	vunpack.c.0.s8.s32 v36;
	[tilespmem:$0x1FDD0] =	vst v1;
	v0 =	vsel vm0, v1, v0;
	v1 =	vunpack.c.0.s8.s32 v35  }
0x25: {  	v44 =	vimm.s32 $0x17161514;
	v33 =	vunpack.c.0.s8.s32 v32;
	[tilespmem:$0x1FDE0] =	vst v0;
	v0 =	vunpack.c.0.s8.s32 v30  }
0x26: {  	v8 =	vunpack.c.0.s8.s32 v31;
	[tilespmem:$0x1FE30] =	vst v2;
	v40 =	vsel vm0, v2, v1;
	v2 =	vunpack.c.0.s8.s32 v44  }
0x27: {  	v47 =	vimm.s32 $0x4030201;
	v1 =	vunpack.c.0.s8.s32 v42;
	[tilespmem:$0x1FDF0] =	vst v0;
	v0 =	vsel vm0, v4, v33  }
0x28: {  	[tilespmem:$0x1FE40] =	vst v40;
	v45 =	vsel vm0, v3, v2;
	v3 =	vimm.s32 $0x5040302;
	v2 =	vunpack.c.0.s8.s32 v47  }
0x29: {  	v9 =	vunpack.c.0.s8.s32 v39;
	[tilespmem:$0x1FE10] =	vst v0;
	v3 =	vunpack.c.0.s8.s32 v3  }
0x2a: {  	v41 =	vimm.s32 $0x3020100;
	v43 =	vimm.s32 $0x1F1E1D1C;
	[tilespmem:$0x1FE50] =	vst v1;
	v2 =	vsel vm0, v2, v8  }
0x2b: {  	s3 =	rddreg [dreg:$0x0];
	s4 =	simm.s32 $0x0;
	v5 =	vimm.s32 $0xB0A0908;
	v7 =	vunpack.c.0.s8.s32 v43;
	[tilespmem:$0x1FE70] =	vst v2;
	v52 =	vsel vm0, v3, v9  }
0x2c: {  	v6 =	vimm.s32 $0x54329876;
	v38 =	vadd.s32 $0x2, v22;
	v13 =	vadd.s32 $0x4, v22;
	[smem:$0x7FF] =	sst s4;
	[tilespmem:$0x1FE80] =	vst v52  }
0x2d: {  	v16 =	vadd.s32 $0xE, v22;
	s2 =	rddreg [dreg:$0x1];
	v5 =	vunpack.c.0.s8.s32 v5;
	v4 =	vimm.s32 $0x201001F;
	_ =	strace $0x80000047;
	[tilespmem:$0x1FE90] =	vst v7  }
0x2e: {  	v6 =	vunpack.c.l.s4.s8 v6;
	v61 =	vadd.s32 $0x3, v22;
	v10 =	vunpack.c.0.s8.s32 v4;
	[tilespmem:$0x1FEA0] =	vst v8  }
0x2f: {  	v46 =	vadd.s32 $0x1, v22;
	v48 =	vimm.s32 $0x6050403;
	v53 =	vimm.s32 $0x76543210;
	[tilespmem:$0x1FEC0] =	vst v9  }
0x30: {  	v49 =	vadd.s32 $0x9, v22;
	v57 =	vadd.s32 $0xA, v22;
	v58 =	vadd.s32 $0x7, v22;
	[tilespmem:$0x1FED0] =	vst v10  }
0x31: {  	v51 =	vadd.s32 $0xB, v22;
	v0 =	vunpack.c.0.s8.s32 v41;
	v4 =	vimm.s32 $0x32107654;
	[tilespmem:$0x1FF30] =	vst v58  }
0x32: {  	v56 =	vimm.s32 $0xA9876543;
	vm1 =	vcmask $0x3F30;
	v50 =	vunpack.c.l.s4.s8 v4;
	[tilespmem:$0x1FF40] =	vst v49  }
0x33: {  	vm2 =	vcmask $0x2F10;
	v4 =	vimm.s32 $0x87654321;
	v0 =	vsel vm0, v0, v7;
	[tilespmem:$0x1FF50] =	vst v57  }
0x34: {  	v4 =	vunpack.c.l.s4.s8 v4;
	v1 =	vunpack.c.0.s8.s32 v50;
	v3 =	vimm.s32 $0x43218765;
	[tilespmem:$0x1FF60] =	vst v46  }
0x35: {  	v17 =	vcombine.low v45, v0;
	v0 =	vunpack.c.0.s8.s32 v48;
	v3 =	vunpack.c.l.s4.s8 v3;
	[tilespmem:$0x1FF70] =	vst v38  }
0x36: {  	v2 =	vunpack.c.l.s4.s8 v53;
	v4 =	vunpack.c.0.s8.s32 v4;
	v1 =	vand.u32 $0xF, v1;
	[tilespmem:$0x1FF80] =	vst v61  }
0x37: {  	v0 =	vsel vm0, v0, v10;
	[tilespmem:$0x1FF90] =	vst v51;
	v3 =	vunpack.c.0.s8.s32 v3;
	v1 =	vsel vm2, v1, v7  }
0x38: {  	s14 =	simm.s32 $0x800;
	v59 =	vunpack.c.0.s8.s32 v2;
	[tilespmem:$0x1FFD0] =	vst v13;
	v11 =	vsel vm1, v5, v1;
	v5 =	vunpack.c.0.s8.s32 v6  }
0x39: {  	s11 =	simm.s32 $0x1;
	s12 =	simm.s32 $0x80;
	s18 =	simm.s32 $0x2;
	[tilespmem:$0x1FFE0] =	vst v16;
	v7 =	vimm.s32 $0xD0C0B0A;
	v6 =	vimm.s32 $0x6543A987;
	v54 =	vand.u32 $0xF, v3  }
0x3a: {  	s19 =	simm.s32 $0x3;
	s20 =	simm.s32 $0x300;
	s21 =	simm.s32 $0x8800;
	[tilespmem:$0x1FFF0] =	vst v17;
	v3 =	vimm.s32 $0xC0B0A09;
	v6 =	vunpack.c.l.s4.s8 v6;
	v5 =	vand.u32 $0xF, v5  }
0x3b: {  	s22 =	simm.s32 $0x380;
	s28 =	simm.s32 $0x11800;
	s29 =	simm.s32 $0x4;
	[tilespmem:$0x1FEE0] =	vst v0;
	v3 =	vunpack.c.0.s8.s32 v3;
	v55 =	vsel vm2, v5, v9;
	v5 =	vimm.s32 $0x98765432  }
0x3c: {  	s30 =	simm.s32 $0x12800;
	s31 =	simm.s32 $0x700;
	s10 =	simm.s32 $0x0;
	v60 =	vand.u32 $0xF, v4;
	[tilespmem:$0x1FEF0] =	vst v59;
	v1 =	vsel vm2, v54, v8;
	v5 =	vunpack.c.l.s4.s8 v5  }
0x3d: {  	s4 =	sadd.s32 $0x800, s3;
	s1 =	ssub.s32 $0x2, s1;
	s5 =	smul.u32 $0x1900, s0;
	v7 =	vunpack.c.0.s8.s32 v7;
	[tilespmem:$0x1FF00] =	vst v60;
	v1 =	vsel vm1, v3, v1;
	v3 =	vunpack.c.0.s8.s32 v6  }
0x3e: {  	s7 =	sadd.s32 $0x32800, s3;
	s8 =	sshrl.u32 s1, $0x1;
	s6 =	smul.u32 $0xC800, s0;
	v6 =	vimm.s32 $0xE0D0C0B;
	[tilespmem:$0x1FEB0] =	vst v1;
	v1 =	vunpack.c.l.s4.s8 v56;
	v5 =	vunpack.c.0.s8.s32 v5  }
0x3f: {  	s23 =	simm.s32 $0xC800;
	s25 =	ssub.s32 s1, s8;
	s1 =	simm.s32 $0x780;
	[tilespmem:$0x1FFB0] =	vst v11;
	v9 =	vsel vm1, v7, v55;
	v6 =	vunpack.c.0.s8.s32 v6;
	v3 =	vand.u32 $0xF, v3  }
0x40: {  	s8 =	simm.s32 $0x5;
	s5 =	sadd.s32 s4, s5;
	s9 =	sor.u32 $0x300, s6;
	[tilespmem:$0x1FFC0] =	vst v9;
	v3 =	vsel vm2, v3, v10;
	v1 =	vunpack.c.0.s8.s32 v1;
	v62 =	vand.u32 $0xF, v5  }
0x41: {  	s0 =	smax.u32 s25, $0x1;
	s26 =	sadd.s32 $0x20, s5;
	[dreg:$0x3] =	wrdreg s5;
	v4 =	vsel vm1, v6, v3;
	[tilespmem:$0x1FF10] =	vst v62  }
0x42: {  	s25 =	simm.s32 $0x600;
	s24 =	simm.s32 $0x10800;
	[dreg:$0x4] =	wrdreg s26;
	v63 =	vand.u32 $0xF, v1;
	[tilespmem:$0x1FFA0] =	vst v4  }
0x43: {  	[dreg:$0x5] =	wrdreg s0;
	s26 =	simm.s32 $0x680;
	s0 =	simm.s32 $0x13800;
	[tilespmem:$0x1FF20] =	vst v63  }
.LBB2_1:
0x44: {  	[dreg:$0x6] =	wrdreg s10  }
0x45: {  	s3 =	simm.s32 $0x0;
	s5 =	rddreg [dreg:$0x3]  }
0x46: {  	[tilespmem:s3], [sflag:$0x1] =	stream.linear.gather [hbm4b:s5+s3], $0x100, $0x38;
	[tilespmem:$0x14800] =	vst v63  }
0x47: {  	_ =	swait.ge [sflag:s11], $0x100  }
0x48: {  	v33 =	vld [tilespmem:$0x1FC80]  }
0x49: {  	[sflag:s11] =	ssyncset.done $0x0;
	v34 =	vld [tilespmem:$0x1FC90]  }
0x4a: {  	v36 =	vld [tilespmem:$0x1FCA0];
	[sflag:s11] =	ssyncadd.s32 $0xFFFFFF00  }
0x4b: {  	v0 =	vld [tilespmem:$0x0]  }
0x4c: {  	v1 =	vld [tilespmem:$0x10]  }
0x4d: {  	v2 =	vld [tilespmem:$0x20]  }
0x4e: {  	v41 =	vld [tilespmem:$0x40];
	[tilespmem:$0x600] =	vst v33  }
0x4f: {  	v44 =	vld [tilespmem:$0x50];
	[tilespmem:$0x610] =	vst v34  }
0x50: {  	v52 =	vld [tilespmem:$0x70];
	[tilespmem:$0x620] =	vst v36;
	v3 =	vshra.s32 v0, $0x2  }
0x51: {  	v55 =	vld [tilespmem:$0x80];
	v39 =	vshra.s32 v1, $0x2;
	[tilespmem:$0x200] =	vst v3  }
0x52: {  	v63 =	vld [tilespmem:$0xA0];
	v42 =	vshra.s32 v2, $0x2;
	[tilespmem:$0x210] =	vst v39  }
0x53: {  	v26 =	vld [tilespmem:$0xB0];
	v48 =	vshra.s32 v41, $0x2;
	[tilespmem:$0x220] =	vst v42  }
0x54: {  	v32 =	vld [tilespmem:$0xC0];
	v53 =	vshra.s32 v44, $0x2;
	[tilespmem:$0x240] =	vst v48  }
0x55: {  	v60 =	vshra.s32 v52, $0x2;
	[tilespmem:$0x250] =	vst v53  }
0x56: {  	v24 =	vshra.s32 v55, $0x2;
	[tilespmem:$0x270] =	vst v60  }
0x57: {  	v29 =	vshra.s32 v63, $0x2;
	[tilespmem:$0x280] =	vst v24  }
0x58: {  	v31 =	vshra.s32 v26, $0x2;
	[tilespmem:$0x2A0] =	vst v29  }
0x59: {  	v0 =	vshll.u32 v0, $0x5;
	v37 =	vshra.s32 v32, $0x2;
	[tilespmem:$0x2B0] =	vst v31  }
0x5a: {  	v1 =	vshll.u32 v1, $0x5;
	v0 =	vand.u32 $0x60, v0;
	[tilespmem:$0x2C0] =	vst v37  }
0x5b: {  	v2 =	vshll.u32 v2, $0x5;
	v40 =	vand.u32 $0x60, v1;
	[tilespmem:$0x400] =	vst v0  }
0x5c: {  	v43 =	vand.u32 $0x60, v2;
	v1 =	vshll.u32 v41, $0x5;
	[tilespmem:$0x410] =	vst v40  }
0x5d: {  	v2 =	vshll.u32 v44, $0x5;
	[tilespmem:$0x420] =	vst v43;
	v50 =	vand.u32 $0x60, v1  }
0x5e: {  	v35 =	vshll.u32 v26, $0x5;
	v54 =	vand.u32 $0x60, v2;
	[tilespmem:$0x440] =	vst v50  }
0x5f: {  	v41 =	vld [tilespmem:$0x1FCC0];
	v1 =	vshll.u32 v52, $0x5;
	v0 =	vand.u32 $0x60, v35;
	[tilespmem:$0x450] =	vst v54  }
0x60: {  	v42 =	vld [tilespmem:$0x1FCD0];
	v2 =	vshll.u32 v55, $0x5;
	v62 =	vand.u32 $0x60, v1;
	[tilespmem:$0x4B0] =	vst v0  }
0x61: {  	v3 =	vld [tilespmem:$0x30];
	v25 =	vand.u32 $0x60, v2;
	v1 =	vshll.u32 v63, $0x5;
	[tilespmem:$0x470] =	vst v62  }
0x62: {  	v48 =	vld [tilespmem:$0x1FD00];
	[tilespmem:$0x480] =	vst v25;
	v30 =	vand.u32 $0x60, v1  }
0x63: {  	v60 =	vld [tilespmem:$0x1FD60];
	[tilespmem:$0x4A0] =	vst v30  }
0x64: {  	v39 =	vld [tilespmem:$0xD0];
	v1 =	vshll.u32 v32, $0x5;
	[tilespmem:$0x640] =	vst v41  }
0x65: {  	v40 =	vld [tilespmem:$0x1FCB0];
	v1 =	vand.u32 $0x60, v1;
	[tilespmem:$0x650] =	vst v42  }
0x66: {  	v43 =	vld [tilespmem:$0x1FCE0];
	[tilespmem:$0x4C0] =	vst v1  }
0x67: {  	[tilespmem:$0x680] =	vst v48  }
0x68: {  	v52 =	vld [tilespmem:$0x1FD20];
	v45 =	vshra.s32 v3, $0x2;
	[tilespmem:$0x6E0] =	vst v60  }
0x69: {  	v55 =	vld [tilespmem:$0x1FD30];
	[tilespmem:$0x230] =	vst v45  }
0x6a: {  	[tilespmem:$0x630] =	vst v40  }
0x6b: {  	v50 =	vld [tilespmem:$0x1FD10];
	v44 =	vshra.s32 v39, $0x2;
	[tilespmem:$0x660] =	vst v43  }
0x6c: {  	v54 =	vld [tilespmem:$0xF0];
	[tilespmem:$0x2D0] =	vst v44  }
0x6d: {  	v63 =	vld [tilespmem:$0x1FD70];
	v3 =	vshll.u32 v3, $0x5;
	[tilespmem:$0x6A0] =	vst v52  }
0x6e: {  	v47 =	vand.u32 $0x60, v3;
	v3 =	vld [tilespmem:$0x60];
	[tilespmem:$0x6B0] =	vst v55  }
0x6f: {  	v0 =	vshll.u32 v39, $0x5;
	[tilespmem:$0x430] =	vst v47  }
0x70: {  	v0 =	vand.u32 $0x60, v0;
	[tilespmem:$0x690] =	vst v50  }
0x71: {  	v47 =	vld [tilespmem:$0x1FCF0];
	[tilespmem:$0x4D0] =	vst v0  }
0x72: {  	v45 =	vld [tilespmem:$0xE0];
	v62 =	vshra.s32 v54, $0x2;
	v0 =	vshll.u32 v54, $0x5;
	[tilespmem:$0x6F0] =	vst v63  }
0x73: {  	[tilespmem:$0x2F0] =	vst v62;
	v0 =	vand.u32 $0x60, v0;
	v56 =	vshra.s32 v3, $0x2;
	v3 =	vshll.u32 v3, $0x5  }
0x74: {  	[tilespmem:$0x4F0] =	vst v0;
	v59 =	vand.u32 $0x60, v3;
	v3 =	vld [tilespmem:$0x90]  }
0x75: {  	[tilespmem:$0x260] =	vst v56;
	v56 =	vld [tilespmem:$0x1FD40]  }
0x76: {  	[tilespmem:$0x670] =	vst v47  }
0x77: {  	v53 =	vshra.s32 v45, $0x2;
	v1 =	vshll.u32 v45, $0x5;
	[tilespmem:$0x460] =	vst v59;
	v59 =	vld [tilespmem:$0x1FD50]  }
0x78: {  	[tilespmem:$0x2E0] =	vst v53;
	v1 =	vand.u32 $0x60, v1  }
0x79: {  	[tilespmem:$0x4E0] =	vst v1  }
0x7a: {  	v27 =	vshra.s32 v3, $0x2;
	[tilespmem:$0x6C0] =	vst v56  }
0x7b: {  	v3 =	vshll.u32 v3, $0x5;
	[tilespmem:$0x290] =	vst v27  }
0x7c: {  	v28 =	vand.u32 $0x60, v3;
	[tilespmem:$0x6D0] =	vst v59  }
0x7d: {  	s10 =	simm.s32 $0x200;
	[tilespmem:$0x490] =	vst v28  }
0x7e: {  	[tilespmem:s14], [sflag:$0x3] =	stream.indirect.gather [hbm4b:s2+s12], $0x80, s10, s12, $0xb8;
	[tilespmem:$0x14800] =	vst v63  }
0x7f: {  	s13 =	simm.s32 $0x280;
	s15 =	simm.s32 $0x4800  }
0x80: {  	[tilespmem:s15], [sflag:$0x3] =	stream.indirect.gather [hbm4b:s2+s12], $0x80, s13, s12, $0xb8;
	[tilespmem:$0x14800] =	vst v63  }
0x81: {  	s17 =	simm.s32 $0x100;
	s16 =	rddreg [dreg:$0x4];
	s10 =	simm.s32 $0x0  }
0x82: {  	[tilespmem:s17], [sflag:$0x2] =	stream.linear.gather [hbm4b:s16+s3], $0x100, $0x38;
	[tilespmem:$0x14800] =	vst v63  }
.LBB2_2:
0x83: {  	s5 =	sshll.u32 s10, $0x9  }
0x84: {  	s16 =	sor.u32 $0x100, s5;
	s17 =	sor.u32 $0x110, s5  }
0x85: {  	_ =	swait.ge [sflag:s18], $0x100;
	s13 =	sor.u32 $0x120, s5;
	s15 =	sor.u32 $0x130, s5;
	v1 =	vor.u32 s16, v22;
	v5 =	vor.u32 s17, v22  }
0x86: {  	p0 =	seq.s32 s10, $0x0;
	[sflag:s18] =	ssyncset.done $0x0;
	v29 =	vor.u32 s13, v22;
	v32 =	vor.u32 s15, v22;
	v3 =	vshrl.u32 v1, $0x2  }
0x87: {  	s3 =	simm.s32 @!p0 $0x6;
	[sflag:s18] =	ssyncadd.s32 $0xFFFFFF00;
	v1 =	vshll.u32 v1, $0x2;
	v6 =	vshrl.u32 v5, $0x2;
	v5 =	vshll.u32 v5, $0x2  }
0x88: {  	s16 =	sor.u32 $0x140, s5;
	s17 =	sor.u32 $0x150, s5;
	s13 =	sor.u32 $0x160, s5;
	v30 =	vshrl.u32 v29, $0x2;
	v12 =	vshrl.u32 v32, $0x2;
	v35 =	vshll.u32 v32, $0x2  }
0x89: {  	s15 =	sor.u32 $0x170, s5;
	_ =	swait.ge @!p0 [sflag:s3], $0x2000;
	v37 =	vor.u32 s16, v22;
	v43 =	vor.u32 s17, v22;
	v55 =	vor.u32 s13, v22  }
0x8a: {  	v63 =	vor.u32 s15, v22;
	[sflag:s3] =	ssyncset.done @!p0 $0x0;
	v3 =	vmul.u32 $0x51EC, v3;
	v6 =	vmul.u32 $0x51EC, v6  }
0x8b: {  	v20 =	vmovc v9;
	v15 =	vld [tilespmem:$0x1FC70];
	v9 =	vmul.u32 $0x51EC, v30;
	v12 =	vmul.u32 $0x51EC, v12;
	v40 =	vshrl.u32 v37, $0x2;
	[sflag:s3] =	ssyncadd.s32 @!p0 $0xFFFFE000  }
0x8c: {  	s13 =	sor.u32 $0x1A0, s5;
	v44 =	vshrl.u32 v43, $0x2;
	v53 =	vshll.u32 v43, $0x2;
	v59 =	vshrl.u32 v55, $0x2;
	v0 =	vld [tilespmem:$0x100]  }
0x8d: {  	v62 =	vshll.u32 v55, $0x2;
	v24 =	vshrl.u32 v63, $0x2;
	v43 =	vor.u32 s13, v22;
	v2 =	vld [tilespmem:$0x110]  }
0x8e: {  	v41 =	vmul.u32 $0x51EC, v40;
	v45 =	vmul.u32 $0x51EC, v44;
	v3 =	vshrl.u32 v3, $0xF;
	v7 =	vld [tilespmem:$0x120]  }
0x8f: {  	v6 =	vshrl.u32 v6, $0xF;
	v10 =	vld [tilespmem:$0x130];
	v9 =	vshrl.u32 v9, $0xF;
	v36 =	vshrl.u32 v12, $0xF  }
0x90: {  	v33 =	vld [tilespmem:$0x140];
	v3 =	vand.u32 $0xFFF0, v3;
	v6 =	vand.u32 $0xFFF0, v6;
	v1 =	vadd.s32 v15, v1  }
0x91: {  	v14 =	vld [tilespmem:$0x150];
	v9 =	vand.u32 $0xFFF0, v9;
	v5 =	vadd.s32 v15, v5;
	v1 =	vadd.s32 v3, v1  }
0x92: {  	v18 =	vmovc v4;
	v47 =	vld [tilespmem:$0x160];
	v39 =	vand.u32 $0xFFF0, v36;
	v4 =	vshrl.u32 v41, $0xF;
	v5 =	vadd.s32 v6, v5;
	[tilespmem:$0x700] =	vst v1  }
0x93: {  	s15 =	sor.u32 $0x1B0, s5;
	v56 =	vld [tilespmem:$0x170];
	v4 =	vand.u32 $0xFFF0, v4;
	v54 =	vadd.s32 v15, v53;
	v28 =	vshra.s32 v0, $0x2;
	[tilespmem:$0x710] =	vst v5  }
0x94: {  	v53 =	vor.u32 s15, v22;
	v8 =	vshll.u32 v2, $0x5;
	v2 =	vshra.s32 v2, $0x2;
	[tilespmem:$0x300] =	vst v28  }
0x95: {  	v0 =	vshll.u32 v0, $0x5;
	v31 =	vshll.u32 v7, $0x5;
	v7 =	vshra.s32 v7, $0x2;
	[tilespmem:$0x310] =	vst v2  }
0x96: {  	v34 =	vshra.s32 v10, $0x2;
	v10 =	vshll.u32 v10, $0x5;
	v42 =	vshll.u32 v33, $0x5;
	[tilespmem:$0x320] =	vst v7  }
0x97: {  	v41 =	vld [tilespmem:$0x1A0];
	v50 =	vshra.s32 v14, $0x2;
	v52 =	vshll.u32 v14, $0x5;
	v5 =	vshrl.u32 v45, $0xF;
	[tilespmem:$0x330] =	vst v34  }
0x98: {  	v60 =	vshll.u32 v47, $0x5;
	v27 =	vshll.u32 v56, $0x5;
	v0 =	vand.u32 $0x60, v0;
	[tilespmem:$0x350] =	vst v50  }
0x99: {  	v45 =	vshrl.u32 v43, $0x2;
	v3 =	vand.u32 $0x60, v8;
	v6 =	vand.u32 $0x60, v31;
	[tilespmem:$0x500] =	vst v0  }
0x9a: {  	v25 =	vld [tilespmem:$0x180];
	v8 =	vshll.u32 v29, $0x2;
	v1 =	vand.u32 $0x60, v10;
	v2 =	vshra.s32 v33, $0x2;
	[tilespmem:$0x510] =	vst v3  }
0x9b: {  	s16 =	sor.u32 $0x180, s5;
	v48 =	vand.u32 $0x60, v42;
	v5 =	vand.u32 $0xFFF0, v5;
	v28 =	vand.u32 $0x60, v27;
	[tilespmem:$0x520] =	vst v6  }
0x9c: {  	v29 =	vshll.u32 v63, $0x2;
	v31 =	vor.u32 s16, v22;
	v50 =	vshra.s32 v41, $0x2;
	[tilespmem:$0x530] =	vst v1  }
0x9d: {  	v8 =	vadd.s32 v15, v8;
	v0 =	vadd.s32 v15, v35;
	v3 =	vshll.u32 v37, $0x2;
	[tilespmem:$0x340] =	vst v2  }
0x9e: {  	v6 =	vand.u32 $0x60, v52;
	v5 =	vadd.s32 v5, v54;
	v1 =	vshra.s32 v47, $0x2;
	[tilespmem:$0x540] =	vst v48  }
0x9f: {  	s17 =	sor.u32 $0x190, s5;
	v2 =	vadd.s32 v15, v62;
	v33 =	vshrl.u32 v31, $0x2;
	v35 =	vshll.u32 v25, $0x5;
	[tilespmem:$0x570] =	vst v28  }
0xa0: {  	s16 =	sor.u32 $0x1C0, s5;
	v37 =	vor.u32 s17, v22;
	v48 =	vmul.u32 $0x51EC, v45;
	v52 =	vshll.u32 v41, $0x5;
	[tilespmem:$0x3A0] =	vst v50  }
0xa1: {  	v54 =	vshrl.u32 v53, $0x2;
	v62 =	vor.u32 s16, v22;
	v8 =	vadd.s32 v9, v8;
	[tilespmem:$0x550] =	vst v6  }
0xa2: {  	v0 =	vadd.s32 v39, v0;
	v3 =	vadd.s32 v15, v3;
	v9 =	vmul.u32 $0x51EC, v24;
	[tilespmem:$0x750] =	vst v5  }
0xa3: {  	v36 =	vmul.u32 $0x51EC, v33;
	[tilespmem:$0x360] =	vst v1;
	v1 =	vshra.s32 v25, $0x2;
	v5 =	vand.u32 $0x60, v35  }
0xa4: {  	s17 =	sor.u32 $0x1D0, s5;
	v39 =	vshrl.u32 v37, $0x2;
	v42 =	vshll.u32 v37, $0x2;
	v55 =	vmul.u32 $0x51EC, v54;
	[tilespmem:$0x720] =	vst v8  }
0xa5: {  	v19 =	vmovc v11;
	v34 =	vld [tilespmem:$0x190];
	v11 =	vshll.u32 v62, $0x2;
	v12 =	vor.u32 s17, v22;
	v3 =	vadd.s32 v4, v3;
	[tilespmem:$0x730] =	vst v0  }
0xa6: {  	v8 =	vmul.u32 $0x51EC, v59;
	v0 =	vand.u32 $0x60, v60;
	v4 =	vadd.s32 v15, v29;
	[tilespmem:$0x380] =	vst v1  }
0xa7: {  	s15 =	sor.u32 $0x1F0, s5;
	v40 =	vmul.u32 $0x51EC, v39;
	v44 =	vadd.s32 v15, v42;
	[tilespmem:$0x580] =	vst v5;
	v59 =	vshll.u32 v53, $0x2  }
0xa8: {  	v21 =	vmovc v13;
	v13 =	vshrl.u32 v12, $0x2;
	v29 =	vor.u32 s15, v22;
	[tilespmem:$0x740] =	vst v3;
	v30 =	vshrl.u32 v9, $0xF  }
0xa9: {  	v3 =	vshra.s32 v56, $0x2;
	[tilespmem:$0x560] =	vst v0;
	v0 =	vshll.u32 v31, $0x2;
	v32 =	vand.u32 $0xFFF0, v30  }
0xaa: {  	v8 =	vshrl.u32 v8, $0xF;
	[tilespmem:$0x370] =	vst v3;
	v3 =	vshll.u32 v34, $0x5;
	v4 =	vadd.s32 v32, v4  }
0xab: {  	v6 =	vshrl.u32 v36, $0xF;
	v26 =	vand.u32 $0xFFF0, v8;
	v1 =	vand.u32 $0x60, v3;
	[tilespmem:$0x770] =	vst v4  }
0xac: {  	v60 =	vadd.s32 v15, v59;
	v9 =	vshrl.u32 v62, $0x2;
	v2 =	vadd.s32 v26, v2;
	[tilespmem:$0x590] =	vst v1  }
0xad: {  	v47 =	vld [tilespmem:$0x1B0];
	v0 =	vadd.s32 v15, v0;
	v1 =	vand.u32 $0x60, v52;
	[tilespmem:$0x760] =	vst v2;
	v2 =	vand.u32 $0xFFF0, v6  }
0xae: {  	v4 =	vshrl.u32 v48, $0xF;
	v6 =	vshrl.u32 v40, $0xF;
	[tilespmem:$0x5A0] =	vst v1;
	v0 =	vadd.s32 v2, v0  }
0xaf: {  	v63 =	vld [tilespmem:$0x1D0];
	v2 =	vshra.s32 v34, $0x2;
	v6 =	vand.u32 $0xFFF0, v6;
	[tilespmem:$0x780] =	vst v0;
	v0 =	vshll.u32 v43, $0x2  }
0xb0: {  	v56 =	vld [tilespmem:$0x1C0];
	v3 =	vadd.s32 v6, v44;
	[tilespmem:$0x390] =	vst v2;
	v2 =	vand.u32 $0xFFF0, v4;
	v0 =	vadd.s32 v15, v0  }
0xb1: {  	v5 =	vmul.u32 $0x51EC, v13;
	v4 =	vshrl.u32 v55, $0xF;
	[tilespmem:$0x790] =	vst v3;
	v0 =	vadd.s32 v2, v0  }
0xb2: {  	v3 =	vshll.u32 v47, $0x5;
	v4 =	vand.u32 $0xFFF0, v4;
	v2 =	vshra.s32 v47, $0x2;
	[tilespmem:$0x7A0] =	vst v0  }
0xb3: {  	s13 =	sor.u32 $0x1E0, s5;
	v1 =	vand.u32 $0x60, v3;
	v3 =	vadd.s32 v4, v60;
	v4 =	vmul.u32 $0x51EC, v9;
	[tilespmem:$0x3B0] =	vst v2  }
0xb4: {  	v24 =	vshll.u32 v63, $0x5;
	v25 =	vshrl.u32 v5, $0xF;
	v26 =	vor.u32 s13, v22;
	[tilespmem:$0x5B0] =	vst v1  }
0xb5: {  	v14 =	vld [tilespmem:$0x1E0];
	v10 =	vshll.u32 v56, $0x5;
	v0 =	vshra.s32 v56, $0x2;
	[tilespmem:$0x7B0] =	vst v3;
	v4 =	vshrl.u32 v4, $0xF  }
0xb6: {  	v2 =	vand.u32 $0x60, v10;
	v1 =	vadd.s32 v15, v11;
	[tilespmem:$0x3C0] =	vst v0;
	v3 =	vand.u32 $0xFFF0, v4  }
0xb7: {  	v27 =	vshrl.u32 v26, $0x2;
	[tilespmem:$0x5C0] =	vst v2;
	v2 =	vshll.u32 v12, $0x2;
	v0 =	vadd.s32 v3, v1  }
0xb8: {  	v28 =	vld [tilespmem:$0x1F0];
	v1 =	vshra.s32 v63, $0x2;
	[tilespmem:$0x7C0] =	vst v0;
	v0 =	vadd.s32 v15, v2;
	v2 =	vand.u32 $0xFFF0, v25  }
0xb9: {  	v3 =	vand.u32 $0x60, v24;
	[tilespmem:$0x3D0] =	vst v1;
	v0 =	vadd.s32 v2, v0;
	v2 =	vmul.u32 $0x51EC, v27  }
0xba: {  	v30 =	vshrl.u32 v29, $0x2;
	v1 =	vshll.u32 v14, $0x5;
	[tilespmem:$0x5D0] =	vst v3;
	v3 =	vshra.s32 v14, $0x2  }
0xbb: {  	v1 =	vand.u32 $0x60, v1;
	[tilespmem:$0x7D0] =	vst v0;
	v0 =	vshll.u32 v26, $0x2;
	v2 =	vshrl.u32 v2, $0xF  }
0xbc: {  	[tilespmem:$0x3E0] =	vst v3;
	v3 =	vmul.u32 $0x51EC, v30;
	v0 =	vadd.s32 v15, v0;
	v2 =	vand.u32 $0xFFF0, v2  }
0xbd: {  	[tilespmem:$0x5E0] =	vst v1;
	v1 =	vshra.s32 v28, $0x2;
	v0 =	vadd.s32 v2, v0  }
0xbe: {  	v3 =	vshrl.u32 v3, $0xF;
	v2 =	vshll.u32 v29, $0x2;
	[tilespmem:$0x7E0] =	vst v0;
	v0 =	vshll.u32 v28, $0x5  }
0xbf: {  	[tilespmem:$0x3F0] =	vst v1;
	v1 =	vadd.s32 v15, v2;
	v2 =	vand.u32 $0xFFF0, v3;
	v0 =	vand.u32 $0x60, v0  }
0xc0: {  	[tilespmem:$0x5F0] =	vst v0;
	v0 =	vadd.s32 v2, v1  }
0xc1: {  	s16 =	sshll.u32 s10, $0x1;
	[tilespmem:$0x7F0] =	vst v0  }
0xc2: {  	p0 =	seq.s32 s10, $0x63;
	s13 =	sadd.s32 $0x2, s16;
	_ =	swait.ge [sflag:s19], $0x8000  }
0xc3: {  	s3 =	sshll.u32 @!p0 s13, $0x8;
	[sflag:s19] =	ssyncset.done $0x0  }
0xc4: {  	s3 =	sadd.s32 @!p0 s6, s3;
	[sflag:s19] =	ssyncadd.s32 $0xFFFF8000  }
0xc5: {  	[tilespmem:s21], [sflag:$0x4] =	stream.indirect.gather [hbm4b:s2+s12], $0x80, s20, s12, $0xb8;
	[tilespmem:$0x14800] =	vst v63  }
0xc6: {  	s3 =	sshrl.u32 @!p0 s3, $0x3  }
0xc7: {  	[tilespmem:s23], [sflag:$0x4] =	stream.indirect.gather [hbm4b:s2+s12], $0x80, s22, s12, $0xb8;
	[tilespmem:$0x14800] =	vst v63  }
0xc8: {  	s15 =	simm.s32 @!p0 $0x0;
	s3 =	sadd.s32 @!p0 s4, s3  }
0xc9: {  	[tilespmem:s15], [sflag:$0x1] =	stream.linear.gather @!p0 [hbm4b:s3+s15], $0x100, $0x38;
	[tilespmem:$0x14800] =	vst v63  }
0xca: {  	s3 =	simm.s32 $0x0  }
0xcb: {  	s17 =	sand.u32 $0x200, s3  }
0xcc: {  	s16 =	sand.u32 $0x70, s3;
	s15 =	sshrl.u32 s17, $0x2  }
0xcd: {  	s15 =	sor.u32 s16, s15  }
0xce: {  	v9 =	vld [tilespmem:s15+$0x400];
	_ =	sdelay $0x4  }
0xcf: {  	v0 =	vor.u32 s3, v22;
	v1 =	vadd.s32 v22, v9  }
0xd0: {  	v10 =	vshll.u32 v0, $0x7;
	v2 =	vand.u32 $0xFFFFFFF8, v1  }
0xd1: {  	v1 =	vand.u32 $0x7, v1;
	v2 =	vadd.s32 v10, v2  }
0xd2: {  	v1 =	vor.u32 v1, v2;
	_ =	sdelay $0x2  }
0xd3: {  	v2 =	vadd.s32 v46, v9  }
0xd4: {  	v8 =	vshll.u32 v0, $0x5;
	v0 =	vand.u32 $0xFFFFFFF8, v2  }
0xd5: {  	v3 =	vor.u32 v22, v8;
	v2 =	vand.u32 $0x7, v2;
	v0 =	vadd.s32 v10, v0;
	v1 =	vld.idx.msk [tilespmem:v1+s14+$0x0], $0xffff  }
0xd6: {  	v0 =	vor.u32 v2, v0;
	_ =	sdelay $0x2  }
0xd7: {  	v2 =	vadd.s32 v38, v9  }
0xd8: {  	v31 =	vand.u32 $0xFFFFFFF8, v2;
	[tilespmem:v3+s24+$0x0] =	vst.idx.msk $0xffff, v1  }
0xd9: {  	v1 =	vand.u32 $0x7, v2;
	v2 =	vor.u32 v46, v8;
	v3 =	vadd.s32 v10, v31;
	v0 =	vld.idx.msk [tilespmem:v0+s14+$0x0], $0xffff  }
0xda: {  	v1 =	vor.u32 v1, v3;
	_ =	sdelay $0x2  }
0xdb: {  	v3 =	vadd.s32 v61, v9  }
0xdc: {  	[tilespmem:v2+s24+$0x0] =	vst.idx.msk $0xffff, v0;
	v0 =	vand.u32 $0xFFFFFFF8, v3  }
0xdd: {  	v2 =	vand.u32 $0x7, v3;
	v3 =	vor.u32 v38, v8;
	v1 =	vld.idx.msk [tilespmem:v1+s14+$0x0], $0xffff;
	v0 =	vadd.s32 v10, v0  }
0xde: {  	v0 =	vor.u32 v2, v0;
	_ =	sdelay $0x2  }
0xdf: {  	v2 =	vadd.s32 v21, v9  }
0xe0: {  	v32 =	vld [tilespmem:$0x1FD80];
	[tilespmem:v3+s24+$0x0] =	vst.idx.msk $0xffff, v1;
	v1 =	vand.u32 $0xFFFFFFF8, v2  }
0xe1: {  	v2 =	vand.u32 $0x7, v2;
	v3 =	vor.u32 v61, v8;
	v0 =	vld.idx.msk [tilespmem:v0+s14+$0x0], $0xffff;
	v1 =	vadd.s32 v10, v1  }
0xe2: {  	v1 =	vor.u32 v2, v1;
	_ =	sdelay $0x2  }
0xe3: {  	v2 =	vadd.s32 v32, v9  }
0xe4: {  	v34 =	vld [tilespmem:$0x1FD90];
	v33 =	vand.u32 $0xFFFFFFF8, v2;
	[tilespmem:v3+s24+$0x0] =	vst.idx.msk $0xffff, v0  }
0xe5: {  	v2 =	vand.u32 $0x7, v2;
	v0 =	vadd.s32 v10, v33;
	v3 =	vor.u32 v21, v8;
	v1 =	vld.idx.msk [tilespmem:v1+s14+$0x0], $0xffff  }
0xe6: {  	v0 =	vor.u32 v2, v0;
	_ =	sdelay $0x2  }
0xe7: {  	v2 =	vadd.s32 v34, v9  }
0xe8: {  	v35 =	vand.u32 $0xFFFFFFF8, v2;
	[tilespmem:v3+s24+$0x0] =	vst.idx.msk $0xffff, v1  }
0xe9: {  	v2 =	vand.u32 $0x7, v2;
	v1 =	vadd.s32 v10, v35;
	v3 =	vor.u32 v32, v8;
	v0 =	vld.idx.msk [tilespmem:v0+s14+$0x0], $0xffff  }
0xea: {  	v1 =	vor.u32 v2, v1;
	_ =	sdelay $0x2  }
0xeb: {  	v2 =	vadd.s32 v58, v9  }
0xec: {  	v37 =	vld [tilespmem:$0x1FDA0];
	v36 =	vand.u32 $0xFFFFFFF8, v2;
	[tilespmem:v3+s24+$0x0] =	vst.idx.msk $0xffff, v0  }
0xed: {  	v2 =	vand.u32 $0x7, v2;
	v0 =	vadd.s32 v10, v36;
	v3 =	vor.u32 v34, v8;
	v1 =	vld.idx.msk [tilespmem:v1+s14+$0x0], $0xffff  }
0xee: {  	v0 =	vor.u32 v2, v0;
	_ =	sdelay $0x2  }
0xef: {  	v2 =	vadd.s32 v37, v9  }
0xf0: {  	v39 =	vand.u32 $0xFFFFFFF8, v2;
	[tilespmem:v3+s24+$0x0] =	vst.idx.msk $0xffff, v1  }
0xf1: {  	v2 =	vand.u32 $0x7, v2;
	v1 =	vadd.s32 v10, v39;
	v3 =	vor.u32 v58, v8;
	v0 =	vld.idx.msk [tilespmem:v0+s14+$0x0], $0xffff  }
0xf2: {  	v1 =	vor.u32 v2, v1;
	_ =	sdelay $0x2  }
0xf3: {  	v2 =	vadd.s32 v49, v9  }
0xf4: {  	v40 =	vand.u32 $0xFFFFFFF8, v2;
	[tilespmem:v3+s24+$0x0] =	vst.idx.msk $0xffff, v0  }
0xf5: {  	v2 =	vand.u32 $0x7, v2;
	v0 =	vadd.s32 v10, v40;
	v3 =	vor.u32 v37, v8;
	v1 =	vld.idx.msk [tilespmem:v1+s14+$0x0], $0xffff  }
0xf6: {  	v0 =	vor.u32 v2, v0;
	_ =	sdelay $0x2  }
0xf7: {  	v2 =	vadd.s32 v57, v9  }
0xf8: {  	v41 =	vand.u32 $0xFFFFFFF8, v2;
	[tilespmem:v3+s24+$0x0] =	vst.idx.msk $0xffff, v1  }
0xf9: {  	v2 =	vand.u32 $0x7, v2;
	v1 =	vadd.s32 v10, v41;
	v3 =	vor.u32 v49, v8;
	v0 =	vld.idx.msk [tilespmem:v0+s14+$0x0], $0xffff  }
0xfa: {  	v1 =	vor.u32 v2, v1;
	_ =	sdelay $0x2  }
0xfb: {  	v2 =	vadd.s32 v51, v9  }
0xfc: {  	v43 =	vld [tilespmem:$0x1FDB0];
	v42 =	vand.u32 $0xFFFFFFF8, v2;
	[tilespmem:v3+s24+$0x0] =	vst.idx.msk $0xffff, v0  }
0xfd: {  	v2 =	vand.u32 $0x7, v2;
	v0 =	vadd.s32 v10, v42;
	v3 =	vor.u32 v57, v8;
	v1 =	vld.idx.msk [tilespmem:v1+s14+$0x0], $0xffff  }
0xfe: {  	v0 =	vor.u32 v2, v0;
	_ =	sdelay $0x2  }
0xff: {  	v2 =	vadd.s32 v43, v9  }
0x100: {  	v45 =	vld [tilespmem:$0x1FDC0];
	v44 =	vand.u32 $0xFFFFFFF8, v2;
	[tilespmem:v3+s24+$0x0] =	vst.idx.msk $0xffff, v1  }
0x101: {  	v2 =	vand.u32 $0x7, v2;
	v1 =	vadd.s32 v10, v44;
	v3 =	vor.u32 v51, v8;
	v0 =	vld.idx.msk [tilespmem:v0+s14+$0x0], $0xffff  }
0x102: {  	v1 =	vor.u32 v2, v1;
	_ =	sdelay $0x2  }
0x103: {  	v2 =	vadd.s32 v45, v9  }
0x104: {  	v47 =	vand.u32 $0xFFFFFFF8, v2;
	[tilespmem:v3+s24+$0x0] =	vst.idx.msk $0xffff, v0  }
0x105: {  	v2 =	vand.u32 $0x7, v2;
	v0 =	vadd.s32 v10, v47;
	v3 =	vor.u32 v43, v8;
	v1 =	vld.idx.msk [tilespmem:v1+s14+$0x0], $0xffff  }
0x106: {  	v0 =	vor.u32 v2, v0;
	_ =	sdelay $0x2  }
0x107: {  	v2 =	vadd.s32 v16, v9  }
0x108: {  	v48 =	vand.u32 $0xFFFFFFF8, v2;
	[tilespmem:v3+s24+$0x0] =	vst.idx.msk $0xffff, v1  }
0x109: {  	v2 =	vand.u32 $0x7, v2;
	v1 =	vadd.s32 v10, v48;
	v3 =	vor.u32 v45, v8;
	v0 =	vld.idx.msk [tilespmem:v0+s14+$0x0], $0xffff  }
0x10a: {  	v1 =	vor.u32 v2, v1;
	_ =	sdelay $0x3  }
0x10b: {  	v50 =	vadd.s32 $0xF, v22;
	[tilespmem:v3+s24+$0x0] =	vst.idx.msk $0xffff, v0  }
0x10c: {  	v2 =	vadd.s32 v50, v9;
	v3 =	vor.u32 v16, v8;
	v1 =	vld.idx.msk [tilespmem:v1+s14+$0x0], $0xffff  }
0x10d: {  	v52 =	vand.u32 $0xFFFFFFF8, v2  }
0x10e: {  	v53 =	vor.u32 $0x10, v22;
	v2 =	vand.u32 $0x7, v2;
	v0 =	vadd.s32 v10, v52  }
0x10f: {  	v0 =	vor.u32 v2, v0;
	v2 =	vadd.s32 v53, v9  }
0x110: {  	v55 =	vld [tilespmem:$0x1FDF0];
	v54 =	vand.u32 $0xFFFFFFF8, v2  }
0x111: {  	v56 =	vld [tilespmem:$0x1FEA0];
	v2 =	vand.u32 $0x7, v2;
	[tilespmem:v3+s24+$0x0] =	vst.idx.msk $0xffff, v1;
	v1 =	vadd.s32 v10, v54  }
0x112: {  	v1 =	vor.u32 v2, v1;
	v2 =	vld [tilespmem:$0x1FDE0];
	_ =	sdelay $0x3  }
0x113: {  	v59 =	vsel vm0, v56, v55;
	v3 =	vor.u32 v50, v8;
	v0 =	vld.idx.msk [tilespmem:v0+s14+$0x0], $0xffff  }
0x114: {  	v60 =	vcombine.low v2, v59;
	_ =	sdelay $0x1  }
0x115: {  	v2 =	vadd.s32 v60, v9  }
0x116: {  	v63 =	vld [tilespmem:$0x1FE20];
	v62 =	vand.u32 $0xFFFFFFF8, v2  }
0x117: {  	v16 =	vld [tilespmem:$0x1FEC0];
	[tilespmem:v3+s24+$0x0] =	vst.idx.msk $0xffff, v0;
	v2 =	vand.u32 $0x7, v2;
	v0 =	vadd.s32 v10, v62  }
0x118: {  	v0 =	vor.u32 v2, v0;
	v2 =	vld [tilespmem:$0x1FE10];
	_ =	sdelay $0x3  }
0x119: {  	v24 =	vsel vm0, v16, v63;
	v3 =	vor.u32 v53, v8;
	v1 =	vld.idx.msk [tilespmem:v1+s14+$0x0], $0xffff  }
0x11a: {  	v21 =	vcombine.low v2, v24;
	_ =	sdelay $0x1  }
0x11b: {  	v2 =	vadd.s32 v21, v9  }
0x11c: {  	v26 =	vld [tilespmem:$0x1FE50];
	v25 =	vand.u32 $0xFFFFFFF8, v2  }
0x11d: {  	v27 =	vld [tilespmem:$0x1FED0];
	[tilespmem:v3+s24+$0x0] =	vst.idx.msk $0xffff, v1;
	v2 =	vand.u32 $0x7, v2;
	v1 =	vadd.s32 v10, v25  }
0x11e: {  	v1 =	vor.u32 v2, v1;
	v2 =	vld [tilespmem:$0x1FE40]  }
0x11f: {  	v3 =	vor.u32 v60, v8;
	v0 =	vld.idx.msk [tilespmem:v0+s14+$0x0], $0xffff;
	_ =	sdelay $0x2  }
0x120: {  	v28 =	vsel vm0, v27, v26  }
0x121: {  	v23 =	vcombine.low v2, v28  }
0x122: {  	[tilespmem:v3+s24+$0x0] =	vst.idx.msk $0xffff, v0  }
0x123: {  	v3 =	vor.u32 v21, v8;
	v1 =	vld.idx.msk [tilespmem:v1+s14+$0x0], $0xffff;
	v2 =	vadd.s32 v23, v9  }
0x124: {  	v29 =	vand.u32 $0xFFFFFFF8, v2  }
0x125: {  	v2 =	vand.u32 $0x7, v2;
	v0 =	vadd.s32 v10, v29  }
0x126: {  	v0 =	vor.u32 v2, v0;
	v2 =	vadd.s32 v17, v9  }
0x127: {  	v30 =	vand.u32 $0xFFFFFFF8, v2  }
0x128: {  	v31 =	vld [tilespmem:$0x1FDD0];
	[tilespmem:v3+s24+$0x0] =	vst.idx.msk $0xffff, v1;
	v2 =	vand.u32 $0x7, v2;
	v1 =	vadd.s32 v10, v30  }
0x129: {  	v1 =	vor.u32 v2, v1;
	v2 =	vld [tilespmem:$0x1FE70];
	_ =	sdelay $0x3  }
0x12a: {  	v4 =	vsel vm0, v55, v31;
	v3 =	vor.u32 v23, v8;
	v0 =	vld.idx.msk [tilespmem:v0+s14+$0x0], $0xffff  }
0x12b: {  	[tilespmem:$0x1FBE0] =	vst v21;
	v21 =	vcombine.low v4, v2;
	_ =	sdelay $0x1  }
0x12c: {  	v2 =	vadd.s32 v21, v9  }
0x12d: {  	v32 =	vand.u32 $0xFFFFFFF8, v2  }
0x12e: {  	v33 =	vld [tilespmem:$0x1FE00];
	[tilespmem:v3+s24+$0x0] =	vst.idx.msk $0xffff, v0;
	v2 =	vand.u32 $0x7, v2;
	v0 =	vadd.s32 v10, v32  }
0x12f: {  	v0 =	vor.u32 v2, v0;
	v2 =	vld [tilespmem:$0x1FE80];
	_ =	sdelay $0x3  }
0x130: {  	v4 =	vsel vm0, v63, v33  }
0x131: {  	[tilespmem:$0x1FBF0] =	vst v23;
	v23 =	vcombine.low v4, v2;
	v2 =	vld [tilespmem:$0x1FE30];
	_ =	sdelay $0x2  }
0x132: {  	v3 =	vor.u32 v17, v8;
	v1 =	vld.idx.msk [tilespmem:v1+s14+$0x0], $0xffff;
	_ =	sdelay $0x1  }
0x133: {  	v36 =	vsel vm0, v26, v2;
	v2 =	vld [tilespmem:$0x1FEE0]  }
0x134: {  	v4 =	vadd.s32 v23, v9  }
0x135: {  	v34 =	vand.u32 $0xFFFFFFF8, v4  }
0x136: {  	[tilespmem:v3+s24+$0x0] =	vst.idx.msk $0xffff, v1;
	v3 =	vand.u32 $0x7, v4;
	v1 =	vadd.s32 v10, v34  }
0x137: {  	v1 =	vor.u32 v3, v1;
	v3 =	vld [tilespmem:$0x1FE60]  }
0x138: {  	v13 =	vcombine.low v36, v2;
	v2 =	vld [tilespmem:$0x1FE90];
	_ =	sdelay $0x1  }
0x139: {  	v35 =	vor.u32 v21, v8;
	v0 =	vld.idx.msk [tilespmem:v0+s14+$0x0], $0xffff;
	_ =	sdelay $0x2  }
0x13a: {  	v40 =	vsel vm0, v2, v3;
	v2 =	vld [tilespmem:$0x1FEF0]  }
0x13b: {  	v4 =	vadd.s32 v13, v9  }
0x13c: {  	[tilespmem:v35+s24+$0x0] =	vst.idx.msk $0xffff, v0;
	v37 =	vand.u32 $0xFFFFFFF8, v4  }
0x13d: {  	v39 =	vor.u32 v23, v8;
	v1 =	vld.idx.msk [tilespmem:v1+s14+$0x0], $0xffff;
	v4 =	vand.u32 $0x7, v4;
	v0 =	vadd.s32 v10, v37  }
0x13e: {  	v0 =	vor.u32 v4, v0  }
0x13f: {  	v3 =	vcombine.low v40, v2  }
0x140: {  	v2 =	vld [tilespmem:$0x1FF00]  }
0x141: {  	v12 =	vadd.s32 v3, v9  }
0x142: {  	[tilespmem:v39+s24+$0x0] =	vst.idx.msk $0xffff, v1;
	v1 =	vand.u32 $0xFFFFFFF8, v12  }
0x143: {  	v41 =	vor.u32 v13, v8;
	v0 =	vld.idx.msk [tilespmem:v0+s14+$0x0], $0xffff;
	v12 =	vand.u32 $0x7, v12;
	v1 =	vadd.s32 v10, v1  }
0x144: {  	v1 =	vor.u32 v12, v1  }
0x145: {  	v42 =	vcombine.low v59, v2  }
0x146: {  	v2 =	vld [tilespmem:$0x1FF10]  }
0x147: {  	v43 =	vadd.s32 v42, v9  }
0x148: {  	[tilespmem:v41+s24+$0x0] =	vst.idx.msk $0xffff, v0;
	v0 =	vand.u32 $0xFFFFFFF8, v43  }
0x149: {  	v44 =	vor.u32 v3, v8;
	v12 =	vand.u32 $0x7, v43;
	v0 =	vadd.s32 v10, v0;
	v1 =	vld.idx.msk [tilespmem:v1+s14+$0x0], $0xffff  }
0x14a: {  	v0 =	vor.u32 v12, v0  }
0x14b: {  	v63 =	vcombine.low v24, v2  }
0x14c: {  	v2 =	vld [tilespmem:$0x1FF20]  }
0x14d: {  	v45 =	vadd.s32 v63, v9  }
0x14e: {  	[tilespmem:v44+s24+$0x0] =	vst.idx.msk $0xffff, v1;
	v1 =	vand.u32 $0xFFFFFFF8, v45  }
0x14f: {  	v47 =	vor.u32 v42, v8;
	v12 =	vand.u32 $0x7, v45;
	v1 =	vadd.s32 v10, v1;
	v0 =	vld.idx.msk [tilespmem:v0+s14+$0x0], $0xffff  }
0x150: {  	v1 =	vor.u32 v12, v1  }
0x151: {  	v62 =	vcombine.low v28, v2;
	_ =	sdelay $0x1  }
0x152: {  	v48 =	vadd.s32 v62, v9  }
0x153: {  	[tilespmem:v47+s24+$0x0] =	vst.idx.msk $0xffff, v0;
	v0 =	vand.u32 $0xFFFFFFF8, v48  }
0x154: {  	[tilespmem:$0x1FBB0] =	vst v50;
	v50 =	vor.u32 v63, v8;
	v12 =	vand.u32 $0x7, v48;
	v0 =	vadd.s32 v10, v0;
	v1 =	vld.idx.msk [tilespmem:v1+s14+$0x0], $0xffff  }
0x155: {  	v0 =	vor.u32 v12, v0;
	_ =	sdelay $0x2  }
0x156: {  	v52 =	vadd.s32 v19, v9  }
0x157: {  	v2 =	vld [tilespmem:$0x1FEB0];
	[tilespmem:v50+s24+$0x0] =	vst.idx.msk $0xffff, v1;
	v1 =	vand.u32 $0xFFFFFFF8, v52  }
0x158: {  	[tilespmem:$0x1FBD0] =	vst v53;
	v53 =	vor.u32 v62, v8;
	v12 =	vand.u32 $0x7, v52;
	v1 =	vadd.s32 v10, v1;
	v0 =	vld.idx.msk [tilespmem:v0+s14+$0x0], $0xffff  }
0x159: {  	v1 =	vor.u32 v12, v1;
	_ =	sdelay $0x2  }
0x15a: {  	v54 =	vadd.s32 v2, v9  }
0x15b: {  	[tilespmem:v53+s24+$0x0] =	vst.idx.msk $0xffff, v0;
	v0 =	vand.u32 $0xFFFFFFF8, v54  }
0x15c: {  	v55 =	vor.u32 v19, v8;
	v12 =	vand.u32 $0x7, v54;
	v0 =	vadd.s32 v10, v0;
	v1 =	vld.idx.msk [tilespmem:v1+s14+$0x0], $0xffff  }
0x15d: {  	v0 =	vor.u32 v12, v0;
	_ =	sdelay $0x2  }
0x15e: {  	v56 =	vadd.s32 v20, v9  }
0x15f: {  	[tilespmem:v55+s24+$0x0] =	vst.idx.msk $0xffff, v1;
	v1 =	vand.u32 $0xFFFFFFF8, v56  }
0x160: {  	v59 =	vor.u32 v2, v8;
	v12 =	vand.u32 $0x7, v56;
	v1 =	vadd.s32 v10, v1;
	v0 =	vld.idx.msk [tilespmem:v0+s14+$0x0], $0xffff  }
0x161: {  	v1 =	vor.u32 v12, v1;
	_ =	sdelay $0x1  }
0x162: {  	[tilespmem:$0x1FBC0] =	vst v60  }
0x163: {  	[tilespmem:$0x1FC00] =	vst v21;
	v9 =	vadd.s32 v18, v9  }
0x164: {  	[tilespmem:v59+s24+$0x0] =	vst.idx.msk $0xffff, v0;
	v0 =	vand.u32 $0xFFFFFFF8, v9  }
0x165: {  	v60 =	vor.u32 v20, v8;
	[tilespmem:$0x1FC20] =	vst v23;
	v9 =	vand.u32 $0x7, v9;
	v0 =	vadd.s32 v10, v0;
	v1 =	vld.idx.msk [tilespmem:v1+s14+$0x0], $0xffff  }
0x166: {  	[tilespmem:$0x1FC10] =	vst v13;
	v0 =	vor.u32 v9, v0  }
0x167: {  	[tilespmem:$0x1FC30] =	vst v3  }
0x168: {  	[tilespmem:$0x1FC40] =	vst v42  }
0x169: {  	s17 =	simm.s32 $0x40;
	[tilespmem:$0x1FC60] =	vst v63  }
0x16a: {  	s3 =	sand.u32 $0x200, s17;
	s15 =	simm.s32 $0x10;
	[tilespmem:v60+s24+$0x0] =	vst.idx.msk $0xffff, v1  }
0x16b: {  	s16 =	simm.s32 $0x80;
	s3 =	sshrl.u32 s3, $0x2;
	s17 =	sand.u32 $0x70, s15;
	[tilespmem:$0x1FC50] =	vst v62;
	v1 =	vor.u32 v18, v8;
	v0 =	vld.idx.msk [tilespmem:v0+s14+$0x0], $0xffff  }
.LBB2_3:
0x16c: {  	_ =	sdelay $0x3  }
0x16d: {  	s3 =	sor.u32 s17, s3;
	[tilespmem:v1+s24+$0x0] =	vst.idx.msk $0xffff, v0  }
0x16e: {  	v11 =	vld [tilespmem:s3+$0x400];
	_ =	sdelay $0x4  }
0x16f: {  	v2 =	vld [tilespmem:$0x1FDC0];
	v9 =	vor.u32 s15, v22;
	v0 =	vadd.s32 v22, v11  }
0x170: {  	v3 =	vld [tilespmem:$0x1FEB0];
	v10 =	vshll.u32 v9, $0x7;
	v12 =	vand.u32 $0xFFFFFFF8, v0  }
0x171: {  	v4 =	vld [tilespmem:$0x1FDB0];
	v0 =	vand.u32 $0x7, v0;
	v12 =	vadd.s32 v10, v12  }
0x172: {  	v6 =	vld [tilespmem:$0x1FD90];
	v0 =	vor.u32 v0, v12  }
0x173: {  	v7 =	vld [tilespmem:$0x1FDA0];
	v8 =	vshll.u32 v9, $0x5  }
0x174: {  	v34 =	vld [tilespmem:$0x1FC10];
	v13 =	vor.u32 v22, v8;
	v21 =	vmov v46;
	v63 =	vor.u32 v38, v8  }
0x175: {  	v35 =	vld [tilespmem:$0x1FC30];
	v33 =	vor.u32 v21, v8;
	v1 =	vadd.s32 v46, v11;
	v47 =	vadd.s32 v3, v11  }
0x176: {  	v23 =	vld [tilespmem:$0x1FBE0];
	v46 =	vadd.s32 v38, v11;
	v31 =	vadd.s32 v58, v11;
	v14 =	vand.u32 $0xFFFFFFF8, v1  }
0x177: {  	v15 =	vadd.s32 v61, v11;
	v1 =	vand.u32 $0x7, v1;
	v16 =	vadd.s32 v10, v14;
	v0 =	vld.idx.msk [tilespmem:v0+s14+$0x0], $0xffff  }
0x178: {  	v5 =	vmovc v51;
	v51 =	vadd.s32 v6, v11;
	v3 =	vld [tilespmem:$0x1FFD0];
	v50 =	vadd.s32 v7, v11;
	v1 =	vor.u32 v1, v16  }
0x179: {  	v6 =	vld [tilespmem:$0x1FD80];
	v28 =	vadd.s32 v57, v11;
	v27 =	vadd.s32 v5, v11;
	v25 =	vadd.s32 v4, v11  }
0x17a: {  	v22 =	vadd.s32 v2, v11;
	v4 =	vld [tilespmem:$0x1FFE0];
	v40 =	vadd.s32 v34, v11;
	v37 =	vadd.s32 v35, v11  }
0x17b: {  	v5 =	vld [tilespmem:$0x1FBB0];
	v18 =	vand.u32 $0xFFFFFFF8, v46;
	v19 =	vand.u32 $0x7, v15;
	v15 =	vand.u32 $0xFFFFFFF8, v15  }
0x17c: {  	v7 =	vld [tilespmem:$0x1FBD0];
	v62 =	vadd.s32 v10, v18;
	v15 =	vadd.s32 v10, v15;
	[tilespmem:v13+s24+$0x0] =	vst.idx.msk $0xffff, v0  }
0x17d: {  	v12 =	vand.u32 $0x7, v46;
	v46 =	vadd.s32 v49, v11;
	v15 =	vor.u32 v19, v15;
	v1 =	vld.idx.msk [tilespmem:v1+s14+$0x0], $0xffff  }
0x17e: {  	v19 =	vor.u32 v61, v8;
	v61 =	vand.u32 $0xFFFFFFF8, v40;
	v12 =	vor.u32 v12, v62  }
0x17f: {  	v32 =	vld [tilespmem:$0x1FFF0];
	v59 =	vand.u32 $0xFFFFFFF8, v28;
	v55 =	vand.u32 $0xFFFFFFF8, v46;
	v2 =	vadd.s32 v10, v61  }
0x180: {  	v62 =	vand.u32 $0xFFFFFFF8, v37;
	v17 =	vadd.s32 v3, v11;
	v14 =	vadd.s32 v6, v11  }
0x181: {  	v49 =	vadd.s32 v10, v55;
	v21 =	vadd.s32 v4, v11;
	v18 =	vadd.s32 v5, v11;
	[tilespmem:$0x1FB40] =	vst v2  }
0x182: {  	v44 =	vadd.s32 v7, v11;
	v55 =	vadd.s32 v23, v11;
	v2 =	vld [tilespmem:$0x1FC60];
	v20 =	vand.u32 $0xFFFFFFF8, v14;
	[tilespmem:v33+s24+$0x0] =	vst.idx.msk $0xffff, v1  }
0x183: {  	v29 =	vand.u32 $0x7, v17;
	v48 =	vand.u32 $0xFFFFFFF8, v55;
	v56 =	vadd.s32 v10, v20;
	v12 =	vld.idx.msk [tilespmem:v12+s14+$0x0], $0xffff  }
0x184: {  	v20 =	vand.u32 $0xFFFFFFF8, v51;
	v53 =	vadd.s32 v10, v48;
	v48 =	vadd.s32 v32, v11  }
0x185: {  	v58 =	vadd.s32 v10, v20;
	v20 =	vadd.s32 v10, v59;
	v0 =	vand.u32 $0xFFFFFFF8, v25  }
0x186: {  	v59 =	vand.u32 $0xFFFFFFF8, v48;
	v26 =	vadd.s32 v10, v0;
	v0 =	vand.u32 $0xFFFFFFF8, v22  }
0x187: {  	v9 =	vld [tilespmem:$0x1FBC0];
	v16 =	vadd.s32 v2, v11;
	v2 =	vadd.s32 v10, v62;
	v36 =	vadd.s32 v10, v0  }
0x188: {  	v0 =	vand.u32 $0xFFFFFFF8, v21;
	[tilespmem:v63+s24+$0x0] =	vst.idx.msk $0xffff, v12;
	v63 =	vand.u32 $0xFFFFFFF8, v17;
	v17 =	vand.u32 $0xFFFFFFF8, v16  }
0x189: {  	[tilespmem:$0x1FB50] =	vst v2;
	v38 =	vadd.s32 v10, v0;
	v0 =	vand.u32 $0xFFFFFFF8, v18;
	v33 =	vld [tilespmem:$0x1FC00];
	v2 =	vadd.s32 v10, v17  }
0x18a: {  	v41 =	vadd.s32 v10, v0;
	v0 =	vand.u32 $0xFFFFFFF8, v44;
	v13 =	vadd.s32 v10, v63;
	[tilespmem:$0x1FB60] =	vst v2;
	v2 =	vld [tilespmem:$0x1FC50]  }
0x18b: {  	v42 =	vadd.s32 v10, v0;
	v0 =	vadd.s32 v10, v59;
	v59 =	vor.u32 v29, v13;
	v13 =	vld [tilespmem:$0x1FFB0]  }
0x18c: {  	v39 =	vadd.s32 v9, v11  }
0x18d: {  	v60 =	vand.u32 $0xFFFFFFF8, v27;
	v45 =	vand.u32 $0xFFFFFFF8, v39  }
0x18e: {  	v24 =	vadd.s32 v10, v60;
	v1 =	vadd.s32 v10, v45;
	v45 =	vadd.s32 v33, v11  }
0x18f: {  	v61 =	vand.u32 $0xFFFFFFF8, v47;
	v60 =	vand.u32 $0xFFFFFFF8, v45;
	v2 =	vadd.s32 v2, v11  }
0x190: {  	[tilespmem:$0x1FB20] =	vst v0;
	v0 =	vadd.s32 v10, v60;
	v17 =	vadd.s32 v13, v11;
	v29 =	vand.u32 $0xFFFFFFF8, v2  }
0x191: {  	[tilespmem:$0x1FB90] =	vst v47;
	v47 =	vld [tilespmem:$0x1FFA0];
	v60 =	vor.u32 v3, v8;
	v3 =	vadd.s32 v10, v29;
	v29 =	vand.u32 $0xFFFFFFF8, v17  }
0x192: {  	[tilespmem:$0x1FB70] =	vst v3;
	v3 =	vadd.s32 v10, v29;
	v29 =	vld [tilespmem:$0x1FFC0]  }
0x193: {  	v15 =	vld.idx.msk [tilespmem:v15+s14+$0x0], $0xffff;
	_ =	sdelay $0x1  }
0x194: {  	v12 =	vadd.s32 v10, v61  }
0x195: {  	[tilespmem:$0x1FBA0] =	vst v12  }
0x196: {  	[tilespmem:$0x1FB80] =	vst v3;
	v3 =	vadd.s32 v29, v11  }
0x197: {  	v12 =	vadd.s32 v47, v11;
	[tilespmem:v19+s24+$0x0] =	vst.idx.msk $0xffff, v15;
	v61 =	vand.u32 $0xFFFFFFF8, v3  }
0x198: {  	v62 =	vand.u32 $0x7, v14;
	v59 =	vld.idx.msk [tilespmem:v59+s14+$0x0], $0xffff;
	v15 =	vadd.s32 v10, v61;
	v61 =	vand.u32 $0xFFFFFFF8, v12  }
0x199: {  	v14 =	vadd.s32 v10, v61;
	v61 =	vor.u32 v62, v56  }
0x19a: {  	[tilespmem:$0x1FB30] =	vst v0;
	v0 =	vld [tilespmem:$0x1FC20];
	_ =	sdelay $0x2  }
0x19b: {  	[tilespmem:v60+s24+$0x0] =	vst.idx.msk $0xffff, v59  }
0x19c: {  	v6 =	vor.u32 v6, v8;
	v51 =	vand.u32 $0x7, v51;
	v59 =	vld.idx.msk [tilespmem:v61+s14+$0x0], $0xffff  }
0x19d: {  	v51 =	vor.u32 v51, v58;
	v43 =	vadd.s32 v0, v11;
	v56 =	vor.u32 v0, v8;
	v0 =	vld [tilespmem:$0x1FD90];
	_ =	sdelay $0x3  }
0x19e: {  	v19 =	vand.u32 $0xFFFFFFF8, v31;
	[tilespmem:v6+s24+$0x0] =	vst.idx.msk $0xffff, v59  }
0x19f: {  	v31 =	vand.u32 $0x7, v31;
	v63 =	vadd.s32 v10, v19;
	v61 =	vor.u32 v0, v8;
	v51 =	vld.idx.msk [tilespmem:v51+s14+$0x0], $0xffff  }
0x1a0: {  	v58 =	vld [tilespmem:$0x1FF30];
	v31 =	vor.u32 v31, v63;
	_ =	sdelay $0x3  }
0x1a1: {  	v54 =	vand.u32 $0xFFFFFFF8, v50;
	v50 =	vand.u32 $0x7, v50;
	v62 =	vand.u32 $0xFFFFFFF8, v43;
	[tilespmem:v61+s24+$0x0] =	vst.idx.msk $0xffff, v51  }
0x1a2: {  	v57 =	vadd.s32 v10, v54;
	v19 =	vadd.s32 v10, v62;
	v62 =	vor.u32 v58, v8;
	v31 =	vld.idx.msk [tilespmem:v31+s14+$0x0], $0xffff  }
0x1a3: {  	v50 =	vor.u32 v50, v57;
	v63 =	vld [tilespmem:$0x1FDA0];
	_ =	sdelay $0x3  }
0x1a4: {  	[tilespmem:v62+s24+$0x0] =	vst.idx.msk $0xffff, v31  }
0x1a5: {  	v46 =	vand.u32 $0x7, v46;
	v6 =	vor.u32 v63, v8;
	v31 =	vld.idx.msk [tilespmem:v50+s14+$0x0], $0xffff  }
0x1a6: {  	v46 =	vor.u32 v46, v49;
	v49 =	vld [tilespmem:$0x1FF40];
	_ =	sdelay $0x3  }
0x1a7: {  	[tilespmem:v6+s24+$0x0] =	vst.idx.msk $0xffff, v31  }
0x1a8: {  	v28 =	vand.u32 $0x7, v28;
	v51 =	vor.u32 v49, v8;
	v31 =	vld.idx.msk [tilespmem:v46+s14+$0x0], $0xffff  }
0x1a9: {  	v57 =	vld [tilespmem:$0x1FF50];
	v28 =	vor.u32 v28, v20;
	_ =	sdelay $0x3  }
0x1aa: {  	[tilespmem:v51+s24+$0x0] =	vst.idx.msk $0xffff, v31  }
0x1ab: {  	v27 =	vand.u32 $0x7, v27;
	v61 =	vor.u32 v57, v8;
	v28 =	vld.idx.msk [tilespmem:v28+s14+$0x0], $0xffff  }
0x1ac: {  	v27 =	vor.u32 v27, v24;
	v60 =	vld [tilespmem:$0x1FF90];
	_ =	sdelay $0x3  }
0x1ad: {  	[tilespmem:v61+s24+$0x0] =	vst.idx.msk $0xffff, v28  }
0x1ae: {  	v25 =	vand.u32 $0x7, v25;
	v62 =	vor.u32 v60, v8;
	v27 =	vld.idx.msk [tilespmem:v27+s14+$0x0], $0xffff  }
0x1af: {  	v25 =	vor.u32 v25, v26;
	v59 =	vld [tilespmem:$0x1FDB0];
	_ =	sdelay $0x3  }
0x1b0: {  	[tilespmem:v62+s24+$0x0] =	vst.idx.msk $0xffff, v27  }
0x1b1: {  	v22 =	vand.u32 $0x7, v22;
	v63 =	vor.u32 v59, v8;
	v25 =	vld.idx.msk [tilespmem:v25+s14+$0x0], $0xffff  }
0x1b2: {  	v22 =	vor.u32 v22, v36;
	v0 =	vld [tilespmem:$0x1FDC0];
	_ =	sdelay $0x3  }
0x1b3: {  	[tilespmem:v63+s24+$0x0] =	vst.idx.msk $0xffff, v25  }
0x1b4: {  	v21 =	vand.u32 $0x7, v21;
	v6 =	vor.u32 v0, v8;
	v22 =	vld.idx.msk [tilespmem:v22+s14+$0x0], $0xffff  }
0x1b5: {  	v21 =	vor.u32 v21, v38;
	_ =	sdelay $0x3  }
0x1b6: {  	[tilespmem:v6+s24+$0x0] =	vst.idx.msk $0xffff, v22  }
0x1b7: {  	v18 =	vand.u32 $0x7, v18;
	v22 =	vor.u32 v4, v8;
	v21 =	vld.idx.msk [tilespmem:v21+s14+$0x0], $0xffff  }
0x1b8: {  	v18 =	vor.u32 v18, v41;
	_ =	sdelay $0x3  }
0x1b9: {  	[tilespmem:v22+s24+$0x0] =	vst.idx.msk $0xffff, v21  }
0x1ba: {  	v20 =	vor.u32 v5, v8;
	v21 =	vand.u32 $0x7, v44;
	v18 =	vld.idx.msk [tilespmem:v18+s14+$0x0], $0xffff  }
0x1bb: {  	v0 =	vor.u32 v21, v42;
	_ =	sdelay $0x3  }
0x1bc: {  	[tilespmem:v20+s24+$0x0] =	vst.idx.msk $0xffff, v18  }
0x1bd: {  	v26 =	vor.u32 v7, v8;
	v20 =	vand.u32 $0x7, v39;
	v0 =	vld.idx.msk [tilespmem:v0+s14+$0x0], $0xffff  }
0x1be: {  	v1 =	vor.u32 v20, v1;
	_ =	sdelay $0x3  }
0x1bf: {  	v30 =	vld [tilespmem:$0x1FBF0];
	[tilespmem:v26+s24+$0x0] =	vst.idx.msk $0xffff, v0  }
0x1c0: {  	v27 =	vand.u32 $0x7, v55;
	v0 =	vld.idx.msk [tilespmem:v1+s14+$0x0], $0xffff;
	v1 =	vor.u32 v9, v8  }
0x1c1: {  	v18 =	vor.u32 v27, v53;
	_ =	sdelay $0x2  }
0x1c2: {  	v52 =	vadd.s32 v30, v11  }
0x1c3: {  	v54 =	vand.u32 $0xFFFFFFF8, v52;
	[tilespmem:v1+s24+$0x0] =	vst.idx.msk $0xffff, v0  }
0x1c4: {  	v54 =	vadd.s32 v10, v54;
	v28 =	vand.u32 $0x7, v52;
	v1 =	vor.u32 v23, v8;
	v0 =	vld.idx.msk [tilespmem:v18+s14+$0x0], $0xffff  }
0x1c5: {  	v18 =	vor.u32 v28, v54  }
0x1c6: {  	v36 =	vld [tilespmem:$0x1FB20];
	_ =	sdelay $0x2  }
0x1c7: {  	[tilespmem:v1+s24+$0x0] =	vst.idx.msk $0xffff, v0  }
0x1c8: {  	v31 =	vand.u32 $0x7, v48;
	v1 =	vor.u32 v30, v8;
	v0 =	vld.idx.msk [tilespmem:v18+s14+$0x0], $0xffff  }
0x1c9: {  	v18 =	vor.u32 v31, v36  }
0x1ca: {  	v39 =	vld [tilespmem:$0x1FB30];
	_ =	sdelay $0x2  }
0x1cb: {  	[tilespmem:v1+s24+$0x0] =	vst.idx.msk $0xffff, v0  }
0x1cc: {  	v38 =	vand.u32 $0x7, v45;
	v1 =	vor.u32 v32, v8;
	v0 =	vld.idx.msk [tilespmem:v18+s14+$0x0], $0xffff  }
0x1cd: {  	v18 =	vor.u32 v38, v39;
	_ =	sdelay $0x3  }
0x1ce: {  	[tilespmem:v1+s24+$0x0] =	vst.idx.msk $0xffff, v0  }
0x1cf: {  	v41 =	vand.u32 $0x7, v43;
	v1 =	vor.u32 v33, v8;
	v0 =	vld.idx.msk [tilespmem:v18+s14+$0x0], $0xffff  }
0x1d0: {  	v18 =	vor.u32 v41, v19  }
0x1d1: {  	v43 =	vld [tilespmem:$0x1FB40];
	_ =	sdelay $0x2  }
0x1d2: {  	[tilespmem:v1+s24+$0x0] =	vst.idx.msk $0xffff, v0  }
0x1d3: {  	v1 =	vand.u32 $0x7, v40;
	v0 =	vld.idx.msk [tilespmem:v18+s14+$0x0], $0xffff  }
0x1d4: {  	v1 =	vor.u32 v1, v43  }
0x1d5: {  	v45 =	vld [tilespmem:$0x1FB50];
	_ =	sdelay $0x2  }
0x1d6: {  	v48 =	vld [tilespmem:$0x1FC40];
	[tilespmem:v56+s24+$0x0] =	vst.idx.msk $0xffff, v0  }
0x1d7: {  	v44 =	vand.u32 $0x7, v37;
	v0 =	vld.idx.msk [tilespmem:v1+s14+$0x0], $0xffff;
	v1 =	vor.u32 v34, v8  }
0x1d8: {  	v18 =	vor.u32 v44, v45;
	_ =	sdelay $0x2  }
0x1d9: {  	v11 =	vadd.s32 v48, v11  }
0x1da: {  	[tilespmem:v1+s24+$0x0] =	vst.idx.msk $0xffff, v0;
	v0 =	vand.u32 $0xFFFFFFF8, v11  }
0x1db: {  	v50 =	vor.u32 v35, v8;
	v11 =	vand.u32 $0x7, v11;
	v1 =	vld.idx.msk [tilespmem:v18+s14+$0x0], $0xffff;
	v0 =	vadd.s32 v10, v0  }
0x1dc: {  	v0 =	vor.u32 v11, v0  }
0x1dd: {  	v53 =	vld [tilespmem:$0x1FB60];
	_ =	sdelay $0x2  }
0x1de: {  	[tilespmem:v50+s24+$0x0] =	vst.idx.msk $0xffff, v1  }
0x1df: {  	v52 =	vand.u32 $0x7, v16;
	v1 =	vor.u32 v48, v8;
	v0 =	vld.idx.msk [tilespmem:v0+s14+$0x0], $0xffff  }
0x1e0: {  	v63 =	vld [tilespmem:$0x1FC60];
	v10 =	vor.u32 v52, v53  }
0x1e1: {  	v54 =	vand.u32 $0x7, v2;
	v2 =	vld [tilespmem:$0x1FB70];
	_ =	sdelay $0x2  }
0x1e2: {  	[tilespmem:v1+s24+$0x0] =	vst.idx.msk $0xffff, v0  }
0x1e3: {  	v1 =	vor.u32 v63, v8;
	v0 =	vld.idx.msk [tilespmem:v10+s14+$0x0], $0xffff  }
0x1e4: {  	v10 =	vor.u32 v54, v2  }
0x1e5: {  	v2 =	vld [tilespmem:$0x1FB80];
	_ =	sdelay $0x2  }
0x1e6: {  	v62 =	vld [tilespmem:$0x1FC50];
	[tilespmem:v1+s24+$0x0] =	vst.idx.msk $0xffff, v0  }
0x1e7: {  	v55 =	vand.u32 $0x7, v17;
	v0 =	vld.idx.msk [tilespmem:v10+s14+$0x0], $0xffff  }
0x1e8: {  	v10 =	vor.u32 v55, v2;
	v2 =	vld [tilespmem:$0x1FB90];
	_ =	sdelay $0x2  }
0x1e9: {  	v1 =	vor.u32 v62, v8;
	_ =	sdelay $0x1  }
0x1ea: {  	v56 =	vand.u32 $0x7, v2;
	v2 =	vld [tilespmem:$0x1FBA0];
	_ =	sdelay $0x2  }
0x1eb: {  	[tilespmem:v1+s24+$0x0] =	vst.idx.msk $0xffff, v0  }
0x1ec: {  	v1 =	vor.u32 v13, v8;
	v0 =	vld.idx.msk [tilespmem:v10+s14+$0x0], $0xffff  }
0x1ed: {  	v42 =	vld [tilespmem:$0x1FEB0];
	v9 =	vor.u32 v56, v2;
	_ =	sdelay $0x3  }
0x1ee: {  	[tilespmem:v1+s24+$0x0] =	vst.idx.msk $0xffff, v0  }
0x1ef: {  	v59 =	vand.u32 $0x7, v3;
	v1 =	vor.u32 v42, v8;
	v0 =	vld.idx.msk [tilespmem:v9+s14+$0x0], $0xffff  }
0x1f0: {  	v9 =	vor.u32 v59, v15;
	_ =	sdelay $0x3  }
0x1f1: {  	[tilespmem:v1+s24+$0x0] =	vst.idx.msk $0xffff, v0  }
0x1f2: {  	v51 =	vmov v60;
	v60 =	vand.u32 $0x7, v12;
	v1 =	vor.u32 v29, v8;
	v0 =	vld.idx.msk [tilespmem:v9+s14+$0x0], $0xffff  }
0x1f3: {  	p0 =	sne.s32 s16, $0x3C0;
	v9 =	vor.u32 v60, v14  }
.Ltmp0:
0x1f4: {  	_ = 	snop;
	(pc) =	sbr.rel @p0 .LBB2_3-.Ltmp0, $4  }
0x1f5: {  	v46 =	vld [tilespmem:$0x1FF60]  }
0x1f6: {  	s17 =	smov.u32 s16;
	v61 =	vld [tilespmem:$0x1FF80]  }
0x1f7: {  	s15 =	sadd.s32 $0x10, s15;
	s3 =	sand.u32 $0x200, s17;
	v38 =	vld [tilespmem:$0x1FF70];
	[tilespmem:v1+s24+$0x0] =	vst.idx.msk $0xffff, v0  }
0x1f8: {  	s16 =	sadd.s32 $0x40, s16;
	s17 =	sand.u32 $0x70, s15;
	s3 =	sshrl.u32 s3, $0x2;
	v22 =	vlaneseq.u32;
	v1 =	vor.u32 v47, v8;
	v0 =	vld.idx.msk [tilespmem:v9+s14+$0x0], $0xffff  }
0x1f9: {  	_ =	sdelay $0x3  }
0x1fa: {  	s3 =	sor.u32 s17, s3;
	[tilespmem:v1+s24+$0x0] =	vst.idx.msk $0xffff, v0  }
0x1fb: {  	v9 =	vld [tilespmem:s3+$0x400];
	_ =	sdelay $0x4  }
0x1fc: {  	v0 =	vor.u32 s15, v22;
	v1 =	vadd.s32 v22, v9  }
0x1fd: {  	v10 =	vshll.u32 v0, $0x7;
	v8 =	vand.u32 $0xFFFFFFF8, v1  }
0x1fe: {  	v1 =	vand.u32 $0x7, v1;
	v8 =	vadd.s32 v10, v8  }
0x1ff: {  	v1 =	vor.u32 v1, v8;
	_ =	sdelay $0x2  }
0x200: {  	v11 =	vadd.s32 v46, v9  }
0x201: {  	v8 =	vshll.u32 v0, $0x5;
	v0 =	vand.u32 $0xFFFFFFF8, v11  }
0x202: {  	v11 =	vand.u32 $0x7, v11;
	v12 =	vor.u32 v22, v8;
	v0 =	vadd.s32 v10, v0;
	v1 =	vld.idx.msk [tilespmem:v1+s14+$0x0], $0xffff  }
0x203: {  	v0 =	vor.u32 v11, v0;
	_ =	sdelay $0x2  }
0x204: {  	v50 =	vadd.s32 v38, v9  }
0x205: {  	[tilespmem:v12+s24+$0x0] =	vst.idx.msk $0xffff, v1;
	v1 =	vand.u32 $0xFFFFFFF8, v50  }
0x206: {  	v52 =	vor.u32 v46, v8;
	v11 =	vand.u32 $0x7, v50;
	v0 =	vld.idx.msk [tilespmem:v0+s14+$0x0], $0xffff;
	v1 =	vadd.s32 v10, v1  }
0x207: {  	v1 =	vor.u32 v11, v1;
	_ =	sdelay $0x2  }
0x208: {  	v53 =	vadd.s32 v61, v9  }
0x209: {  	v3 =	vld [tilespmem:$0x1FFD0];
	[tilespmem:v52+s24+$0x0] =	vst.idx.msk $0xffff, v0;
	v0 =	vand.u32 $0xFFFFFFF8, v53  }
0x20a: {  	v54 =	vor.u32 v38, v8;
	v11 =	vand.u32 $0x7, v53;
	v1 =	vld.idx.msk [tilespmem:v1+s14+$0x0], $0xffff;
	v0 =	vadd.s32 v10, v0  }
0x20b: {  	v0 =	vor.u32 v11, v0;
	_ =	sdelay $0x2  }
0x20c: {  	v55 =	vadd.s32 v3, v9  }
0x20d: {  	v4 =	vld [tilespmem:$0x1FD80];
	[tilespmem:v54+s24+$0x0] =	vst.idx.msk $0xffff, v1;
	v1 =	vand.u32 $0xFFFFFFF8, v55  }
0x20e: {  	v56 =	vor.u32 v61, v8;
	v11 =	vand.u32 $0x7, v55;
	v0 =	vld.idx.msk [tilespmem:v0+s14+$0x0], $0xffff;
	v1 =	vadd.s32 v10, v1  }
0x20f: {  	v1 =	vor.u32 v11, v1;
	_ =	sdelay $0x2  }
0x210: {  	v59 =	vadd.s32 v4, v9  }
0x211: {  	v2 =	vld [tilespmem:$0x1FD90];
	[tilespmem:v56+s24+$0x0] =	vst.idx.msk $0xffff, v0;
	v0 =	vand.u32 $0xFFFFFFF8, v59  }
0x212: {  	v60 =	vor.u32 v3, v8;
	v11 =	vand.u32 $0x7, v59;
	v0 =	vadd.s32 v10, v0;
	v1 =	vld.idx.msk [tilespmem:v1+s14+$0x0], $0xffff  }
0x213: {  	v0 =	vor.u32 v11, v0;
	_ =	sdelay $0x2  }
0x214: {  	v16 =	vadd.s32 v2, v9  }
0x215: {  	[tilespmem:v60+s24+$0x0] =	vst.idx.msk $0xffff, v1;
	v1 =	vand.u32 $0xFFFFFFF8, v16  }
0x216: {  	v17 =	vor.u32 v4, v8;
	v11 =	vand.u32 $0x7, v16;
	v1 =	vadd.s32 v10, v1;
	v0 =	vld.idx.msk [tilespmem:v0+s14+$0x0], $0xffff  }
0x217: {  	v1 =	vor.u32 v11, v1;
	_ =	sdelay $0x2  }
0x218: {  	v18 =	vadd.s32 v58, v9  }
0x219: {  	v19 =	vor.u32 v2, v8;
	v2 =	vld [tilespmem:$0x1FDA0];
	[tilespmem:v17+s24+$0x0] =	vst.idx.msk $0xffff, v0;
	v0 =	vand.u32 $0xFFFFFFF8, v18  }
0x21a: {  	v11 =	vand.u32 $0x7, v18;
	v0 =	vadd.s32 v10, v0;
	v1 =	vld.idx.msk [tilespmem:v1+s14+$0x0], $0xffff  }
0x21b: {  	v0 =	vor.u32 v11, v0;
	_ =	sdelay $0x2  }
0x21c: {  	v32 =	vadd.s32 v2, v9  }
0x21d: {  	[tilespmem:v19+s24+$0x0] =	vst.idx.msk $0xffff, v1;
	v1 =	vand.u32 $0xFFFFFFF8, v32  }
0x21e: {  	v33 =	vor.u32 v58, v8;
	v11 =	vand.u32 $0x7, v32;
	v1 =	vadd.s32 v10, v1;
	v0 =	vld.idx.msk [tilespmem:v0+s14+$0x0], $0xffff  }
0x21f: {  	v1 =	vor.u32 v11, v1;
	_ =	sdelay $0x2  }
0x220: {  	v34 =	vadd.s32 v49, v9  }
0x221: {  	[tilespmem:v33+s24+$0x0] =	vst.idx.msk $0xffff, v0;
	v0 =	vand.u32 $0xFFFFFFF8, v34  }
0x222: {  	v35 =	vor.u32 v2, v8;
	v11 =	vand.u32 $0x7, v34;
	v0 =	vadd.s32 v10, v0;
	v1 =	vld.idx.msk [tilespmem:v1+s14+$0x0], $0xffff  }
0x223: {  	v0 =	vor.u32 v11, v0;
	_ =	sdelay $0x2  }
0x224: {  	v36 =	vadd.s32 v57, v9  }
0x225: {  	[tilespmem:v35+s24+$0x0] =	vst.idx.msk $0xffff, v1;
	v1 =	vand.u32 $0xFFFFFFF8, v36  }
0x226: {  	v37 =	vor.u32 v49, v8;
	v11 =	vand.u32 $0x7, v36;
	v1 =	vadd.s32 v10, v1;
	v0 =	vld.idx.msk [tilespmem:v0+s14+$0x0], $0xffff  }
0x227: {  	v1 =	vor.u32 v11, v1;
	_ =	sdelay $0x2  }
0x228: {  	v39 =	vadd.s32 v51, v9  }
0x229: {  	v4 =	vld [tilespmem:$0x1FDB0];
	[tilespmem:v37+s24+$0x0] =	vst.idx.msk $0xffff, v0;
	v0 =	vand.u32 $0xFFFFFFF8, v39  }
0x22a: {  	v40 =	vor.u32 v57, v8;
	v11 =	vand.u32 $0x7, v39;
	v0 =	vadd.s32 v10, v0;
	v1 =	vld.idx.msk [tilespmem:v1+s14+$0x0], $0xffff  }
0x22b: {  	v0 =	vor.u32 v11, v0;
	_ =	sdelay $0x2  }
0x22c: {  	v41 =	vadd.s32 v4, v9  }
0x22d: {  	v2 =	vld [tilespmem:$0x1FDC0];
	[tilespmem:v40+s24+$0x0] =	vst.idx.msk $0xffff, v1;
	v1 =	vand.u32 $0xFFFFFFF8, v41  }
0x22e: {  	v42 =	vor.u32 v51, v8;
	v11 =	vand.u32 $0x7, v41;
	v1 =	vadd.s32 v10, v1;
	v0 =	vld.idx.msk [tilespmem:v0+s14+$0x0], $0xffff  }
0x22f: {  	v1 =	vor.u32 v11, v1;
	_ =	sdelay $0x2  }
0x230: {  	v43 =	vadd.s32 v2, v9  }
0x231: {  	v23 =	vld [tilespmem:$0x1FFE0];
	[tilespmem:v42+s24+$0x0] =	vst.idx.msk $0xffff, v0;
	v0 =	vand.u32 $0xFFFFFFF8, v43  }
0x232: {  	v44 =	vor.u32 v4, v8;
	v11 =	vand.u32 $0x7, v43;
	v0 =	vadd.s32 v10, v0;
	v1 =	vld.idx.msk [tilespmem:v1+s14+$0x0], $0xffff  }
0x233: {  	v0 =	vor.u32 v11, v0;
	_ =	sdelay $0x2  }
0x234: {  	v45 =	vadd.s32 v23, v9  }
0x235: {  	v29 =	vld [tilespmem:$0x1FBB0];
	[tilespmem:v44+s24+$0x0] =	vst.idx.msk $0xffff, v1;
	v1 =	vand.u32 $0xFFFFFFF8, v45  }
0x236: {  	v47 =	vor.u32 v2, v8;
	v11 =	vand.u32 $0x7, v45;
	v1 =	vadd.s32 v10, v1;
	v0 =	vld.idx.msk [tilespmem:v0+s14+$0x0], $0xffff  }
0x237: {  	v1 =	vor.u32 v11, v1;
	_ =	sdelay $0x2  }
0x238: {  	v48 =	vadd.s32 v29, v9  }
0x239: {  	v4 =	vld [tilespmem:$0x1FBD0];
	[tilespmem:v47+s24+$0x0] =	vst.idx.msk $0xffff, v0;
	v0 =	vand.u32 $0xFFFFFFF8, v48  }
0x23a: {  	v50 =	vor.u32 v23, v8;
	v11 =	vand.u32 $0x7, v48;
	v0 =	vadd.s32 v10, v0;
	v1 =	vld.idx.msk [tilespmem:v1+s14+$0x0], $0xffff  }
0x23b: {  	v0 =	vor.u32 v11, v0;
	_ =	sdelay $0x2  }
0x23c: {  	v52 =	vadd.s32 v4, v9  }
0x23d: {  	v2 =	vld [tilespmem:$0x1FBC0];
	[tilespmem:v50+s24+$0x0] =	vst.idx.msk $0xffff, v1;
	v1 =	vand.u32 $0xFFFFFFF8, v52  }
0x23e: {  	v53 =	vor.u32 v29, v8;
	v11 =	vand.u32 $0x7, v52;
	v1 =	vadd.s32 v10, v1;
	v0 =	vld.idx.msk [tilespmem:v0+s14+$0x0], $0xffff  }
0x23f: {  	v1 =	vor.u32 v11, v1;
	_ =	sdelay $0x2  }
0x240: {  	v54 =	vadd.s32 v2, v9  }
0x241: {  	v7 =	vld [tilespmem:$0x1FBE0];
	[tilespmem:v53+s24+$0x0] =	vst.idx.msk $0xffff, v0;
	v0 =	vand.u32 $0xFFFFFFF8, v54  }
0x242: {  	v55 =	vor.u32 v4, v8;
	v11 =	vand.u32 $0x7, v54;
	v0 =	vadd.s32 v10, v0;
	v1 =	vld.idx.msk [tilespmem:v1+s14+$0x0], $0xffff  }
0x243: {  	v0 =	vor.u32 v11, v0;
	_ =	sdelay $0x2  }
0x244: {  	v56 =	vadd.s32 v7, v9  }
0x245: {  	v33 =	vld [tilespmem:$0x1FBF0];
	[tilespmem:v55+s24+$0x0] =	vst.idx.msk $0xffff, v1;
	v1 =	vand.u32 $0xFFFFFFF8, v56  }
0x246: {  	v59 =	vor.u32 v2, v8;
	v11 =	vand.u32 $0x7, v56;
	v1 =	vadd.s32 v10, v1;
	v0 =	vld.idx.msk [tilespmem:v0+s14+$0x0], $0xffff  }
0x247: {  	v1 =	vor.u32 v11, v1;
	_ =	sdelay $0x2  }
0x248: {  	v60 =	vadd.s32 v33, v9  }
0x249: {  	v24 =	vld [tilespmem:$0x1FFF0];
	[tilespmem:v59+s24+$0x0] =	vst.idx.msk $0xffff, v0;
	v0 =	vand.u32 $0xFFFFFFF8, v60  }
0x24a: {  	v16 =	vor.u32 v7, v8;
	v11 =	vand.u32 $0x7, v60;
	v0 =	vadd.s32 v10, v0;
	v1 =	vld.idx.msk [tilespmem:v1+s14+$0x0], $0xffff  }
0x24b: {  	v0 =	vor.u32 v11, v0;
	_ =	sdelay $0x2  }
0x24c: {  	v17 =	vadd.s32 v24, v9  }
0x24d: {  	v34 =	vld [tilespmem:$0x1FC00];
	[tilespmem:v16+s24+$0x0] =	vst.idx.msk $0xffff, v1;
	v1 =	vand.u32 $0xFFFFFFF8, v17  }
0x24e: {  	v18 =	vor.u32 v33, v8;
	v11 =	vand.u32 $0x7, v17;
	v1 =	vadd.s32 v10, v1;
	v0 =	vld.idx.msk [tilespmem:v0+s14+$0x0], $0xffff  }
0x24f: {  	v1 =	vor.u32 v11, v1;
	_ =	sdelay $0x2  }
0x250: {  	v19 =	vadd.s32 v34, v9  }
0x251: {  	v60 =	vld [tilespmem:$0x1FC20];
	[tilespmem:v18+s24+$0x0] =	vst.idx.msk $0xffff, v0;
	v0 =	vand.u32 $0xFFFFFFF8, v19  }
0x252: {  	v32 =	vor.u32 v24, v8;
	v11 =	vand.u32 $0x7, v19;
	v0 =	vadd.s32 v10, v0;
	v1 =	vld.idx.msk [tilespmem:v1+s14+$0x0], $0xffff  }
0x253: {  	v0 =	vor.u32 v11, v0;
	_ =	sdelay $0x2  }
0x254: {  	v35 =	vadd.s32 v60, v9  }
0x255: {  	v30 =	vmov v2;
	v2 =	vld [tilespmem:$0x1FC10];
	[tilespmem:v32+s24+$0x0] =	vst.idx.msk $0xffff, v1;
	v1 =	vand.u32 $0xFFFFFFF8, v35  }
0x256: {  	v36 =	vor.u32 v34, v8;
	v11 =	vand.u32 $0x7, v35;
	v1 =	vadd.s32 v10, v1;
	v0 =	vld.idx.msk [tilespmem:v0+s14+$0x0], $0xffff  }
0x257: {  	v1 =	vor.u32 v11, v1;
	_ =	sdelay $0x2  }
0x258: {  	v37 =	vadd.s32 v2, v9  }
0x259: {  	v5 =	vld [tilespmem:$0x1FC30];
	[tilespmem:v36+s24+$0x0] =	vst.idx.msk $0xffff, v0;
	v0 =	vand.u32 $0xFFFFFFF8, v37  }
0x25a: {  	v39 =	vor.u32 v60, v8;
	v11 =	vand.u32 $0x7, v37;
	v0 =	vadd.s32 v10, v0;
	v1 =	vld.idx.msk [tilespmem:v1+s14+$0x0], $0xffff  }
0x25b: {  	v0 =	vor.u32 v11, v0;
	_ =	sdelay $0x2  }
0x25c: {  	v40 =	vadd.s32 v5, v9  }
0x25d: {  	v41 =	vor.u32 v2, v8;
	v2 =	vld [tilespmem:$0x1FC40];
	[tilespmem:v39+s24+$0x0] =	vst.idx.msk $0xffff, v1;
	v1 =	vand.u32 $0xFFFFFFF8, v40  }
0x25e: {  	v11 =	vand.u32 $0x7, v40;
	v1 =	vadd.s32 v10, v1;
	v0 =	vld.idx.msk [tilespmem:v0+s14+$0x0], $0xffff  }
0x25f: {  	v1 =	vor.u32 v11, v1;
	_ =	sdelay $0x2  }
0x260: {  	v42 =	vadd.s32 v2, v9  }
0x261: {  	[tilespmem:v41+s24+$0x0] =	vst.idx.msk $0xffff, v0;
	v0 =	vand.u32 $0xFFFFFFF8, v42  }
0x262: {  	v43 =	vor.u32 v5, v8;
	v11 =	vand.u32 $0x7, v42;
	v1 =	vld.idx.msk [tilespmem:v1+s14+$0x0], $0xffff;
	v0 =	vadd.s32 v10, v0  }
0x263: {  	v0 =	vor.u32 v11, v0;
	_ =	sdelay $0x2  }
0x264: {  	v44 =	vadd.s32 v63, v9  }
0x265: {  	[tilespmem:v43+s24+$0x0] =	vst.idx.msk $0xffff, v1;
	v1 =	vand.u32 $0xFFFFFFF8, v44  }
0x266: {  	v45 =	vor.u32 v2, v8;
	v11 =	vand.u32 $0x7, v44;
	v1 =	vadd.s32 v10, v1;
	v0 =	vld.idx.msk [tilespmem:v0+s14+$0x0], $0xffff  }
0x267: {  	v1 =	vor.u32 v11, v1;
	_ =	sdelay $0x2  }
0x268: {  	v47 =	vadd.s32 v62, v9  }
0x269: {  	v26 =	vld [tilespmem:$0x1FFB0];
	[tilespmem:v45+s24+$0x0] =	vst.idx.msk $0xffff, v0;
	v0 =	vand.u32 $0xFFFFFFF8, v47  }
0x26a: {  	v48 =	vor.u32 v63, v8;
	v11 =	vand.u32 $0x7, v47;
	v0 =	vadd.s32 v10, v0;
	v1 =	vld.idx.msk [tilespmem:v1+s14+$0x0], $0xffff  }
0x26b: {  	v0 =	vor.u32 v11, v0;
	_ =	sdelay $0x2  }
0x26c: {  	v50 =	vadd.s32 v26, v9  }
0x26d: {  	v36 =	vmov v2;
	v2 =	vld [tilespmem:$0x1FEB0];
	[tilespmem:v48+s24+$0x0] =	vst.idx.msk $0xffff, v1;
	v1 =	vand.u32 $0xFFFFFFF8, v50  }
0x26e: {  	v52 =	vor.u32 v62, v8;
	v11 =	vand.u32 $0x7, v50;
	v1 =	vadd.s32 v10, v1;
	v0 =	vld.idx.msk [tilespmem:v0+s14+$0x0], $0xffff  }
0x26f: {  	v1 =	vor.u32 v11, v1;
	_ =	sdelay $0x2  }
0x270: {  	v53 =	vadd.s32 v2, v9  }
0x271: {  	v5 =	vld [tilespmem:$0x1FFC0];
	[tilespmem:v52+s24+$0x0] =	vst.idx.msk $0xffff, v0;
	v0 =	vand.u32 $0xFFFFFFF8, v53  }
0x272: {  	v54 =	vor.u32 v26, v8;
	v11 =	vand.u32 $0x7, v53;
	v0 =	vadd.s32 v10, v0;
	v1 =	vld.idx.msk [tilespmem:v1+s14+$0x0], $0xffff  }
0x273: {  	v0 =	vor.u32 v11, v0;
	_ =	sdelay $0x2  }
0x274: {  	v55 =	vadd.s32 v5, v9  }
0x275: {  	v56 =	vor.u32 v2, v8;
	v2 =	vld [tilespmem:$0x1FFA0];
	[tilespmem:v54+s24+$0x0] =	vst.idx.msk $0xffff, v1;
	v1 =	vand.u32 $0xFFFFFFF8, v55  }
0x276: {  	v11 =	vand.u32 $0x7, v55;
	v1 =	vadd.s32 v10, v1;
	v0 =	vld.idx.msk [tilespmem:v0+s14+$0x0], $0xffff  }
0x277: {  	v1 =	vor.u32 v11, v1;
	_ =	sdelay $0x2  }
0x278: {  	v9 =	vadd.s32 v2, v9  }
0x279: {  	[tilespmem:v56+s24+$0x0] =	vst.idx.msk $0xffff, v0;
	v0 =	vand.u32 $0xFFFFFFF8, v9  }
0x27a: {  	v59 =	vor.u32 v5, v8;
	v9 =	vand.u32 $0x7, v9;
	v0 =	vadd.s32 v10, v0;
	v1 =	vld.idx.msk [tilespmem:v1+s14+$0x0], $0xffff  }
0x27b: {  	v0 =	vor.u32 v9, v0;
	_ =	sdelay $0x3  }
0x27c: {  	[tilespmem:v59+s24+$0x0] =	vst.idx.msk $0xffff, v1  }
0x27d: {  	v1 =	vor.u32 v2, v8;
	v0 =	vld.idx.msk [tilespmem:v0+s14+$0x0], $0xffff;
	_ =	sdelay $0x2  }
0x27e: {  	p0 =	sne.s32 s10, $0x63  }
.Ltmp1:
0x27f: {  	_ = 	snop;
	(pc) =	sbr.rel @p0 .LBB2_6-.Ltmp1, $4  }
0x280: {  	[tilespmem:v1+s24+$0x0] =	vst.idx.msk $0xffff, v0  }
0x281: {  	[hbm4b:s7+s12] =	stream.indirect.scatter [tilespmem:s24], [sflag:$0x5], $0x20, s25, s12, $0xb8;
	[tilespmem:$0x14800] =	vst v63  }
0x282: {  	_ = 	snop  }
0x283: {  	v6 =	vmovc v5;
	v5 =	vmov v3;
	v28 =	vmov v2;
	v2 =	vmov v4;
	[hbm4b:s7+s12] =	stream.indirect.scatter [tilespmem:s28], [sflag:$0x5], $0x20, s26, s12, $0xb8;
	[tilespmem:$0x14800] =	vst v63  }
.Ltmp2:
0x284: {  	(pc) =	sbr.rel .LBB2_7-.Ltmp2, $4  }
0x285: {  	_ = 	snop  }
0x286: {  	_ =	swait.ge [sflag:s29], $0x8000  }
0x287: {  	[sflag:s29] =	ssyncset.done $0x0  }
0x288: {  	[sflag:s29] =	ssyncadd.s32 $0xFFFF8000  }
.LBB2_6:
0x289: {  	_ =	swait.ge [sflag:s11], $0x100;
	s13 =	sshll.u32 s13, $0x8  }
0x28a: {  	[sflag:s11] =	ssyncset.done $0x0;
	v1 =	vor.u32 s13, v22  }
0x28b: {  	s3 =	sor.u32 $0x10, s13;
	s17 =	sor.u32 $0x20, s13;
	s15 =	sor.u32 $0x30, s13;
	v9 =	vshrl.u32 v1, $0x2;
	v1 =	vshll.u32 v1, $0x2  }
0x28c: {  	s16 =	sor.u32 $0x40, s13;
	[sflag:s11] =	ssyncadd.s32 $0xFFFFFF00;
	v11 =	vor.u32 s3, v22;
	v35 =	vor.u32 s17, v22;
	v17 =	vor.u32 s15, v22  }
0x28d: {  	v41 =	vor.u32 s16, v22;
	_ =	swait.ge [sflag:s8], $0x2000;
	v9 =	vmul.u32 $0x51EC, v9;
	v12 =	vshrl.u32 v11, $0x2  }
0x28e: {  	s17 =	sor.u32 $0x50, s13;
	v11 =	vshll.u32 v11, $0x2;
	v15 =	vshrl.u32 v35, $0x2;
	v18 =	vshrl.u32 v17, $0x2;
	[sflag:s8] =	ssyncset.done $0x0  }
0x28f: {  	v39 =	vshll.u32 v17, $0x2;
	v43 =	vshrl.u32 v41, $0x2;
	v47 =	vor.u32 s17, v22;
	v21 =	vld [tilespmem:$0x1FC70];
	[sflag:s8] =	ssyncadd.s32 $0xFFFFE000  }
0x290: {  	v48 =	vshll.u32 v41, $0x2;
	v12 =	vmul.u32 $0x51EC, v12;
	v15 =	vmul.u32 $0x51EC, v15;
	v0 =	vld [tilespmem:$0x0]  }
0x291: {  	v18 =	vmul.u32 $0x51EC, v18;
	v44 =	vmul.u32 $0x51EC, v43;
	v50 =	vshrl.u32 v47, $0x2;
	v8 =	vld [tilespmem:$0x10]  }
0x292: {  	v59 =	vshll.u32 v47, $0x2;
	v9 =	vshra.s32 v9, $0xF;
	v52 =	vmul.u32 $0x51EC, v50;
	v13 =	vld [tilespmem:$0x20]  }
0x293: {  	v9 =	vand.u32 $0xFFFFFFF0, v9;
	v12 =	vshra.s32 v12, $0xF;
	v15 =	vshra.s32 v15, $0xF;
	v19 =	vld [tilespmem:$0x40]  }
0x294: {  	v40 =	vshra.s32 v18, $0xF;
	v20 =	vld [tilespmem:$0x50];
	v12 =	vand.u32 $0xFFFFFFF0, v12;
	v15 =	vand.u32 $0xFFFFFFF0, v15  }
0x295: {  	v53 =	vld [tilespmem:$0x60];
	v42 =	vand.u32 $0xFFFFFFF0, v40;
	v1 =	vadd.s32 v21, v1;
	v11 =	vadd.s32 v21, v11  }
0x296: {  	v1 =	vadd.s32 v9, v1;
	v11 =	vadd.s32 v12, v11;
	v9 =	vadd.s32 v21, v48  }
0x297: {  	v10 =	vshra.s32 v0, $0x2;
	v0 =	vshll.u32 v0, $0x5;
	v14 =	vshll.u32 v8, $0x5  }
0x298: {  	v8 =	vshra.s32 v8, $0x2;
	v37 =	vshll.u32 v13, $0x5;
	v13 =	vshra.s32 v13, $0x2;
	[tilespmem:$0x600] =	vst v1  }
0x299: {  	v45 =	vshll.u32 v19, $0x5;
	[tilespmem:$0x610] =	vst v11;
	v55 =	vshra.s32 v20, $0x2;
	v56 =	vshll.u32 v20, $0x5  }
0x29a: {  	v11 =	vshra.s32 v52, $0xF;
	v40 =	vshll.u32 v53, $0x5;
	v0 =	vand.u32 $0x60, v0;
	[tilespmem:$0x200] =	vst v10  }
0x29b: {  	v32 =	vand.u32 $0x60, v14;
	v12 =	vand.u32 $0x60, v37;
	v14 =	vshll.u32 v35, $0x2;
	[tilespmem:$0x210] =	vst v8  }
0x29c: {  	s15 =	sor.u32 $0x60, s13;
	v16 =	vld [tilespmem:$0x30];
	v8 =	vshra.s32 v19, $0x2;
	v10 =	vshra.s32 v44, $0xF;
	[tilespmem:$0x220] =	vst v13;
	v54 =	vand.u32 $0x60, v45  }
0x29d: {  	v11 =	vand.u32 $0xFFFFFFF0, v11;
	v35 =	vor.u32 s15, v22;
	v14 =	vadd.s32 v21, v14;
	[tilespmem:$0x400] =	vst v0  }
0x29e: {  	v0 =	vadd.s32 v21, v39;
	[tilespmem:$0x410] =	vst v32;
	v10 =	vand.u32 $0xFFFFFFF0, v10;
	v32 =	vadd.s32 v21, v59  }
0x29f: {  	s17 =	sor.u32 $0x80, s13;
	s15 =	sor.u32 $0x90, s13;
	[tilespmem:$0x420] =	vst v12;
	v12 =	vand.u32 $0x60, v56;
	v39 =	vshrl.u32 v35, $0x2;
	v41 =	vshll.u32 v35, $0x2  }
0x2a0: {  	[tilespmem:$0x440] =	vst v54;
	v54 =	vor.u32 s17, v22;
	v35 =	vor.u32 s15, v22;
	v14 =	vadd.s32 v15, v14  }
0x2a1: {  	s16 =	sor.u32 $0x70, s13;
	[tilespmem:$0x250] =	vst v55;
	v15 =	vshra.s32 v16, $0x2;
	v16 =	vshll.u32 v16, $0x5;
	v0 =	vadd.s32 v42, v0  }
0x2a2: {  	[tilespmem:$0x240] =	vst v8;
	v9 =	vadd.s32 v10, v9;
	v11 =	vadd.s32 v11, v32;
	v42 =	vor.u32 s16, v22  }
0x2a3: {  	v37 =	vld [tilespmem:$0x70];
	v8 =	vadd.s32 v21, v41;
	v56 =	vshrl.u32 v54, $0x2;
	v1 =	vand.u32 $0x60, v16;
	[tilespmem:$0x620] =	vst v14  }
0x2a4: {  	v44 =	vld [tilespmem:$0x80];
	v14 =	vmul.u32 $0x51EC, v39;
	[tilespmem:$0x630] =	vst v0;
	v0 =	vand.u32 $0x60, v40;
	v43 =	vshrl.u32 v42, $0x2  }
0x2a5: {  	[tilespmem:$0x230] =	vst v15;
	v52 =	vshll.u32 v42, $0x2;
	v32 =	vmul.u32 $0x51EC, v56;
	v42 =	vshll.u32 v35, $0x2  }
0x2a6: {  	s17 =	sor.u32 $0xB0, s13;
	s16 =	sor.u32 $0xA0, s13;
	[tilespmem:$0x430] =	vst v1;
	v1 =	vshra.s32 v53, $0x2;
	v15 =	vmul.u32 $0x51EC, v43;
	v10 =	vadd.s32 v21, v52  }
0x2a7: {  	[tilespmem:$0x460] =	vst v0;
	v0 =	vshll.u32 v54, $0x2;
	v43 =	vor.u32 s16, v22;
	v54 =	vor.u32 s17, v22  }
0x2a8: {  	v59 =	vld [tilespmem:$0x90];
	[tilespmem:$0x450] =	vst v12;
	v14 =	vshra.s32 v14, $0xF;
	v47 =	vshll.u32 v37, $0x5;
	v48 =	vshra.s32 v37, $0x2  }
0x2a9: {  	v19 =	vshll.u32 v44, $0x5;
	[tilespmem:$0x260] =	vst v1;
	v1 =	vshra.s32 v44, $0x2;
	v12 =	vshra.s32 v32, $0xF  }
0x2aa: {  	[tilespmem:$0x640] =	vst v9;
	v37 =	vshrl.u32 v35, $0x2;
	v0 =	vadd.s32 v21, v0;
	v44 =	vadd.s32 v21, v42  }
0x2ab: {  	[tilespmem:$0x650] =	vst v11;
	v17 =	vshll.u32 v54, $0x2;
	v45 =	vand.u32 $0xFFFFFFF0, v14;
	v50 =	vand.u32 $0x60, v47  }
0x2ac: {  	s15 =	sor.u32 $0xC0, s13;
	v40 =	vld [tilespmem:$0xA0];
	v53 =	vshra.s32 v15, $0xF;
	v11 =	vand.u32 $0x60, v19;
	v39 =	vmul.u32 $0x51EC, v37;
	[tilespmem:$0x270] =	vst v48  }
0x2ad: {  	v41 =	vshll.u32 v59, $0x5;
	[tilespmem:$0x280] =	vst v1;
	v18 =	vadd.s32 v21, v17;
	v19 =	vor.u32 s15, v22  }
0x2ae: {  	s16 =	sor.u32 $0xD0, s13;
	v8 =	vadd.s32 v45, v8;
	v55 =	vand.u32 $0xFFFFFFF0, v53;
	[tilespmem:$0x470] =	vst v50;
	v45 =	vshrl.u32 v43, $0x2  }
0x2af: {  	v1 =	vand.u32 $0x60, v41;
	[tilespmem:$0x480] =	vst v11;
	v37 =	vshrl.u32 v19, $0x2;
	v41 =	vor.u32 s16, v22  }
0x2b0: {  	v10 =	vadd.s32 v55, v10;
	[tilespmem:$0x660] =	vst v8;
	v8 =	vand.u32 $0xFFFFFFF0, v12;
	v12 =	vshra.s32 v39, $0xF  }
0x2b1: {  	v50 =	vmul.u32 $0x51EC, v45;
	v52 =	vshra.s32 v40, $0x2;
	v53 =	vshll.u32 v40, $0x5;
	[tilespmem:$0x490] =	vst v1  }
0x2b2: {  	v32 =	vld [tilespmem:$0xD0];
	v55 =	vshrl.u32 v54, $0x2;
	v40 =	vshll.u32 v19, $0x2;
	v42 =	vshrl.u32 v41, $0x2;
	[tilespmem:$0x670] =	vst v10  }
0x2b3: {  	v47 =	vld [tilespmem:$0xB0];
	v0 =	vadd.s32 v8, v0;
	v8 =	vshra.s32 v59, $0x2;
	v12 =	vand.u32 $0xFFFFFFF0, v12;
	[tilespmem:$0x2A0] =	vst v52  }
0x2b4: {  	s17 =	sor.u32 $0xE0, s13;
	s13 =	sor.u32 $0xF0, s13;
	v56 =	vmul.u32 $0x51EC, v55;
	v1 =	vand.u32 $0x60, v53;
	v11 =	vmul.u32 $0x51EC, v42;
	[tilespmem:$0x680] =	vst v0  }
0x2b5: {  	v55 =	vor.u32 s13, v22;
	v0 =	vshll.u32 v43, $0x2;
	v10 =	vshra.s32 v50, $0xF;
	[tilespmem:$0x290] =	vst v8  }
0x2b6: {  	v59 =	vld [tilespmem:$0xC0];
	v48 =	vadd.s32 v12, v44;
	[tilespmem:$0x4A0] =	vst v1;
	v0 =	vadd.s32 v21, v0;
	v8 =	vand.u32 $0xFFFFFFF0, v10  }
0x2b7: {  	v45 =	vshll.u32 v32, $0x5;
	[tilespmem:$0x690] =	vst v48;
	v10 =	vshra.s32 v56, $0xF;
	v0 =	vadd.s32 v8, v0  }
0x2b8: {  	v16 =	vshll.u32 v47, $0x5;
	v8 =	vshra.s32 v47, $0x2;
	v10 =	vand.u32 $0xFFFFFFF0, v10;
	[tilespmem:$0x6A0] =	vst v0  }
0x2b9: {  	v1 =	vand.u32 $0x60, v16;
	v35 =	vadd.s32 v10, v18;
	v10 =	vmul.u32 $0x51EC, v37;
	[tilespmem:$0x2B0] =	vst v8  }
0x2ba: {  	v50 =	vor.u32 s17, v22;
	v48 =	vshra.s32 v11, $0xF;
	v47 =	vand.u32 $0x60, v45;
	[tilespmem:$0x4B0] =	vst v1  }
0x2bb: {  	v43 =	vld [tilespmem:$0xE0];
	[tilespmem:$0x4D0] =	vst v47;
	v0 =	vshra.s32 v59, $0x2;
	v39 =	vshll.u32 v59, $0x5;
	v10 =	vshra.s32 v10, $0xF  }
0x2bc: {  	v1 =	vadd.s32 v21, v40;
	v8 =	vand.u32 $0x60, v39;
	[tilespmem:$0x2C0] =	vst v0;
	v44 =	vand.u32 $0xFFFFFFF0, v10  }
0x2bd: {  	v52 =	vshrl.u32 v50, $0x2;
	[tilespmem:$0x4C0] =	vst v8;
	v8 =	vshll.u32 v41, $0x2;
	v0 =	vadd.s32 v44, v1  }
0x2be: {  	v56 =	vshrl.u32 v55, $0x2;
	[tilespmem:$0x6C0] =	vst v0;
	v0 =	vadd.s32 v21, v8;
	v8 =	vand.u32 $0xFFFFFFF0, v48  }
0x2bf: {  	v53 =	vld [tilespmem:$0xF0];
	[tilespmem:$0x6B0] =	vst v35;
	v1 =	vshra.s32 v32, $0x2;
	v0 =	vadd.s32 v8, v0;
	v8 =	vmul.u32 $0x51EC, v52  }
0x2c0: {  	v59 =	vmul.u32 $0x51EC, v56;
	v54 =	vshra.s32 v43, $0x2;
	[tilespmem:$0x2D0] =	vst v1  }
0x2c1: {  	v1 =	vshll.u32 v43, $0x5;
	[tilespmem:$0x6D0] =	vst v0;
	v0 =	vshll.u32 v50, $0x2;
	v8 =	vshra.s32 v8, $0xF  }
0x2c2: {  	[tilespmem:$0x2E0] =	vst v54;
	v1 =	vand.u32 $0x60, v1;
	v0 =	vadd.s32 v21, v0;
	v8 =	vand.u32 $0xFFFFFFF0, v8  }
0x2c3: {  	v9 =	vshra.s32 v59, $0xF;
	[tilespmem:$0x4E0] =	vst v1;
	v0 =	vadd.s32 v8, v0  }
0x2c4: {  	v1 =	vshra.s32 v53, $0x2;
	v8 =	vshll.u32 v55, $0x2;
	[tilespmem:$0x6E0] =	vst v0;
	v0 =	vshll.u32 v53, $0x5  }
0x2c5: {  	[tilespmem:$0x2F0] =	vst v1;
	v1 =	vadd.s32 v21, v8;
	v8 =	vand.u32 $0xFFFFFFF0, v9;
	v0 =	vand.u32 $0x60, v0  }
0x2c6: {  	[tilespmem:$0x4F0] =	vst v0;
	v0 =	vadd.s32 v8, v1  }
0x2c7: {  	[tilespmem:$0x6F0] =	vst v0  }
0x2c8: {  	_ =	swait.ge [sflag:s29], $0x8000  }
0x2c9: {  	[sflag:s29] =	ssyncset.done $0x0  }
0x2ca: {  	s15 =	simm.s32 $0x200;
	[sflag:s29] =	ssyncadd.s32 $0xFFFF8000  }
0x2cb: {  	[tilespmem:s14], [sflag:$0x3] =	stream.indirect.gather [hbm4b:s2+s12], $0x80, s15, s12, $0xb8;
	[tilespmem:$0x14800] =	vst v63  }
0x2cc: {  	s15 =	sadd.s32 s5, s9  }
0x2cd: {  	s16 =	simm.s32 $0x280;
	s17 =	simm.s32 $0x4800;
	s3 =	sshrl.u32 s15, $0x3  }
0x2ce: {  	[tilespmem:s17], [sflag:$0x3] =	stream.indirect.gather [hbm4b:s2+s12], $0x80, s16, s12, $0xb8;
	[tilespmem:$0x14800] =	vst v63  }
0x2cf: {  	s3 =	sadd.s32 s4, s3;
	s16 =	simm.s32 $0x0;
	s17 =	simm.s32 $0x100  }
0x2d0: {  	[tilespmem:s17], [sflag:$0x2] =	stream.linear.gather [hbm4b:s3+s16], $0x100, $0x38;
	[tilespmem:$0x14800] =	vst v63  }
.LBB2_7:
0x2d1: {  	s3 =	simm.s32 $0x0  }
0x2d2: {  	s5 =	sand.u32 $0x200, s3  }
0x2d3: {  	s13 =	sand.u32 $0x70, s3;
	s5 =	sshrl.u32 s5, $0x2  }
0x2d4: {  	s5 =	sor.u32 s13, s5  }
0x2d5: {  	v9 =	vld [tilespmem:s5+$0x500];
	_ =	sdelay $0x4  }
0x2d6: {  	v0 =	vor.u32 s3, v22;
	v1 =	vadd.s32 v22, v9  }
0x2d7: {  	v10 =	vshll.u32 v0, $0x7;
	v8 =	vand.u32 $0xFFFFFFF8, v1  }
0x2d8: {  	v1 =	vand.u32 $0x7, v1;
	v8 =	vadd.s32 v10, v8  }
0x2d9: {  	v1 =	vor.u32 v1, v8;
	_ =	sdelay $0x2  }
0x2da: {  	v11 =	vadd.s32 v46, v9  }
0x2db: {  	v8 =	vshll.u32 v0, $0x5;
	v0 =	vand.u32 $0xFFFFFFF8, v11  }
0x2dc: {  	v11 =	vand.u32 $0x7, v11;
	v0 =	vadd.s32 v10, v0;
	v12 =	vor.u32 v22, v8;
	v1 =	vld.idx.msk [tilespmem:v1+s21+$0x0], $0xffff  }
0x2dd: {  	v0 =	vor.u32 v11, v0;
	_ =	sdelay $0x2  }
0x2de: {  	v53 =	vadd.s32 v38, v9  }
0x2df: {  	[tilespmem:v12+s30+$0x0] =	vst.idx.msk $0xffff, v1;
	v1 =	vand.u32 $0xFFFFFFF8, v53  }
0x2e0: {  	v54 =	vor.u32 v46, v8;
	v11 =	vand.u32 $0x7, v53;
	v1 =	vadd.s32 v10, v1;
	v0 =	vld.idx.msk [tilespmem:v0+s21+$0x0], $0xffff  }
0x2e1: {  	v1 =	vor.u32 v11, v1;
	_ =	sdelay $0x2  }
0x2e2: {  	v55 =	vadd.s32 v61, v9  }
0x2e3: {  	[tilespmem:v54+s30+$0x0] =	vst.idx.msk $0xffff, v0;
	v0 =	vand.u32 $0xFFFFFFF8, v55  }
0x2e4: {  	v56 =	vor.u32 v38, v8;
	v11 =	vand.u32 $0x7, v55;
	v0 =	vadd.s32 v10, v0;
	v1 =	vld.idx.msk [tilespmem:v1+s21+$0x0], $0xffff  }
0x2e5: {  	v0 =	vor.u32 v11, v0;
	_ =	sdelay $0x2  }
0x2e6: {  	v59 =	vadd.s32 v5, v9  }
0x2e7: {  	v17 =	vld [tilespmem:$0x1FD80];
	[tilespmem:v56+s30+$0x0] =	vst.idx.msk $0xffff, v1;
	v1 =	vand.u32 $0xFFFFFFF8, v59  }
0x2e8: {  	v4 =	vor.u32 v61, v8;
	v11 =	vand.u32 $0x7, v59;
	v1 =	vadd.s32 v10, v1;
	v0 =	vld.idx.msk [tilespmem:v0+s21+$0x0], $0xffff  }
0x2e9: {  	v1 =	vor.u32 v11, v1;
	_ =	sdelay $0x2  }
0x2ea: {  	v25 =	vadd.s32 v17, v9  }
0x2eb: {  	v3 =	vld [tilespmem:$0x1FD90];
	[tilespmem:v4+s30+$0x0] =	vst.idx.msk $0xffff, v0;
	v0 =	vand.u32 $0xFFFFFFF8, v25  }
0x2ec: {  	v27 =	vor.u32 v5, v8;
	v11 =	vand.u32 $0x7, v25;
	v0 =	vadd.s32 v10, v0;
	v1 =	vld.idx.msk [tilespmem:v1+s21+$0x0], $0xffff  }
0x2ed: {  	v0 =	vor.u32 v11, v0;
	_ =	sdelay $0x2  }
0x2ee: {  	v31 =	vadd.s32 v3, v9  }
0x2ef: {  	[tilespmem:v27+s30+$0x0] =	vst.idx.msk $0xffff, v1;
	v1 =	vand.u32 $0xFFFFFFF8, v31  }
0x2f0: {  	v32 =	vor.u32 v17, v8;
	v11 =	vand.u32 $0x7, v31;
	v1 =	vadd.s32 v10, v1;
	v0 =	vld.idx.msk [tilespmem:v0+s21+$0x0], $0xffff  }
0x2f1: {  	v1 =	vor.u32 v11, v1;
	_ =	sdelay $0x2  }
0x2f2: {  	v35 =	vadd.s32 v58, v9  }
0x2f3: {  	v37 =	vor.u32 v3, v8;
	v3 =	vld [tilespmem:$0x1FDA0];
	[tilespmem:v32+s30+$0x0] =	vst.idx.msk $0xffff, v0;
	v0 =	vand.u32 $0xFFFFFFF8, v35  }
0x2f4: {  	v11 =	vand.u32 $0x7, v35;
	v0 =	vadd.s32 v10, v0;
	v1 =	vld.idx.msk [tilespmem:v1+s21+$0x0], $0xffff  }
0x2f5: {  	v0 =	vor.u32 v11, v0;
	_ =	sdelay $0x2  }
0x2f6: {  	v39 =	vadd.s32 v3, v9  }
0x2f7: {  	[tilespmem:v37+s30+$0x0] =	vst.idx.msk $0xffff, v1;
	v1 =	vand.u32 $0xFFFFFFF8, v39  }
0x2f8: {  	v40 =	vor.u32 v58, v8;
	v11 =	vand.u32 $0x7, v39;
	v1 =	vadd.s32 v10, v1;
	v0 =	vld.idx.msk [tilespmem:v0+s21+$0x0], $0xffff  }
0x2f9: {  	v1 =	vor.u32 v11, v1;
	_ =	sdelay $0x2  }
0x2fa: {  	v41 =	vadd.s32 v49, v9  }
0x2fb: {  	[tilespmem:v40+s30+$0x0] =	vst.idx.msk $0xffff, v0;
	v0 =	vand.u32 $0xFFFFFFF8, v41  }
0x2fc: {  	v42 =	vor.u32 v3, v8;
	v11 =	vand.u32 $0x7, v41;
	v0 =	vadd.s32 v10, v0;
	v1 =	vld.idx.msk [tilespmem:v1+s21+$0x0], $0xffff  }
0x2fd: {  	v0 =	vor.u32 v11, v0;
	_ =	sdelay $0x2  }
0x2fe: {  	v43 =	vadd.s32 v57, v9  }
0x2ff: {  	[tilespmem:v42+s30+$0x0] =	vst.idx.msk $0xffff, v1;
	v1 =	vand.u32 $0xFFFFFFF8, v43  }
0x300: {  	v44 =	vor.u32 v49, v8;
	v11 =	vand.u32 $0x7, v43;
	v1 =	vadd.s32 v10, v1;
	v0 =	vld.idx.msk [tilespmem:v0+s21+$0x0], $0xffff  }
0x301: {  	v1 =	vor.u32 v11, v1;
	_ =	sdelay $0x2  }
0x302: {  	v45 =	vadd.s32 v51, v9  }
0x303: {  	v4 =	vld [tilespmem:$0x1FDB0];
	[tilespmem:v44+s30+$0x0] =	vst.idx.msk $0xffff, v0;
	v0 =	vand.u32 $0xFFFFFFF8, v45  }
0x304: {  	v47 =	vor.u32 v57, v8;
	v11 =	vand.u32 $0x7, v45;
	v0 =	vadd.s32 v10, v0;
	v1 =	vld.idx.msk [tilespmem:v1+s21+$0x0], $0xffff  }
0x305: {  	v0 =	vor.u32 v11, v0;
	_ =	sdelay $0x2  }
0x306: {  	v48 =	vadd.s32 v4, v9  }
0x307: {  	v3 =	vld [tilespmem:$0x1FDC0];
	[tilespmem:v47+s30+$0x0] =	vst.idx.msk $0xffff, v1;
	v1 =	vand.u32 $0xFFFFFFF8, v48  }
0x308: {  	v50 =	vor.u32 v51, v8;
	v11 =	vand.u32 $0x7, v48;
	v1 =	vadd.s32 v10, v1;
	v0 =	vld.idx.msk [tilespmem:v0+s21+$0x0], $0xffff  }
0x309: {  	v1 =	vor.u32 v11, v1;
	_ =	sdelay $0x2  }
0x30a: {  	v52 =	vadd.s32 v3, v9  }
0x30b: {  	[tilespmem:v50+s30+$0x0] =	vst.idx.msk $0xffff, v0;
	v0 =	vand.u32 $0xFFFFFFF8, v52  }
0x30c: {  	v53 =	vor.u32 v4, v8;
	v11 =	vand.u32 $0x7, v52;
	v0 =	vadd.s32 v10, v0;
	v1 =	vld.idx.msk [tilespmem:v1+s21+$0x0], $0xffff  }
0x30d: {  	v0 =	vor.u32 v11, v0;
	_ =	sdelay $0x2  }
0x30e: {  	v54 =	vadd.s32 v23, v9  }
0x30f: {  	[tilespmem:v53+s30+$0x0] =	vst.idx.msk $0xffff, v1;
	v1 =	vand.u32 $0xFFFFFFF8, v54  }
0x310: {  	v55 =	vor.u32 v3, v8;
	v11 =	vand.u32 $0x7, v54;
	v1 =	vadd.s32 v10, v1;
	v0 =	vld.idx.msk [tilespmem:v0+s21+$0x0], $0xffff  }
0x311: {  	v1 =	vor.u32 v11, v1;
	_ =	sdelay $0x2  }
0x312: {  	v56 =	vadd.s32 v29, v9  }
0x313: {  	[tilespmem:v55+s30+$0x0] =	vst.idx.msk $0xffff, v0;
	v0 =	vand.u32 $0xFFFFFFF8, v56  }
0x314: {  	v59 =	vor.u32 v23, v8;
	v11 =	vand.u32 $0x7, v56;
	v0 =	vadd.s32 v10, v0;
	v1 =	vld.idx.msk [tilespmem:v1+s21+$0x0], $0xffff  }
0x315: {  	v0 =	vor.u32 v11, v0;
	_ =	sdelay $0x2  }
0x316: {  	v4 =	vadd.s32 v2, v9  }
0x317: {  	[tilespmem:v59+s30+$0x0] =	vst.idx.msk $0xffff, v1;
	v1 =	vand.u32 $0xFFFFFFF8, v4  }
0x318: {  	v5 =	vor.u32 v29, v8;
	v11 =	vand.u32 $0x7, v4;
	v1 =	vadd.s32 v10, v1;
	v0 =	vld.idx.msk [tilespmem:v0+s21+$0x0], $0xffff  }
0x319: {  	v1 =	vor.u32 v11, v1;
	_ =	sdelay $0x2  }
0x31a: {  	v16 =	vadd.s32 v30, v9  }
0x31b: {  	[tilespmem:v5+s30+$0x0] =	vst.idx.msk $0xffff, v0;
	v0 =	vand.u32 $0xFFFFFFF8, v16  }
0x31c: {  	v17 =	vor.u32 v2, v8;
	v11 =	vand.u32 $0x7, v16;
	v0 =	vadd.s32 v10, v0;
	v1 =	vld.idx.msk [tilespmem:v1+s21+$0x0], $0xffff  }
0x31d: {  	v0 =	vor.u32 v11, v0;
	_ =	sdelay $0x2  }
0x31e: {  	v18 =	vadd.s32 v7, v9  }
0x31f: {  	[tilespmem:v17+s30+$0x0] =	vst.idx.msk $0xffff, v1;
	v1 =	vand.u32 $0xFFFFFFF8, v18  }
0x320: {  	v19 =	vor.u32 v30, v8;
	v11 =	vand.u32 $0x7, v18;
	v1 =	vadd.s32 v10, v1;
	v0 =	vld.idx.msk [tilespmem:v0+s21+$0x0], $0xffff  }
0x321: {  	v1 =	vor.u32 v11, v1;
	_ =	sdelay $0x2  }
0x322: {  	v25 =	vadd.s32 v33, v9  }
0x323: {  	[tilespmem:v19+s30+$0x0] =	vst.idx.msk $0xffff, v0;
	v0 =	vand.u32 $0xFFFFFFF8, v25  }
0x324: {  	v27 =	vor.u32 v7, v8;
	v11 =	vand.u32 $0x7, v25;
	v0 =	vadd.s32 v10, v0;
	v1 =	vld.idx.msk [tilespmem:v1+s21+$0x0], $0xffff  }
0x325: {  	v0 =	vor.u32 v11, v0;
	_ =	sdelay $0x2  }
0x326: {  	v29 =	vadd.s32 v24, v9  }
0x327: {  	[tilespmem:v27+s30+$0x0] =	vst.idx.msk $0xffff, v1;
	v1 =	vand.u32 $0xFFFFFFF8, v29  }
0x328: {  	v30 =	vor.u32 v33, v8;
	v11 =	vand.u32 $0x7, v29;
	v1 =	vadd.s32 v10, v1;
	v0 =	vld.idx.msk [tilespmem:v0+s21+$0x0], $0xffff  }
0x329: {  	v1 =	vor.u32 v11, v1;
	_ =	sdelay $0x2  }
0x32a: {  	v31 =	vadd.s32 v34, v9  }
0x32b: {  	[tilespmem:v30+s30+$0x0] =	vst.idx.msk $0xffff, v0;
	v0 =	vand.u32 $0xFFFFFFF8, v31  }
0x32c: {  	v32 =	vor.u32 v24, v8;
	v11 =	vand.u32 $0x7, v31;
	v0 =	vadd.s32 v10, v0;
	v1 =	vld.idx.msk [tilespmem:v1+s21+$0x0], $0xffff  }
0x32d: {  	v0 =	vor.u32 v11, v0;
	_ =	sdelay $0x2  }
0x32e: {  	v33 =	vadd.s32 v60, v9  }
0x32f: {  	v3 =	vld [tilespmem:$0x1FC10];
	[tilespmem:v32+s30+$0x0] =	vst.idx.msk $0xffff, v1;
	v1 =	vand.u32 $0xFFFFFFF8, v33  }
0x330: {  	v34 =	vor.u32 v34, v8;
	v11 =	vand.u32 $0x7, v33;
	v1 =	vadd.s32 v10, v1;
	v0 =	vld.idx.msk [tilespmem:v0+s21+$0x0], $0xffff  }
0x331: {  	v1 =	vor.u32 v11, v1;
	_ =	sdelay $0x2  }
0x332: {  	v35 =	vadd.s32 v3, v9  }
0x333: {  	v39 =	vld [tilespmem:$0x1FC30];
	[tilespmem:v34+s30+$0x0] =	vst.idx.msk $0xffff, v0;
	v0 =	vand.u32 $0xFFFFFFF8, v35  }
0x334: {  	v37 =	vor.u32 v60, v8;
	v11 =	vand.u32 $0x7, v35;
	v0 =	vadd.s32 v10, v0;
	v1 =	vld.idx.msk [tilespmem:v1+s21+$0x0], $0xffff  }
0x335: {  	v0 =	vor.u32 v11, v0;
	_ =	sdelay $0x2  }
0x336: {  	v40 =	vadd.s32 v39, v9  }
0x337: {  	[tilespmem:v37+s30+$0x0] =	vst.idx.msk $0xffff, v1;
	v1 =	vand.u32 $0xFFFFFFF8, v40  }
0x338: {  	v41 =	vor.u32 v3, v8;
	v11 =	vand.u32 $0x7, v40;
	v1 =	vadd.s32 v10, v1;
	v0 =	vld.idx.msk [tilespmem:v0+s21+$0x0], $0xffff  }
0x339: {  	v1 =	vor.u32 v11, v1;
	_ =	sdelay $0x2  }
0x33a: {  	v42 =	vadd.s32 v36, v9  }
0x33b: {  	[tilespmem:v41+s30+$0x0] =	vst.idx.msk $0xffff, v0;
	v0 =	vand.u32 $0xFFFFFFF8, v42  }
0x33c: {  	v43 =	vor.u32 v39, v8;
	v11 =	vand.u32 $0x7, v42;
	v0 =	vadd.s32 v10, v0;
	v1 =	vld.idx.msk [tilespmem:v1+s21+$0x0], $0xffff  }
0x33d: {  	v0 =	vor.u32 v11, v0;
	_ =	sdelay $0x2  }
0x33e: {  	v44 =	vadd.s32 v63, v9  }
0x33f: {  	[tilespmem:v43+s30+$0x0] =	vst.idx.msk $0xffff, v1;
	v1 =	vand.u32 $0xFFFFFFF8, v44  }
0x340: {  	v45 =	vor.u32 v36, v8;
	v11 =	vand.u32 $0x7, v44;
	v1 =	vadd.s32 v10, v1;
	v0 =	vld.idx.msk [tilespmem:v0+s21+$0x0], $0xffff  }
0x341: {  	v1 =	vor.u32 v11, v1;
	_ =	sdelay $0x2  }
0x342: {  	v47 =	vadd.s32 v62, v9  }
0x343: {  	[tilespmem:v45+s30+$0x0] =	vst.idx.msk $0xffff, v0;
	v0 =	vand.u32 $0xFFFFFFF8, v47  }
0x344: {  	v48 =	vor.u32 v63, v8;
	v11 =	vand.u32 $0x7, v47;
	v0 =	vadd.s32 v10, v0;
	v1 =	vld.idx.msk [tilespmem:v1+s21+$0x0], $0xffff  }
0x345: {  	v0 =	vor.u32 v11, v0;
	_ =	sdelay $0x2  }
0x346: {  	v50 =	vadd.s32 v26, v9  }
0x347: {  	v3 =	vld [tilespmem:$0x1FEB0];
	[tilespmem:v48+s30+$0x0] =	vst.idx.msk $0xffff, v1;
	v1 =	vand.u32 $0xFFFFFFF8, v50  }
0x348: {  	v52 =	vor.u32 v62, v8;
	v11 =	vand.u32 $0x7, v50;
	v1 =	vadd.s32 v10, v1;
	v0 =	vld.idx.msk [tilespmem:v0+s21+$0x0], $0xffff  }
0x349: {  	v1 =	vor.u32 v11, v1;
	_ =	sdelay $0x2  }
0x34a: {  	v53 =	vadd.s32 v3, v9  }
0x34b: {  	[tilespmem:v52+s30+$0x0] =	vst.idx.msk $0xffff, v0;
	v0 =	vand.u32 $0xFFFFFFF8, v53  }
0x34c: {  	v54 =	vor.u32 v26, v8;
	v11 =	vand.u32 $0x7, v53;
	v0 =	vadd.s32 v10, v0;
	v1 =	vld.idx.msk [tilespmem:v1+s21+$0x0], $0xffff  }
0x34d: {  	v0 =	vor.u32 v11, v0;
	_ =	sdelay $0x2  }
0x34e: {  	v55 =	vadd.s32 v6, v9  }
0x34f: {  	[tilespmem:v54+s30+$0x0] =	vst.idx.msk $0xffff, v1;
	v1 =	vand.u32 $0xFFFFFFF8, v55  }
0x350: {  	v56 =	vor.u32 v3, v8;
	v11 =	vand.u32 $0x7, v55;
	v1 =	vadd.s32 v10, v1;
	v0 =	vld.idx.msk [tilespmem:v0+s21+$0x0], $0xffff  }
0x351: {  	v1 =	vor.u32 v11, v1;
	_ =	sdelay $0x2  }
0x352: {  	v9 =	vadd.s32 v28, v9  }
0x353: {  	[tilespmem:v56+s30+$0x0] =	vst.idx.msk $0xffff, v0;
	v0 =	vand.u32 $0xFFFFFFF8, v9  }
0x354: {  	v59 =	vor.u32 v6, v8;
	v9 =	vand.u32 $0x7, v9;
	v0 =	vadd.s32 v10, v0;
	v1 =	vld.idx.msk [tilespmem:v1+s21+$0x0], $0xffff  }
0x355: {  	v0 =	vor.u32 v9, v0;
	_ =	sdelay $0x2  }
0x356: {  	s17 =	simm.s32 $0x40  }
0x357: {  	s15 =	sand.u32 $0x200, s17;
	s5 =	simm.s32 $0x10;
	[tilespmem:v59+s30+$0x0] =	vst.idx.msk $0xffff, v1  }
0x358: {  	s15 =	sshrl.u32 s15, $0x2;
	s13 =	simm.s32 $0x80;
	s3 =	sand.u32 $0x70, s5;
	v1 =	vor.u32 v28, v8;
	v0 =	vld.idx.msk [tilespmem:v0+s21+$0x0], $0xffff  }
.LBB2_8:
0x359: {  	_ =	sdelay $0x3  }
0x35a: {  	s3 =	sor.u32 s3, s15;
	[tilespmem:v1+s30+$0x0] =	vst.idx.msk $0xffff, v0  }
0x35b: {  	v9 =	vld [tilespmem:s3+$0x500];
	_ =	sdelay $0x4  }
0x35c: {  	v0 =	vor.u32 s5, v22;
	v1 =	vadd.s32 v22, v9  }
0x35d: {  	v12 =	vshll.u32 v0, $0x7;
	v13 =	vand.u32 $0xFFFFFFF8, v1  }
0x35e: {  	v8 =	vshll.u32 v0, $0x5;
	v1 =	vand.u32 $0x7, v1;
	v0 =	vadd.s32 v12, v13  }
0x35f: {  	v0 =	vor.u32 v1, v0;
	_ =	sdelay $0x2  }
0x360: {  	v10 =	vadd.s32 v46, v9  }
0x361: {  	v3 =	vld [tilespmem:$0x1FD90];
	v34 =	vand.u32 $0xFFFFFFF8, v10  }
0x362: {  	v23 =	vor.u32 v22, v8;
	v1 =	vadd.s32 v12, v34;
	v21 =	vld.idx.msk [tilespmem:v0+s21+$0x0], $0xffff;
	v0 =	vand.u32 $0x7, v10  }
0x363: {  	v1 =	vor.u32 v0, v1;
	_ =	sdelay $0x2  }
0x364: {  	v11 =	vadd.s32 v38, v9;
	v50 =	vadd.s32 v3, v9;
	v3 =	vld [tilespmem:$0x1FDA0]  }
0x365: {  	v4 =	vmov v46;
	v35 =	vand.u32 $0xFFFFFFF8, v11;
	[tilespmem:v23+s30+$0x0] =	vst.idx.msk $0xffff, v21  }
0x366: {  	v48 =	vor.u32 v4, v8;
	v11 =	vand.u32 $0x7, v11;
	v13 =	vadd.s32 v12, v35;
	v1 =	vld.idx.msk [tilespmem:v1+s21+$0x0], $0xffff  }
0x367: {  	v2 =	vld [tilespmem:$0x1FFD0];
	v11 =	vor.u32 v11, v13  }
0x368: {  	v5 =	vld [tilespmem:$0x1FD80];
	v14 =	vadd.s32 v61, v9;
	v46 =	vadd.s32 v58, v9;
	v26 =	vadd.s32 v57, v9  }
0x369: {  	v31 =	vld [tilespmem:$0x1FBF0];
	v24 =	vadd.s32 v51, v9;
	v28 =	vadd.s32 v3, v9;
	v0 =	vand.u32 $0xFFFFFFF8, v46  }
0x36a: {  	v33 =	vld [tilespmem:$0x1FFF0];
	v17 =	vand.u32 $0xFFFFFFF8, v14;
	v57 =	vadd.s32 v12, v0;
	v0 =	vand.u32 $0xFFFFFFF8, v28  }
0x36b: {  	v40 =	vand.u32 $0xFFFFFFF8, v24;
	v17 =	vadd.s32 v12, v17;
	v51 =	vadd.s32 v12, v0;
	v0 =	vld [tilespmem:$0x1FDB0];
	[tilespmem:v48+s30+$0x0] =	vst.idx.msk $0xffff, v1  }
0x36c: {  	v21 =	vadd.s32 v12, v40;
	v40 =	vand.u32 $0x7, v14;
	v10 =	vld.idx.msk [tilespmem:v11+s21+$0x0], $0xffff;
	v11 =	vor.u32 v38, v8  }
0x36d: {  	v14 =	vor.u32 v40, v17  }
0x36e: {  	v16 =	vadd.s32 v2, v9;
	v15 =	vadd.s32 v5, v9  }
0x36f: {  	v30 =	vadd.s32 v49, v9;
	v47 =	vadd.s32 v31, v9;
	v45 =	vadd.s32 v33, v9  }
0x370: {  	v61 =	vor.u32 v61, v8;
	v52 =	vand.u32 $0xFFFFFFF8, v45;
	v40 =	vadd.s32 v60, v9  }
0x371: {  	v60 =	vadd.s32 v12, v52;
	v22 =	vadd.s32 v0, v9;
	v0 =	vld [tilespmem:$0x1FDC0];
	[tilespmem:v11+s30+$0x0] =	vst.idx.msk $0xffff, v10  }
0x372: {  	v5 =	vor.u32 v5, v8;
	v18 =	vand.u32 $0xFFFFFFF8, v16;
	v36 =	vand.u32 $0xFFFFFFF8, v15;
	[tilespmem:$0x1FAA0] =	vst v60;
	v60 =	vld.idx.msk [tilespmem:v14+s21+$0x0], $0xffff  }
0x373: {  	v19 =	vand.u32 $0xFFFFFFF8, v50;
	v48 =	vand.u32 $0xFFFFFFF8, v47;
	v14 =	vand.u32 $0x7, v16;
	v16 =	vld [tilespmem:$0x1FEB0]  }
0x374: {  	v29 =	vadd.s32 v12, v18;
	v13 =	vadd.s32 v12, v48;
	v48 =	vadd.s32 v63, v9  }
0x375: {  	v6 =	vld [tilespmem:$0x1FC10];
	v52 =	vadd.s32 v62, v9;
	v63 =	vand.u32 $0xFFFFFFF8, v48;
	v62 =	vor.u32 v14, v29  }
0x376: {  	v4 =	vld [tilespmem:$0x1FBB0];
	v37 =	vand.u32 $0xFFFFFFF8, v30;
	v63 =	vadd.s32 v12, v63;
	v10 =	vand.u32 $0xFFFFFFF8, v40  }
0x377: {  	v59 =	vadd.s32 v12, v36;
	v3 =	vld [tilespmem:$0x1FFE0];
	v20 =	vadd.s32 v0, v9;
	[tilespmem:$0x1FB00] =	vst v63;
	v10 =	vadd.s32 v12, v10  }
0x378: {  	v23 =	vld [tilespmem:$0x1FBD0];
	v41 =	vand.u32 $0xFFFFFFF8, v22;
	v35 =	vand.u32 $0xFFFFFFF8, v20;
	[tilespmem:$0x1FAC0] =	vst v10;
	v10 =	vadd.s32 v16, v9  }
0x379: {  	v18 =	vadd.s32 v12, v41;
	v41 =	vadd.s32 v12, v35;
	v35 =	vld [tilespmem:$0x1FC00];
	[tilespmem:v61+s30+$0x0] =	vst.idx.msk $0xffff, v60;
	v63 =	vand.u32 $0xFFFFFFF8, v10  }
0x37a: {  	v61 =	vld.idx.msk [tilespmem:v62+s21+$0x0], $0xffff;
	v62 =	vor.u32 v2, v8;
	v60 =	vadd.s32 v12, v63;
	v63 =	vand.u32 $0x7, v15  }
0x37b: {  	v7 =	vld [tilespmem:$0x1FC30];
	v39 =	vand.u32 $0xFFFFFFF8, v26;
	v44 =	vadd.s32 v4, v9;
	v59 =	vor.u32 v63, v59  }
0x37c: {  	v58 =	vadd.s32 v12, v19;
	v49 =	vadd.s32 v12, v37;
	v32 =	vadd.s32 v12, v39  }
0x37d: {  	v25 =	vld [tilespmem:$0x1FBC0];
	v37 =	vand.u32 $0xFFFFFFF8, v44;
	v34 =	vadd.s32 v23, v9;
	v0 =	vadd.s32 v3, v9  }
0x37e: {  	v27 =	vld [tilespmem:$0x1FBE0];
	v39 =	vand.u32 $0xFFFFFFF8, v34;
	v36 =	vand.u32 $0xFFFFFFF8, v0;
	v42 =	vadd.s32 v35, v9  }
0x37f: {  	v17 =	vld [tilespmem:$0x1FC40];
	v19 =	vadd.s32 v12, v39;
	v43 =	vadd.s32 v12, v36;
	v36 =	vand.u32 $0xFFFFFFF8, v42;
	[tilespmem:v62+s30+$0x0] =	vst.idx.msk $0xffff, v61  }
0x380: {  	v38 =	vadd.s32 v6, v9;
	v39 =	vadd.s32 v7, v9;
	v36 =	vadd.s32 v12, v36;
	v59 =	vld.idx.msk [tilespmem:v59+s21+$0x0], $0xffff  }
0x381: {  	v53 =	vadd.s32 v12, v37;
	v37 =	vand.u32 $0xFFFFFFF8, v39;
	v11 =	vld [tilespmem:$0x1FFB0];
	[tilespmem:$0x1FAB0] =	vst v36;
	v36 =	vand.u32 $0xFFFFFFF8, v38  }
0x382: {  	v29 =	vadd.s32 v12, v36;
	v36 =	vadd.s32 v12, v37;
	v37 =	vld [tilespmem:$0x1FFC0]  }
0x383: {  	v56 =	vadd.s32 v25, v9;
	v54 =	vadd.s32 v27, v9;
	v50 =	vand.u32 $0x7, v50;
	[tilespmem:$0x1FAD0] =	vst v29;
	v29 =	vld [tilespmem:$0x1FFA0]  }
0x384: {  	v50 =	vor.u32 v50, v58;
	v1 =	vand.u32 $0xFFFFFFF8, v56;
	[tilespmem:$0x1FA90] =	vst v13;
	v13 =	vadd.s32 v17, v9  }
0x385: {  	v55 =	vadd.s32 v12, v1;
	v1 =	vand.u32 $0xFFFFFFF8, v54;
	v16 =	vand.u32 $0xFFFFFFF8, v13;
	[tilespmem:v5+s30+$0x0] =	vst.idx.msk $0xffff, v59;
	v59 =	vld [tilespmem:$0x1FD90]  }
0x386: {  	v46 =	vand.u32 $0x7, v46;
	v1 =	vadd.s32 v12, v1;
	v16 =	vadd.s32 v12, v16;
	[tilespmem:$0x1FAE0] =	vst v36  }
0x387: {  	v14 =	vadd.s32 v11, v9;
	v36 =	vand.u32 $0xFFFFFFF8, v52;
	[tilespmem:$0x1FAF0] =	vst v16;
	v37 =	vadd.s32 v37, v9  }
0x388: {  	v16 =	vand.u32 $0xFFFFFFF8, v14;
	[tilespmem:$0x1FB10] =	vst v60;
	v9 =	vadd.s32 v29, v9;
	v60 =	vand.u32 $0xFFFFFFF8, v37  }
0x389: {  	v36 =	vadd.s32 v12, v36;
	v15 =	vadd.s32 v12, v60;
	v60 =	vand.u32 $0xFFFFFFF8, v9  }
0x38a: {  	v16 =	vadd.s32 v12, v16;
	v12 =	vadd.s32 v12, v60;
	v50 =	vld.idx.msk [tilespmem:v50+s21+$0x0], $0xffff;
	v60 =	vor.u32 v59, v8  }
0x38b: {  	v58 =	vld [tilespmem:$0x1FF30];
	v46 =	vor.u32 v46, v57;
	_ =	sdelay $0x3  }
0x38c: {  	[tilespmem:v60+s30+$0x0] =	vst.idx.msk $0xffff, v50  }
0x38d: {  	v28 =	vand.u32 $0x7, v28;
	v57 =	vor.u32 v58, v8;
	v46 =	vld.idx.msk [tilespmem:v46+s21+$0x0], $0xffff  }
0x38e: {  	v28 =	vor.u32 v28, v51;
	v61 =	vld [tilespmem:$0x1FDA0];
	_ =	sdelay $0x3  }
0x38f: {  	[tilespmem:v57+s30+$0x0] =	vst.idx.msk $0xffff, v46  }
0x390: {  	v30 =	vand.u32 $0x7, v30;
	v59 =	vor.u32 v61, v8;
	v28 =	vld.idx.msk [tilespmem:v28+s21+$0x0], $0xffff  }
0x391: {  	v30 =	vor.u32 v30, v49;
	v49 =	vld [tilespmem:$0x1FF40];
	_ =	sdelay $0x3  }
0x392: {  	[tilespmem:v59+s30+$0x0] =	vst.idx.msk $0xffff, v28  }
0x393: {  	v26 =	vand.u32 $0x7, v26;
	v60 =	vor.u32 v49, v8;
	v28 =	vld.idx.msk [tilespmem:v30+s21+$0x0], $0xffff  }
0x394: {  	v26 =	vor.u32 v26, v32;
	v57 =	vld [tilespmem:$0x1FF50];
	_ =	sdelay $0x3  }
0x395: {  	[tilespmem:v60+s30+$0x0] =	vst.idx.msk $0xffff, v28  }
0x396: {  	v24 =	vand.u32 $0x7, v24;
	v61 =	vor.u32 v57, v8;
	v26 =	vld.idx.msk [tilespmem:v26+s21+$0x0], $0xffff  }
0x397: {  	v24 =	vor.u32 v24, v21;
	v63 =	vld [tilespmem:$0x1FF90];
	_ =	sdelay $0x3  }
0x398: {  	[tilespmem:v61+s30+$0x0] =	vst.idx.msk $0xffff, v26  }
0x399: {  	v22 =	vand.u32 $0x7, v22;
	v51 =	vmov v63;
	v63 =	vor.u32 v63, v8;
	v24 =	vld.idx.msk [tilespmem:v24+s21+$0x0], $0xffff  }
0x39a: {  	v22 =	vor.u32 v22, v18;
	v62 =	vld [tilespmem:$0x1FDB0];
	_ =	sdelay $0x3  }
0x39b: {  	[tilespmem:v63+s30+$0x0] =	vst.idx.msk $0xffff, v24  }
0x39c: {  	v20 =	vand.u32 $0x7, v20;
	v5 =	vor.u32 v62, v8;
	v22 =	vld.idx.msk [tilespmem:v22+s21+$0x0], $0xffff  }
0x39d: {  	v20 =	vor.u32 v20, v41;
	v2 =	vld [tilespmem:$0x1FDC0];
	_ =	sdelay $0x3  }
0x39e: {  	[tilespmem:v5+s30+$0x0] =	vst.idx.msk $0xffff, v22  }
0x39f: {  	v0 =	vand.u32 $0x7, v0;
	v22 =	vor.u32 v2, v8;
	v20 =	vld.idx.msk [tilespmem:v20+s21+$0x0], $0xffff  }
0x3a0: {  	v0 =	vor.u32 v0, v43;
	_ =	sdelay $0x3  }
0x3a1: {  	[tilespmem:v22+s30+$0x0] =	vst.idx.msk $0xffff, v20  }
0x3a2: {  	v20 =	vor.u32 v3, v8;
	v22 =	vand.u32 $0x7, v44;
	v0 =	vld.idx.msk [tilespmem:v0+s21+$0x0], $0xffff  }
0x3a3: {  	v21 =	vor.u32 v22, v53;
	_ =	sdelay $0x3  }
0x3a4: {  	[tilespmem:v20+s30+$0x0] =	vst.idx.msk $0xffff, v0  }
0x3a5: {  	v20 =	vor.u32 v4, v8;
	v0 =	vld.idx.msk [tilespmem:v21+s21+$0x0], $0xffff;
	v21 =	vand.u32 $0x7, v34  }
0x3a6: {  	v19 =	vor.u32 v21, v19;
	_ =	sdelay $0x3  }
0x3a7: {  	[tilespmem:v20+s30+$0x0] =	vst.idx.msk $0xffff, v0  }
0x3a8: {  	v26 =	vor.u32 v23, v8;
	v20 =	vand.u32 $0x7, v56;
	v0 =	vld.idx.msk [tilespmem:v19+s21+$0x0], $0xffff  }
0x3a9: {  	v28 =	vor.u32 v20, v55;
	_ =	sdelay $0x3  }
0x3aa: {  	[tilespmem:v26+s30+$0x0] =	vst.idx.msk $0xffff, v0  }
0x3ab: {  	v32 =	vand.u32 $0x7, v54;
	v30 =	vor.u32 v25, v8;
	v0 =	vld.idx.msk [tilespmem:v28+s21+$0x0], $0xffff  }
0x3ac: {  	v1 =	vor.u32 v32, v1  }
0x3ad: {  	v2 =	vld [tilespmem:$0x1FA90];
	_ =	sdelay $0x2  }
0x3ae: {  	[tilespmem:v30+s30+$0x0] =	vst.idx.msk $0xffff, v0  }
0x3af: {  	v34 =	vand.u32 $0x7, v47;
	v0 =	vld.idx.msk [tilespmem:v1+s21+$0x0], $0xffff;
	v1 =	vor.u32 v27, v8  }
0x3b0: {  	v18 =	vor.u32 v34, v2  }
0x3b1: {  	v2 =	vld [tilespmem:$0x1FAA0];
	_ =	sdelay $0x2  }
0x3b2: {  	[tilespmem:v1+s30+$0x0] =	vst.idx.msk $0xffff, v0  }
0x3b3: {  	v41 =	vand.u32 $0x7, v45;
	v1 =	vor.u32 v31, v8;
	v0 =	vld.idx.msk [tilespmem:v18+s21+$0x0], $0xffff  }
0x3b4: {  	v18 =	vor.u32 v41, v2  }
0x3b5: {  	v2 =	vld [tilespmem:$0x1FAB0];
	_ =	sdelay $0x2  }
0x3b6: {  	[tilespmem:v1+s30+$0x0] =	vst.idx.msk $0xffff, v0  }
0x3b7: {  	v43 =	vand.u32 $0x7, v42;
	v1 =	vor.u32 v33, v8;
	v0 =	vld.idx.msk [tilespmem:v18+s21+$0x0], $0xffff  }
0x3b8: {  	v18 =	vor.u32 v43, v2  }
0x3b9: {  	v2 =	vld [tilespmem:$0x1FAC0];
	_ =	sdelay $0x2  }
0x3ba: {  	[tilespmem:v1+s30+$0x0] =	vst.idx.msk $0xffff, v0  }
0x3bb: {  	v44 =	vand.u32 $0x7, v40;
	v1 =	vor.u32 v35, v8;
	v0 =	vld.idx.msk [tilespmem:v18+s21+$0x0], $0xffff  }
0x3bc: {  	v60 =	vld [tilespmem:$0x1FC20];
	v18 =	vor.u32 v44, v2  }
0x3bd: {  	v2 =	vld [tilespmem:$0x1FAD0];
	_ =	sdelay $0x2  }
0x3be: {  	[tilespmem:v1+s30+$0x0] =	vst.idx.msk $0xffff, v0  }
0x3bf: {  	v45 =	vand.u32 $0x7, v38;
	v1 =	vor.u32 v60, v8;
	v0 =	vld.idx.msk [tilespmem:v18+s21+$0x0], $0xffff  }
0x3c0: {  	v18 =	vor.u32 v45, v2  }
0x3c1: {  	v2 =	vld [tilespmem:$0x1FAE0];
	_ =	sdelay $0x2  }
0x3c2: {  	[tilespmem:v1+s30+$0x0] =	vst.idx.msk $0xffff, v0  }
0x3c3: {  	v47 =	vand.u32 $0x7, v39;
	v1 =	vor.u32 v6, v8;
	v0 =	vld.idx.msk [tilespmem:v18+s21+$0x0], $0xffff  }
0x3c4: {  	v18 =	vor.u32 v47, v2  }
0x3c5: {  	v3 =	vld [tilespmem:$0x1FAF0];
	_ =	sdelay $0x2  }
0x3c6: {  	[tilespmem:v1+s30+$0x0] =	vst.idx.msk $0xffff, v0  }
0x3c7: {  	v50 =	vand.u32 $0x7, v13;
	v1 =	vor.u32 v7, v8;
	v0 =	vld.idx.msk [tilespmem:v18+s21+$0x0], $0xffff  }
0x3c8: {  	v18 =	vor.u32 v50, v3  }
0x3c9: {  	v3 =	vld [tilespmem:$0x1FB00];
	_ =	sdelay $0x2  }
0x3ca: {  	[tilespmem:v1+s30+$0x0] =	vst.idx.msk $0xffff, v0  }
0x3cb: {  	v53 =	vand.u32 $0x7, v48;
	v1 =	vor.u32 v17, v8;
	v0 =	vld.idx.msk [tilespmem:v18+s21+$0x0], $0xffff  }
0x3cc: {  	v63 =	vld [tilespmem:$0x1FC60];
	v17 =	vor.u32 v53, v3;
	_ =	sdelay $0x3  }
0x3cd: {  	[tilespmem:v1+s30+$0x0] =	vst.idx.msk $0xffff, v0  }
0x3ce: {  	v54 =	vand.u32 $0x7, v52;
	v1 =	vor.u32 v63, v8;
	v0 =	vld.idx.msk [tilespmem:v17+s21+$0x0], $0xffff  }
0x3cf: {  	v62 =	vld [tilespmem:$0x1FC50];
	v13 =	vor.u32 v54, v36;
	_ =	sdelay $0x3  }
0x3d0: {  	[tilespmem:v1+s30+$0x0] =	vst.idx.msk $0xffff, v0  }
0x3d1: {  	v55 =	vand.u32 $0x7, v14;
	v1 =	vor.u32 v62, v8;
	v0 =	vld.idx.msk [tilespmem:v13+s21+$0x0], $0xffff  }
0x3d2: {  	v13 =	vor.u32 v55, v16  }
0x3d3: {  	v3 =	vld [tilespmem:$0x1FB10];
	_ =	sdelay $0x2  }
0x3d4: {  	[tilespmem:v1+s30+$0x0] =	vst.idx.msk $0xffff, v0  }
0x3d5: {  	v56 =	vand.u32 $0x7, v10;
	v1 =	vor.u32 v11, v8;
	v0 =	vld.idx.msk [tilespmem:v13+s21+$0x0], $0xffff  }
0x3d6: {  	v2 =	vld [tilespmem:$0x1FEB0];
	v11 =	vor.u32 v56, v3;
	_ =	sdelay $0x3  }
0x3d7: {  	[tilespmem:v1+s30+$0x0] =	vst.idx.msk $0xffff, v0  }
0x3d8: {  	v1 =	vor.u32 v2, v8;
	v0 =	vld.idx.msk [tilespmem:v11+s21+$0x0], $0xffff;
	_ =	sdelay $0x3  }
0x3d9: {  	v59 =	vand.u32 $0x7, v37  }
0x3da: {  	v10 =	vor.u32 v59, v15;
	[tilespmem:v1+s30+$0x0] =	vst.idx.msk $0xffff, v0;
	v1 =	vld [tilespmem:$0x1FFC0];
	_ =	sdelay $0x4  }
0x3db: {  	v9 =	vand.u32 $0x7, v9;
	v0 =	vld.idx.msk [tilespmem:v10+s21+$0x0], $0xffff;
	v1 =	vor.u32 v1, v8  }
0x3dc: {  	p0 =	sne.s32 s13, $0x3C0;
	v9 =	vor.u32 v9, v12  }
.Ltmp3:
0x3dd: {  	_ = 	snop;
	(pc) =	sbr.rel @p0 .LBB2_8-.Ltmp3, $4  }
0x3de: {  	v38 =	vld [tilespmem:$0x1FF70]  }
0x3df: {  	s17 =	smov.u32 s13;
	v46 =	vld [tilespmem:$0x1FF60]  }
0x3e0: {  	s15 =	sand.u32 $0x200, s17;
	s5 =	sadd.s32 $0x10, s5;
	v61 =	vld [tilespmem:$0x1FF80];
	[tilespmem:v1+s30+$0x0] =	vst.idx.msk $0xffff, v0  }
0x3e1: {  	s13 =	sadd.s32 $0x40, s13;
	s15 =	sshrl.u32 s15, $0x2;
	s3 =	sand.u32 $0x70, s5;
	v22 =	vlaneseq.u32;
	v1 =	vor.u32 v29, v8;
	v0 =	vld.idx.msk [tilespmem:v9+s21+$0x0], $0xffff  }
0x3e2: {  	_ =	sdelay $0x3  }
0x3e3: {  	s3 =	sor.u32 s3, s15;
	[tilespmem:v1+s30+$0x0] =	vst.idx.msk $0xffff, v0  }
0x3e4: {  	v9 =	vld [tilespmem:s3+$0x500];
	_ =	sdelay $0x4  }
0x3e5: {  	v39 =	vor.u32 s5, v22;
	v40 =	vadd.s32 v22, v9  }
0x3e6: {  	v10 =	vshll.u32 v39, $0x7;
	v8 =	vand.u32 $0xFFFFFFF8, v40  }
0x3e7: {  	v1 =	vand.u32 $0x7, v40;
	v8 =	vadd.s32 v10, v8  }
0x3e8: {  	v1 =	vor.u32 v1, v8;
	_ =	sdelay $0x2  }
0x3e9: {  	v11 =	vadd.s32 v46, v9  }
0x3ea: {  	v41 =	vand.u32 $0xFFFFFFF8, v11;
	v8 =	vshll.u32 v39, $0x5  }
0x3eb: {  	v11 =	vand.u32 $0x7, v11;
	v0 =	vadd.s32 v10, v41;
	v12 =	vor.u32 v22, v8;
	v1 =	vld.idx.msk [tilespmem:v1+s21+$0x0], $0xffff  }
0x3ec: {  	v0 =	vor.u32 v11, v0;
	_ =	sdelay $0x2  }
0x3ed: {  	v11 =	vadd.s32 v38, v9  }
0x3ee: {  	v42 =	vand.u32 $0xFFFFFFF8, v11;
	[tilespmem:v12+s30+$0x0] =	vst.idx.msk $0xffff, v1  }
0x3ef: {  	v11 =	vand.u32 $0x7, v11;
	v1 =	vadd.s32 v10, v42;
	v12 =	vor.u32 v46, v8;
	v0 =	vld.idx.msk [tilespmem:v0+s21+$0x0], $0xffff  }
0x3f0: {  	v1 =	vor.u32 v11, v1;
	_ =	sdelay $0x2  }
0x3f1: {  	v11 =	vadd.s32 v61, v9  }
0x3f2: {  	v13 =	vld [tilespmem:$0x1FFD0];
	v43 =	vand.u32 $0xFFFFFFF8, v11;
	[tilespmem:v12+s30+$0x0] =	vst.idx.msk $0xffff, v0  }
0x3f3: {  	v11 =	vand.u32 $0x7, v11;
	v0 =	vadd.s32 v10, v43;
	v12 =	vor.u32 v38, v8;
	v1 =	vld.idx.msk [tilespmem:v1+s21+$0x0], $0xffff  }
0x3f4: {  	v0 =	vor.u32 v11, v0;
	_ =	sdelay $0x2  }
0x3f5: {  	v11 =	vadd.s32 v13, v9  }
0x3f6: {  	v2 =	vld [tilespmem:$0x1FD80];
	v44 =	vand.u32 $0xFFFFFFF8, v11;
	[tilespmem:v12+s30+$0x0] =	vst.idx.msk $0xffff, v1  }
0x3f7: {  	v11 =	vand.u32 $0x7, v11;
	v1 =	vadd.s32 v10, v44;
	v12 =	vor.u32 v61, v8;
	v0 =	vld.idx.msk [tilespmem:v0+s21+$0x0], $0xffff  }
0x3f8: {  	v1 =	vor.u32 v11, v1;
	_ =	sdelay $0x2  }
0x3f9: {  	v11 =	vadd.s32 v2, v9  }
0x3fa: {  	v3 =	vld [tilespmem:$0x1FD90];
	v45 =	vand.u32 $0xFFFFFFF8, v11;
	[tilespmem:v12+s30+$0x0] =	vst.idx.msk $0xffff, v0  }
0x3fb: {  	v11 =	vand.u32 $0x7, v11;
	v0 =	vadd.s32 v10, v45;
	v12 =	vor.u32 v13, v8;
	v1 =	vld.idx.msk [tilespmem:v1+s21+$0x0], $0xffff  }
0x3fc: {  	v0 =	vor.u32 v11, v0;
	_ =	sdelay $0x2  }
0x3fd: {  	v11 =	vadd.s32 v3, v9  }
0x3fe: {  	v47 =	vand.u32 $0xFFFFFFF8, v11;
	[tilespmem:v12+s30+$0x0] =	vst.idx.msk $0xffff, v1  }
0x3ff: {  	v11 =	vand.u32 $0x7, v11;
	v1 =	vadd.s32 v10, v47;
	v12 =	vor.u32 v2, v8;
	v0 =	vld.idx.msk [tilespmem:v0+s21+$0x0], $0xffff  }
0x400: {  	v1 =	vor.u32 v11, v1;
	_ =	sdelay $0x2  }
0x401: {  	v11 =	vadd.s32 v58, v9  }
0x402: {  	v50 =	vld [tilespmem:$0x1FDA0];
	v48 =	vand.u32 $0xFFFFFFF8, v11;
	[tilespmem:v12+s30+$0x0] =	vst.idx.msk $0xffff, v0  }
0x403: {  	v11 =	vand.u32 $0x7, v11;
	v0 =	vadd.s32 v10, v48;
	v12 =	vor.u32 v3, v8;
	v1 =	vld.idx.msk [tilespmem:v1+s21+$0x0], $0xffff  }
0x404: {  	v0 =	vor.u32 v11, v0;
	_ =	sdelay $0x2  }
0x405: {  	v11 =	vadd.s32 v50, v9  }
0x406: {  	v52 =	vand.u32 $0xFFFFFFF8, v11;
	[tilespmem:v12+s30+$0x0] =	vst.idx.msk $0xffff, v1  }
0x407: {  	v11 =	vand.u32 $0x7, v11;
	v1 =	vadd.s32 v10, v52;
	v12 =	vor.u32 v58, v8;
	v0 =	vld.idx.msk [tilespmem:v0+s21+$0x0], $0xffff  }
0x408: {  	v1 =	vor.u32 v11, v1;
	_ =	sdelay $0x2  }
0x409: {  	v11 =	vadd.s32 v49, v9  }
0x40a: {  	v53 =	vand.u32 $0xFFFFFFF8, v11;
	[tilespmem:v12+s30+$0x0] =	vst.idx.msk $0xffff, v0  }
0x40b: {  	v11 =	vand.u32 $0x7, v11;
	v0 =	vadd.s32 v10, v53;
	v12 =	vor.u32 v50, v8;
	v1 =	vld.idx.msk [tilespmem:v1+s21+$0x0], $0xffff  }
0x40c: {  	v0 =	vor.u32 v11, v0;
	_ =	sdelay $0x2  }
0x40d: {  	v11 =	vadd.s32 v57, v9  }
0x40e: {  	v54 =	vand.u32 $0xFFFFFFF8, v11;
	[tilespmem:v12+s30+$0x0] =	vst.idx.msk $0xffff, v1  }
0x40f: {  	v11 =	vand.u32 $0x7, v11;
	v1 =	vadd.s32 v10, v54;
	v12 =	vor.u32 v49, v8;
	v0 =	vld.idx.msk [tilespmem:v0+s21+$0x0], $0xffff  }
0x410: {  	v1 =	vor.u32 v11, v1;
	_ =	sdelay $0x2  }
0x411: {  	v11 =	vadd.s32 v51, v9  }
0x412: {  	v3 =	vld [tilespmem:$0x1FDB0];
	v55 =	vand.u32 $0xFFFFFFF8, v11;
	[tilespmem:v12+s30+$0x0] =	vst.idx.msk $0xffff, v0  }
0x413: {  	v11 =	vand.u32 $0x7, v11;
	v0 =	vadd.s32 v10, v55;
	v12 =	vor.u32 v57, v8;
	v1 =	vld.idx.msk [tilespmem:v1+s21+$0x0], $0xffff  }
0x414: {  	v0 =	vor.u32 v11, v0;
	_ =	sdelay $0x2  }
0x415: {  	v11 =	vadd.s32 v3, v9  }
0x416: {  	v59 =	vld [tilespmem:$0x1FDC0];
	v56 =	vand.u32 $0xFFFFFFF8, v11;
	[tilespmem:v12+s30+$0x0] =	vst.idx.msk $0xffff, v1  }
0x417: {  	v11 =	vand.u32 $0x7, v11;
	v1 =	vadd.s32 v10, v56;
	v12 =	vor.u32 v51, v8;
	v0 =	vld.idx.msk [tilespmem:v0+s21+$0x0], $0xffff  }
0x418: {  	v1 =	vor.u32 v11, v1;
	_ =	sdelay $0x2  }
0x419: {  	v11 =	vadd.s32 v59, v9  }
0x41a: {  	v16 =	vld [tilespmem:$0x1FFE0];
	v24 =	vand.u32 $0xFFFFFFF8, v11;
	[tilespmem:v12+s30+$0x0] =	vst.idx.msk $0xffff, v0  }
0x41b: {  	v11 =	vand.u32 $0x7, v11;
	v0 =	vadd.s32 v10, v24;
	v12 =	vor.u32 v3, v8;
	v1 =	vld.idx.msk [tilespmem:v1+s21+$0x0], $0xffff  }
0x41c: {  	v0 =	vor.u32 v11, v0;
	_ =	sdelay $0x2  }
0x41d: {  	v11 =	vadd.s32 v16, v9  }
0x41e: {  	v26 =	vld [tilespmem:$0x1FBB0];
	v25 =	vand.u32 $0xFFFFFFF8, v11;
	[tilespmem:v12+s30+$0x0] =	vst.idx.msk $0xffff, v1  }
0x41f: {  	v11 =	vand.u32 $0x7, v11;
	v1 =	vadd.s32 v10, v25;
	v12 =	vor.u32 v59, v8;
	v0 =	vld.idx.msk [tilespmem:v0+s21+$0x0], $0xffff  }
0x420: {  	v1 =	vor.u32 v11, v1;
	_ =	sdelay $0x2  }
0x421: {  	v11 =	vadd.s32 v26, v9  }
0x422: {  	v3 =	vld [tilespmem:$0x1FBD0];
	v27 =	vand.u32 $0xFFFFFFF8, v11;
	[tilespmem:v12+s30+$0x0] =	vst.idx.msk $0xffff, v0  }
0x423: {  	v11 =	vand.u32 $0x7, v11;
	v0 =	vadd.s32 v10, v27;
	v12 =	vor.u32 v16, v8;
	v1 =	vld.idx.msk [tilespmem:v1+s21+$0x0], $0xffff  }
0x424: {  	v0 =	vor.u32 v11, v0;
	_ =	sdelay $0x2  }
0x425: {  	v11 =	vadd.s32 v3, v9  }
0x426: {  	v29 =	vld [tilespmem:$0x1FBC0];
	v28 =	vand.u32 $0xFFFFFFF8, v11;
	[tilespmem:v12+s30+$0x0] =	vst.idx.msk $0xffff, v1  }
0x427: {  	v11 =	vand.u32 $0x7, v11;
	v1 =	vadd.s32 v10, v28;
	v12 =	vor.u32 v26, v8;
	v0 =	vld.idx.msk [tilespmem:v0+s21+$0x0], $0xffff  }
0x428: {  	v1 =	vor.u32 v11, v1;
	_ =	sdelay $0x2  }
0x429: {  	v11 =	vadd.s32 v29, v9  }
0x42a: {  	v30 =	vand.u32 $0xFFFFFFF8, v11;
	[tilespmem:v12+s30+$0x0] =	vst.idx.msk $0xffff, v0;
	v12 =	vor.u32 v3, v8;
	v3 =	vld [tilespmem:$0x1FBE0]  }
0x42b: {  	v11 =	vand.u32 $0x7, v11;
	v0 =	vadd.s32 v10, v30;
	v1 =	vld.idx.msk [tilespmem:v1+s21+$0x0], $0xffff  }
0x42c: {  	v0 =	vor.u32 v11, v0;
	_ =	sdelay $0x2  }
0x42d: {  	v11 =	vadd.s32 v3, v9  }
0x42e: {  	v32 =	vld [tilespmem:$0x1FBF0];
	[tilespmem:v12+s30+$0x0] =	vst.idx.msk $0xffff, v1;
	v31 =	vand.u32 $0xFFFFFFF8, v11  }
0x42f: {  	v12 =	vor.u32 v29, v8;
	v11 =	vand.u32 $0x7, v11;
	v1 =	vadd.s32 v10, v31;
	v0 =	vld.idx.msk [tilespmem:v0+s21+$0x0], $0xffff  }
0x430: {  	v1 =	vor.u32 v11, v1;
	_ =	sdelay $0x2  }
0x431: {  	v11 =	vadd.s32 v32, v9  }
0x432: {  	v17 =	vld [tilespmem:$0x1FFF0];
	v33 =	vand.u32 $0xFFFFFFF8, v11;
	[tilespmem:v12+s30+$0x0] =	vst.idx.msk $0xffff, v0  }
0x433: {  	v11 =	vand.u32 $0x7, v11;
	v0 =	vadd.s32 v10, v33;
	v12 =	vor.u32 v3, v8;
	v1 =	vld.idx.msk [tilespmem:v1+s21+$0x0], $0xffff  }
0x434: {  	v0 =	vor.u32 v11, v0;
	_ =	sdelay $0x2  }
0x435: {  	v11 =	vadd.s32 v17, v9  }
0x436: {  	v35 =	vld [tilespmem:$0x1FC00];
	v34 =	vand.u32 $0xFFFFFFF8, v11;
	[tilespmem:v12+s30+$0x0] =	vst.idx.msk $0xffff, v1  }
0x437: {  	v11 =	vand.u32 $0x7, v11;
	v1 =	vadd.s32 v10, v34;
	v12 =	vor.u32 v32, v8;
	v0 =	vld.idx.msk [tilespmem:v0+s21+$0x0], $0xffff  }
0x438: {  	v1 =	vor.u32 v11, v1;
	_ =	sdelay $0x2  }
0x439: {  	v11 =	vadd.s32 v35, v9  }
0x43a: {  	v36 =	vand.u32 $0xFFFFFFF8, v11;
	[tilespmem:v12+s30+$0x0] =	vst.idx.msk $0xffff, v0  }
0x43b: {  	v11 =	vand.u32 $0x7, v11;
	v0 =	vadd.s32 v10, v36;
	v12 =	vor.u32 v17, v8;
	v1 =	vld.idx.msk [tilespmem:v1+s21+$0x0], $0xffff  }
0x43c: {  	v0 =	vor.u32 v11, v0;
	_ =	sdelay $0x2  }
0x43d: {  	v11 =	vadd.s32 v60, v9  }
0x43e: {  	v3 =	vld [tilespmem:$0x1FC10];
	v37 =	vand.u32 $0xFFFFFFF8, v11;
	[tilespmem:v12+s30+$0x0] =	vst.idx.msk $0xffff, v1  }
0x43f: {  	v11 =	vand.u32 $0x7, v11;
	v1 =	vadd.s32 v10, v37;
	v12 =	vor.u32 v35, v8;
	v0 =	vld.idx.msk [tilespmem:v0+s21+$0x0], $0xffff  }
0x440: {  	v1 =	vor.u32 v11, v1;
	_ =	sdelay $0x2  }
0x441: {  	v11 =	vadd.s32 v3, v9  }
0x442: {  	v4 =	vld [tilespmem:$0x1FC30];
	v39 =	vand.u32 $0xFFFFFFF8, v11;
	[tilespmem:v12+s30+$0x0] =	vst.idx.msk $0xffff, v0  }
0x443: {  	v40 =	vor.u32 v60, v8;
	v11 =	vand.u32 $0x7, v11;
	v0 =	vadd.s32 v10, v39;
	v1 =	vld.idx.msk [tilespmem:v1+s21+$0x0], $0xffff  }
0x444: {  	v0 =	vor.u32 v11, v0;
	_ =	sdelay $0x2  }
0x445: {  	v11 =	vadd.s32 v4, v9  }
0x446: {  	v7 =	vld [tilespmem:$0x1FC40];
	v41 =	vand.u32 $0xFFFFFFF8, v11;
	[tilespmem:v40+s30+$0x0] =	vst.idx.msk $0xffff, v1  }
0x447: {  	v42 =	vor.u32 v3, v8;
	v3 =	vand.u32 $0x7, v11;
	v1 =	vadd.s32 v10, v41;
	v0 =	vld.idx.msk [tilespmem:v0+s21+$0x0], $0xffff  }
0x448: {  	v1 =	vor.u32 v3, v1;
	_ =	sdelay $0x2  }
0x449: {  	v3 =	vadd.s32 v7, v9  }
0x44a: {  	v43 =	vand.u32 $0xFFFFFFF8, v3;
	[tilespmem:v42+s30+$0x0] =	vst.idx.msk $0xffff, v0  }
0x44b: {  	v44 =	vor.u32 v4, v8;
	v3 =	vand.u32 $0x7, v3;
	v0 =	vadd.s32 v10, v43;
	v1 =	vld.idx.msk [tilespmem:v1+s21+$0x0], $0xffff  }
0x44c: {  	v0 =	vor.u32 v3, v0;
	_ =	sdelay $0x2  }
0x44d: {  	v3 =	vadd.s32 v63, v9  }
0x44e: {  	v45 =	vand.u32 $0xFFFFFFF8, v3;
	[tilespmem:v44+s30+$0x0] =	vst.idx.msk $0xffff, v1  }
0x44f: {  	v47 =	vor.u32 v7, v8;
	v3 =	vand.u32 $0x7, v3;
	v1 =	vadd.s32 v10, v45;
	v0 =	vld.idx.msk [tilespmem:v0+s21+$0x0], $0xffff  }
0x450: {  	v1 =	vor.u32 v3, v1;
	_ =	sdelay $0x2  }
0x451: {  	v3 =	vadd.s32 v62, v9  }
0x452: {  	v11 =	vld [tilespmem:$0x1FFB0];
	v48 =	vand.u32 $0xFFFFFFF8, v3;
	[tilespmem:v47+s30+$0x0] =	vst.idx.msk $0xffff, v0  }
0x453: {  	v50 =	vor.u32 v63, v8;
	v3 =	vand.u32 $0x7, v3;
	v0 =	vadd.s32 v10, v48;
	v1 =	vld.idx.msk [tilespmem:v1+s21+$0x0], $0xffff  }
0x454: {  	v0 =	vor.u32 v3, v0;
	_ =	sdelay $0x2  }
0x455: {  	v3 =	vadd.s32 v11, v9  }
0x456: {  	v4 =	vld [tilespmem:$0x1FEB0];
	v52 =	vand.u32 $0xFFFFFFF8, v3;
	[tilespmem:v50+s30+$0x0] =	vst.idx.msk $0xffff, v1  }
0x457: {  	v53 =	vor.u32 v62, v8;
	v3 =	vand.u32 $0x7, v3;
	v1 =	vadd.s32 v10, v52;
	v0 =	vld.idx.msk [tilespmem:v0+s21+$0x0], $0xffff  }
0x458: {  	v1 =	vor.u32 v3, v1;
	_ =	sdelay $0x2  }
0x459: {  	v3 =	vadd.s32 v4, v9  }
0x45a: {  	v5 =	vld [tilespmem:$0x1FFC0];
	v54 =	vand.u32 $0xFFFFFFF8, v3;
	[tilespmem:v53+s30+$0x0] =	vst.idx.msk $0xffff, v0  }
0x45b: {  	v55 =	vor.u32 v11, v8;
	v3 =	vand.u32 $0x7, v3;
	v0 =	vadd.s32 v10, v54;
	v1 =	vld.idx.msk [tilespmem:v1+s21+$0x0], $0xffff  }
0x45c: {  	v0 =	vor.u32 v3, v0;
	_ =	sdelay $0x2  }
0x45d: {  	v3 =	vadd.s32 v5, v9  }
0x45e: {  	v6 =	vld [tilespmem:$0x1FFA0];
	v56 =	vand.u32 $0xFFFFFFF8, v3;
	[tilespmem:v55+s30+$0x0] =	vst.idx.msk $0xffff, v1  }
0x45f: {  	v59 =	vor.u32 v4, v8;
	v3 =	vand.u32 $0x7, v3;
	v1 =	vadd.s32 v10, v56;
	v0 =	vld.idx.msk [tilespmem:v0+s21+$0x0], $0xffff  }
0x460: {  	v1 =	vor.u32 v3, v1;
	_ =	sdelay $0x2  }
0x461: {  	v3 =	vadd.s32 v6, v9  }
0x462: {  	v60 =	vand.u32 $0xFFFFFFF8, v3;
	[tilespmem:v59+s30+$0x0] =	vst.idx.msk $0xffff, v0  }
0x463: {  	v62 =	vor.u32 v5, v8;
	v3 =	vand.u32 $0x7, v3;
	v0 =	vadd.s32 v10, v60;
	v1 =	vld.idx.msk [tilespmem:v1+s21+$0x0], $0xffff  }
0x464: {  	v0 =	vor.u32 v3, v0;
	_ =	sdelay $0x3  }
0x465: {  	[tilespmem:v62+s30+$0x0] =	vst.idx.msk $0xffff, v1  }
0x466: {  	v63 =	vor.u32 v6, v8;
	v0 =	vld.idx.msk [tilespmem:v0+s21+$0x0], $0xffff;
	_ =	sdelay $0x1  }
0x467: {  	s10 =	sadd.s32 $0x1, s10  }
0x468: {  	p0 =	sne.s32 s10, $0x64  }
.Ltmp4:
0x469: {  	_ = 	snop;
	(pc) =	sbr.rel @p0 .LBB2_2-.Ltmp4, $4  }
0x46a: {  	[tilespmem:v63+s30+$0x0] =	vst.idx.msk $0xffff, v0  }
0x46b: {  	[hbm4b:s7+s12] =	stream.indirect.scatter [tilespmem:s30], [sflag:$0x6], $0x20, s31, s12, $0xb8;
	[tilespmem:$0x14800] =	vst v63  }
0x46c: {  	_ = 	snop  }
0x46d: {  	v4 =	vmov v6;
	v9 =	vmov v5;
	[hbm4b:s7+s12] =	stream.indirect.scatter [tilespmem:s0], [sflag:$0x6], $0x20, s1, s12, $0xb8;
	[tilespmem:$0x14800] =	vst v63  }
0x46e: {  	_ =	swait.ge [sflag:s8], $0x2000  }
0x46f: {  	[sflag:s8] =	ssyncset.done $0x0  }
0x470: {  	s5 =	simm.s32 $0x6;
	[sflag:s8] =	ssyncadd.s32 $0xFFFFE000  }
0x471: {  	_ =	swait.ge [sflag:s5], $0x2000  }
0x472: {  	s10 =	rddreg [dreg:$0x6]  }
0x473: {  	s3 =	rddreg [dreg:$0x5];
	s10 =	sadd.s32 $0x1, s10  }
0x474: {  	p0 =	sne.s32 s10, s3  }
.Ltmp5:
0x475: {  	_ = 	snop;
	(pc) =	sbr.rel @p0 .LBB2_1-.Ltmp5, $3  }
0x476: {  	_ =	sdelay $0x1  }
0x477: {  	[sflag:s5] =	ssyncset.done $0x0  }
0x478: {  	[sflag:s5] =	ssyncadd.s32 $0xFFFFE000  }
0x479: {  	_ =	sfence.sel $0x180000  }
0x47a: {  	[bflag:$0x0] =	sbarrier.arrive $0xFFFF  }
0x47b: {  	_ =	strace $0x90000047  }
0x47c: {  	s0 =	stileid.u32;
	[bflag:$0x2] =	sbarrier.arrive $0xFFFF  }
0x47d: {  	p0 =	sne.s32 s0, $0x0;
	s0 =	rddreg [dreg:$0x2]  }
0x47e: {  	s0 =	sadd.s32 @!p0 $0x100000, s0  }
0x47f: {  	[sflag:s0] =	ssyncadd.tile.s32 @!p0 $0x1;
	_ =	shalt  }
.Lfunc_end2:
_tile_overlayer_lowered:
.L_overlay_start_2:
0x480: {  	(tag) =	ssettag $0x2  }
0x481: {  	s0 =	rddreg [dreg:$0x0];
	s2 =	stileid.u32  }
0x482: {  	s1 =	rddreg [dreg:$0x1];
	p0 =	sne.s32 s2, $0x0  }
0x483: {  	s3 =	rddreg [dreg:$0x2];
	[bflag:$0x3] =	sbarrier.arrive $0xFFFF;
	s2 =	simm.s32 @!p0 $0x1C07  }
0x484: {  	[timem:s3], [sflag:s2] =	dma.local @!p0 [hbm:s0], s1  }
0x485: {  	s0 =	simm.s32 @!p0 $0x7  }
0x486: {  	_ =	swait.ge @!p0 [sflag:s0], s1  }
0x487: {  	s1 =	ssub.s32 @!p0 $0x0, s1;
	[sflag:s0] =	ssyncset.done @!p0 $0x0  }
0x488: {  	[sflag:s0] =	ssyncadd.s32 @!p0 s1  }
0x489: {  	[bflag:$0x3] =	sbarrier.arrive $0xFFFF  }
0x48a: {  	_ =	shalt  }

// kernel: sparse-core-data-format-call.cloned.1.call-start
scs
called_computation_lowered:
.L_overlay_start_0:
0x0: {  	s2 =	sld [smem:$0x3FD9]  }
0x1: {  	s3 =	sld [smem:$0x3FFE];
	_ =	sdelay $0x1  }
0x2: {  	s1 =	srdreg.scid  }
0x3: {  	s0 =	sand.u32 $0x1, s1  }
0x4: {  	s18 =	sshll.u32 s0, $0xA;
	s2 =	sadd.s32 s3, s2  }
0x5: {  	s2 =	sadd.s32 s2, s18  }
0x6: {  	[smem:$0x3FC6] =	sst s2  }
0x7: {  	_ = 	snop  }
0x8: {  	s2 =	sld [smem:$0x3FD0];
	(tm) =	ssettm $0x1  }
0x9: {  	s19 =	sld [smem:$0x3FFB];
	_ =	sdelay $0x3  }
0xa: {  	_ =	strace s19  }
0xb: {  	s3 =	sld [smem:$0x3FFC];
	_ =	sdelay $0x3  }
0xc: {  	_ =	strace s3  }
0xd: {  	s3 =	sld [smem:$0x3FFD];
	_ =	sdelay $0x3  }
0xe: {  	_ =	strace s3  }
0xf: {  	_ =	strace $0x8FFFFFFF  }
0x10: {  	s20 =	sld [smem:$0x3FDB];
	_ =	sdelay $0x1  }
0x11: {  	s4 =	simm.s32 $_scs_section_size  }
0x12: {  	s5 =	simm.s32 $_size__tile_overlayer_lowered;
	s6 =	simm.s32 $_tile_overlayer_lowered  }
0x13: {  	s23 =	simm.s32 $0x1BFF;
	s22 =	sshll.u32 s6, $0x1;
	s3 =	sadd.s32 s4, s20  }
0x14: {  	s7 =	simm.s32 $0x0;
	s21 =	sshll.u32 s5, $0x1;
	s5 =	sadd.s32 s22, s3  }
0x15: {  	[timem:s7], [sflag:s23] =	dma.local [hbm:s5], s21  }
0x16: {  	_ =	swait.ge [sflag:s23], s21  }
0x17: {  	s4 =	ssub.s32 $0x0, s21;
	[sflag:s23] =	ssyncset.done $0x0  }
0x18: {  	[sflag:s23] =	ssyncadd.s32 s4;
	_ =	sdelay $0x1  }
0x19: {  	s24 =	simm.s32 $0x1B8B  }
0x1a: {  	_ =	swait.ge [sflag:s24], $0x1  }
0x1b: {  	[sflag:s24] =	ssyncset.done $0x0  }
0x1c: {  	s26 =	simm.s32 $0x1B8E;
	s25 =	sld [smem:$0x3FFE];
	[sflag:s24] =	ssyncadd.s32 $0xFFFFFFFF  }
0x1d: {  	s27 =	simm.s32 $execute0_lowered;
	[smem:$0x3FD2] =	sst s26  }
0x1e: {  	s5 =	sshll.u32 s27, $0x1;
	_ =	strace $0x80000049;
	[dreg:$0x1] =	wrdreg $0xFFFFFFFF  }
0x1f: {  	s28 =	simm.s32 $_size_execute0_lowered;
	s3 =	sadd.s32 s3, s5;
	[dreg:$0x0] =	wrdreg $0x0  }
0x20: {  	s5 =	sshll.u32 s28, $0x1;
	[dreg:$0x2] =	wrdreg s3  }
0x21: {  	[dreg:$0x3] =	wrdreg s5  }
0x22: {  	[dreg:$0x4] =	wrdreg $0xC0  }
0x23: {  	_ =	task [dreg:s7], $0x5FFFF  }
0x24: {  	[dreg:$0x1] =	wrdreg $0xFFFFFFFF  }
0x25: {  	[dreg:$0x0] =	wrdreg $0x60  }
0x26: {  	[dreg:$0x2] =	wrdreg s25  }
0x27: {  	[dreg:$0x3] =	wrdreg s2  }
0x28: {  	[dreg:$0x4] =	wrdreg $0x9  }
0x29: {  	_ =	task.clear_ibuf [dreg:s7], $0x5FFFF;
	_ =	strace $0x90000049  }
0x2a: {  	s29 =	simm.s32 $0x9;
	_ =	strace $0x8000004B  }
0x2b: {  	_ =	swait.ge [sflag:s29], $0x1  }
0x2c: {  	[sflag:s29] =	ssyncadd.s32 $0xFFFFFFFF  }
0x2d: {  	_ =	strace $0x9000004B  }
0x2e: {  	_ =	sfence  }
0x2f: {  	s30 =	sld [smem:$0x0];
	_ =	sdelay $0x2  }
0x30: {  	s31 =	sshll.u32 s1, $0xD;
	s1 =	sshrl.u32 s1, $0x2  }
0x31: {  	s3 =	sand.u32 $0x4000, s31;
	s1 =	sadd.s32 s1, s30  }
0x32: {  	s0 =	sor.u32 s3, s0;
	s1 =	sshll.u32 s1, $0x11  }
0x33: {  	s0 =	sor.u32 s1, s0  }
0x34: {  	s0 =	sadd.s32 $0x8F2B, s0  }
0x35: {  	[sflag:s0] =	ssyncadd.remote.s32 $0x1  }
0x36: {  	_ =	sfence.sel $0xFFFF  }
0x37: {  	[dreg:$0x0] =	wrdreg $0xFFFFFFFF;
	(pc) =	sbr.abs _section_cstart, $3  }
0x38: {  	[dreg:$0x1] =	wrdreg $0xFFFFFFFF  }
0x39: {  	_ =	task.clear_ibuf [dreg:s7], $0x2FFFF;
	_ =	strace $0x9FFFFFFF  }
0x3a: {  	(tm) =	ssettm $0x7FFFFFFF  }
0x3b: {  	_ =	shalt  }
tec
execute0_lowered:
.L_overlay_start_1:
0x0: {  	(tag) =	ssettag $0x1  }
0x1: {  	s0 =	srdreg.scid  }
0x2: {  	s1 =	sshll.u32 s0, $0x4  }
0x3: {  	s0 =	stileid.u32;
	s1 =	sand.u32 $0x10, s1  }
0x4: {  	s1 =	sor.u32 s0, s1  }
0x5: {  	s6 =	rddreg [dreg:$0x0];
	s4 =	simm.s32 $0x1;
	s2 =	sshll.u32 s1, $0x7  }
0x6: {  	s7 =	simm.s32 $0x2;
	s12 =	simm.s32 $0x0;
	s1 =	ssub.s32 $0x4000, s2  }
0x7: {  	s8 =	simm.s32 $0x20000;
	s13 =	simm.s32 $0x0;
	s3 =	sand.u32 $0xF80, s1  }
0x8: {  	s9 =	simm.s32 $0x0;
	s5 =	sshrl.u32 s1, $0xC;
	p0 =	sne.s32 s3, $0x0  }
.Ltmp0:
0x9: {  	s1 =	rddreg [dreg:$0x2];
	s4 =	simm.s32 @!p0 $0x0;
	(pc) =	sbr.rel .LBB1_1-.Ltmp0, $4  }
0xa: {  	s11 =	simm.s32 $0x0;
	s3 =	rddreg [dreg:$0x1];
	s5 =	sadd.s32 s4, s5  }
0xb: {  	_ =	strace $0x8000004A;
	s4 =	simm.s32 $0x1;
	s5 =	smul.u32 $0x64, s5  }
0xc: {  	s6 =	sadd.s32 $0x32800, s6;
	s10 =	smov.u32 s2;
	[sflag:s4] =	ssyncpa.u1 $0x0  }
0xd: {  	p0 =	por $0x0, $0x0;
	[sflag:s7] =	ssyncpa.u1 $0x0;
	s7 =	sor.u32 $0x1, s5  }
.LBB1_4:
0xe: {  	s16 =	sshll.u32 s13, $0x3;
	s17 =	sand.u32 $0x78, s13  }
0xf: {  	s30 =	sand.u32 $0xF800, s13;
	s12 =	sshll.u32 s12, $0x10;
	s16 =	sand.u32 $0x3C00, s16  }
0x10: {  	s31 =	sand.u32 $0x7, s13;
	s16 =	sor.u32 s17, s16;
	s17 =	sadd.s32 s3, s30  }
0x11: {  	s13 =	sshll.u32 s31, $0x12;
	s16 =	sshrl.u32 s16, $0x3;
	s12 =	sadd.s32 s12, s17  }
0x12: {  	[tilespmem:s15+$0x0 ss:$0x81] =	vst.msk $0xffff, v0;
	s13 =	sor.u32 $0x400, s13;
	s12 =	sadd.s32 s16, s12  }
0x13: {  	[hbm4b:s12+s13] =	stream.strided.scatter [tilespmem:s14], [sflag:$0x2], $0x1000, s8, s13, $0x20;
	[tilespmem:$0x4040] =	vst v63  }
.LBB1_5:
0x14: {  	s14 =	sadd.s32 $0x1, s9  }
0x15: {  	s12 =	sadd.s32 $0x1000, s10;
	s16 =	smov.u32 s10;
	p2 =	sgt.s32 s14, $0x63  }
0x16: {  	s16 =	smov.u32 @p2 s12  }
0x17: {  	s14 =	simm.s32 @p2 $0x0;
	p2 =	sgt.s32 s16, $0x3FFF  }
0x18: {  	s16 =	smov.u32 @p2 s2;
	p2 =	sne.s32 s11, s7  }
.Ltmp1:
0x19: {  	p1 =	slt.u32 s11, $0x2;
	(pc) =	sbr.rel @!p2 .LBB1_6-.Ltmp1, $4  }
0x1a: {  	s15 =	simm.s32 @!p1 $0x2  }
0x1b: {  	s13 =	smov.u32 s10;
	p0 =	por !p0, !p0;
	_ =	swait.ge @!p1 [sflag:s15], $0x1000  }
0x1c: {  	s12 =	smov.u32 s9;
	[sflag:s15] =	ssyncset.done @!p1 $0x0;
	s9 =	smov.u32 s14  }
0x1d: {  	s11 =	sadd.s32 $0x1, s11;
	[sflag:s15] =	ssyncadd.s32 @!p1 $0xFFFFF000;
	s10 =	smov.u32 s16  }
.LBB1_1:
0x1e: {  	p1 =	sge.u32 s11, s5  }
0x1f: {  	s14 =	sand.u32 @!p1 $0x1FFFFFF, s9  }
0x20: {  	s15 =	smulhi.u32 @!p1 $0x2762763, s14;
	_ =	sdelay $0x1  }
0x21: {  	s15 =	smul.u32 @!p1 $0x68, s15  }
0x22: {  	s16 =	sxor.u32 @!p1 $0xFFFFFFFF, s11;
	s17 =	smul.u32 @!p1 $0x680, s10  }
0x23: {  	s31 =	sadd.s32 $0xFFFFFFFF, s11;
	s16 =	sshll.u32 @!p1 s16, $0xC;
	s14 =	ssub.s32 @!p1 s14, s15  }
0x24: {  	s15 =	sand.u32 @!p1 $0x1000, s16;
	s16 =	sadd.s32 @!p1 s6, s17;
	s14 =	sshll.u32 @!p1 s14, $0x4  }
0x25: {  	s17 =	simm.s32 @!p1 $0x3400;
	s14 =	sadd.s32 @!p1 s14, s16;
	s16 =	simm.s32 @!p1 $0x20  }
0x26: {  	[tilespmem:s15], [sflag:$0x1] =	stream.strided.gather @!p1 [hbm4b:s14+s16], $0x1000, s17, s16, $0x38;
	[tilespmem:$0x4040] =	vst v63  }
0x27: {  	p1 =	sge.u32 s31, s5  }
.Ltmp2:
0x28: {  	_ = 	snop;
	(pc) =	sbr.rel @p1 .LBB1_5-.Ltmp2, $1  }
0x29: {  	_ =	sdelay $0x3  }
0x2a: {  	s14 =	simm.s32 $0x1  }
0x2b: {  	_ =	swait.ge [sflag:s4], $0x1000;
	s14 =	simm.s32 @!p0 $0x0  }
0x2c: {  	[sflag:s4] =	ssyncset.done $0x0;
	s15 =	sshll.u32 s14, $0xC  }
0x2d: {  	[sflag:s4] =	ssyncadd.s32 $0xFFFFF000;
	s18 =	sor.u32 $0x10, s15  }
0x2e: {  	s14 =	smul.u32 $0x4080, s14;
	v1 =	vld [tilespmem:s18+$0x0]  }
0x2f: {  	s30 =	sand.u32 $0x1, s11;
	v0 =	vld [tilespmem:s18+$0xFFFFFFF0]  }
0x30: {  	s15 =	smul.u32 $0x4080, s30;
	s14 =	sshrl.u32 s14, $0x2  }
0x31: {  	s16 =	sor.u32 $0x2000, s14  }
0x32: {  	s31 =	sshrl.u32 s15, $0x2;
	s15 =	sadd.s32 $0x0, s16  }
0x33: {  	s17 =	simm.s32 $0x4;
	s18 =	sadd.s32 $0x20, s18;
	s14 =	sor.u32 $0x2000, s31;
	[tilespmem:s15+$0x810 ss:$0x81] =	vst.msk $0xffff, v1  }
.LBB1_3:
0x34: {  	v1 =	vld [tilespmem:s18+$0x0];
	p1 =	sne.s32 s17, $0x1FC;
	[tilespmem:s15+$0x0 ss:$0x81] =	vst.msk $0xffff, v0;
	s15 =	smov.u32 s17;
	s17 =	sadd.s32 $0x4, s17  }
.Ltmp3:
0x35: {  	v0 =	vld [tilespmem:s18+$0xFFFFFFF0];
	(pc) =	sbr.rel @p1 .LBB1_3-.Ltmp3, $4  }
0x36: {  	_ = 	snop  }
0x37: {  	s15 =	sshra.s32 s15, $0x2  }
0x38: {  	s15 =	sadd.s32 s15, s16  }
0x39: {  	s18 =	sadd.s32 $0x20, s18;
	[tilespmem:s15+$0x810 ss:$0x81] =	vst.msk $0xffff, v1  }
.Ltmp4:
0x3a: {  	_ = 	snop;
	(pc) =	sbr.rel .LBB1_4-.Ltmp4, $1  }
0x3b: {  	_ =	sdelay $0x3  }
.LBB1_6:
0x3c: {  	_ =	sfence.sel $0x180000  }
0x3d: {  	s2 =	simm.s32 $0x1;
	[bflag:$0x0] =	sbarrier.arrive $0xFFFF  }
0x3e: {  	s31 =	simm.s32 $0x2;
	[sflag:s2] =	ssyncpa.u1 $0x1  }
0x3f: {  	[sflag:s31] =	ssyncpa.u1 $0x1  }
0x40: {  	p0 =	sne.s32 s0, $0x0;
	_ =	strace $0x9000004A  }
0x41: {  	s0 =	sadd.s32 @!p0 $0x100000, s1;
	[bflag:$0x2] =	sbarrier.arrive $0xFFFF  }
0x42: {  	[sflag:s0] =	ssyncadd.tile.s32 @!p0 $0x1;
	_ =	shalt  }
.Lfunc_end1:
_tile_overlayer_lowered:
.L_overlay_start_2:
0x43: {  	(tag) =	ssettag $0x2  }
0x44: {  	s0 =	rddreg [dreg:$0x0];
	s2 =	stileid.u32  }
0x45: {  	s1 =	rddreg [dreg:$0x1];
	p0 =	sne.s32 s2, $0x0  }
0x46: {  	s3 =	rddreg [dreg:$0x2];
	[bflag:$0x3] =	sbarrier.arrive $0xFFFF;
	s2 =	simm.s32 @!p0 $0x1C01  }
0x47: {  	[timem:s3], [sflag:s2] =	dma.local @!p0 [hbm:s0], s1  }
0x48: {  	s0 =	simm.s32 @!p0 $0x1  }
0x49: {  	_ =	swait.ge @!p0 [sflag:s0], s1  }
0x4a: {  	s1 =	ssub.s32 @!p0 $0x0, s1;
	[sflag:s0] =	ssyncset.done @!p0 $0x0  }
0x4b: {  	[sflag:s0] =	ssyncadd.s32 @!p0 s1  }
0x4c: {  	[bflag:$0x3] =	sbarrier.arrive $0xFFFF  }
0x4d: {  	_ =	shalt  }

</sc_bundles>
